<compile_context>
chip_gen: v7x
topology: tpu7x:2x2x1
jax: 0.10.2.dev20260603
libtpu: 0.0.44.dev20260713+nightly
codegen_flags: <defaults>
</compile_context>

<pallas_src>
import functools

import jax
import jax.numpy as jnp
from jax import lax
from jax.experimental import pallas as pl
from jax.experimental.pallas import tpu as pltpu
from jax.experimental.pallas import tpu_sc as plsc

N = 10000
E = 320000
D = 128
EPS = 1e-07

NP = 10240
CW = 128
NCH = E // CW
KW = 80
KLAST = NCH - 31 * KW
RPT = 640
RB = 2048
NB = (N + RB - 1) // RB


def _sc_segsum(r, edges):
    mesh = plsc.VectorSubcoreMesh(core_axis_name="c", subcore_axis_name="s")

    @functools.partial(
        pl.kernel,
        out_type=jax.ShapeDtypeStruct((2, NP, D), jnp.float32),
        mesh=mesh,
        scratch_types=[
            pltpu.VMEM((40, CW), jnp.int32),
            pltpu.VMEM((40, CW), jnp.int32),
            pltpu.VMEM((CW, D), jnp.float32),
            pltpu.VMEM((CW, D), jnp.float32),
            pltpu.VMEM_SHARED((NP, D), jnp.float32),
            pltpu.SemaphoreType.DMA,
            pltpu.SemaphoreType.DMA,
        ],
    )
    def k(r_hbm, e_hbm, out_hbm, src_v, dst_v, rows_a, rows_b,
          aggr_sh, sem_a, sem_b):
        c = lax.axis_index("c")
        s = lax.axis_index("s")

        zero16 = jnp.zeros((16,), jnp.float32)

        @pl.loop(0, CW)
        def _(i):
            @pl.loop(0, D, step=16)
            def _(j):
                rows_a[i, pl.ds(j, 16)] = zero16

        @pl.loop(0, RPT, step=CW)
        def _(k0):
            pltpu.sync_copy(rows_a, aggr_sh.at[pl.ds(s * RPT + k0, CW)])

        plsc.subcore_barrier()

        w = c * 16 + s
        base = w * KW

        def batch(b0, B):
            pltpu.sync_copy(e_hbm.at[0, pl.ds(b0, B)], src_v.at[pl.ds(0, B)])
            pltpu.sync_copy(e_hbm.at[1, pl.ds(b0, B)], dst_v.at[pl.ds(0, B)])
            pltpu.async_copy(r_hbm.at[src_v.at[0]], rows_a, sem_a)

            @pl.loop(0, B, step=2)
            def _(j):
                pltpu.async_copy(r_hbm.at[src_v.at[j + 1]], rows_b, sem_b)
                pltpu.make_async_copy(r_hbm.at[src_v.at[j]], rows_a,
                                      sem_a).wait()
                pltpu.sync_copy(rows_a, aggr_sh.at[dst_v.at[j]], add=True)

                @pl.when(j + 2 < B)
                def _():
                    pltpu.async_copy(r_hbm.at[src_v.at[j + 2]], rows_a,
                                     sem_a)

                pltpu.make_async_copy(r_hbm.at[src_v.at[j + 1]], rows_b,
                                      sem_b).wait()
                pltpu.sync_copy(rows_b, aggr_sh.at[dst_v.at[j + 1]],
                                add=True)

        @pl.when(w < 31)
        def _():
            @pl.loop(0, KW, step=40)
            def _(b):
                batch(base + b, 40)

        @pl.when(w == 31)
        def _():
            batch(base, 16)
            batch(base + 16, KLAST - 16)

        plsc.subcore_barrier()

        pltpu.sync_copy(aggr_sh.at[pl.ds(s * RPT, RPT)],
                        out_hbm.at[c, pl.ds(s * RPT, RPT)])

    return k(r, edges)


def _relu_eps_body(x_ref, r_ref):
    r_ref[...] = jnp.maximum(x_ref[...], 0.0) + EPS


def _relu_eps(x):
    return pl.pallas_call(
        _relu_eps_body,
        grid=(NB,),
        in_specs=[pl.BlockSpec((RB, D), lambda i: (i, 0))],
        out_specs=pl.BlockSpec((RB, D), lambda i: (i, 0)),
        out_shape=jax.ShapeDtypeStruct((N, D), jnp.float32),
    )(x)


def _update_body(agg_ref, h_ref, w_ref, b_ref, hn_ref, rn_ref):
    t = agg_ref[0] + agg_ref[1] + h_ref[...]
    hn = jnp.dot(t, w_ref[...], preferred_element_type=jnp.float32) + b_ref[...]
    hn_ref[...] = hn
    rn_ref[...] = jnp.maximum(hn, 0.0) + EPS


def _update(agg, h, W, b):
    return pl.pallas_call(
        _update_body,
        grid=(NB,),
        in_specs=[
            pl.BlockSpec((2, RB, D), lambda i: (0, i, 0)),
            pl.BlockSpec((RB, D), lambda i: (i, 0)),
            pl.BlockSpec((D, D), lambda i: (0, 0)),
            pl.BlockSpec((1, D), lambda i: (0, 0)),
        ],
        out_specs=[
            pl.BlockSpec((RB, D), lambda i: (i, 0)),
            pl.BlockSpec((RB, D), lambda i: (i, 0)),
        ],
        out_shape=[
            jax.ShapeDtypeStruct((N, D), jnp.float32),
            jax.ShapeDtypeStruct((N, D), jnp.float32),
        ],
    )(agg, h, W, b)


def _final_body(agg_ref, h_ref, w_ref, b_ref, wo_ref, bo_ref, o_ref):
    t = agg_ref[0] + agg_ref[1] + h_ref[...]
    hn = jnp.dot(t, w_ref[...], preferred_element_type=jnp.float32) + b_ref[...]
    o_ref[...] = jnp.dot(hn, wo_ref[...],
                         preferred_element_type=jnp.float32) + bo_ref[...]


def _final(agg, h, W, b, Wo, bo):
    return pl.pallas_call(
        _final_body,
        grid=(NB,),
        in_specs=[
            pl.BlockSpec((2, RB, D), lambda i: (0, i, 0)),
            pl.BlockSpec((RB, D), lambda i: (i, 0)),
            pl.BlockSpec((D, D), lambda i: (0, 0)),
            pl.BlockSpec((1, D), lambda i: (0, 0)),
            pl.BlockSpec((D, D), lambda i: (0, 0)),
            pl.BlockSpec((1, D), lambda i: (0, 0)),
        ],
        out_specs=pl.BlockSpec((RB, D), lambda i: (i, 0)),
        out_shape=jax.ShapeDtypeStruct((N, D), jnp.float32),
    )(agg, h, W, b, Wo, bo)


def kernel(x, edge_index, W0, b0, W1, b1, W2, b2, W3, b3, Wo, bo):
    edges = edge_index.astype(jnp.int32).reshape(2, NCH, CW)

    h = x
    r = _relu_eps(x)
    for W, b in ((W0, b0), (W1, b1), (W2, b2)):
        agg = _sc_segsum(r, edges)
        h, r = _update(agg, h, W, b.reshape(1, D))
    agg = _sc_segsum(r, edges)
    return _final(agg, h, W3, b3.reshape(1, D), Wo, bo.reshape(1, D))

# --- scband reference (transcript-rebuilt; emitter-appended) ---
"""Pipeline reference for scband-graph-model-26216480375265 (READ-ONLY COPY).

The authoritative reference and input builder live on the scoring server;
editing this copy changes nothing except your own understanding.
"""

import jax, jax.numpy as jnp
import numpy as np

N_NODES = 10000
N_EDGES = 320000
D = 128
N_LAYERS = 4
EPS = 1e-07


def setup_inputs(seed: int = 0) -> dict:
    key = jax.random.key(seed)
    ks = jax.random.split(key, 2 + 2 * N_LAYERS + 2)
    inp = {}
    inp['x'] = jax.random.normal(ks[0], (N_NODES, D), dtype=jnp.float32)
    inp['edge_index'] = jax.random.randint(ks[1], (2, N_EDGES), 0, N_NODES, dtype=jnp.int64)
    scale = 1.0 / np.sqrt(D)
    for i in range(N_LAYERS):
        inp[f'W{i}'] = jax.random.uniform(ks[2 + 2 * i], (D, D), dtype=jnp.float32, minval=-scale, maxval=scale)
        inp[f'b{i}'] = jax.random.uniform(ks[3 + 2 * i], (D,), dtype=jnp.float32, minval=-scale, maxval=scale)
    inp['Wo'] = jax.random.uniform(ks[2 + 2 * N_LAYERS], (D, D), dtype=jnp.float32, minval=-scale, maxval=scale)
    inp['bo'] = jax.random.uniform(ks[3 + 2 * N_LAYERS], (D,), dtype=jnp.float32, minval=-scale, maxval=scale)
    return inp


def _gen_conv(x, edge_index, W, b):
    # GENConv (num_layers=1, aggr='sum', no edge_attr, in==out so no input projection):
    #   msg = relu(x[src]) + eps ; aggr = scatter_sum(msg, dst) ; out = Linear(aggr + x)
    src = edge_index[0]
    dst = edge_index[1]
    msg = jax.nn.relu(jnp.take(x, src, axis=0)) + EPS
    aggr = jax.ops.segment_sum(msg, dst, num_segments=x.shape[0])
    out = aggr + x
    return out @ W + b


def reference(x, edge_index, W0, b0, W1, b1, W2, b2, W3, b3, Wo, bo):
    Ws = [W0, W1, W2, W3]
    bs = [b0, b1, b2, b3]
    h = x
    for i in range(N_LAYERS):
        h = _gen_conv(h, edge_index, Ws[i], bs[i])
    return h @ Wo + bo

if __name__ == "__main__":
    import jax
    _d = setup_inputs()
    print(jax.jit(kernel)(*tuple(_d.values())))

</pallas_src>

<mosaic_0001>
#map = affine_map<(d0, d1) -> (0, 0)>
#map1 = affine_map<(d0, d1) -> (0, 0, 0)>
module attributes {stable_mosaic.version = 14 : i64} {
  func.func @k(%arg0: i32, %arg1: i32, %arg2: memref<10000x128xf32, #tpu.memory_space<hbm>>, %arg3: memref<2x2500x128xi32, #tpu.memory_space<hbm>>, %arg4: memref<2x10240x128xf32, #tpu.memory_space<hbm>>, %arg5: memref<40x128xi32, #tpu.memory_space<vmem>>, %arg6: memref<40x128xi32, #tpu.memory_space<vmem>>, %arg7: memref<128x128xf32, #tpu.memory_space<vmem>>, %arg8: memref<128x128xf32, #tpu.memory_space<vmem>>, %arg9: memref<10240x128xf32, #tpu.memory_space<vmem_shared>>, %arg10: memref<!tpu.dma_semaphore, #tpu.memory_space<semaphore_mem>>, %arg11: memref<!tpu.dma_semaphore, #tpu.memory_space<semaphore_mem>>) attributes {dimension_semantics = [#tpu.dimension_semantics<core_parallel>, #tpu.dimension_semantics<subcore_parallel>], iteration_bounds = array<i64: 2, 16>, scalar_prefetch = 0 : i64, scratch_operands = 7 : i64, tpu.core_type = #tpu.core_type<sc_vector_subcore>, window_params = [{transform_indices = #map}, {transform_indices = #map1}, {transform_indices = #map1}]} {
    %broadcast_in_dim3A = arith.constant 0.000000e+00 : f32
    %broadcast_in_dim3A_0 = vector.broadcast %broadcast_in_dim3A : f32 to vector<16xf32>
    %scan3A = arith.constant 0 : i32
    %scan3A_1 = arith.constant 128 : i32
    %scan3A_2 = arith.addi %scan3A, %scan3A_1 : i32
    %scan3A_3 = arith.constant 1 : i32
    scf.for %scan3A_24 = %scan3A to %scan3A_2 step %scan3A_3  : i32 {
      %mul3A_25 = arith.constant 1 : i32
      %mul3A_26 = arith.muli %scan3A_24, %mul3A_25 : i32
      %add3A_27 = arith.constant 0 : i32
      %add3A_28 = arith.addi %add3A_27, %mul3A_26 : i32
      %scan3A_29 = arith.constant 0 : i32
      %scan3A_30 = arith.constant 8 : i32
      %scan3A_31 = arith.addi %scan3A_29, %scan3A_30 : i32
      %scan3A_32 = arith.constant 1 : i32
      scf.for %scan3A_34 = %scan3A_29 to %scan3A_31 step %scan3A_32  : i32 {
        %mul3A_35 = arith.constant 16 : i32
        %mul3A_36 = arith.muli %scan3A_34, %mul3A_35 : i32
        %add3A_37 = arith.constant 0 : i32
        %add3A_38 = arith.addi %add3A_37, %mul3A_36 : i32
        %swap3A = arith.index_cast %add3A_28 : i32 to index
        %swap3A_39 = arith.index_cast %add3A_38 : i32 to index
        %swap3A_40 = tpu.vector_load %arg7[%swap3A, %swap3A_39] {strides = array<i32>} : memref<128x128xf32, #tpu.memory_space<vmem>>, vector<1x16xf32>,
        %swap3A_41 = vector.shape_cast %swap3A_40 : vector<1x16xf32> to vector<16xf32>
        %swap3A_42 = vector.shape_cast %broadcast_in_dim3A_0 : vector<16xf32> to vector<1x16xf32>
        tpu.vector_store %arg7[%swap3A, %swap3A_39], %swap3A_42 {strides = array<i32>} : memref<128x128xf32, #tpu.memory_space<vmem>>, vector<1x16xf32>,
      }
      %scan3A_33 = arith.constant 8 : i32
    }
    %scan3A_4 = arith.constant 128 : i32
    %scan3A_5 = arith.constant 0 : i32
    %scan3A_6 = arith.constant 5 : i32
    %scan3A_7 = arith.addi %scan3A_5, %scan3A_6 : i32
    %scan3A_8 = arith.constant 1 : i32
    scf.for %scan3A_24 = %scan3A_5 to %scan3A_7 step %scan3A_8  : i32 {
      %mul3A_25 = arith.constant 128 : i32
      %mul3A_26 = arith.muli %scan3A_24, %mul3A_25 : i32
      %add3A_27 = arith.constant 0 : i32
      %add3A_28 = arith.addi %add3A_27, %mul3A_26 : i32
      %mul3A_29 = arith.constant 640 : i32
      %mul3A_30 = arith.muli %arg1, %mul3A_29 : i32
      %add3A_31 = arith.addi %mul3A_30, %add3A_28 : i32
      "tpu.region"() ({
        %run_scoped3A = tpu.sem_alloc : memref<!tpu.dma_semaphore, #tpu.memory_space<semaphore_mem>>
        %dma_start3A = arith.constant 0 : i32
        %dma_start3A_32 = tpu.memref_slice %arg9[%add3A_31, %dma_start3A] : memref<10240x128xf32, #tpu.memory_space<vmem_shared>> -> memref<128x128xf32, #tpu.memory_space<vmem_shared>>
        %dma_start3A_33 = arith.constant 0 : i32
        %dma_start3A_34 = tpu.memref_slice %arg9[%add3A_31, %dma_start3A_33] : memref<10240x128xf32, #tpu.memory_space<vmem_shared>> -> memref<128x128xf32, #tpu.memory_space<vmem_shared>>
        tpu.enqueue_dma source(%arg7 : memref<128x128xf32, #tpu.memory_space<vmem>>) target(%dma_start3A_34 : memref<128x128xf32, #tpu.memory_space<vmem_shared>>) target_semaphore(%run_scoped3A : memref<!tpu.dma_semaphore, #tpu.memory_space<semaphore_mem>>)
        %dma_wait3A = arith.constant 0 : i32
        %dma_wait3A_35 = tpu.memref_slice %arg9[%add3A_31, %dma_wait3A] : memref<10240x128xf32, #tpu.memory_space<vmem_shared>> -> memref<128x128xf32, #tpu.memory_space<vmem_shared>>
        %dma_wait3A_36 = arith.constant 0 : i32
        %dma_wait3A_37 = tpu.memref_slice %arg9[%add3A_31, %dma_wait3A_36] : memref<10240x128xf32, #tpu.memory_space<vmem_shared>> -> memref<128x128xf32, #tpu.memory_space<vmem_shared>>
        tpu.wait_dma2 semaphore(%run_scoped3A : memref<!tpu.dma_semaphore, #tpu.memory_space<semaphore_mem>>) src(%arg7 : memref<128x128xf32, #tpu.memory_space<vmem>>) dst(%dma_wait3A_37 : memref<128x128xf32, #tpu.memory_space<vmem_shared>>)
        tpu.yield
      }) : () -> ()
    }
    %scan3A_9 = arith.constant 5 : i32
    %barrier3A = arith.constant 0 : index
    tpu.barrier barrier_id(%barrier3A)
    %mul3A = arith.constant 16 : i32
    %mul3A_10 = arith.muli %arg0, %mul3A : i32
    %add3A = arith.addi %mul3A_10, %arg1 : i32
    %mul3A_11 = arith.constant 80 : i32
    %mul3A_12 = arith.muli %add3A, %mul3A_11 : i32
    %lt3A = arith.constant 31 : i32
    %lt3A_13 = arith.cmpi slt, %add3A, %lt3A : i32
    %convert_element_type3A = arith.extui %lt3A_13 : i1 to i32
    %cond3A = arith.constant 0 : i32
    %cond3A_14 = arith.cmpi ne, %convert_element_type3A, %cond3A : i32
    scf.if %cond3A_14 {
      %scan3A_24 = arith.constant 0 : i32
      %scan3A_25 = arith.constant 2 : i32
      %scan3A_26 = arith.addi %scan3A_24, %scan3A_25 : i32
      %scan3A_27 = arith.constant 1 : i32
      scf.for %scan3A_29 = %scan3A_24 to %scan3A_26 step %scan3A_27  : i32 {
        %mul3A_30 = arith.constant 40 : i32
        %mul3A_31 = arith.muli %scan3A_29, %mul3A_30 : i32
        %add3A_32 = arith.constant 0 : i32
        %add3A_33 = arith.addi %add3A_32, %mul3A_31 : i32
        %add3A_34 = arith.addi %mul3A_12, %add3A_33 : i32
        %run_scoped3A = arith.constant 0 : i32
        "tpu.region"() ({
          %run_scoped3A_47 = tpu.sem_alloc : memref<!tpu.dma_semaphore, #tpu.memory_space<semaphore_mem>>
          %dma_start3A_48 = arith.constant 0 : i32
          %dma_start3A_49 = arith.constant 0 : i32
          %dma_start3A_50 = tpu.memref_slice %arg5[%dma_start3A_48, %dma_start3A_49] : memref<40x128xi32, #tpu.memory_space<vmem>> -> memref<40x128xi32, #tpu.memory_space<vmem>>
          %dma_start3A_51 = arith.constant 0 : i32
          %dma_start3A_52 = tpu.memref_slice %arg3[%run_scoped3A, %add3A_34, %dma_start3A_51] : memref<2x2500x128xi32, #tpu.memory_space<hbm>> -> memref<1x40x128xi32, #tpu.memory_space<hbm>>
          %dma_start3A_53 = tpu.memref_squeeze %dma_start3A_52 : memref<1x40x128xi32, #tpu.memory_space<hbm>> -> memref<40x128xi32, #tpu.memory_space<hbm>>
          %dma_start3A_54 = arith.constant 0 : i32
          %dma_start3A_55 = arith.constant 0 : i32
          %dma_start3A_56 = tpu.memref_slice %arg5[%dma_start3A_54, %dma_start3A_55] : memref<40x128xi32, #tpu.memory_space<vmem>> -> memref<40x128xi32, #tpu.memory_space<vmem>>
          %dma_start3A_57 = arith.constant 0 : i32
          %dma_start3A_58 = tpu.memref_slice %arg3[%run_scoped3A, %add3A_34, %dma_start3A_57] : memref<2x2500x128xi32, #tpu.memory_space<hbm>> -> memref<1x40x128xi32, #tpu.memory_space<hbm>>
          %dma_start3A_59 = tpu.memref_squeeze %dma_start3A_58 : memref<1x40x128xi32, #tpu.memory_space<hbm>> -> memref<40x128xi32, #tpu.memory_space<hbm>>
          tpu.enqueue_dma source(%dma_start3A_59 : memref<40x128xi32, #tpu.memory_space<hbm>>) target(%dma_start3A_56 : memref<40x128xi32, #tpu.memory_space<vmem>>) target_semaphore(%run_scoped3A_47 : memref<!tpu.dma_semaphore, #tpu.memory_space<semaphore_mem>>)
          %dma_wait3A = arith.constant 0 : i32
          %dma_wait3A_60 = arith.constant 0 : i32
          %dma_wait3A_61 = tpu.memref_slice %arg5[%dma_wait3A, %dma_wait3A_60] : memref<40x128xi32, #tpu.memory_space<vmem>> -> memref<40x128xi32, #tpu.memory_space<vmem>>
          %dma_wait3A_62 = arith.constant 0 : i32
          %dma_wait3A_63 = tpu.memref_slice %arg3[%run_scoped3A, %add3A_34, %dma_wait3A_62] : memref<2x2500x128xi32, #tpu.memory_space<hbm>> -> memref<1x40x128xi32, #tpu.memory_space<hbm>>
          %dma_wait3A_64 = tpu.memref_squeeze %dma_wait3A_63 : memref<1x40x128xi32, #tpu.memory_space<hbm>> -> memref<40x128xi32, #tpu.memory_space<hbm>>
          %dma_wait3A_65 = arith.constant 0 : i32
          %dma_wait3A_66 = arith.constant 0 : i32
          %dma_wait3A_67 = tpu.memref_slice %arg5[%dma_wait3A_65, %dma_wait3A_66] : memref<40x128xi32, #tpu.memory_space<vmem>> -> memref<40x128xi32, #tpu.memory_space<vmem>>
          %dma_wait3A_68 = arith.constant 0 : i32
          %dma_wait3A_69 = tpu.memref_slice %arg3[%run_scoped3A, %add3A_34, %dma_wait3A_68] : memref<2x2500x128xi32, #tpu.memory_space<hbm>> -> memref<1x40x128xi32, #tpu.memory_space<hbm>>
          %dma_wait3A_70 = tpu.memref_squeeze %dma_wait3A_69 : memref<1x40x128xi32, #tpu.memory_space<hbm>> -> memref<40x128xi32, #tpu.memory_space<hbm>>
          tpu.wait_dma2 semaphore(%run_scoped3A_47 : memref<!tpu.dma_semaphore, #tpu.memory_space<semaphore_mem>>) src(%dma_wait3A_70 : memref<40x128xi32, #tpu.memory_space<hbm>>) dst(%dma_wait3A_67 : memref<40x128xi32, #tpu.memory_space<vmem>>)
          tpu.yield
        }) : () -> ()
        %run_scoped3A_35 = arith.constant 1 : i32
        "tpu.region"() ({
          %run_scoped3A_47 = tpu.sem_alloc : memref<!tpu.dma_semaphore, #tpu.memory_space<semaphore_mem>>
          %dma_start3A_48 = arith.constant 0 : i32
          %dma_start3A_49 = arith.constant 0 : i32
          %dma_start3A_50 = tpu.memref_slice %arg6[%dma_start3A_48, %dma_start3A_49] : memref<40x128xi32, #tpu.memory_space<vmem>> -> memref<40x128xi32, #tpu.memory_space<vmem>>
          %dma_start3A_51 = arith.constant 0 : i32
          %dma_start3A_52 = tpu.memref_slice %arg3[%run_scoped3A_35, %add3A_34, %dma_start3A_51] : memref<2x2500x128xi32, #tpu.memory_space<hbm>> -> memref<1x40x128xi32, #tpu.memory_space<hbm>>
          %dma_start3A_53 = tpu.memref_squeeze %dma_start3A_52 : memref<1x40x128xi32, #tpu.memory_space<hbm>> -> memref<40x128xi32, #tpu.memory_space<hbm>>
          %dma_start3A_54 = arith.constant 0 : i32
          %dma_start3A_55 = arith.constant 0 : i32
          %dma_start3A_56 = tpu.memref_slice %arg6[%dma_start3A_54, %dma_start3A_55] : memref<40x128xi32, #tpu.memory_space<vmem>> -> memref<40x128xi32, #tpu.memory_space<vmem>>
          %dma_start3A_57 = arith.constant 0 : i32
          %dma_start3A_58 = tpu.memref_slice %arg3[%run_scoped3A_35, %add3A_34, %dma_start3A_57] : memref<2x2500x128xi32, #tpu.memory_space<hbm>> -> memref<1x40x128xi32, #tpu.memory_space<hbm>>
          %dma_start3A_59 = tpu.memref_squeeze %dma_start3A_58 : memref<1x40x128xi32, #tpu.memory_space<hbm>> -> memref<40x128xi32, #tpu.memory_space<hbm>>
          tpu.enqueue_dma source(%dma_start3A_59 : memref<40x128xi32, #tpu.memory_space<hbm>>) target(%dma_start3A_56 : memref<40x128xi32, #tpu.memory_space<vmem>>) target_semaphore(%run_scoped3A_47 : memref<!tpu.dma_semaphore, #tpu.memory_space<semaphore_mem>>)
          %dma_wait3A = arith.constant 0 : i32
          %dma_wait3A_60 = arith.constant 0 : i32
          %dma_wait3A_61 = tpu.memref_slice %arg6[%dma_wait3A, %dma_wait3A_60] : memref<40x128xi32, #tpu.memory_space<vmem>> -> memref<40x128xi32, #tpu.memory_space<vmem>>
          %dma_wait3A_62 = arith.constant 0 : i32
          %dma_wait3A_63 = tpu.memref_slice %arg3[%run_scoped3A_35, %add3A_34, %dma_wait3A_62] : memref<2x2500x128xi32, #tpu.memory_space<hbm>> -> memref<1x40x128xi32, #tpu.memory_space<hbm>>
          %dma_wait3A_64 = tpu.memref_squeeze %dma_wait3A_63 : memref<1x40x128xi32, #tpu.memory_space<hbm>> -> memref<40x128xi32, #tpu.memory_space<hbm>>
          %dma_wait3A_65 = arith.constant 0 : i32
          %dma_wait3A_66 = arith.constant 0 : i32
          %dma_wait3A_67 = tpu.memref_slice %arg6[%dma_wait3A_65, %dma_wait3A_66] : memref<40x128xi32, #tpu.memory_space<vmem>> -> memref<40x128xi32, #tpu.memory_space<vmem>>
          %dma_wait3A_68 = arith.constant 0 : i32
          %dma_wait3A_69 = tpu.memref_slice %arg3[%run_scoped3A_35, %add3A_34, %dma_wait3A_68] : memref<2x2500x128xi32, #tpu.memory_space<hbm>> -> memref<1x40x128xi32, #tpu.memory_space<hbm>>
          %dma_wait3A_70 = tpu.memref_squeeze %dma_wait3A_69 : memref<1x40x128xi32, #tpu.memory_space<hbm>> -> memref<40x128xi32, #tpu.memory_space<hbm>>
          tpu.wait_dma2 semaphore(%run_scoped3A_47 : memref<!tpu.dma_semaphore, #tpu.memory_space<semaphore_mem>>) src(%dma_wait3A_70 : memref<40x128xi32, #tpu.memory_space<hbm>>) dst(%dma_wait3A_67 : memref<40x128xi32, #tpu.memory_space<vmem>>)
          tpu.yield
        }) : () -> ()
        %dma_start3A = arith.constant 0 : i32
        %dma_start3A_36 = arith.constant 0 : i32
        %dma_start3A_37 = tpu.memref_slice %arg5[%dma_start3A, %dma_start3A_36] : memref<40x128xi32, #tpu.memory_space<vmem>> -> memref<1x128xi32, #tpu.memory_space<vmem>>
        %dma_start3A_38 = tpu.memref_squeeze %dma_start3A_37 : memref<1x128xi32, #tpu.memory_space<vmem>> -> memref<128xi32, #tpu.memory_space<vmem>>
        %dma_start3A_39 = arith.constant 0 : i32
        %dma_start3A_40 = arith.constant 0 : i32
        %dma_start3A_41 = tpu.memref_slice %arg2[%dma_start3A_39, %dma_start3A_40] : memref<10000x128xf32, #tpu.memory_space<hbm>> -> memref<10000x128xf32, #tpu.memory_space<hbm>>
        tpu.enqueue_indirect_dma source(%dma_start3A_41 : memref<10000x128xf32, #tpu.memory_space<hbm>>) target(%arg7 : memref<128x128xf32, #tpu.memory_space<vmem>>) offsets(%dma_start3A_38 : memref<128xi32, #tpu.memory_space<vmem>>) semaphore(%arg10 : memref<!tpu.dma_semaphore, #tpu.memory_space<semaphore_mem>>)
        %scan3A_42 = arith.constant 0 : i32
        %scan3A_43 = arith.constant 20 : i32
        %scan3A_44 = arith.addi %scan3A_42, %scan3A_43 : i32
        %scan3A_45 = arith.constant 1 : i32
        scf.for %scan3A_47 = %scan3A_42 to %scan3A_44 step %scan3A_45  : i32 {
          %mul3A_48 = arith.constant 2 : i32
          %mul3A_49 = arith.muli %scan3A_47, %mul3A_48 : i32
          %add3A_50 = arith.constant 0 : i32
          %add3A_51 = arith.addi %add3A_50, %mul3A_49 : i32
          %add3A_52 = arith.constant 1 : i32
          %add3A_53 = arith.addi %add3A_51, %add3A_52 : i32
          %dma_start3A_54 = arith.constant 0 : i32
          %dma_start3A_55 = tpu.memref_slice %arg5[%add3A_53, %dma_start3A_54] : memref<40x128xi32, #tpu.memory_space<vmem>> -> memref<1x128xi32, #tpu.memory_space<vmem>>
          %dma_start3A_56 = tpu.memref_squeeze %dma_start3A_55 : memref<1x128xi32, #tpu.memory_space<vmem>> -> memref<128xi32, #tpu.memory_space<vmem>>
          %dma_start3A_57 = arith.constant 0 : i32
          %dma_start3A_58 = arith.constant 0 : i32
          %dma_start3A_59 = tpu.memref_slice %arg2[%dma_start3A_57, %dma_start3A_58] : memref<10000x128xf32, #tpu.memory_space<hbm>> -> memref<10000x128xf32, #tpu.memory_space<hbm>>
          tpu.enqueue_indirect_dma source(%dma_start3A_59 : memref<10000x128xf32, #tpu.memory_space<hbm>>) target(%arg8 : memref<128x128xf32, #tpu.memory_space<vmem>>) offsets(%dma_start3A_56 : memref<128xi32, #tpu.memory_space<vmem>>) semaphore(%arg11 : memref<!tpu.dma_semaphore, #tpu.memory_space<semaphore_mem>>)
          %dma_wait3A = arith.constant 0 : i32
          %dma_wait3A_60 = tpu.memref_slice %arg5[%add3A_51, %dma_wait3A] : memref<40x128xi32, #tpu.memory_space<vmem>> -> memref<1x128xi32, #tpu.memory_space<vmem>>
          %dma_wait3A_61 = tpu.memref_squeeze %dma_wait3A_60 : memref<1x128xi32, #tpu.memory_space<vmem>> -> memref<128xi32, #tpu.memory_space<vmem>>
          %dma_wait3A_62 = arith.constant 0 : i32
          %dma_wait3A_63 = arith.constant 0 : i32
          %dma_wait3A_64 = tpu.memref_slice %arg2[%dma_wait3A_62, %dma_wait3A_63] : memref<10000x128xf32, #tpu.memory_space<hbm>> -> memref<10000x128xf32, #tpu.memory_space<hbm>>
          tpu.wait_indirect_dma semaphore(%arg10 : memref<!tpu.dma_semaphore, #tpu.memory_space<semaphore_mem>>) src(%dma_wait3A_64 : memref<10000x128xf32, #tpu.memory_space<hbm>>) dst(%arg7 : memref<128x128xf32, #tpu.memory_space<vmem>>)
          "tpu.region"() ({
            %run_scoped3A_82 = tpu.sem_alloc : memref<!tpu.dma_semaphore, #tpu.memory_space<semaphore_mem>>
            %dma_start3A_83 = arith.constant 0 : i32
            %dma_start3A_84 = tpu.memref_slice %arg6[%add3A_51, %dma_start3A_83] : memref<40x128xi32, #tpu.memory_space<vmem>> -> memref<1x128xi32, #tpu.memory_space<vmem>>
            %dma_start3A_85 = tpu.memref_squeeze %dma_start3A_84 : memref<1x128xi32, #tpu.memory_space<vmem>> -> memref<128xi32, #tpu.memory_space<vmem>>
            %dma_start3A_86 = arith.constant 0 : i32
            %dma_start3A_87 = arith.constant 0 : i32
            %dma_start3A_88 = tpu.memref_slice %arg9[%dma_start3A_86, %dma_start3A_87] : memref<10240x128xf32, #tpu.memory_space<vmem_shared>> -> memref<10240x128xf32, #tpu.memory_space<vmem_shared>>
            tpu.enqueue_indirect_dma source(%arg7 : memref<128x128xf32, #tpu.memory_space<vmem>>) target(%dma_start3A_88 : memref<10240x128xf32, #tpu.memory_space<vmem_shared>>) offsets(%dma_start3A_85 : memref<128xi32, #tpu.memory_space<vmem>>) semaphore(%run_scoped3A_82 : memref<!tpu.dma_semaphore, #tpu.memory_space<semaphore_mem>>) {add = true}
            %dma_wait3A_89 = arith.constant 0 : i32
            %dma_wait3A_90 = tpu.memref_slice %arg6[%add3A_51, %dma_wait3A_89] : memref<40x128xi32, #tpu.memory_space<vmem>> -> memref<1x128xi32, #tpu.memory_space<vmem>>
            %dma_wait3A_91 = tpu.memref_squeeze %dma_wait3A_90 : memref<1x128xi32, #tpu.memory_space<vmem>> -> memref<128xi32, #tpu.memory_space<vmem>>
            %dma_wait3A_92 = arith.constant 0 : i32
            %dma_wait3A_93 = arith.constant 0 : i32
            %dma_wait3A_94 = tpu.memref_slice %arg9[%dma_wait3A_92, %dma_wait3A_93] : memref<10240x128xf32, #tpu.memory_space<vmem_shared>> -> memref<10240x128xf32, #tpu.memory_space<vmem_shared>>
            tpu.wait_indirect_dma semaphore(%run_scoped3A_82 : memref<!tpu.dma_semaphore, #tpu.memory_space<semaphore_mem>>) src(%arg7 : memref<128x128xf32, #tpu.memory_space<vmem>>) dst(%dma_wait3A_94 : memref<10240x128xf32, #tpu.memory_space<vmem_shared>>)
            tpu.yield
          }) : () -> ()
          %add3A_65 = arith.constant 2 : i32
          %add3A_66 = arith.addi %add3A_51, %add3A_65 : i32
          %lt3A_67 = arith.constant 40 : i32
          %lt3A_68 = arith.cmpi slt, %add3A_66, %lt3A_67 : i32
          %convert_element_type3A_69 = arith.extui %lt3A_68 : i1 to i32
          %cond3A_70 = arith.constant 0 : i32
          %cond3A_71 = arith.cmpi ne, %convert_element_type3A_69, %cond3A_70 : i32
          scf.if %cond3A_71 {
            %add3A_82 = arith.constant 2 : i32
            %add3A_83 = arith.addi %add3A_51, %add3A_82 : i32
            %dma_start3A_84 = arith.constant 0 : i32
            %dma_start3A_85 = tpu.memref_slice %arg5[%add3A_83, %dma_start3A_84] : memref<40x128xi32, #tpu.memory_space<vmem>> -> memref<1x128xi32, #tpu.memory_space<vmem>>
            %dma_start3A_86 = tpu.memref_squeeze %dma_start3A_85 : memref<1x128xi32, #tpu.memory_space<vmem>> -> memref<128xi32, #tpu.memory_space<vmem>>
            %dma_start3A_87 = arith.constant 0 : i32
            %dma_start3A_88 = arith.constant 0 : i32
            %dma_start3A_89 = tpu.memref_slice %arg2[%dma_start3A_87, %dma_start3A_88] : memref<10000x128xf32, #tpu.memory_space<hbm>> -> memref<10000x128xf32, #tpu.memory_space<hbm>>
            tpu.enqueue_indirect_dma source(%dma_start3A_89 : memref<10000x128xf32, #tpu.memory_space<hbm>>) target(%arg7 : memref<128x128xf32, #tpu.memory_space<vmem>>) offsets(%dma_start3A_86 : memref<128xi32, #tpu.memory_space<vmem>>) semaphore(%arg10 : memref<!tpu.dma_semaphore, #tpu.memory_space<semaphore_mem>>)
          } else {
          }
          %add3A_72 = arith.constant 1 : i32
          %add3A_73 = arith.addi %add3A_51, %add3A_72 : i32
          %dma_wait3A_74 = arith.constant 0 : i32
          %dma_wait3A_75 = tpu.memref_slice %arg5[%add3A_73, %dma_wait3A_74] : memref<40x128xi32, #tpu.memory_space<vmem>> -> memref<1x128xi32, #tpu.memory_space<vmem>>
          %dma_wait3A_76 = tpu.memref_squeeze %dma_wait3A_75 : memref<1x128xi32, #tpu.memory_space<vmem>> -> memref<128xi32, #tpu.memory_space<vmem>>
          %dma_wait3A_77 = arith.constant 0 : i32
          %dma_wait3A_78 = arith.constant 0 : i32
          %dma_wait3A_79 = tpu.memref_slice %arg2[%dma_wait3A_77, %dma_wait3A_78] : memref<10000x128xf32, #tpu.memory_space<hbm>> -> memref<10000x128xf32, #tpu.memory_space<hbm>>
          tpu.wait_indirect_dma semaphore(%arg11 : memref<!tpu.dma_semaphore, #tpu.memory_space<semaphore_mem>>) src(%dma_wait3A_79 : memref<10000x128xf32, #tpu.memory_space<hbm>>) dst(%arg8 : memref<128x128xf32, #tpu.memory_space<vmem>>)
          %add3A_80 = arith.constant 1 : i32
          %add3A_81 = arith.addi %add3A_51, %add3A_80 : i32
          "tpu.region"() ({
            %run_scoped3A_82 = tpu.sem_alloc : memref<!tpu.dma_semaphore, #tpu.memory_space<semaphore_mem>>
            %dma_start3A_83 = arith.constant 0 : i32
            %dma_start3A_84 = tpu.memref_slice %arg6[%add3A_81, %dma_start3A_83] : memref<40x128xi32, #tpu.memory_space<vmem>> -> memref<1x128xi32, #tpu.memory_space<vmem>>
            %dma_start3A_85 = tpu.memref_squeeze %dma_start3A_84 : memref<1x128xi32, #tpu.memory_space<vmem>> -> memref<128xi32, #tpu.memory_space<vmem>>
            %dma_start3A_86 = arith.constant 0 : i32
            %dma_start3A_87 = arith.constant 0 : i32
            %dma_start3A_88 = tpu.memref_slice %arg9[%dma_start3A_86, %dma_start3A_87] : memref<10240x128xf32, #tpu.memory_space<vmem_shared>> -> memref<10240x128xf32, #tpu.memory_space<vmem_shared>>
            tpu.enqueue_indirect_dma source(%arg8 : memref<128x128xf32, #tpu.memory_space<vmem>>) target(%dma_start3A_88 : memref<10240x128xf32, #tpu.memory_space<vmem_shared>>) offsets(%dma_start3A_85 : memref<128xi32, #tpu.memory_space<vmem>>) semaphore(%run_scoped3A_82 : memref<!tpu.dma_semaphore, #tpu.memory_space<semaphore_mem>>) {add = true}
            %dma_wait3A_89 = arith.constant 0 : i32
            %dma_wait3A_90 = tpu.memref_slice %arg6[%add3A_81, %dma_wait3A_89] : memref<40x128xi32, #tpu.memory_space<vmem>> -> memref<1x128xi32, #tpu.memory_space<vmem>>
            %dma_wait3A_91 = tpu.memref_squeeze %dma_wait3A_90 : memref<1x128xi32, #tpu.memory_space<vmem>> -> memref<128xi32, #tpu.memory_space<vmem>>
            %dma_wait3A_92 = arith.constant 0 : i32
            %dma_wait3A_93 = arith.constant 0 : i32
            %dma_wait3A_94 = tpu.memref_slice %arg9[%dma_wait3A_92, %dma_wait3A_93] : memref<10240x128xf32, #tpu.memory_space<vmem_shared>> -> memref<10240x128xf32, #tpu.memory_space<vmem_shared>>
            tpu.wait_indirect_dma semaphore(%run_scoped3A_82 : memref<!tpu.dma_semaphore, #tpu.memory_space<semaphore_mem>>) src(%arg8 : memref<128x128xf32, #tpu.memory_space<vmem>>) dst(%dma_wait3A_94 : memref<10240x128xf32, #tpu.memory_space<vmem_shared>>)
            tpu.yield
          }) : () -> ()
        }
        %scan3A_46 = arith.constant 20 : i32
      }
      %scan3A_28 = arith.constant 2 : i32
    } else {
    }
    %eq3A = arith.constant 31 : i32
    %eq3A_15 = arith.cmpi eq, %add3A, %eq3A : i32
    %convert_element_type3A_16 = arith.extui %eq3A_15 : i1 to i32
    %cond3A_17 = arith.constant 0 : i32
    %cond3A_18 = arith.cmpi ne, %convert_element_type3A_16, %cond3A_17 : i32
    scf.if %cond3A_18 {
      %run_scoped3A = arith.constant 0 : i32
      "tpu.region"() ({
        %run_scoped3A_52 = tpu.sem_alloc : memref<!tpu.dma_semaphore, #tpu.memory_space<semaphore_mem>>
        %dma_start3A_53 = arith.constant 0 : i32
        %dma_start3A_54 = arith.constant 0 : i32
        %dma_start3A_55 = tpu.memref_slice %arg5[%dma_start3A_53, %dma_start3A_54] : memref<40x128xi32, #tpu.memory_space<vmem>> -> memref<16x128xi32, #tpu.memory_space<vmem>>
        %dma_start3A_56 = arith.constant 0 : i32
        %dma_start3A_57 = tpu.memref_slice %arg3[%run_scoped3A, %mul3A_12, %dma_start3A_56] : memref<2x2500x128xi32, #tpu.memory_space<hbm>> -> memref<1x16x128xi32, #tpu.memory_space<hbm>>
        %dma_start3A_58 = tpu.memref_squeeze %dma_start3A_57 : memref<1x16x128xi32, #tpu.memory_space<hbm>> -> memref<16x128xi32, #tpu.memory_space<hbm>>
        %dma_start3A_59 = arith.constant 0 : i32
        %dma_start3A_60 = arith.constant 0 : i32
        %dma_start3A_61 = tpu.memref_slice %arg5[%dma_start3A_59, %dma_start3A_60] : memref<40x128xi32, #tpu.memory_space<vmem>> -> memref<16x128xi32, #tpu.memory_space<vmem>>
        %dma_start3A_62 = arith.constant 0 : i32
        %dma_start3A_63 = tpu.memref_slice %arg3[%run_scoped3A, %mul3A_12, %dma_start3A_62] : memref<2x2500x128xi32, #tpu.memory_space<hbm>> -> memref<1x16x128xi32, #tpu.memory_space<hbm>>
        %dma_start3A_64 = tpu.memref_squeeze %dma_start3A_63 : memref<1x16x128xi32, #tpu.memory_space<hbm>> -> memref<16x128xi32, #tpu.memory_space<hbm>>
        tpu.enqueue_dma source(%dma_start3A_64 : memref<16x128xi32, #tpu.memory_space<hbm>>) target(%dma_start3A_61 : memref<16x128xi32, #tpu.memory_space<vmem>>) target_semaphore(%run_scoped3A_52 : memref<!tpu.dma_semaphore, #tpu.memory_space<semaphore_mem>>)
        %dma_wait3A = arith.constant 0 : i32
        %dma_wait3A_65 = arith.constant 0 : i32
        %dma_wait3A_66 = tpu.memref_slice %arg5[%dma_wait3A, %dma_wait3A_65] : memref<40x128xi32, #tpu.memory_space<vmem>> -> memref<16x128xi32, #tpu.memory_space<vmem>>
        %dma_wait3A_67 = arith.constant 0 : i32
        %dma_wait3A_68 = tpu.memref_slice %arg3[%run_scoped3A, %mul3A_12, %dma_wait3A_67] : memref<2x2500x128xi32, #tpu.memory_space<hbm>> -> memref<1x16x128xi32, #tpu.memory_space<hbm>>
        %dma_wait3A_69 = tpu.memref_squeeze %dma_wait3A_68 : memref<1x16x128xi32, #tpu.memory_space<hbm>> -> memref<16x128xi32, #tpu.memory_space<hbm>>
        %dma_wait3A_70 = arith.constant 0 : i32
        %dma_wait3A_71 = arith.constant 0 : i32
        %dma_wait3A_72 = tpu.memref_slice %arg5[%dma_wait3A_70, %dma_wait3A_71] : memref<40x128xi32, #tpu.memory_space<vmem>> -> memref<16x128xi32, #tpu.memory_space<vmem>>
        %dma_wait3A_73 = arith.constant 0 : i32
        %dma_wait3A_74 = tpu.memref_slice %arg3[%run_scoped3A, %mul3A_12, %dma_wait3A_73] : memref<2x2500x128xi32, #tpu.memory_space<hbm>> -> memref<1x16x128xi32, #tpu.memory_space<hbm>>
        %dma_wait3A_75 = tpu.memref_squeeze %dma_wait3A_74 : memref<1x16x128xi32, #tpu.memory_space<hbm>> -> memref<16x128xi32, #tpu.memory_space<hbm>>
        tpu.wait_dma2 semaphore(%run_scoped3A_52 : memref<!tpu.dma_semaphore, #tpu.memory_space<semaphore_mem>>) src(%dma_wait3A_75 : memref<16x128xi32, #tpu.memory_space<hbm>>) dst(%dma_wait3A_72 : memref<16x128xi32, #tpu.memory_space<vmem>>)
        tpu.yield
      }) : () -> ()
      %run_scoped3A_24 = arith.constant 1 : i32
      "tpu.region"() ({
        %run_scoped3A_52 = tpu.sem_alloc : memref<!tpu.dma_semaphore, #tpu.memory_space<semaphore_mem>>
        %dma_start3A_53 = arith.constant 0 : i32
        %dma_start3A_54 = arith.constant 0 : i32
        %dma_start3A_55 = tpu.memref_slice %arg6[%dma_start3A_53, %dma_start3A_54] : memref<40x128xi32, #tpu.memory_space<vmem>> -> memref<16x128xi32, #tpu.memory_space<vmem>>
        %dma_start3A_56 = arith.constant 0 : i32
        %dma_start3A_57 = tpu.memref_slice %arg3[%run_scoped3A_24, %mul3A_12, %dma_start3A_56] : memref<2x2500x128xi32, #tpu.memory_space<hbm>> -> memref<1x16x128xi32, #tpu.memory_space<hbm>>
        %dma_start3A_58 = tpu.memref_squeeze %dma_start3A_57 : memref<1x16x128xi32, #tpu.memory_space<hbm>> -> memref<16x128xi32, #tpu.memory_space<hbm>>
        %dma_start3A_59 = arith.constant 0 : i32
        %dma_start3A_60 = arith.constant 0 : i32
        %dma_start3A_61 = tpu.memref_slice %arg6[%dma_start3A_59, %dma_start3A_60] : memref<40x128xi32, #tpu.memory_space<vmem>> -> memref<16x128xi32, #tpu.memory_space<vmem>>
        %dma_start3A_62 = arith.constant 0 : i32
        %dma_start3A_63 = tpu.memref_slice %arg3[%run_scoped3A_24, %mul3A_12, %dma_start3A_62] : memref<2x2500x128xi32, #tpu.memory_space<hbm>> -> memref<1x16x128xi32, #tpu.memory_space<hbm>>
        %dma_start3A_64 = tpu.memref_squeeze %dma_start3A_63 : memref<1x16x128xi32, #tpu.memory_space<hbm>> -> memref<16x128xi32, #tpu.memory_space<hbm>>
        tpu.enqueue_dma source(%dma_start3A_64 : memref<16x128xi32, #tpu.memory_space<hbm>>) target(%dma_start3A_61 : memref<16x128xi32, #tpu.memory_space<vmem>>) target_semaphore(%run_scoped3A_52 : memref<!tpu.dma_semaphore, #tpu.memory_space<semaphore_mem>>)
        %dma_wait3A = arith.constant 0 : i32
        %dma_wait3A_65 = arith.constant 0 : i32
        %dma_wait3A_66 = tpu.memref_slice %arg6[%dma_wait3A, %dma_wait3A_65] : memref<40x128xi32, #tpu.memory_space<vmem>> -> memref<16x128xi32, #tpu.memory_space<vmem>>
        %dma_wait3A_67 = arith.constant 0 : i32
        %dma_wait3A_68 = tpu.memref_slice %arg3[%run_scoped3A_24, %mul3A_12, %dma_wait3A_67] : memref<2x2500x128xi32, #tpu.memory_space<hbm>> -> memref<1x16x128xi32, #tpu.memory_space<hbm>>
        %dma_wait3A_69 = tpu.memref_squeeze %dma_wait3A_68 : memref<1x16x128xi32, #tpu.memory_space<hbm>> -> memref<16x128xi32, #tpu.memory_space<hbm>>
        %dma_wait3A_70 = arith.constant 0 : i32
        %dma_wait3A_71 = arith.constant 0 : i32
        %dma_wait3A_72 = tpu.memref_slice %arg6[%dma_wait3A_70, %dma_wait3A_71] : memref<40x128xi32, #tpu.memory_space<vmem>> -> memref<16x128xi32, #tpu.memory_space<vmem>>
        %dma_wait3A_73 = arith.constant 0 : i32
        %dma_wait3A_74 = tpu.memref_slice %arg3[%run_scoped3A_24, %mul3A_12, %dma_wait3A_73] : memref<2x2500x128xi32, #tpu.memory_space<hbm>> -> memref<1x16x128xi32, #tpu.memory_space<hbm>>
        %dma_wait3A_75 = tpu.memref_squeeze %dma_wait3A_74 : memref<1x16x128xi32, #tpu.memory_space<hbm>> -> memref<16x128xi32, #tpu.memory_space<hbm>>
        tpu.wait_dma2 semaphore(%run_scoped3A_52 : memref<!tpu.dma_semaphore, #tpu.memory_space<semaphore_mem>>) src(%dma_wait3A_75 : memref<16x128xi32, #tpu.memory_space<hbm>>) dst(%dma_wait3A_72 : memref<16x128xi32, #tpu.memory_space<vmem>>)
        tpu.yield
      }) : () -> ()
      %dma_start3A = arith.constant 0 : i32
      %dma_start3A_25 = arith.constant 0 : i32
      %dma_start3A_26 = tpu.memref_slice %arg5[%dma_start3A, %dma_start3A_25] : memref<40x128xi32, #tpu.memory_space<vmem>> -> memref<1x128xi32, #tpu.memory_space<vmem>>
      %dma_start3A_27 = tpu.memref_squeeze %dma_start3A_26 : memref<1x128xi32, #tpu.memory_space<vmem>> -> memref<128xi32, #tpu.memory_space<vmem>>
      %dma_start3A_28 = arith.constant 0 : i32
      %dma_start3A_29 = arith.constant 0 : i32
      %dma_start3A_30 = tpu.memref_slice %arg2[%dma_start3A_28, %dma_start3A_29] : memref<10000x128xf32, #tpu.memory_space<hbm>> -> memref<10000x128xf32, #tpu.memory_space<hbm>>
      tpu.enqueue_indirect_dma source(%dma_start3A_30 : memref<10000x128xf32, #tpu.memory_space<hbm>>) target(%arg7 : memref<128x128xf32, #tpu.memory_space<vmem>>) offsets(%dma_start3A_27 : memref<128xi32, #tpu.memory_space<vmem>>) semaphore(%arg10 : memref<!tpu.dma_semaphore, #tpu.memory_space<semaphore_mem>>)
      %scan3A_31 = arith.constant 0 : i32
      %scan3A_32 = arith.constant 8 : i32
      %scan3A_33 = arith.addi %scan3A_31, %scan3A_32 : i32
      %scan3A_34 = arith.constant 1 : i32
      scf.for %scan3A_52 = %scan3A_31 to %scan3A_33 step %scan3A_34  : i32 {
        %mul3A_53 = arith.constant 2 : i32
        %mul3A_54 = arith.muli %scan3A_52, %mul3A_53 : i32
        %add3A_55 = arith.constant 0 : i32
        %add3A_56 = arith.addi %add3A_55, %mul3A_54 : i32
        %add3A_57 = arith.constant 1 : i32
        %add3A_58 = arith.addi %add3A_56, %add3A_57 : i32
        %dma_start3A_59 = arith.constant 0 : i32
        %dma_start3A_60 = tpu.memref_slice %arg5[%add3A_58, %dma_start3A_59] : memref<40x128xi32, #tpu.memory_space<vmem>> -> memref<1x128xi32, #tpu.memory_space<vmem>>
        %dma_start3A_61 = tpu.memref_squeeze %dma_start3A_60 : memref<1x128xi32, #tpu.memory_space<vmem>> -> memref<128xi32, #tpu.memory_space<vmem>>
        %dma_start3A_62 = arith.constant 0 : i32
        %dma_start3A_63 = arith.constant 0 : i32
        %dma_start3A_64 = tpu.memref_slice %arg2[%dma_start3A_62, %dma_start3A_63] : memref<10000x128xf32, #tpu.memory_space<hbm>> -> memref<10000x128xf32, #tpu.memory_space<hbm>>
        tpu.enqueue_indirect_dma source(%dma_start3A_64 : memref<10000x128xf32, #tpu.memory_space<hbm>>) target(%arg8 : memref<128x128xf32, #tpu.memory_space<vmem>>) offsets(%dma_start3A_61 : memref<128xi32, #tpu.memory_space<vmem>>) semaphore(%arg11 : memref<!tpu.dma_semaphore, #tpu.memory_space<semaphore_mem>>)
        %dma_wait3A = arith.constant 0 : i32
        %dma_wait3A_65 = tpu.memref_slice %arg5[%add3A_56, %dma_wait3A] : memref<40x128xi32, #tpu.memory_space<vmem>> -> memref<1x128xi32, #tpu.memory_space<vmem>>
        %dma_wait3A_66 = tpu.memref_squeeze %dma_wait3A_65 : memref<1x128xi32, #tpu.memory_space<vmem>> -> memref<128xi32, #tpu.memory_space<vmem>>
        %dma_wait3A_67 = arith.constant 0 : i32
        %dma_wait3A_68 = arith.constant 0 : i32
        %dma_wait3A_69 = tpu.memref_slice %arg2[%dma_wait3A_67, %dma_wait3A_68] : memref<10000x128xf32, #tpu.memory_space<hbm>> -> memref<10000x128xf32, #tpu.memory_space<hbm>>
        tpu.wait_indirect_dma semaphore(%arg10 : memref<!tpu.dma_semaphore, #tpu.memory_space<semaphore_mem>>) src(%dma_wait3A_69 : memref<10000x128xf32, #tpu.memory_space<hbm>>) dst(%arg7 : memref<128x128xf32, #tpu.memory_space<vmem>>)
        "tpu.region"() ({
          %run_scoped3A_87 = tpu.sem_alloc : memref<!tpu.dma_semaphore, #tpu.memory_space<semaphore_mem>>
          %dma_start3A_88 = arith.constant 0 : i32
          %dma_start3A_89 = tpu.memref_slice %arg6[%add3A_56, %dma_start3A_88] : memref<40x128xi32, #tpu.memory_space<vmem>> -> memref<1x128xi32, #tpu.memory_space<vmem>>
          %dma_start3A_90 = tpu.memref_squeeze %dma_start3A_89 : memref<1x128xi32, #tpu.memory_space<vmem>> -> memref<128xi32, #tpu.memory_space<vmem>>
          %dma_start3A_91 = arith.constant 0 : i32
          %dma_start3A_92 = arith.constant 0 : i32
          %dma_start3A_93 = tpu.memref_slice %arg9[%dma_start3A_91, %dma_start3A_92] : memref<10240x128xf32, #tpu.memory_space<vmem_shared>> -> memref<10240x128xf32, #tpu.memory_space<vmem_shared>>
          tpu.enqueue_indirect_dma source(%arg7 : memref<128x128xf32, #tpu.memory_space<vmem>>) target(%dma_start3A_93 : memref<10240x128xf32, #tpu.memory_space<vmem_shared>>) offsets(%dma_start3A_90 : memref<128xi32, #tpu.memory_space<vmem>>) semaphore(%run_scoped3A_87 : memref<!tpu.dma_semaphore, #tpu.memory_space<semaphore_mem>>) {add = true}
          %dma_wait3A_94 = arith.constant 0 : i32
          %dma_wait3A_95 = tpu.memref_slice %arg6[%add3A_56, %dma_wait3A_94] : memref<40x128xi32, #tpu.memory_space<vmem>> -> memref<1x128xi32, #tpu.memory_space<vmem>>
          %dma_wait3A_96 = tpu.memref_squeeze %dma_wait3A_95 : memref<1x128xi32, #tpu.memory_space<vmem>> -> memref<128xi32, #tpu.memory_space<vmem>>
          %dma_wait3A_97 = arith.constant 0 : i32
          %dma_wait3A_98 = arith.constant 0 : i32
          %dma_wait3A_99 = tpu.memref_slice %arg9[%dma_wait3A_97, %dma_wait3A_98] : memref<10240x128xf32, #tpu.memory_space<vmem_shared>> -> memref<10240x128xf32, #tpu.memory_space<vmem_shared>>
          tpu.wait_indirect_dma semaphore(%run_scoped3A_87 : memref<!tpu.dma_semaphore, #tpu.memory_space<semaphore_mem>>) src(%arg7 : memref<128x128xf32, #tpu.memory_space<vmem>>) dst(%dma_wait3A_99 : memref<10240x128xf32, #tpu.memory_space<vmem_shared>>)
          tpu.yield
        }) : () -> ()
        %add3A_70 = arith.constant 2 : i32
        %add3A_71 = arith.addi %add3A_56, %add3A_70 : i32
        %lt3A_72 = arith.constant 16 : i32
        %lt3A_73 = arith.cmpi slt, %add3A_71, %lt3A_72 : i32
        %convert_element_type3A_74 = arith.extui %lt3A_73 : i1 to i32
        %cond3A_75 = arith.constant 0 : i32
        %cond3A_76 = arith.cmpi ne, %convert_element_type3A_74, %cond3A_75 : i32
        scf.if %cond3A_76 {
          %add3A_87 = arith.constant 2 : i32
          %add3A_88 = arith.addi %add3A_56, %add3A_87 : i32
          %dma_start3A_89 = arith.constant 0 : i32
          %dma_start3A_90 = tpu.memref_slice %arg5[%add3A_88, %dma_start3A_89] : memref<40x128xi32, #tpu.memory_space<vmem>> -> memref<1x128xi32, #tpu.memory_space<vmem>>
          %dma_start3A_91 = tpu.memref_squeeze %dma_start3A_90 : memref<1x128xi32, #tpu.memory_space<vmem>> -> memref<128xi32, #tpu.memory_space<vmem>>
          %dma_start3A_92 = arith.constant 0 : i32
          %dma_start3A_93 = arith.constant 0 : i32
          %dma_start3A_94 = tpu.memref_slice %arg2[%dma_start3A_92, %dma_start3A_93] : memref<10000x128xf32, #tpu.memory_space<hbm>> -> memref<10000x128xf32, #tpu.memory_space<hbm>>
          tpu.enqueue_indirect_dma source(%dma_start3A_94 : memref<10000x128xf32, #tpu.memory_space<hbm>>) target(%arg7 : memref<128x128xf32, #tpu.memory_space<vmem>>) offsets(%dma_start3A_91 : memref<128xi32, #tpu.memory_space<vmem>>) semaphore(%arg10 : memref<!tpu.dma_semaphore, #tpu.memory_space<semaphore_mem>>)
        } else {
        }
        %add3A_77 = arith.constant 1 : i32
        %add3A_78 = arith.addi %add3A_56, %add3A_77 : i32
        %dma_wait3A_79 = arith.constant 0 : i32
        %dma_wait3A_80 = tpu.memref_slice %arg5[%add3A_78, %dma_wait3A_79] : memref<40x128xi32, #tpu.memory_space<vmem>> -> memref<1x128xi32, #tpu.memory_space<vmem>>
        %dma_wait3A_81 = tpu.memref_squeeze %dma_wait3A_80 : memref<1x128xi32, #tpu.memory_space<vmem>> -> memref<128xi32, #tpu.memory_space<vmem>>
        %dma_wait3A_82 = arith.constant 0 : i32
        %dma_wait3A_83 = arith.constant 0 : i32
        %dma_wait3A_84 = tpu.memref_slice %arg2[%dma_wait3A_82, %dma_wait3A_83] : memref<10000x128xf32, #tpu.memory_space<hbm>> -> memref<10000x128xf32, #tpu.memory_space<hbm>>
        tpu.wait_indirect_dma semaphore(%arg11 : memref<!tpu.dma_semaphore, #tpu.memory_space<semaphore_mem>>) src(%dma_wait3A_84 : memref<10000x128xf32, #tpu.memory_space<hbm>>) dst(%arg8 : memref<128x128xf32, #tpu.memory_space<vmem>>)
        %add3A_85 = arith.constant 1 : i32
        %add3A_86 = arith.addi %add3A_56, %add3A_85 : i32
        "tpu.region"() ({
          %run_scoped3A_87 = tpu.sem_alloc : memref<!tpu.dma_semaphore, #tpu.memory_space<semaphore_mem>>
          %dma_start3A_88 = arith.constant 0 : i32
          %dma_start3A_89 = tpu.memref_slice %arg6[%add3A_86, %dma_start3A_88] : memref<40x128xi32, #tpu.memory_space<vmem>> -> memref<1x128xi32, #tpu.memory_space<vmem>>
          %dma_start3A_90 = tpu.memref_squeeze %dma_start3A_89 : memref<1x128xi32, #tpu.memory_space<vmem>> -> memref<128xi32, #tpu.memory_space<vmem>>
          %dma_start3A_91 = arith.constant 0 : i32
          %dma_start3A_92 = arith.constant 0 : i32
          %dma_start3A_93 = tpu.memref_slice %arg9[%dma_start3A_91, %dma_start3A_92] : memref<10240x128xf32, #tpu.memory_space<vmem_shared>> -> memref<10240x128xf32, #tpu.memory_space<vmem_shared>>
          tpu.enqueue_indirect_dma source(%arg8 : memref<128x128xf32, #tpu.memory_space<vmem>>) target(%dma_start3A_93 : memref<10240x128xf32, #tpu.memory_space<vmem_shared>>) offsets(%dma_start3A_90 : memref<128xi32, #tpu.memory_space<vmem>>) semaphore(%run_scoped3A_87 : memref<!tpu.dma_semaphore, #tpu.memory_space<semaphore_mem>>) {add = true}
          %dma_wait3A_94 = arith.constant 0 : i32
          %dma_wait3A_95 = tpu.memref_slice %arg6[%add3A_86, %dma_wait3A_94] : memref<40x128xi32, #tpu.memory_space<vmem>> -> memref<1x128xi32, #tpu.memory_space<vmem>>
          %dma_wait3A_96 = tpu.memref_squeeze %dma_wait3A_95 : memref<1x128xi32, #tpu.memory_space<vmem>> -> memref<128xi32, #tpu.memory_space<vmem>>
          %dma_wait3A_97 = arith.constant 0 : i32
          %dma_wait3A_98 = arith.constant 0 : i32
          %dma_wait3A_99 = tpu.memref_slice %arg9[%dma_wait3A_97, %dma_wait3A_98] : memref<10240x128xf32, #tpu.memory_space<vmem_shared>> -> memref<10240x128xf32, #tpu.memory_space<vmem_shared>>
          tpu.wait_indirect_dma semaphore(%run_scoped3A_87 : memref<!tpu.dma_semaphore, #tpu.memory_space<semaphore_mem>>) src(%arg8 : memref<128x128xf32, #tpu.memory_space<vmem>>) dst(%dma_wait3A_99 : memref<10240x128xf32, #tpu.memory_space<vmem_shared>>)
          tpu.yield
        }) : () -> ()
      }
      %scan3A_35 = arith.constant 8 : i32
      %add3A_36 = arith.constant 16 : i32
      %add3A_37 = arith.addi %mul3A_12, %add3A_36 : i32
      %run_scoped3A_38 = arith.constant 0 : i32
      "tpu.region"() ({
        %run_scoped3A_52 = tpu.sem_alloc : memref<!tpu.dma_semaphore, #tpu.memory_space<semaphore_mem>>
        %dma_start3A_53 = arith.constant 0 : i32
        %dma_start3A_54 = arith.constant 0 : i32
        %dma_start3A_55 = tpu.memref_slice %arg5[%dma_start3A_53, %dma_start3A_54] : memref<40x128xi32, #tpu.memory_space<vmem>> -> memref<4x128xi32, #tpu.memory_space<vmem>>
        %dma_start3A_56 = arith.constant 0 : i32
        %dma_start3A_57 = tpu.memref_slice %arg3[%run_scoped3A_38, %add3A_37, %dma_start3A_56] : memref<2x2500x128xi32, #tpu.memory_space<hbm>> -> memref<1x4x128xi32, #tpu.memory_space<hbm>>
        %dma_start3A_58 = tpu.memref_squeeze %dma_start3A_57 : memref<1x4x128xi32, #tpu.memory_space<hbm>> -> memref<4x128xi32, #tpu.memory_space<hbm>>
        %dma_start3A_59 = arith.constant 0 : i32
        %dma_start3A_60 = arith.constant 0 : i32
        %dma_start3A_61 = tpu.memref_slice %arg5[%dma_start3A_59, %dma_start3A_60] : memref<40x128xi32, #tpu.memory_space<vmem>> -> memref<4x128xi32, #tpu.memory_space<vmem>>
        %dma_start3A_62 = arith.constant 0 : i32
        %dma_start3A_63 = tpu.memref_slice %arg3[%run_scoped3A_38, %add3A_37, %dma_start3A_62] : memref<2x2500x128xi32, #tpu.memory_space<hbm>> -> memref<1x4x128xi32, #tpu.memory_space<hbm>>
        %dma_start3A_64 = tpu.memref_squeeze %dma_start3A_63 : memref<1x4x128xi32, #tpu.memory_space<hbm>> -> memref<4x128xi32, #tpu.memory_space<hbm>>
        tpu.enqueue_dma source(%dma_start3A_64 : memref<4x128xi32, #tpu.memory_space<hbm>>) target(%dma_start3A_61 : memref<4x128xi32, #tpu.memory_space<vmem>>) target_semaphore(%run_scoped3A_52 : memref<!tpu.dma_semaphore, #tpu.memory_space<semaphore_mem>>)
        %dma_wait3A = arith.constant 0 : i32
        %dma_wait3A_65 = arith.constant 0 : i32
        %dma_wait3A_66 = tpu.memref_slice %arg5[%dma_wait3A, %dma_wait3A_65] : memref<40x128xi32, #tpu.memory_space<vmem>> -> memref<4x128xi32, #tpu.memory_space<vmem>>
        %dma_wait3A_67 = arith.constant 0 : i32
        %dma_wait3A_68 = tpu.memref_slice %arg3[%run_scoped3A_38, %add3A_37, %dma_wait3A_67] : memref<2x2500x128xi32, #tpu.memory_space<hbm>> -> memref<1x4x128xi32, #tpu.memory_space<hbm>>
        %dma_wait3A_69 = tpu.memref_squeeze %dma_wait3A_68 : memref<1x4x128xi32, #tpu.memory_space<hbm>> -> memref<4x128xi32, #tpu.memory_space<hbm>>
        %dma_wait3A_70 = arith.constant 0 : i32
        %dma_wait3A_71 = arith.constant 0 : i32
        %dma_wait3A_72 = tpu.memref_slice %arg5[%dma_wait3A_70, %dma_wait3A_71] : memref<40x128xi32, #tpu.memory_space<vmem>> -> memref<4x128xi32, #tpu.memory_space<vmem>>
        %dma_wait3A_73 = arith.constant 0 : i32
        %dma_wait3A_74 = tpu.memref_slice %arg3[%run_scoped3A_38, %add3A_37, %dma_wait3A_73] : memref<2x2500x128xi32, #tpu.memory_space<hbm>> -> memref<1x4x128xi32, #tpu.memory_space<hbm>>
        %dma_wait3A_75 = tpu.memref_squeeze %dma_wait3A_74 : memref<1x4x128xi32, #tpu.memory_space<hbm>> -> memref<4x128xi32, #tpu.memory_space<hbm>>
        tpu.wait_dma2 semaphore(%run_scoped3A_52 : memref<!tpu.dma_semaphore, #tpu.memory_space<semaphore_mem>>) src(%dma_wait3A_75 : memref<4x128xi32, #tpu.memory_space<hbm>>) dst(%dma_wait3A_72 : memref<4x128xi32, #tpu.memory_space<vmem>>)
        tpu.yield
      }) : () -> ()
      %run_scoped3A_39 = arith.constant 1 : i32
      "tpu.region"() ({
        %run_scoped3A_52 = tpu.sem_alloc : memref<!tpu.dma_semaphore, #tpu.memory_space<semaphore_mem>>
        %dma_start3A_53 = arith.constant 0 : i32
        %dma_start3A_54 = arith.constant 0 : i32
        %dma_start3A_55 = tpu.memref_slice %arg6[%dma_start3A_53, %dma_start3A_54] : memref<40x128xi32, #tpu.memory_space<vmem>> -> memref<4x128xi32, #tpu.memory_space<vmem>>
        %dma_start3A_56 = arith.constant 0 : i32
        %dma_start3A_57 = tpu.memref_slice %arg3[%run_scoped3A_39, %add3A_37, %dma_start3A_56] : memref<2x2500x128xi32, #tpu.memory_space<hbm>> -> memref<1x4x128xi32, #tpu.memory_space<hbm>>
        %dma_start3A_58 = tpu.memref_squeeze %dma_start3A_57 : memref<1x4x128xi32, #tpu.memory_space<hbm>> -> memref<4x128xi32, #tpu.memory_space<hbm>>
        %dma_start3A_59 = arith.constant 0 : i32
        %dma_start3A_60 = arith.constant 0 : i32
        %dma_start3A_61 = tpu.memref_slice %arg6[%dma_start3A_59, %dma_start3A_60] : memref<40x128xi32, #tpu.memory_space<vmem>> -> memref<4x128xi32, #tpu.memory_space<vmem>>
        %dma_start3A_62 = arith.constant 0 : i32
        %dma_start3A_63 = tpu.memref_slice %arg3[%run_scoped3A_39, %add3A_37, %dma_start3A_62] : memref<2x2500x128xi32, #tpu.memory_space<hbm>> -> memref<1x4x128xi32, #tpu.memory_space<hbm>>
        %dma_start3A_64 = tpu.memref_squeeze %dma_start3A_63 : memref<1x4x128xi32, #tpu.memory_space<hbm>> -> memref<4x128xi32, #tpu.memory_space<hbm>>
        tpu.enqueue_dma source(%dma_start3A_64 : memref<4x128xi32, #tpu.memory_space<hbm>>) target(%dma_start3A_61 : memref<4x128xi32, #tpu.memory_space<vmem>>) target_semaphore(%run_scoped3A_52 : memref<!tpu.dma_semaphore, #tpu.memory_space<semaphore_mem>>)
        %dma_wait3A = arith.constant 0 : i32
        %dma_wait3A_65 = arith.constant 0 : i32
        %dma_wait3A_66 = tpu.memref_slice %arg6[%dma_wait3A, %dma_wait3A_65] : memref<40x128xi32, #tpu.memory_space<vmem>> -> memref<4x128xi32, #tpu.memory_space<vmem>>
        %dma_wait3A_67 = arith.constant 0 : i32
        %dma_wait3A_68 = tpu.memref_slice %arg3[%run_scoped3A_39, %add3A_37, %dma_wait3A_67] : memref<2x2500x128xi32, #tpu.memory_space<hbm>> -> memref<1x4x128xi32, #tpu.memory_space<hbm>>
        %dma_wait3A_69 = tpu.memref_squeeze %dma_wait3A_68 : memref<1x4x128xi32, #tpu.memory_space<hbm>> -> memref<4x128xi32, #tpu.memory_space<hbm>>
        %dma_wait3A_70 = arith.constant 0 : i32
        %dma_wait3A_71 = arith.constant 0 : i32
        %dma_wait3A_72 = tpu.memref_slice %arg6[%dma_wait3A_70, %dma_wait3A_71] : memref<40x128xi32, #tpu.memory_space<vmem>> -> memref<4x128xi32, #tpu.memory_space<vmem>>
        %dma_wait3A_73 = arith.constant 0 : i32
        %dma_wait3A_74 = tpu.memref_slice %arg3[%run_scoped3A_39, %add3A_37, %dma_wait3A_73] : memref<2x2500x128xi32, #tpu.memory_space<hbm>> -> memref<1x4x128xi32, #tpu.memory_space<hbm>>
        %dma_wait3A_75 = tpu.memref_squeeze %dma_wait3A_74 : memref<1x4x128xi32, #tpu.memory_space<hbm>> -> memref<4x128xi32, #tpu.memory_space<hbm>>
        tpu.wait_dma2 semaphore(%run_scoped3A_52 : memref<!tpu.dma_semaphore, #tpu.memory_space<semaphore_mem>>) src(%dma_wait3A_75 : memref<4x128xi32, #tpu.memory_space<hbm>>) dst(%dma_wait3A_72 : memref<4x128xi32, #tpu.memory_space<vmem>>)
        tpu.yield
      }) : () -> ()
      %dma_start3A_40 = arith.constant 0 : i32
      %dma_start3A_41 = arith.constant 0 : i32
      %dma_start3A_42 = tpu.memref_slice %arg5[%dma_start3A_40, %dma_start3A_41] : memref<40x128xi32, #tpu.memory_space<vmem>> -> memref<1x128xi32, #tpu.memory_space<vmem>>
      %dma_start3A_43 = tpu.memref_squeeze %dma_start3A_42 : memref<1x128xi32, #tpu.memory_space<vmem>> -> memref<128xi32, #tpu.memory_space<vmem>>
      %dma_start3A_44 = arith.constant 0 : i32
      %dma_start3A_45 = arith.constant 0 : i32
      %dma_start3A_46 = tpu.memref_slice %arg2[%dma_start3A_44, %dma_start3A_45] : memref<10000x128xf32, #tpu.memory_space<hbm>> -> memref<10000x128xf32, #tpu.memory_space<hbm>>
      tpu.enqueue_indirect_dma source(%dma_start3A_46 : memref<10000x128xf32, #tpu.memory_space<hbm>>) target(%arg7 : memref<128x128xf32, #tpu.memory_space<vmem>>) offsets(%dma_start3A_43 : memref<128xi32, #tpu.memory_space<vmem>>) semaphore(%arg10 : memref<!tpu.dma_semaphore, #tpu.memory_space<semaphore_mem>>)
      %scan3A_47 = arith.constant 0 : i32
      %scan3A_48 = arith.constant 2 : i32
      %scan3A_49 = arith.addi %scan3A_47, %scan3A_48 : i32
      %scan3A_50 = arith.constant 1 : i32
      scf.for %scan3A_52 = %scan3A_47 to %scan3A_49 step %scan3A_50  : i32 {
        %mul3A_53 = arith.constant 2 : i32
        %mul3A_54 = arith.muli %scan3A_52, %mul3A_53 : i32
        %add3A_55 = arith.constant 0 : i32
        %add3A_56 = arith.addi %add3A_55, %mul3A_54 : i32
        %add3A_57 = arith.constant 1 : i32
        %add3A_58 = arith.addi %add3A_56, %add3A_57 : i32
        %dma_start3A_59 = arith.constant 0 : i32
        %dma_start3A_60 = tpu.memref_slice %arg5[%add3A_58, %dma_start3A_59] : memref<40x128xi32, #tpu.memory_space<vmem>> -> memref<1x128xi32, #tpu.memory_space<vmem>>
        %dma_start3A_61 = tpu.memref_squeeze %dma_start3A_60 : memref<1x128xi32, #tpu.memory_space<vmem>> -> memref<128xi32, #tpu.memory_space<vmem>>
        %dma_start3A_62 = arith.constant 0 : i32
        %dma_start3A_63 = arith.constant 0 : i32
        %dma_start3A_64 = tpu.memref_slice %arg2[%dma_start3A_62, %dma_start3A_63] : memref<10000x128xf32, #tpu.memory_space<hbm>> -> memref<10000x128xf32, #tpu.memory_space<hbm>>
        tpu.enqueue_indirect_dma source(%dma_start3A_64 : memref<10000x128xf32, #tpu.memory_space<hbm>>) target(%arg8 : memref<128x128xf32, #tpu.memory_space<vmem>>) offsets(%dma_start3A_61 : memref<128xi32, #tpu.memory_space<vmem>>) semaphore(%arg11 : memref<!tpu.dma_semaphore, #tpu.memory_space<semaphore_mem>>)
        %dma_wait3A = arith.constant 0 : i32
        %dma_wait3A_65 = tpu.memref_slice %arg5[%add3A_56, %dma_wait3A] : memref<40x128xi32, #tpu.memory_space<vmem>> -> memref<1x128xi32, #tpu.memory_space<vmem>>
        %dma_wait3A_66 = tpu.memref_squeeze %dma_wait3A_65 : memref<1x128xi32, #tpu.memory_space<vmem>> -> memref<128xi32, #tpu.memory_space<vmem>>
        %dma_wait3A_67 = arith.constant 0 : i32
        %dma_wait3A_68 = arith.constant 0 : i32
        %dma_wait3A_69 = tpu.memref_slice %arg2[%dma_wait3A_67, %dma_wait3A_68] : memref<10000x128xf32, #tpu.memory_space<hbm>> -> memref<10000x128xf32, #tpu.memory_space<hbm>>
        tpu.wait_indirect_dma semaphore(%arg10 : memref<!tpu.dma_semaphore, #tpu.memory_space<semaphore_mem>>) src(%dma_wait3A_69 : memref<10000x128xf32, #tpu.memory_space<hbm>>) dst(%arg7 : memref<128x128xf32, #tpu.memory_space<vmem>>)
        "tpu.region"() ({
          %run_scoped3A_87 = tpu.sem_alloc : memref<!tpu.dma_semaphore, #tpu.memory_space<semaphore_mem>>
          %dma_start3A_88 = arith.constant 0 : i32
          %dma_start3A_89 = tpu.memref_slice %arg6[%add3A_56, %dma_start3A_88] : memref<40x128xi32, #tpu.memory_space<vmem>> -> memref<1x128xi32, #tpu.memory_space<vmem>>
          %dma_start3A_90 = tpu.memref_squeeze %dma_start3A_89 : memref<1x128xi32, #tpu.memory_space<vmem>> -> memref<128xi32, #tpu.memory_space<vmem>>
          %dma_start3A_91 = arith.constant 0 : i32
          %dma_start3A_92 = arith.constant 0 : i32
          %dma_start3A_93 = tpu.memref_slice %arg9[%dma_start3A_91, %dma_start3A_92] : memref<10240x128xf32, #tpu.memory_space<vmem_shared>> -> memref<10240x128xf32, #tpu.memory_space<vmem_shared>>
          tpu.enqueue_indirect_dma source(%arg7 : memref<128x128xf32, #tpu.memory_space<vmem>>) target(%dma_start3A_93 : memref<10240x128xf32, #tpu.memory_space<vmem_shared>>) offsets(%dma_start3A_90 : memref<128xi32, #tpu.memory_space<vmem>>) semaphore(%run_scoped3A_87 : memref<!tpu.dma_semaphore, #tpu.memory_space<semaphore_mem>>) {add = true}
          %dma_wait3A_94 = arith.constant 0 : i32
          %dma_wait3A_95 = tpu.memref_slice %arg6[%add3A_56, %dma_wait3A_94] : memref<40x128xi32, #tpu.memory_space<vmem>> -> memref<1x128xi32, #tpu.memory_space<vmem>>
          %dma_wait3A_96 = tpu.memref_squeeze %dma_wait3A_95 : memref<1x128xi32, #tpu.memory_space<vmem>> -> memref<128xi32, #tpu.memory_space<vmem>>
          %dma_wait3A_97 = arith.constant 0 : i32
          %dma_wait3A_98 = arith.constant 0 : i32
          %dma_wait3A_99 = tpu.memref_slice %arg9[%dma_wait3A_97, %dma_wait3A_98] : memref<10240x128xf32, #tpu.memory_space<vmem_shared>> -> memref<10240x128xf32, #tpu.memory_space<vmem_shared>>
          tpu.wait_indirect_dma semaphore(%run_scoped3A_87 : memref<!tpu.dma_semaphore, #tpu.memory_space<semaphore_mem>>) src(%arg7 : memref<128x128xf32, #tpu.memory_space<vmem>>) dst(%dma_wait3A_99 : memref<10240x128xf32, #tpu.memory_space<vmem_shared>>)
          tpu.yield
        }) : () -> ()
        %add3A_70 = arith.constant 2 : i32
        %add3A_71 = arith.addi %add3A_56, %add3A_70 : i32
        %lt3A_72 = arith.constant 4 : i32
        %lt3A_73 = arith.cmpi slt, %add3A_71, %lt3A_72 : i32
        %convert_element_type3A_74 = arith.extui %lt3A_73 : i1 to i32
        %cond3A_75 = arith.constant 0 : i32
        %cond3A_76 = arith.cmpi ne, %convert_element_type3A_74, %cond3A_75 : i32
        scf.if %cond3A_76 {
          %add3A_87 = arith.constant 2 : i32
          %add3A_88 = arith.addi %add3A_56, %add3A_87 : i32
          %dma_start3A_89 = arith.constant 0 : i32
          %dma_start3A_90 = tpu.memref_slice %arg5[%add3A_88, %dma_start3A_89] : memref<40x128xi32, #tpu.memory_space<vmem>> -> memref<1x128xi32, #tpu.memory_space<vmem>>
          %dma_start3A_91 = tpu.memref_squeeze %dma_start3A_90 : memref<1x128xi32, #tpu.memory_space<vmem>> -> memref<128xi32, #tpu.memory_space<vmem>>
          %dma_start3A_92 = arith.constant 0 : i32
          %dma_start3A_93 = arith.constant 0 : i32
          %dma_start3A_94 = tpu.memref_slice %arg2[%dma_start3A_92, %dma_start3A_93] : memref<10000x128xf32, #tpu.memory_space<hbm>> -> memref<10000x128xf32, #tpu.memory_space<hbm>>
          tpu.enqueue_indirect_dma source(%dma_start3A_94 : memref<10000x128xf32, #tpu.memory_space<hbm>>) target(%arg7 : memref<128x128xf32, #tpu.memory_space<vmem>>) offsets(%dma_start3A_91 : memref<128xi32, #tpu.memory_space<vmem>>) semaphore(%arg10 : memref<!tpu.dma_semaphore, #tpu.memory_space<semaphore_mem>>)
        } else {
        }
        %add3A_77 = arith.constant 1 : i32
        %add3A_78 = arith.addi %add3A_56, %add3A_77 : i32
        %dma_wait3A_79 = arith.constant 0 : i32
        %dma_wait3A_80 = tpu.memref_slice %arg5[%add3A_78, %dma_wait3A_79] : memref<40x128xi32, #tpu.memory_space<vmem>> -> memref<1x128xi32, #tpu.memory_space<vmem>>
        %dma_wait3A_81 = tpu.memref_squeeze %dma_wait3A_80 : memref<1x128xi32, #tpu.memory_space<vmem>> -> memref<128xi32, #tpu.memory_space<vmem>>
        %dma_wait3A_82 = arith.constant 0 : i32
        %dma_wait3A_83 = arith.constant 0 : i32
        %dma_wait3A_84 = tpu.memref_slice %arg2[%dma_wait3A_82, %dma_wait3A_83] : memref<10000x128xf32, #tpu.memory_space<hbm>> -> memref<10000x128xf32, #tpu.memory_space<hbm>>
        tpu.wait_indirect_dma semaphore(%arg11 : memref<!tpu.dma_semaphore, #tpu.memory_space<semaphore_mem>>) src(%dma_wait3A_84 : memref<10000x128xf32, #tpu.memory_space<hbm>>) dst(%arg8 : memref<128x128xf32, #tpu.memory_space<vmem>>)
        %add3A_85 = arith.constant 1 : i32
        %add3A_86 = arith.addi %add3A_56, %add3A_85 : i32
        "tpu.region"() ({
          %run_scoped3A_87 = tpu.sem_alloc : memref<!tpu.dma_semaphore, #tpu.memory_space<semaphore_mem>>
          %dma_start3A_88 = arith.constant 0 : i32
          %dma_start3A_89 = tpu.memref_slice %arg6[%add3A_86, %dma_start3A_88] : memref<40x128xi32, #tpu.memory_space<vmem>> -> memref<1x128xi32, #tpu.memory_space<vmem>>
          %dma_start3A_90 = tpu.memref_squeeze %dma_start3A_89 : memref<1x128xi32, #tpu.memory_space<vmem>> -> memref<128xi32, #tpu.memory_space<vmem>>
          %dma_start3A_91 = arith.constant 0 : i32
          %dma_start3A_92 = arith.constant 0 : i32
          %dma_start3A_93 = tpu.memref_slice %arg9[%dma_start3A_91, %dma_start3A_92] : memref<10240x128xf32, #tpu.memory_space<vmem_shared>> -> memref<10240x128xf32, #tpu.memory_space<vmem_shared>>
          tpu.enqueue_indirect_dma source(%arg8 : memref<128x128xf32, #tpu.memory_space<vmem>>) target(%dma_start3A_93 : memref<10240x128xf32, #tpu.memory_space<vmem_shared>>) offsets(%dma_start3A_90 : memref<128xi32, #tpu.memory_space<vmem>>) semaphore(%run_scoped3A_87 : memref<!tpu.dma_semaphore, #tpu.memory_space<semaphore_mem>>) {add = true}
          %dma_wait3A_94 = arith.constant 0 : i32
          %dma_wait3A_95 = tpu.memref_slice %arg6[%add3A_86, %dma_wait3A_94] : memref<40x128xi32, #tpu.memory_space<vmem>> -> memref<1x128xi32, #tpu.memory_space<vmem>>
          %dma_wait3A_96 = tpu.memref_squeeze %dma_wait3A_95 : memref<1x128xi32, #tpu.memory_space<vmem>> -> memref<128xi32, #tpu.memory_space<vmem>>
          %dma_wait3A_97 = arith.constant 0 : i32
          %dma_wait3A_98 = arith.constant 0 : i32
          %dma_wait3A_99 = tpu.memref_slice %arg9[%dma_wait3A_97, %dma_wait3A_98] : memref<10240x128xf32, #tpu.memory_space<vmem_shared>> -> memref<10240x128xf32, #tpu.memory_space<vmem_shared>>
          tpu.wait_indirect_dma semaphore(%run_scoped3A_87 : memref<!tpu.dma_semaphore, #tpu.memory_space<semaphore_mem>>) src(%arg8 : memref<128x128xf32, #tpu.memory_space<vmem>>) dst(%dma_wait3A_99 : memref<10240x128xf32, #tpu.memory_space<vmem_shared>>)
          tpu.yield
        }) : () -> ()
      }
      %scan3A_51 = arith.constant 2 : i32
    } else {
    }
    %barrier3A_19 = arith.constant 0 : index
    tpu.barrier barrier_id(%barrier3A_19)
    %mul3A_20 = arith.constant 640 : i32
    %mul3A_21 = arith.muli %arg1, %mul3A_20 : i32
    %mul3A_22 = arith.constant 640 : i32
    %mul3A_23 = arith.muli %arg1, %mul3A_22 : i32
    "tpu.region"() ({
      %run_scoped3A = tpu.sem_alloc : memref<!tpu.dma_semaphore, #tpu.memory_space<semaphore_mem>>
      %dma_start3A = arith.constant 0 : i32
      %dma_start3A_24 = tpu.memref_slice %arg4[%arg0, %mul3A_23, %dma_start3A] : memref<2x10240x128xf32, #tpu.memory_space<hbm>> -> memref<1x640x128xf32, #tpu.memory_space<hbm>>
      %dma_start3A_25 = tpu.memref_squeeze %dma_start3A_24 : memref<1x640x128xf32, #tpu.memory_space<hbm>> -> memref<640x128xf32, #tpu.memory_space<hbm>>
      %dma_start3A_26 = arith.constant 0 : i32
      %dma_start3A_27 = tpu.memref_slice %arg9[%mul3A_21, %dma_start3A_26] : memref<10240x128xf32, #tpu.memory_space<vmem_shared>> -> memref<640x128xf32, #tpu.memory_space<vmem_shared>>
      tpu.enqueue_dma source(%dma_start3A_27 : memref<640x128xf32, #tpu.memory_space<vmem_shared>>) target(%dma_start3A_25 : memref<640x128xf32, #tpu.memory_space<hbm>>) target_semaphore(%run_scoped3A : memref<!tpu.dma_semaphore, #tpu.memory_space<semaphore_mem>>)
      %dma_wait3A = arith.constant 0 : i32
      %dma_wait3A_28 = tpu.memref_slice %arg4[%arg0, %mul3A_23, %dma_wait3A] : memref<2x10240x128xf32, #tpu.memory_space<hbm>> -> memref<1x640x128xf32, #tpu.memory_space<hbm>>
      %dma_wait3A_29 = tpu.memref_squeeze %dma_wait3A_28 : memref<1x640x128xf32, #tpu.memory_space<hbm>> -> memref<640x128xf32, #tpu.memory_space<hbm>>
      %dma_wait3A_30 = arith.constant 0 : i32
      %dma_wait3A_31 = tpu.memref_slice %arg9[%mul3A_21, %dma_wait3A_30] : memref<10240x128xf32, #tpu.memory_space<vmem_shared>> -> memref<640x128xf32, #tpu.memory_space<vmem_shared>>
      tpu.wait_dma2 semaphore(%run_scoped3A : memref<!tpu.dma_semaphore, #tpu.memory_space<semaphore_mem>>) src(%dma_wait3A_31 : memref<640x128xf32, #tpu.memory_space<vmem_shared>>) dst(%dma_wait3A_29 : memref<640x128xf32, #tpu.memory_space<hbm>>)
      tpu.yield
    }) : () -> ()
    return
  }
}

#map = affine_map<(d0, d1) -> (0, 0)>
#map1 = affine_map<(d0, d1) -> (0, 0, 0)>
module attributes {stable_mosaic.version = 14 : i64} {
  func.func @k(%arg0: i32, %arg1: i32, %arg2: memref<10000x128xf32, #tpu.memory_space<hbm>>, %arg3: memref<2x2500x128xi32, #tpu.memory_space<hbm>>, %arg4: memref<2x10240x128xf32, #tpu.memory_space<hbm>>, %arg5: memref<40x128xi32, #tpu.memory_space<vmem>>, %arg6: memref<40x128xi32, #tpu.memory_space<vmem>>, %arg7: memref<128x128xf32, #tpu.memory_space<vmem>>, %arg8: memref<128x128xf32, #tpu.memory_space<vmem>>, %arg9: memref<10240x128xf32, #tpu.memory_space<vmem_shared>>, %arg10: memref<!tpu.dma_semaphore, #tpu.memory_space<semaphore_mem>>, %arg11: memref<!tpu.dma_semaphore, #tpu.memory_space<semaphore_mem>>) attributes {dimension_semantics = [#tpu.dimension_semantics<core_parallel>, #tpu.dimension_semantics<subcore_parallel>], iteration_bounds = array<i64: 2, 16>, scalar_prefetch = 0 : i64, scratch_operands = 7 : i64, tpu.core_type = #tpu.core_type<sc_vector_subcore>, window_params = [{transform_indices = #map}, {transform_indices = #map1}, {transform_indices = #map1}]} {
    %broadcast_in_dim3A = arith.constant 0.000000e+00 : f32
    %broadcast_in_dim3A_0 = vector.broadcast %broadcast_in_dim3A : f32 to vector<16xf32>
    %scan3A = arith.constant 0 : i32
    %scan3A_1 = arith.constant 128 : i32
    %scan3A_2 = arith.addi %scan3A, %scan3A_1 : i32
    %scan3A_3 = arith.constant 1 : i32
    scf.for %scan3A_24 = %scan3A to %scan3A_2 step %scan3A_3  : i32 {
      %mul3A_25 = arith.constant 1 : i32
      %mul3A_26 = arith.muli %scan3A_24, %mul3A_25 : i32
      %add3A_27 = arith.constant 0 : i32
      %add3A_28 = arith.addi %add3A_27, %mul3A_26 : i32
      %scan3A_29 = arith.constant 0 : i32
      %scan3A_30 = arith.constant 8 : i32
      %scan3A_31 = arith.addi %scan3A_29, %scan3A_30 : i32
      %scan3A_32 = arith.constant 1 : i32
      scf.for %scan3A_34 = %scan3A_29 to %scan3A_31 step %scan3A_32  : i32 {
        %mul3A_35 = arith.constant 16 : i32
        %mul3A_36 = arith.muli %scan3A_34, %mul3A_35 : i32
        %add3A_37 = arith.constant 0 : i32
        %add3A_38 = arith.addi %add3A_37, %mul3A_36 : i32
        %swap3A = arith.index_cast %add3A_28 : i32 to index
        %swap3A_39 = arith.index_cast %add3A_38 : i32 to index
        %swap3A_40 = tpu.vector_load %arg7[%swap3A, %swap3A_39] {strides = array<i32>} : memref<128x128xf32, #tpu.memory_space<vmem>>, vector<1x16xf32>,
        %swap3A_41 = vector.shape_cast %swap3A_40 : vector<1x16xf32> to vector<16xf32>
        %swap3A_42 = vector.shape_cast %broadcast_in_dim3A_0 : vector<16xf32> to vector<1x16xf32>
        tpu.vector_store %arg7[%swap3A, %swap3A_39], %swap3A_42 {strides = array<i32>} : memref<128x128xf32, #tpu.memory_space<vmem>>, vector<1x16xf32>,
      }
      %scan3A_33 = arith.constant 8 : i32
    }
    %scan3A_4 = arith.constant 128 : i32
    %scan3A_5 = arith.constant 0 : i32
    %scan3A_6 = arith.constant 5 : i32
    %scan3A_7 = arith.addi %scan3A_5, %scan3A_6 : i32
    %scan3A_8 = arith.constant 1 : i32
    scf.for %scan3A_24 = %scan3A_5 to %scan3A_7 step %scan3A_8  : i32 {
      %mul3A_25 = arith.constant 128 : i32
      %mul3A_26 = arith.muli %scan3A_24, %mul3A_25 : i32
      %add3A_27 = arith.constant 0 : i32
      %add3A_28 = arith.addi %add3A_27, %mul3A_26 : i32
      %mul3A_29 = arith.constant 640 : i32
      %mul3A_30 = arith.muli %arg1, %mul3A_29 : i32
      %add3A_31 = arith.addi %mul3A_30, %add3A_28 : i32
      "tpu.region"() ({
        %run_scoped3A = tpu.sem_alloc : memref<!tpu.dma_semaphore, #tpu.memory_space<semaphore_mem>>
        %dma_start3A = arith.constant 0 : i32
        %dma_start3A_32 = tpu.memref_slice %arg9[%add3A_31, %dma_start3A] : memref<10240x128xf32, #tpu.memory_space<vmem_shared>> -> memref<128x128xf32, #tpu.memory_space<vmem_shared>>
        %dma_start3A_33 = arith.constant 0 : i32
        %dma_start3A_34 = tpu.memref_slice %arg9[%add3A_31, %dma_start3A_33] : memref<10240x128xf32, #tpu.memory_space<vmem_shared>> -> memref<128x128xf32, #tpu.memory_space<vmem_shared>>
        tpu.enqueue_dma source(%arg7 : memref<128x128xf32, #tpu.memory_space<vmem>>) target(%dma_start3A_34 : memref<128x128xf32, #tpu.memory_space<vmem_shared>>) target_semaphore(%run_scoped3A : memref<!tpu.dma_semaphore, #tpu.memory_space<semaphore_mem>>)
        %dma_wait3A = arith.constant 0 : i32
        %dma_wait3A_35 = tpu.memref_slice %arg9[%add3A_31, %dma_wait3A] : memref<10240x128xf32, #tpu.memory_space<vmem_shared>> -> memref<128x128xf32, #tpu.memory_space<vmem_shared>>
        %dma_wait3A_36 = arith.constant 0 : i32
        %dma_wait3A_37 = tpu.memref_slice %arg9[%add3A_31, %dma_wait3A_36] : memref<10240x128xf32, #tpu.memory_space<vmem_shared>> -> memref<128x128xf32, #tpu.memory_space<vmem_shared>>
        tpu.wait_dma2 semaphore(%run_scoped3A : memref<!tpu.dma_semaphore, #tpu.memory_space<semaphore_mem>>) src(%arg7 : memref<128x128xf32, #tpu.memory_space<vmem>>) dst(%dma_wait3A_37 : memref<128x128xf32, #tpu.memory_space<vmem_shared>>)
        tpu.yield
      }) : () -> ()
    }
    %scan3A_9 = arith.constant 5 : i32
    %barrier3A = arith.constant 0 : index
    tpu.barrier barrier_id(%barrier3A)
    %mul3A = arith.constant 16 : i32
    %mul3A_10 = arith.muli %arg0, %mul3A : i32
    %add3A = arith.addi %mul3A_10, %arg1 : i32
    %mul3A_11 = arith.constant 80 : i32
    %mul3A_12 = arith.muli %add3A, %mul3A_11 : i32
    %lt3A = arith.constant 31 : i32
    %lt3A_13 = arith.cmpi slt, %add3A, %lt3A : i32
    %convert_element_type3A = arith.extui %lt3A_13 : i1 to i32
    %cond3A = arith.constant 0 : i32
    %cond3A_14 = arith.cmpi ne, %convert_element_type3A, %cond3A : i32
    scf.if %cond3A_14 {
      %scan3A_24 = arith.constant 0 : i32
      %scan3A_25 = arith.constant 2 : i32
      %scan3A_26 = arith.addi %scan3A_24, %scan3A_25 : i32
      %scan3A_27 = arith.constant 1 : i32
      scf.for %scan3A_29 = %scan3A_24 to %scan3A_26 step %scan3A_27  : i32 {
        %mul3A_30 = arith.constant 40 : i32
        %mul3A_31 = arith.muli %scan3A_29, %mul3A_30 : i32
        %add3A_32 = arith.constant 0 : i32
        %add3A_33 = arith.addi %add3A_32, %mul3A_31 : i32
        %add3A_34 = arith.addi %mul3A_12, %add3A_33 : i32
        %run_scoped3A = arith.constant 0 : i32
        "tpu.region"() ({
          %run_scoped3A_47 = tpu.sem_alloc : memref<!tpu.dma_semaphore, #tpu.memory_space<semaphore_mem>>
          %dma_start3A_48 = arith.constant 0 : i32
          %dma_start3A_49 = arith.constant 0 : i32
          %dma_start3A_50 = tpu.memref_slice %arg5[%dma_start3A_48, %dma_start3A_49] : memref<40x128xi32, #tpu.memory_space<vmem>> -> memref<40x128xi32, #tpu.memory_space<vmem>>
          %dma_start3A_51 = arith.constant 0 : i32
          %dma_start3A_52 = tpu.memref_slice %arg3[%run_scoped3A, %add3A_34, %dma_start3A_51] : memref<2x2500x128xi32, #tpu.memory_space<hbm>> -> memref<1x40x128xi32, #tpu.memory_space<hbm>>
          %dma_start3A_53 = tpu.memref_squeeze %dma_start3A_52 : memref<1x40x128xi32, #tpu.memory_space<hbm>> -> memref<40x128xi32, #tpu.memory_space<hbm>>
          %dma_start3A_54 = arith.constant 0 : i32
          %dma_start3A_55 = arith.constant 0 : i32
          %dma_start3A_56 = tpu.memref_slice %arg5[%dma_start3A_54, %dma_start3A_55] : memref<40x128xi32, #tpu.memory_space<vmem>> -> memref<40x128xi32, #tpu.memory_space<vmem>>
          %dma_start3A_57 = arith.constant 0 : i32
          %dma_start3A_58 = tpu.memref_slice %arg3[%run_scoped3A, %add3A_34, %dma_start3A_57] : memref<2x2500x128xi32, #tpu.memory_space<hbm>> -> memref<1x40x128xi32, #tpu.memory_space<hbm>>
          %dma_start3A_59 = tpu.memref_squeeze %dma_start3A_58 : memref<1x40x128xi32, #tpu.memory_space<hbm>> -> memref<40x128xi32, #tpu.memory_space<hbm>>
          tpu.enqueue_dma source(%dma_start3A_59 : memref<40x128xi32, #tpu.memory_space<hbm>>) target(%dma_start3A_56 : memref<40x128xi32, #tpu.memory_space<vmem>>) target_semaphore(%run_scoped3A_47 : memref<!tpu.dma_semaphore, #tpu.memory_space<semaphore_mem>>)
          %dma_wait3A = arith.constant 0 : i32
          %dma_wait3A_60 = arith.constant 0 : i32
          %dma_wait3A_61 = tpu.memref_slice %arg5[%dma_wait3A, %dma_wait3A_60] : memref<40x128xi32, #tpu.memory_space<vmem>> -> memref<40x128xi32, #tpu.memory_space<vmem>>
          %dma_wait3A_62 = arith.constant 0 : i32
          %dma_wait3A_63 = tpu.memref_slice %arg3[%run_scoped3A, %add3A_34, %dma_wait3A_62] : memref<2x2500x128xi32, #tpu.memory_space<hbm>> -> memref<1x40x128xi32, #tpu.memory_space<hbm>>
          %dma_wait3A_64 = tpu.memref_squeeze %dma_wait3A_63 : memref<1x40x128xi32, #tpu.memory_space<hbm>> -> memref<40x128xi32, #tpu.memory_space<hbm>>
          %dma_wait3A_65 = arith.constant 0 : i32
          %dma_wait3A_66 = arith.constant 0 : i32
          %dma_wait3A_67 = tpu.memref_slice %arg5[%dma_wait3A_65, %dma_wait3A_66] : memref<40x128xi32, #tpu.memory_space<vmem>> -> memref<40x128xi32, #tpu.memory_space<vmem>>
          %dma_wait3A_68 = arith.constant 0 : i32
          %dma_wait3A_69 = tpu.memref_slice %arg3[%run_scoped3A, %add3A_34, %dma_wait3A_68] : memref<2x2500x128xi32, #tpu.memory_space<hbm>> -> memref<1x40x128xi32, #tpu.memory_space<hbm>>
          %dma_wait3A_70 = tpu.memref_squeeze %dma_wait3A_69 : memref<1x40x128xi32, #tpu.memory_space<hbm>> -> memref<40x128xi32, #tpu.memory_space<hbm>>
          tpu.wait_dma2 semaphore(%run_scoped3A_47 : memref<!tpu.dma_semaphore, #tpu.memory_space<semaphore_mem>>) src(%dma_wait3A_70 : memref<40x128xi32, #tpu.memory_space<hbm>>) dst(%dma_wait3A_67 : memref<40x128xi32, #tpu.memory_space<vmem>>)
          tpu.yield
        }) : () -> ()
        %run_scoped3A_35 = arith.constant 1 : i32
        "tpu.region"() ({
          %run_scoped3A_47 = tpu.sem_alloc : memref<!tpu.dma_semaphore, #tpu.memory_space<semaphore_mem>>
          %dma_start3A_48 = arith.constant 0 : i32
          %dma_start3A_49 = arith.constant 0 : i32
          %dma_start3A_50 = tpu.memref_slice %arg6[%dma_start3A_48, %dma_start3A_49] : memref<40x128xi32, #tpu.memory_space<vmem>> -> memref<40x128xi32, #tpu.memory_space<vmem>>
          %dma_start3A_51 = arith.constant 0 : i32
          %dma_start3A_52 = tpu.memref_slice %arg3[%run_scoped3A_35, %add3A_34, %dma_start3A_51] : memref<2x2500x128xi32, #tpu.memory_space<hbm>> -> memref<1x40x128xi32, #tpu.memory_space<hbm>>
          %dma_start3A_53 = tpu.memref_squeeze %dma_start3A_52 : memref<1x40x128xi32, #tpu.memory_space<hbm>> -> memref<40x128xi32, #tpu.memory_space<hbm>>
          %dma_start3A_54 = arith.constant 0 : i32
          %dma_start3A_55 = arith.constant 0 : i32
          %dma_start3A_56 = tpu.memref_slice %arg6[%dma_start3A_54, %dma_start3A_55] : memref<40x128xi32, #tpu.memory_space<vmem>> -> memref<40x128xi32, #tpu.memory_space<vmem>>
          %dma_start3A_57 = arith.constant 0 : i32
          %dma_start3A_58 = tpu.memref_slice %arg3[%run_scoped3A_35, %add3A_34, %dma_start3A_57] : memref<2x2500x128xi32, #tpu.memory_space<hbm>> -> memref<1x40x128xi32, #tpu.memory_space<hbm>>
          %dma_start3A_59 = tpu.memref_squeeze %dma_start3A_58 : memref<1x40x128xi32, #tpu.memory_space<hbm>> -> memref<40x128xi32, #tpu.memory_space<hbm>>
          tpu.enqueue_dma source(%dma_start3A_59 : memref<40x128xi32, #tpu.memory_space<hbm>>) target(%dma_start3A_56 : memref<40x128xi32, #tpu.memory_space<vmem>>) target_semaphore(%run_scoped3A_47 : memref<!tpu.dma_semaphore, #tpu.memory_space<semaphore_mem>>)
          %dma_wait3A = arith.constant 0 : i32
          %dma_wait3A_60 = arith.constant 0 : i32
          %dma_wait3A_61 = tpu.memref_slice %arg6[%dma_wait3A, %dma_wait3A_60] : memref<40x128xi32, #tpu.memory_space<vmem>> -> memref<40x128xi32, #tpu.memory_space<vmem>>
          %dma_wait3A_62 = arith.constant 0 : i32
          %dma_wait3A_63 = tpu.memref_slice %arg3[%run_scoped3A_35, %add3A_34, %dma_wait3A_62] : memref<2x2500x128xi32, #tpu.memory_space<hbm>> -> memref<1x40x128xi32, #tpu.memory_space<hbm>>
          %dma_wait3A_64 = tpu.memref_squeeze %dma_wait3A_63 : memref<1x40x128xi32, #tpu.memory_space<hbm>> -> memref<40x128xi32, #tpu.memory_space<hbm>>
          %dma_wait3A_65 = arith.constant 0 : i32
          %dma_wait3A_66 = arith.constant 0 : i32
          %dma_wait3A_67 = tpu.memref_slice %arg6[%dma_wait3A_65, %dma_wait3A_66] : memref<40x128xi32, #tpu.memory_space<vmem>> -> memref<40x128xi32, #tpu.memory_space<vmem>>
          %dma_wait3A_68 = arith.constant 0 : i32
          %dma_wait3A_69 = tpu.memref_slice %arg3[%run_scoped3A_35, %add3A_34, %dma_wait3A_68] : memref<2x2500x128xi32, #tpu.memory_space<hbm>> -> memref<1x40x128xi32, #tpu.memory_space<hbm>>
          %dma_wait3A_70 = tpu.memref_squeeze %dma_wait3A_69 : memref<1x40x128xi32, #tpu.memory_space<hbm>> -> memref<40x128xi32, #tpu.memory_space<hbm>>
          tpu.wait_dma2 semaphore(%run_scoped3A_47 : memref<!tpu.dma_semaphore, #tpu.memory_space<semaphore_mem>>) src(%dma_wait3A_70 : memref<40x128xi32, #tpu.memory_space<hbm>>) dst(%dma_wait3A_67 : memref<40x128xi32, #tpu.memory_space<vmem>>)
          tpu.yield
        }) : () -> ()
        %dma_start3A = arith.constant 0 : i32
        %dma_start3A_36 = arith.constant 0 : i32
        %dma_start3A_37 = tpu.memref_slice %arg5[%dma_start3A, %dma_start3A_36] : memref<40x128xi32, #tpu.memory_space<vmem>> -> memref<1x128xi32, #tpu.memory_space<vmem>>
        %dma_start3A_38 = tpu.memref_squeeze %dma_start3A_37 : memref<1x128xi32, #tpu.memory_space<vmem>> -> memref<128xi32, #tpu.memory_space<vmem>>
        %dma_start3A_39 = arith.constant 0 : i32
        %dma_start3A_40 = arith.constant 0 : i32
        %dma_start3A_41 = tpu.memref_slice %arg2[%dma_start3A_39, %dma_start3A_40] : memref<10000x128xf32, #tpu.memory_space<hbm>> -> memref<10000x128xf32, #tpu.memory_space<hbm>>
        tpu.enqueue_indirect_dma source(%dma_start3A_41 : memref<10000x128xf32, #tpu.memory_space<hbm>>) target(%arg7 : memref<128x128xf32, #tpu.memory_space<vmem>>) offsets(%dma_start3A_38 : memref<128xi32, #tpu.memory_space<vmem>>) semaphore(%arg10 : memref<!tpu.dma_semaphore, #tpu.memory_space<semaphore_mem>>)
        %scan3A_42 = arith.constant 0 : i32
        %scan3A_43 = arith.constant 20 : i32
        %scan3A_44 = arith.addi %scan3A_42, %scan3A_43 : i32
        %scan3A_45 = arith.constant 1 : i32
        scf.for %scan3A_47 = %scan3A_42 to %scan3A_44 step %scan3A_45  : i32 {
          %mul3A_48 = arith.constant 2 : i32
          %mul3A_49 = arith.muli %scan3A_47, %mul3A_48 : i32
          %add3A_50 = arith.constant 0 : i32
          %add3A_51 = arith.addi %add3A_50, %mul3A_49 : i32
          %add3A_52 = arith.constant 1 : i32
          %add3A_53 = arith.addi %add3A_51, %add3A_52 : i32
          %dma_start3A_54 = arith.constant 0 : i32
          %dma_start3A_55 = tpu.memref_slice %arg5[%add3A_53, %dma_start3A_54] : memref<40x128xi32, #tpu.memory_space<vmem>> -> memref<1x128xi32, #tpu.memory_space<vmem>>
          %dma_start3A_56 = tpu.memref_squeeze %dma_start3A_55 : memref<1x128xi32, #tpu.memory_space<vmem>> -> memref<128xi32, #tpu.memory_space<vmem>>
          %dma_start3A_57 = arith.constant 0 : i32
          %dma_start3A_58 = arith.constant 0 : i32
          %dma_start3A_59 = tpu.memref_slice %arg2[%dma_start3A_57, %dma_start3A_58] : memref<10000x128xf32, #tpu.memory_space<hbm>> -> memref<10000x128xf32, #tpu.memory_space<hbm>>
          tpu.enqueue_indirect_dma source(%dma_start3A_59 : memref<10000x128xf32, #tpu.memory_space<hbm>>) target(%arg8 : memref<128x128xf32, #tpu.memory_space<vmem>>) offsets(%dma_start3A_56 : memref<128xi32, #tpu.memory_space<vmem>>) semaphore(%arg11 : memref<!tpu.dma_semaphore, #tpu.memory_space<semaphore_mem>>)
          %dma_wait3A = arith.constant 0 : i32
          %dma_wait3A_60 = tpu.memref_slice %arg5[%add3A_51, %dma_wait3A] : memref<40x128xi32, #tpu.memory_space<vmem>> -> memref<1x128xi32, #tpu.memory_space<vmem>>
          %dma_wait3A_61 = tpu.memref_squeeze %dma_wait3A_60 : memref<1x128xi32, #tpu.memory_space<vmem>> -> memref<128xi32, #tpu.memory_space<vmem>>
          %dma_wait3A_62 = arith.constant 0 : i32
          %dma_wait3A_63 = arith.constant 0 : i32
          %dma_wait3A_64 = tpu.memref_slice %arg2[%dma_wait3A_62, %dma_wait3A_63] : memref<10000x128xf32, #tpu.memory_space<hbm>> -> memref<10000x128xf32, #tpu.memory_space<hbm>>
          tpu.wait_indirect_dma semaphore(%arg10 : memref<!tpu.dma_semaphore, #tpu.memory_space<semaphore_mem>>) src(%dma_wait3A_64 : memref<10000x128xf32, #tpu.memory_space<hbm>>) dst(%arg7 : memref<128x128xf32, #tpu.memory_space<vmem>>)
          "tpu.region"() ({
            %run_scoped3A_82 = tpu.sem_alloc : memref<!tpu.dma_semaphore, #tpu.memory_space<semaphore_mem>>
            %dma_start3A_83 = arith.constant 0 : i32
            %dma_start3A_84 = tpu.memref_slice %arg6[%add3A_51, %dma_start3A_83] : memref<40x128xi32, #tpu.memory_space<vmem>> -> memref<1x128xi32, #tpu.memory_space<vmem>>
            %dma_start3A_85 = tpu.memref_squeeze %dma_start3A_84 : memref<1x128xi32, #tpu.memory_space<vmem>> -> memref<128xi32, #tpu.memory_space<vmem>>
            %dma_start3A_86 = arith.constant 0 : i32
            %dma_start3A_87 = arith.constant 0 : i32
            %dma_start3A_88 = tpu.memref_slice %arg9[%dma_start3A_86, %dma_start3A_87] : memref<10240x128xf32, #tpu.memory_space<vmem_shared>> -> memref<10240x128xf32, #tpu.memory_space<vmem_shared>>
            tpu.enqueue_indirect_dma source(%arg7 : memref<128x128xf32, #tpu.memory_space<vmem>>) target(%dma_start3A_88 : memref<10240x128xf32, #tpu.memory_space<vmem_shared>>) offsets(%dma_start3A_85 : memref<128xi32, #tpu.memory_space<vmem>>) semaphore(%run_scoped3A_82 : memref<!tpu.dma_semaphore, #tpu.memory_space<semaphore_mem>>) {add = true}
            %dma_wait3A_89 = arith.constant 0 : i32
            %dma_wait3A_90 = tpu.memref_slice %arg6[%add3A_51, %dma_wait3A_89] : memref<40x128xi32, #tpu.memory_space<vmem>> -> memref<1x128xi32, #tpu.memory_space<vmem>>
            %dma_wait3A_91 = tpu.memref_squeeze %dma_wait3A_90 : memref<1x128xi32, #tpu.memory_space<vmem>> -> memref<128xi32, #tpu.memory_space<vmem>>
            %dma_wait3A_92 = arith.constant 0 : i32
            %dma_wait3A_93 = arith.constant 0 : i32
            %dma_wait3A_94 = tpu.memref_slice %arg9[%dma_wait3A_92, %dma_wait3A_93] : memref<10240x128xf32, #tpu.memory_space<vmem_shared>> -> memref<10240x128xf32, #tpu.memory_space<vmem_shared>>
            tpu.wait_indirect_dma semaphore(%run_scoped3A_82 : memref<!tpu.dma_semaphore, #tpu.memory_space<semaphore_mem>>) src(%arg7 : memref<128x128xf32, #tpu.memory_space<vmem>>) dst(%dma_wait3A_94 : memref<10240x128xf32, #tpu.memory_space<vmem_shared>>)
            tpu.yield
          }) : () -> ()
          %add3A_65 = arith.constant 2 : i32
          %add3A_66 = arith.addi %add3A_51, %add3A_65 : i32
          %lt3A_67 = arith.constant 40 : i32
          %lt3A_68 = arith.cmpi slt, %add3A_66, %lt3A_67 : i32
          %convert_element_type3A_69 = arith.extui %lt3A_68 : i1 to i32
          %cond3A_70 = arith.constant 0 : i32
          %cond3A_71 = arith.cmpi ne, %convert_element_type3A_69, %cond3A_70 : i32
          scf.if %cond3A_71 {
            %add3A_82 = arith.constant 2 : i32
            %add3A_83 = arith.addi %add3A_51, %add3A_82 : i32
            %dma_start3A_84 = arith.constant 0 : i32
            %dma_start3A_85 = tpu.memref_slice %arg5[%add3A_83, %dma_start3A_84] : memref<40x128xi32, #tpu.memory_space<vmem>> -> memref<1x128xi32, #tpu.memory_space<vmem>>
            %dma_start3A_86 = tpu.memref_squeeze %dma_start3A_85 : memref<1x128xi32, #tpu.memory_space<vmem>> -> memref<128xi32, #tpu.memory_space<vmem>>
            %dma_start3A_87 = arith.constant 0 : i32
            %dma_start3A_88 = arith.constant 0 : i32
            %dma_start3A_89 = tpu.memref_slice %arg2[%dma_start3A_87, %dma_start3A_88] : memref<10000x128xf32, #tpu.memory_space<hbm>> -> memref<10000x128xf32, #tpu.memory_space<hbm>>
            tpu.enqueue_indirect_dma source(%dma_start3A_89 : memref<10000x128xf32, #tpu.memory_space<hbm>>) target(%arg7 : memref<128x128xf32, #tpu.memory_space<vmem>>) offsets(%dma_start3A_86 : memref<128xi32, #tpu.memory_space<vmem>>) semaphore(%arg10 : memref<!tpu.dma_semaphore, #tpu.memory_space<semaphore_mem>>)
          } else {
          }
          %add3A_72 = arith.constant 1 : i32
          %add3A_73 = arith.addi %add3A_51, %add3A_72 : i32
          %dma_wait3A_74 = arith.constant 0 : i32
          %dma_wait3A_75 = tpu.memref_slice %arg5[%add3A_73, %dma_wait3A_74] : memref<40x128xi32, #tpu.memory_space<vmem>> -> memref<1x128xi32, #tpu.memory_space<vmem>>
          %dma_wait3A_76 = tpu.memref_squeeze %dma_wait3A_75 : memref<1x128xi32, #tpu.memory_space<vmem>> -> memref<128xi32, #tpu.memory_space<vmem>>
          %dma_wait3A_77 = arith.constant 0 : i32
          %dma_wait3A_78 = arith.constant 0 : i32
          %dma_wait3A_79 = tpu.memref_slice %arg2[%dma_wait3A_77, %dma_wait3A_78] : memref<10000x128xf32, #tpu.memory_space<hbm>> -> memref<10000x128xf32, #tpu.memory_space<hbm>>
          tpu.wait_indirect_dma semaphore(%arg11 : memref<!tpu.dma_semaphore, #tpu.memory_space<semaphore_mem>>) src(%dma_wait3A_79 : memref<10000x128xf32, #tpu.memory_space<hbm>>) dst(%arg8 : memref<128x128xf32, #tpu.memory_space<vmem>>)
          %add3A_80 = arith.constant 1 : i32
          %add3A_81 = arith.addi %add3A_51, %add3A_80 : i32
          "tpu.region"() ({
            %run_scoped3A_82 = tpu.sem_alloc : memref<!tpu.dma_semaphore, #tpu.memory_space<semaphore_mem>>
            %dma_start3A_83 = arith.constant 0 : i32
            %dma_start3A_84 = tpu.memref_slice %arg6[%add3A_81, %dma_start3A_83] : memref<40x128xi32, #tpu.memory_space<vmem>> -> memref<1x128xi32, #tpu.memory_space<vmem>>
            %dma_start3A_85 = tpu.memref_squeeze %dma_start3A_84 : memref<1x128xi32, #tpu.memory_space<vmem>> -> memref<128xi32, #tpu.memory_space<vmem>>
            %dma_start3A_86 = arith.constant 0 : i32
            %dma_start3A_87 = arith.constant 0 : i32
            %dma_start3A_88 = tpu.memref_slice %arg9[%dma_start3A_86, %dma_start3A_87] : memref<10240x128xf32, #tpu.memory_space<vmem_shared>> -> memref<10240x128xf32, #tpu.memory_space<vmem_shared>>
            tpu.enqueue_indirect_dma source(%arg8 : memref<128x128xf32, #tpu.memory_space<vmem>>) target(%dma_start3A_88 : memref<10240x128xf32, #tpu.memory_space<vmem_shared>>) offsets(%dma_start3A_85 : memref<128xi32, #tpu.memory_space<vmem>>) semaphore(%run_scoped3A_82 : memref<!tpu.dma_semaphore, #tpu.memory_space<semaphore_mem>>) {add = true}
            %dma_wait3A_89 = arith.constant 0 : i32
            %dma_wait3A_90 = tpu.memref_slice %arg6[%add3A_81, %dma_wait3A_89] : memref<40x128xi32, #tpu.memory_space<vmem>> -> memref<1x128xi32, #tpu.memory_space<vmem>>
            %dma_wait3A_91 = tpu.memref_squeeze %dma_wait3A_90 : memref<1x128xi32, #tpu.memory_space<vmem>> -> memref<128xi32, #tpu.memory_space<vmem>>
            %dma_wait3A_92 = arith.constant 0 : i32
            %dma_wait3A_93 = arith.constant 0 : i32
            %dma_wait3A_94 = tpu.memref_slice %arg9[%dma_wait3A_92, %dma_wait3A_93] : memref<10240x128xf32, #tpu.memory_space<vmem_shared>> -> memref<10240x128xf32, #tpu.memory_space<vmem_shared>>
            tpu.wait_indirect_dma semaphore(%run_scoped3A_82 : memref<!tpu.dma_semaphore, #tpu.memory_space<semaphore_mem>>) src(%arg8 : memref<128x128xf32, #tpu.memory_space<vmem>>) dst(%dma_wait3A_94 : memref<10240x128xf32, #tpu.memory_space<vmem_shared>>)
            tpu.yield
          }) : () -> ()
        }
        %scan3A_46 = arith.constant 20 : i32
      }
      %scan3A_28 = arith.constant 2 : i32
    } else {
    }
    %eq3A = arith.constant 31 : i32
    %eq3A_15 = arith.cmpi eq, %add3A, %eq3A : i32
    %convert_element_type3A_16 = arith.extui %eq3A_15 : i1 to i32
    %cond3A_17 = arith.constant 0 : i32
    %cond3A_18 = arith.cmpi ne, %convert_element_type3A_16, %cond3A_17 : i32
    scf.if %cond3A_18 {
      %run_scoped3A = arith.constant 0 : i32
      "tpu.region"() ({
        %run_scoped3A_52 = tpu.sem_alloc : memref<!tpu.dma_semaphore, #tpu.memory_space<semaphore_mem>>
        %dma_start3A_53 = arith.constant 0 : i32
        %dma_start3A_54 = arith.constant 0 : i32
        %dma_start3A_55 = tpu.memref_slice %arg5[%dma_start3A_53, %dma_start3A_54] : memref<40x128xi32, #tpu.memory_space<vmem>> -> memref<16x128xi32, #tpu.memory_space<vmem>>
        %dma_start3A_56 = arith.constant 0 : i32
        %dma_start3A_57 = tpu.memref_slice %arg3[%run_scoped3A, %mul3A_12, %dma_start3A_56] : memref<2x2500x128xi32, #tpu.memory_space<hbm>> -> memref<1x16x128xi32, #tpu.memory_space<hbm>>
        %dma_start3A_58 = tpu.memref_squeeze %dma_start3A_57 : memref<1x16x128xi32, #tpu.memory_space<hbm>> -> memref<16x128xi32, #tpu.memory_space<hbm>>
        %dma_start3A_59 = arith.constant 0 : i32
        %dma_start3A_60 = arith.constant 0 : i32
        %dma_start3A_61 = tpu.memref_slice %arg5[%dma_start3A_59, %dma_start3A_60] : memref<40x128xi32, #tpu.memory_space<vmem>> -> memref<16x128xi32, #tpu.memory_space<vmem>>
        %dma_start3A_62 = arith.constant 0 : i32
        %dma_start3A_63 = tpu.memref_slice %arg3[%run_scoped3A, %mul3A_12, %dma_start3A_62] : memref<2x2500x128xi32, #tpu.memory_space<hbm>> -> memref<1x16x128xi32, #tpu.memory_space<hbm>>
        %dma_start3A_64 = tpu.memref_squeeze %dma_start3A_63 : memref<1x16x128xi32, #tpu.memory_space<hbm>> -> memref<16x128xi32, #tpu.memory_space<hbm>>
        tpu.enqueue_dma source(%dma_start3A_64 : memref<16x128xi32, #tpu.memory_space<hbm>>) target(%dma_start3A_61 : memref<16x128xi32, #tpu.memory_space<vmem>>) target_semaphore(%run_scoped3A_52 : memref<!tpu.dma_semaphore, #tpu.memory_space<semaphore_mem>>)
        %dma_wait3A = arith.constant 0 : i32
        %dma_wait3A_65 = arith.constant 0 : i32
        %dma_wait3A_66 = tpu.memref_slice %arg5[%dma_wait3A, %dma_wait3A_65] : memref<40x128xi32, #tpu.memory_space<vmem>> -> memref<16x128xi32, #tpu.memory_space<vmem>>
        %dma_wait3A_67 = arith.constant 0 : i32
        %dma_wait3A_68 = tpu.memref_slice %arg3[%run_scoped3A, %mul3A_12, %dma_wait3A_67] : memref<2x2500x128xi32, #tpu.memory_space<hbm>> -> memref<1x16x128xi32, #tpu.memory_space<hbm>>
        %dma_wait3A_69 = tpu.memref_squeeze %dma_wait3A_68 : memref<1x16x128xi32, #tpu.memory_space<hbm>> -> memref<16x128xi32, #tpu.memory_space<hbm>>
        %dma_wait3A_70 = arith.constant 0 : i32
        %dma_wait3A_71 = arith.constant 0 : i32
        %dma_wait3A_72 = tpu.memref_slice %arg5[%dma_wait3A_70, %dma_wait3A_71] : memref<40x128xi32, #tpu.memory_space<vmem>> -> memref<16x128xi32, #tpu.memory_space<vmem>>
        %dma_wait3A_73 = arith.constant 0 : i32
        %dma_wait3A_74 = tpu.memref_slice %arg3[%run_scoped3A, %mul3A_12, %dma_wait3A_73] : memref<2x2500x128xi32, #tpu.memory_space<hbm>> -> memref<1x16x128xi32, #tpu.memory_space<hbm>>
        %dma_wait3A_75 = tpu.memref_squeeze %dma_wait3A_74 : memref<1x16x128xi32, #tpu.memory_space<hbm>> -> memref<16x128xi32, #tpu.memory_space<hbm>>
        tpu.wait_dma2 semaphore(%run_scoped3A_52 : memref<!tpu.dma_semaphore, #tpu.memory_space<semaphore_mem>>) src(%dma_wait3A_75 : memref<16x128xi32, #tpu.memory_space<hbm>>) dst(%dma_wait3A_72 : memref<16x128xi32, #tpu.memory_space<vmem>>)
        tpu.yield
      }) : () -> ()
      %run_scoped3A_24 = arith.constant 1 : i32
      "tpu.region"() ({
        %run_scoped3A_52 = tpu.sem_alloc : memref<!tpu.dma_semaphore, #tpu.memory_space<semaphore_mem>>
        %dma_start3A_53 = arith.constant 0 : i32
        %dma_start3A_54 = arith.constant 0 : i32
        %dma_start3A_55 = tpu.memref_slice %arg6[%dma_start3A_53, %dma_start3A_54] : memref<40x128xi32, #tpu.memory_space<vmem>> -> memref<16x128xi32, #tpu.memory_space<vmem>>
        %dma_start3A_56 = arith.constant 0 : i32
        %dma_start3A_57 = tpu.memref_slice %arg3[%run_scoped3A_24, %mul3A_12, %dma_start3A_56] : memref<2x2500x128xi32, #tpu.memory_space<hbm>> -> memref<1x16x128xi32, #tpu.memory_space<hbm>>
        %dma_start3A_58 = tpu.memref_squeeze %dma_start3A_57 : memref<1x16x128xi32, #tpu.memory_space<hbm>> -> memref<16x128xi32, #tpu.memory_space<hbm>>
        %dma_start3A_59 = arith.constant 0 : i32
        %dma_start3A_60 = arith.constant 0 : i32
        %dma_start3A_61 = tpu.memref_slice %arg6[%dma_start3A_59, %dma_start3A_60] : memref<40x128xi32, #tpu.memory_space<vmem>> -> memref<16x128xi32, #tpu.memory_space<vmem>>
        %dma_start3A_62 = arith.constant 0 : i32
        %dma_start3A_63 = tpu.memref_slice %arg3[%run_scoped3A_24, %mul3A_12, %dma_start3A_62] : memref<2x2500x128xi32, #tpu.memory_space<hbm>> -> memref<1x16x128xi32, #tpu.memory_space<hbm>>
        %dma_start3A_64 = tpu.memref_squeeze %dma_start3A_63 : memref<1x16x128xi32, #tpu.memory_space<hbm>> -> memref<16x128xi32, #tpu.memory_space<hbm>>
        tpu.enqueue_dma source(%dma_start3A_64 : memref<16x128xi32, #tpu.memory_space<hbm>>) target(%dma_start3A_61 : memref<16x128xi32, #tpu.memory_space<vmem>>) target_semaphore(%run_scoped3A_52 : memref<!tpu.dma_semaphore, #tpu.memory_space<semaphore_mem>>)
        %dma_wait3A = arith.constant 0 : i32
        %dma_wait3A_65 = arith.constant 0 : i32
        %dma_wait3A_66 = tpu.memref_slice %arg6[%dma_wait3A, %dma_wait3A_65] : memref<40x128xi32, #tpu.memory_space<vmem>> -> memref<16x128xi32, #tpu.memory_space<vmem>>
        %dma_wait3A_67 = arith.constant 0 : i32
        %dma_wait3A_68 = tpu.memref_slice %arg3[%run_scoped3A_24, %mul3A_12, %dma_wait3A_67] : memref<2x2500x128xi32, #tpu.memory_space<hbm>> -> memref<1x16x128xi32, #tpu.memory_space<hbm>>
        %dma_wait3A_69 = tpu.memref_squeeze %dma_wait3A_68 : memref<1x16x128xi32, #tpu.memory_space<hbm>> -> memref<16x128xi32, #tpu.memory_space<hbm>>
        %dma_wait3A_70 = arith.constant 0 : i32
        %dma_wait3A_71 = arith.constant 0 : i32
        %dma_wait3A_72 = tpu.memref_slice %arg6[%dma_wait3A_70, %dma_wait3A_71] : memref<40x128xi32, #tpu.memory_space<vmem>> -> memref<16x128xi32, #tpu.memory_space<vmem>>
        %dma_wait3A_73 = arith.constant 0 : i32
        %dma_wait3A_74 = tpu.memref_slice %arg3[%run_scoped3A_24, %mul3A_12, %dma_wait3A_73] : memref<2x2500x128xi32, #tpu.memory_space<hbm>> -> memref<1x16x128xi32, #tpu.memory_space<hbm>>
        %dma_wait3A_75 = tpu.memref_squeeze %dma_wait3A_74 : memref<1x16x128xi32, #tpu.memory_space<hbm>> -> memref<16x128xi32, #tpu.memory_space<hbm>>
        tpu.wait_dma2 semaphore(%run_scoped3A_52 : memref<!tpu.dma_semaphore, #tpu.memory_space<semaphore_mem>>) src(%dma_wait3A_75 : memref<16x128xi32, #tpu.memory_space<hbm>>) dst(%dma_wait3A_72 : memref<16x128xi32, #tpu.memory_space<vmem>>)
        tpu.yield
      }) : () -> ()
      %dma_start3A = arith.constant 0 : i32
      %dma_start3A_25 = arith.constant 0 : i32
      %dma_start3A_26 = tpu.memref_slice %arg5[%dma_start3A, %dma_start3A_25] : memref<40x128xi32, #tpu.memory_space<vmem>> -> memref<1x128xi32, #tpu.memory_space<vmem>>
      %dma_start3A_27 = tpu.memref_squeeze %dma_start3A_26 : memref<1x128xi32, #tpu.memory_space<vmem>> -> memref<128xi32, #tpu.memory_space<vmem>>
      %dma_start3A_28 = arith.constant 0 : i32
      %dma_start3A_29 = arith.constant 0 : i32
      %dma_start3A_30 = tpu.memref_slice %arg2[%dma_start3A_28, %dma_start3A_29] : memref<10000x128xf32, #tpu.memory_space<hbm>> -> memref<10000x128xf32, #tpu.memory_space<hbm>>
      tpu.enqueue_indirect_dma source(%dma_start3A_30 : memref<10000x128xf32, #tpu.memory_space<hbm>>) target(%arg7 : memref<128x128xf32, #tpu.memory_space<vmem>>) offsets(%dma_start3A_27 : memref<128xi32, #tpu.memory_space<vmem>>) semaphore(%arg10 : memref<!tpu.dma_semaphore, #tpu.memory_space<semaphore_mem>>)
      %scan3A_31 = arith.constant 0 : i32
      %scan3A_32 = arith.constant 8 : i32
      %scan3A_33 = arith.addi %scan3A_31, %scan3A_32 : i32
      %scan3A_34 = arith.constant 1 : i32
      scf.for %scan3A_52 = %scan3A_31 to %scan3A_33 step %scan3A_34  : i32 {
        %mul3A_53 = arith.constant 2 : i32
        %mul3A_54 = arith.muli %scan3A_52, %mul3A_53 : i32
        %add3A_55 = arith.constant 0 : i32
        %add3A_56 = arith.addi %add3A_55, %mul3A_54 : i32
        %add3A_57 = arith.constant 1 : i32
        %add3A_58 = arith.addi %add3A_56, %add3A_57 : i32
        %dma_start3A_59 = arith.constant 0 : i32
        %dma_start3A_60 = tpu.memref_slice %arg5[%add3A_58, %dma_start3A_59] : memref<40x128xi32, #tpu.memory_space<vmem>> -> memref<1x128xi32, #tpu.memory_space<vmem>>
        %dma_start3A_61 = tpu.memref_squeeze %dma_start3A_60 : memref<1x128xi32, #tpu.memory_space<vmem>> -> memref<128xi32, #tpu.memory_space<vmem>>
        %dma_start3A_62 = arith.constant 0 : i32
        %dma_start3A_63 = arith.constant 0 : i32
        %dma_start3A_64 = tpu.memref_slice %arg2[%dma_start3A_62, %dma_start3A_63] : memref<10000x128xf32, #tpu.memory_space<hbm>> -> memref<10000x128xf32, #tpu.memory_space<hbm>>
        tpu.enqueue_indirect_dma source(%dma_start3A_64 : memref<10000x128xf32, #tpu.memory_space<hbm>>) target(%arg8 : memref<128x128xf32, #tpu.memory_space<vmem>>) offsets(%dma_start3A_61 : memref<128xi32, #tpu.memory_space<vmem>>) semaphore(%arg11 : memref<!tpu.dma_semaphore, #tpu.memory_space<semaphore_mem>>)
        %dma_wait3A = arith.constant 0 : i32
        %dma_wait3A_65 = tpu.memref_slice %arg5[%add3A_56, %dma_wait3A] : memref<40x128xi32, #tpu.memory_space<vmem>> -> memref<1x128xi32, #tpu.memory_space<vmem>>
        %dma_wait3A_66 = tpu.memref_squeeze %dma_wait3A_65 : memref<1x128xi32, #tpu.memory_space<vmem>> -> memref<128xi32, #tpu.memory_space<vmem>>
        %dma_wait3A_67 = arith.constant 0 : i32
        %dma_wait3A_68 = arith.constant 0 : i32
        %dma_wait3A_69 = tpu.memref_slice %arg2[%dma_wait3A_67, %dma_wait3A_68] : memref<10000x128xf32, #tpu.memory_space<hbm>> -> memref<10000x128xf32, #tpu.memory_space<hbm>>
        tpu.wait_indirect_dma semaphore(%arg10 : memref<!tpu.dma_semaphore, #tpu.memory_space<semaphore_mem>>) src(%dma_wait3A_69 : memref<10000x128xf32, #tpu.memory_space<hbm>>) dst(%arg7 : memref<128x128xf32, #tpu.memory_space<vmem>>)
        "tpu.region"() ({
          %run_scoped3A_87 = tpu.sem_alloc : memref<!tpu.dma_semaphore, #tpu.memory_space<semaphore_mem>>
          %dma_start3A_88 = arith.constant 0 : i32
          %dma_start3A_89 = tpu.memref_slice %arg6[%add3A_56, %dma_start3A_88] : memref<40x128xi32, #tpu.memory_space<vmem>> -> memref<1x128xi32, #tpu.memory_space<vmem>>
          %dma_start3A_90 = tpu.memref_squeeze %dma_start3A_89 : memref<1x128xi32, #tpu.memory_space<vmem>> -> memref<128xi32, #tpu.memory_space<vmem>>
          %dma_start3A_91 = arith.constant 0 : i32
          %dma_start3A_92 = arith.constant 0 : i32
          %dma_start3A_93 = tpu.memref_slice %arg9[%dma_start3A_91, %dma_start3A_92] : memref<10240x128xf32, #tpu.memory_space<vmem_shared>> -> memref<10240x128xf32, #tpu.memory_space<vmem_shared>>
          tpu.enqueue_indirect_dma source(%arg7 : memref<128x128xf32, #tpu.memory_space<vmem>>) target(%dma_start3A_93 : memref<10240x128xf32, #tpu.memory_space<vmem_shared>>) offsets(%dma_start3A_90 : memref<128xi32, #tpu.memory_space<vmem>>) semaphore(%run_scoped3A_87 : memref<!tpu.dma_semaphore, #tpu.memory_space<semaphore_mem>>) {add = true}
          %dma_wait3A_94 = arith.constant 0 : i32
          %dma_wait3A_95 = tpu.memref_slice %arg6[%add3A_56, %dma_wait3A_94] : memref<40x128xi32, #tpu.memory_space<vmem>> -> memref<1x128xi32, #tpu.memory_space<vmem>>
          %dma_wait3A_96 = tpu.memref_squeeze %dma_wait3A_95 : memref<1x128xi32, #tpu.memory_space<vmem>> -> memref<128xi32, #tpu.memory_space<vmem>>
          %dma_wait3A_97 = arith.constant 0 : i32
          %dma_wait3A_98 = arith.constant 0 : i32
          %dma_wait3A_99 = tpu.memref_slice %arg9[%dma_wait3A_97, %dma_wait3A_98] : memref<10240x128xf32, #tpu.memory_space<vmem_shared>> -> memref<10240x128xf32, #tpu.memory_space<vmem_shared>>
          tpu.wait_indirect_dma semaphore(%run_scoped3A_87 : memref<!tpu.dma_semaphore, #tpu.memory_space<semaphore_mem>>) src(%arg7 : memref<128x128xf32, #tpu.memory_space<vmem>>) dst(%dma_wait3A_99 : memref<10240x128xf32, #tpu.memory_space<vmem_shared>>)
          tpu.yield
        }) : () -> ()
        %add3A_70 = arith.constant 2 : i32
        %add3A_71 = arith.addi %add3A_56, %add3A_70 : i32
        %lt3A_72 = arith.constant 16 : i32
        %lt3A_73 = arith.cmpi slt, %add3A_71, %lt3A_72 : i32
        %convert_element_type3A_74 = arith.extui %lt3A_73 : i1 to i32
        %cond3A_75 = arith.constant 0 : i32
        %cond3A_76 = arith.cmpi ne, %convert_element_type3A_74, %cond3A_75 : i32
        scf.if %cond3A_76 {
          %add3A_87 = arith.constant 2 : i32
          %add3A_88 = arith.addi %add3A_56, %add3A_87 : i32
          %dma_start3A_89 = arith.constant 0 : i32
          %dma_start3A_90 = tpu.memref_slice %arg5[%add3A_88, %dma_start3A_89] : memref<40x128xi32, #tpu.memory_space<vmem>> -> memref<1x128xi32, #tpu.memory_space<vmem>>
          %dma_start3A_91 = tpu.memref_squeeze %dma_start3A_90 : memref<1x128xi32, #tpu.memory_space<vmem>> -> memref<128xi32, #tpu.memory_space<vmem>>
          %dma_start3A_92 = arith.constant 0 : i32
          %dma_start3A_93 = arith.constant 0 : i32
          %dma_start3A_94 = tpu.memref_slice %arg2[%dma_start3A_92, %dma_start3A_93] : memref<10000x128xf32, #tpu.memory_space<hbm>> -> memref<10000x128xf32, #tpu.memory_space<hbm>>
          tpu.enqueue_indirect_dma source(%dma_start3A_94 : memref<10000x128xf32, #tpu.memory_space<hbm>>) target(%arg7 : memref<128x128xf32, #tpu.memory_space<vmem>>) offsets(%dma_start3A_91 : memref<128xi32, #tpu.memory_space<vmem>>) semaphore(%arg10 : memref<!tpu.dma_semaphore, #tpu.memory_space<semaphore_mem>>)
        } else {
        }
        %add3A_77 = arith.constant 1 : i32
        %add3A_78 = arith.addi %add3A_56, %add3A_77 : i32
        %dma_wait3A_79 = arith.constant 0 : i32
        %dma_wait3A_80 = tpu.memref_slice %arg5[%add3A_78, %dma_wait3A_79] : memref<40x128xi32, #tpu.memory_space<vmem>> -> memref<1x128xi32, #tpu.memory_space<vmem>>
        %dma_wait3A_81 = tpu.memref_squeeze %dma_wait3A_80 : memref<1x128xi32, #tpu.memory_space<vmem>> -> memref<128xi32, #tpu.memory_space<vmem>>
        %dma_wait3A_82 = arith.constant 0 : i32
        %dma_wait3A_83 = arith.constant 0 : i32
        %dma_wait3A_84 = tpu.memref_slice %arg2[%dma_wait3A_82, %dma_wait3A_83] : memref<10000x128xf32, #tpu.memory_space<hbm>> -> memref<10000x128xf32, #tpu.memory_space<hbm>>
        tpu.wait_indirect_dma semaphore(%arg11 : memref<!tpu.dma_semaphore, #tpu.memory_space<semaphore_mem>>) src(%dma_wait3A_84 : memref<10000x128xf32, #tpu.memory_space<hbm>>) dst(%arg8 : memref<128x128xf32, #tpu.memory_space<vmem>>)
        %add3A_85 = arith.constant 1 : i32
        %add3A_86 = arith.addi %add3A_56, %add3A_85 : i32
        "tpu.region"() ({
          %run_scoped3A_87 = tpu.sem_alloc : memref<!tpu.dma_semaphore, #tpu.memory_space<semaphore_mem>>
          %dma_start3A_88 = arith.constant 0 : i32
          %dma_start3A_89 = tpu.memref_slice %arg6[%add3A_86, %dma_start3A_88] : memref<40x128xi32, #tpu.memory_space<vmem>> -> memref<1x128xi32, #tpu.memory_space<vmem>>
          %dma_start3A_90 = tpu.memref_squeeze %dma_start3A_89 : memref<1x128xi32, #tpu.memory_space<vmem>> -> memref<128xi32, #tpu.memory_space<vmem>>
          %dma_start3A_91 = arith.constant 0 : i32
          %dma_start3A_92 = arith.constant 0 : i32
          %dma_start3A_93 = tpu.memref_slice %arg9[%dma_start3A_91, %dma_start3A_92] : memref<10240x128xf32, #tpu.memory_space<vmem_shared>> -> memref<10240x128xf32, #tpu.memory_space<vmem_shared>>
          tpu.enqueue_indirect_dma source(%arg8 : memref<128x128xf32, #tpu.memory_space<vmem>>) target(%dma_start3A_93 : memref<10240x128xf32, #tpu.memory_space<vmem_shared>>) offsets(%dma_start3A_90 : memref<128xi32, #tpu.memory_space<vmem>>) semaphore(%run_scoped3A_87 : memref<!tpu.dma_semaphore, #tpu.memory_space<semaphore_mem>>) {add = true}
          %dma_wait3A_94 = arith.constant 0 : i32
          %dma_wait3A_95 = tpu.memref_slice %arg6[%add3A_86, %dma_wait3A_94] : memref<40x128xi32, #tpu.memory_space<vmem>> -> memref<1x128xi32, #tpu.memory_space<vmem>>
          %dma_wait3A_96 = tpu.memref_squeeze %dma_wait3A_95 : memref<1x128xi32, #tpu.memory_space<vmem>> -> memref<128xi32, #tpu.memory_space<vmem>>
          %dma_wait3A_97 = arith.constant 0 : i32
          %dma_wait3A_98 = arith.constant 0 : i32
          %dma_wait3A_99 = tpu.memref_slice %arg9[%dma_wait3A_97, %dma_wait3A_98] : memref<10240x128xf32, #tpu.memory_space<vmem_shared>> -> memref<10240x128xf32, #tpu.memory_space<vmem_shared>>
          tpu.wait_indirect_dma semaphore(%run_scoped3A_87 : memref<!tpu.dma_semaphore, #tpu.memory_space<semaphore_mem>>) src(%arg8 : memref<128x128xf32, #tpu.memory_space<vmem>>) dst(%dma_wait3A_99 : memref<10240x128xf32, #tpu.memory_space<vmem_shared>>)
          tpu.yield
        }) : () -> ()
      }
      %scan3A_35 = arith.constant 8 : i32
      %add3A_36 = arith.constant 16 : i32
      %add3A_37 = arith.addi %mul3A_12, %add3A_36 : i32
      %run_scoped3A_38 = arith.constant 0 : i32
      "tpu.region"() ({
        %run_scoped3A_52 = tpu.sem_alloc : memref<!tpu.dma_semaphore, #tpu.memory_space<semaphore_mem>>
        %dma_start3A_53 = arith.constant 0 : i32
        %dma_start3A_54 = arith.constant 0 : i32
        %dma_start3A_55 = tpu.memref_slice %arg5[%dma_start3A_53, %dma_start3A_54] : memref<40x128xi32, #tpu.memory_space<vmem>> -> memref<4x128xi32, #tpu.memory_space<vmem>>
        %dma_start3A_56 = arith.constant 0 : i32
        %dma_start3A_57 = tpu.memref_slice %arg3[%run_scoped3A_38, %add3A_37, %dma_start3A_56] : memref<2x2500x128xi32, #tpu.memory_space<hbm>> -> memref<1x4x128xi32, #tpu.memory_space<hbm>>
        %dma_start3A_58 = tpu.memref_squeeze %dma_start3A_57 : memref<1x4x128xi32, #tpu.memory_space<hbm>> -> memref<4x128xi32, #tpu.memory_space<hbm>>
        %dma_start3A_59 = arith.constant 0 : i32
        %dma_start3A_60 = arith.constant 0 : i32
        %dma_start3A_61 = tpu.memref_slice %arg5[%dma_start3A_59, %dma_start3A_60] : memref<40x128xi32, #tpu.memory_space<vmem>> -> memref<4x128xi32, #tpu.memory_space<vmem>>
        %dma_start3A_62 = arith.constant 0 : i32
        %dma_start3A_63 = tpu.memref_slice %arg3[%run_scoped3A_38, %add3A_37, %dma_start3A_62] : memref<2x2500x128xi32, #tpu.memory_space<hbm>> -> memref<1x4x128xi32, #tpu.memory_space<hbm>>
        %dma_start3A_64 = tpu.memref_squeeze %dma_start3A_63 : memref<1x4x128xi32, #tpu.memory_space<hbm>> -> memref<4x128xi32, #tpu.memory_space<hbm>>
        tpu.enqueue_dma source(%dma_start3A_64 : memref<4x128xi32, #tpu.memory_space<hbm>>) target(%dma_start3A_61 : memref<4x128xi32, #tpu.memory_space<vmem>>) target_semaphore(%run_scoped3A_52 : memref<!tpu.dma_semaphore, #tpu.memory_space<semaphore_mem>>)
        %dma_wait3A = arith.constant 0 : i32
        %dma_wait3A_65 = arith.constant 0 : i32
        %dma_wait3A_66 = tpu.memref_slice %arg5[%dma_wait3A, %dma_wait3A_65] : memref<40x128xi32, #tpu.memory_space<vmem>> -> memref<4x128xi32, #tpu.memory_space<vmem>>
        %dma_wait3A_67 = arith.constant 0 : i32
        %dma_wait3A_68 = tpu.memref_slice %arg3[%run_scoped3A_38, %add3A_37, %dma_wait3A_67] : memref<2x2500x128xi32, #tpu.memory_space<hbm>> -> memref<1x4x128xi32, #tpu.memory_space<hbm>>
        %dma_wait3A_69 = tpu.memref_squeeze %dma_wait3A_68 : memref<1x4x128xi32, #tpu.memory_space<hbm>> -> memref<4x128xi32, #tpu.memory_space<hbm>>
        %dma_wait3A_70 = arith.constant 0 : i32
        %dma_wait3A_71 = arith.constant 0 : i32
        %dma_wait3A_72 = tpu.memref_slice %arg5[%dma_wait3A_70, %dma_wait3A_71] : memref<40x128xi32, #tpu.memory_space<vmem>> -> memref<4x128xi32, #tpu.memory_space<vmem>>
        %dma_wait3A_73 = arith.constant 0 : i32
        %dma_wait3A_74 = tpu.memref_slice %arg3[%run_scoped3A_38, %add3A_37, %dma_wait3A_73] : memref<2x2500x128xi32, #tpu.memory_space<hbm>> -> memref<1x4x128xi32, #tpu.memory_space<hbm>>
        %dma_wait3A_75 = tpu.memref_squeeze %dma_wait3A_74 : memref<1x4x128xi32, #tpu.memory_space<hbm>> -> memref<4x128xi32, #tpu.memory_space<hbm>>
        tpu.wait_dma2 semaphore(%run_scoped3A_52 : memref<!tpu.dma_semaphore, #tpu.memory_space<semaphore_mem>>) src(%dma_wait3A_75 : memref<4x128xi32, #tpu.memory_space<hbm>>) dst(%dma_wait3A_72 : memref<4x128xi32, #tpu.memory_space<vmem>>)
        tpu.yield
      }) : () -> ()
      %run_scoped3A_39 = arith.constant 1 : i32
      "tpu.region"() ({
        %run_scoped3A_52 = tpu.sem_alloc : memref<!tpu.dma_semaphore, #tpu.memory_space<semaphore_mem>>
        %dma_start3A_53 = arith.constant 0 : i32
        %dma_start3A_54 = arith.constant 0 : i32
        %dma_start3A_55 = tpu.memref_slice %arg6[%dma_start3A_53, %dma_start3A_54] : memref<40x128xi32, #tpu.memory_space<vmem>> -> memref<4x128xi32, #tpu.memory_space<vmem>>
        %dma_start3A_56 = arith.constant 0 : i32
        %dma_start3A_57 = tpu.memref_slice %arg3[%run_scoped3A_39, %add3A_37, %dma_start3A_56] : memref<2x2500x128xi32, #tpu.memory_space<hbm>> -> memref<1x4x128xi32, #tpu.memory_space<hbm>>
        %dma_start3A_58 = tpu.memref_squeeze %dma_start3A_57 : memref<1x4x128xi32, #tpu.memory_space<hbm>> -> memref<4x128xi32, #tpu.memory_space<hbm>>
        %dma_start3A_59 = arith.constant 0 : i32
        %dma_start3A_60 = arith.constant 0 : i32
        %dma_start3A_61 = tpu.memref_slice %arg6[%dma_start3A_59, %dma_start3A_60] : memref<40x128xi32, #tpu.memory_space<vmem>> -> memref<4x128xi32, #tpu.memory_space<vmem>>
        %dma_start3A_62 = arith.constant 0 : i32
        %dma_start3A_63 = tpu.memref_slice %arg3[%run_scoped3A_39, %add3A_37, %dma_start3A_62] : memref<2x2500x128xi32, #tpu.memory_space<hbm>> -> memref<1x4x128xi32, #tpu.memory_space<hbm>>
        %dma_start3A_64 = tpu.memref_squeeze %dma_start3A_63 : memref<1x4x128xi32, #tpu.memory_space<hbm>> -> memref<4x128xi32, #tpu.memory_space<hbm>>
        tpu.enqueue_dma source(%dma_start3A_64 : memref<4x128xi32, #tpu.memory_space<hbm>>) target(%dma_start3A_61 : memref<4x128xi32, #tpu.memory_space<vmem>>) target_semaphore(%run_scoped3A_52 : memref<!tpu.dma_semaphore, #tpu.memory_space<semaphore_mem>>)
        %dma_wait3A = arith.constant 0 : i32
        %dma_wait3A_65 = arith.constant 0 : i32
        %dma_wait3A_66 = tpu.memref_slice %arg6[%dma_wait3A, %dma_wait3A_65] : memref<40x128xi32, #tpu.memory_space<vmem>> -> memref<4x128xi32, #tpu.memory_space<vmem>>
        %dma_wait3A_67 = arith.constant 0 : i32
        %dma_wait3A_68 = tpu.memref_slice %arg3[%run_scoped3A_39, %add3A_37, %dma_wait3A_67] : memref<2x2500x128xi32, #tpu.memory_space<hbm>> -> memref<1x4x128xi32, #tpu.memory_space<hbm>>
        %dma_wait3A_69 = tpu.memref_squeeze %dma_wait3A_68 : memref<1x4x128xi32, #tpu.memory_space<hbm>> -> memref<4x128xi32, #tpu.memory_space<hbm>>
        %dma_wait3A_70 = arith.constant 0 : i32
        %dma_wait3A_71 = arith.constant 0 : i32
        %dma_wait3A_72 = tpu.memref_slice %arg6[%dma_wait3A_70, %dma_wait3A_71] : memref<40x128xi32, #tpu.memory_space<vmem>> -> memref<4x128xi32, #tpu.memory_space<vmem>>
        %dma_wait3A_73 = arith.constant 0 : i32
        %dma_wait3A_74 = tpu.memref_slice %arg3[%run_scoped3A_39, %add3A_37, %dma_wait3A_73] : memref<2x2500x128xi32, #tpu.memory_space<hbm>> -> memref<1x4x128xi32, #tpu.memory_space<hbm>>
        %dma_wait3A_75 = tpu.memref_squeeze %dma_wait3A_74 : memref<1x4x128xi32, #tpu.memory_space<hbm>> -> memref<4x128xi32, #tpu.memory_space<hbm>>
        tpu.wait_dma2 semaphore(%run_scoped3A_52 : memref<!tpu.dma_semaphore, #tpu.memory_space<semaphore_mem>>) src(%dma_wait3A_75 : memref<4x128xi32, #tpu.memory_space<hbm>>) dst(%dma_wait3A_72 : memref<4x128xi32, #tpu.memory_space<vmem>>)
        tpu.yield
      }) : () -> ()
      %dma_start3A_40 = arith.constant 0 : i32
      %dma_start3A_41 = arith.constant 0 : i32
      %dma_start3A_42 = tpu.memref_slice %arg5[%dma_start3A_40, %dma_start3A_41] : memref<40x128xi32, #tpu.memory_space<vmem>> -> memref<1x128xi32, #tpu.memory_space<vmem>>
      %dma_start3A_43 = tpu.memref_squeeze %dma_start3A_42 : memref<1x128xi32, #tpu.memory_space<vmem>> -> memref<128xi32, #tpu.memory_space<vmem>>
      %dma_start3A_44 = arith.constant 0 : i32
      %dma_start3A_45 = arith.constant 0 : i32
      %dma_start3A_46 = tpu.memref_slice %arg2[%dma_start3A_44, %dma_start3A_45] : memref<10000x128xf32, #tpu.memory_space<hbm>> -> memref<10000x128xf32, #tpu.memory_space<hbm>>
      tpu.enqueue_indirect_dma source(%dma_start3A_46 : memref<10000x128xf32, #tpu.memory_space<hbm>>) target(%arg7 : memref<128x128xf32, #tpu.memory_space<vmem>>) offsets(%dma_start3A_43 : memref<128xi32, #tpu.memory_space<vmem>>) semaphore(%arg10 : memref<!tpu.dma_semaphore, #tpu.memory_space<semaphore_mem>>)
      %scan3A_47 = arith.constant 0 : i32
      %scan3A_48 = arith.constant 2 : i32
      %scan3A_49 = arith.addi %scan3A_47, %scan3A_48 : i32
      %scan3A_50 = arith.constant 1 : i32
      scf.for %scan3A_52 = %scan3A_47 to %scan3A_49 step %scan3A_50  : i32 {
        %mul3A_53 = arith.constant 2 : i32
        %mul3A_54 = arith.muli %scan3A_52, %mul3A_53 : i32
        %add3A_55 = arith.constant 0 : i32
        %add3A_56 = arith.addi %add3A_55, %mul3A_54 : i32
        %add3A_57 = arith.constant 1 : i32
        %add3A_58 = arith.addi %add3A_56, %add3A_57 : i32
        %dma_start3A_59 = arith.constant 0 : i32
        %dma_start3A_60 = tpu.memref_slice %arg5[%add3A_58, %dma_start3A_59] : memref<40x128xi32, #tpu.memory_space<vmem>> -> memref<1x128xi32, #tpu.memory_space<vmem>>
        %dma_start3A_61 = tpu.memref_squeeze %dma_start3A_60 : memref<1x128xi32, #tpu.memory_space<vmem>> -> memref<128xi32, #tpu.memory_space<vmem>>
        %dma_start3A_62 = arith.constant 0 : i32
        %dma_start3A_63 = arith.constant 0 : i32
        %dma_start3A_64 = tpu.memref_slice %arg2[%dma_start3A_62, %dma_start3A_63] : memref<10000x128xf32, #tpu.memory_space<hbm>> -> memref<10000x128xf32, #tpu.memory_space<hbm>>
        tpu.enqueue_indirect_dma source(%dma_start3A_64 : memref<10000x128xf32, #tpu.memory_space<hbm>>) target(%arg8 : memref<128x128xf32, #tpu.memory_space<vmem>>) offsets(%dma_start3A_61 : memref<128xi32, #tpu.memory_space<vmem>>) semaphore(%arg11 : memref<!tpu.dma_semaphore, #tpu.memory_space<semaphore_mem>>)
        %dma_wait3A = arith.constant 0 : i32
        %dma_wait3A_65 = tpu.memref_slice %arg5[%add3A_56, %dma_wait3A] : memref<40x128xi32, #tpu.memory_space<vmem>> -> memref<1x128xi32, #tpu.memory_space<vmem>>
        %dma_wait3A_66 = tpu.memref_squeeze %dma_wait3A_65 : memref<1x128xi32, #tpu.memory_space<vmem>> -> memref<128xi32, #tpu.memory_space<vmem>>
        %dma_wait3A_67 = arith.constant 0 : i32
        %dma_wait3A_68 = arith.constant 0 : i32
        %dma_wait3A_69 = tpu.memref_slice %arg2[%dma_wait3A_67, %dma_wait3A_68] : memref<10000x128xf32, #tpu.memory_space<hbm>> -> memref<10000x128xf32, #tpu.memory_space<hbm>>
        tpu.wait_indirect_dma semaphore(%arg10 : memref<!tpu.dma_semaphore, #tpu.memory_space<semaphore_mem>>) src(%dma_wait3A_69 : memref<10000x128xf32, #tpu.memory_space<hbm>>) dst(%arg7 : memref<128x128xf32, #tpu.memory_space<vmem>>)
        "tpu.region"() ({
          %run_scoped3A_87 = tpu.sem_alloc : memref<!tpu.dma_semaphore, #tpu.memory_space<semaphore_mem>>
          %dma_start3A_88 = arith.constant 0 : i32
          %dma_start3A_89 = tpu.memref_slice %arg6[%add3A_56, %dma_start3A_88] : memref<40x128xi32, #tpu.memory_space<vmem>> -> memref<1x128xi32, #tpu.memory_space<vmem>>
          %dma_start3A_90 = tpu.memref_squeeze %dma_start3A_89 : memref<1x128xi32, #tpu.memory_space<vmem>> -> memref<128xi32, #tpu.memory_space<vmem>>
          %dma_start3A_91 = arith.constant 0 : i32
          %dma_start3A_92 = arith.constant 0 : i32
          %dma_start3A_93 = tpu.memref_slice %arg9[%dma_start3A_91, %dma_start3A_92] : memref<10240x128xf32, #tpu.memory_space<vmem_shared>> -> memref<10240x128xf32, #tpu.memory_space<vmem_shared>>
          tpu.enqueue_indirect_dma source(%arg7 : memref<128x128xf32, #tpu.memory_space<vmem>>) target(%dma_start3A_93 : memref<10240x128xf32, #tpu.memory_space<vmem_shared>>) offsets(%dma_start3A_90 : memref<128xi32, #tpu.memory_space<vmem>>) semaphore(%run_scoped3A_87 : memref<!tpu.dma_semaphore, #tpu.memory_space<semaphore_mem>>) {add = true}
          %dma_wait3A_94 = arith.constant 0 : i32
          %dma_wait3A_95 = tpu.memref_slice %arg6[%add3A_56, %dma_wait3A_94] : memref<40x128xi32, #tpu.memory_space<vmem>> -> memref<1x128xi32, #tpu.memory_space<vmem>>
          %dma_wait3A_96 = tpu.memref_squeeze %dma_wait3A_95 : memref<1x128xi32, #tpu.memory_space<vmem>> -> memref<128xi32, #tpu.memory_space<vmem>>
          %dma_wait3A_97 = arith.constant 0 : i32
          %dma_wait3A_98 = arith.constant 0 : i32
          %dma_wait3A_99 = tpu.memref_slice %arg9[%dma_wait3A_97, %dma_wait3A_98] : memref<10240x128xf32, #tpu.memory_space<vmem_shared>> -> memref<10240x128xf32, #tpu.memory_space<vmem_shared>>
          tpu.wait_indirect_dma semaphore(%run_scoped3A_87 : memref<!tpu.dma_semaphore, #tpu.memory_space<semaphore_mem>>) src(%arg7 : memref<128x128xf32, #tpu.memory_space<vmem>>) dst(%dma_wait3A_99 : memref<10240x128xf32, #tpu.memory_space<vmem_shared>>)
          tpu.yield
        }) : () -> ()
        %add3A_70 = arith.constant 2 : i32
        %add3A_71 = arith.addi %add3A_56, %add3A_70 : i32
        %lt3A_72 = arith.constant 4 : i32
        %lt3A_73 = arith.cmpi slt, %add3A_71, %lt3A_72 : i32
        %convert_element_type3A_74 = arith.extui %lt3A_73 : i1 to i32
        %cond3A_75 = arith.constant 0 : i32
        %cond3A_76 = arith.cmpi ne, %convert_element_type3A_74, %cond3A_75 : i32
        scf.if %cond3A_76 {
          %add3A_87 = arith.constant 2 : i32
          %add3A_88 = arith.addi %add3A_56, %add3A_87 : i32
          %dma_start3A_89 = arith.constant 0 : i32
          %dma_start3A_90 = tpu.memref_slice %arg5[%add3A_88, %dma_start3A_89] : memref<40x128xi32, #tpu.memory_space<vmem>> -> memref<1x128xi32, #tpu.memory_space<vmem>>
          %dma_start3A_91 = tpu.memref_squeeze %dma_start3A_90 : memref<1x128xi32, #tpu.memory_space<vmem>> -> memref<128xi32, #tpu.memory_space<vmem>>
          %dma_start3A_92 = arith.constant 0 : i32
          %dma_start3A_93 = arith.constant 0 : i32
          %dma_start3A_94 = tpu.memref_slice %arg2[%dma_start3A_92, %dma_start3A_93] : memref<10000x128xf32, #tpu.memory_space<hbm>> -> memref<10000x128xf32, #tpu.memory_space<hbm>>
          tpu.enqueue_indirect_dma source(%dma_start3A_94 : memref<10000x128xf32, #tpu.memory_space<hbm>>) target(%arg7 : memref<128x128xf32, #tpu.memory_space<vmem>>) offsets(%dma_start3A_91 : memref<128xi32, #tpu.memory_space<vmem>>) semaphore(%arg10 : memref<!tpu.dma_semaphore, #tpu.memory_space<semaphore_mem>>)
        } else {
        }
        %add3A_77 = arith.constant 1 : i32
        %add3A_78 = arith.addi %add3A_56, %add3A_77 : i32
        %dma_wait3A_79 = arith.constant 0 : i32
        %dma_wait3A_80 = tpu.memref_slice %arg5[%add3A_78, %dma_wait3A_79] : memref<40x128xi32, #tpu.memory_space<vmem>> -> memref<1x128xi32, #tpu.memory_space<vmem>>
        %dma_wait3A_81 = tpu.memref_squeeze %dma_wait3A_80 : memref<1x128xi32, #tpu.memory_space<vmem>> -> memref<128xi32, #tpu.memory_space<vmem>>
        %dma_wait3A_82 = arith.constant 0 : i32
        %dma_wait3A_83 = arith.constant 0 : i32
        %dma_wait3A_84 = tpu.memref_slice %arg2[%dma_wait3A_82, %dma_wait3A_83] : memref<10000x128xf32, #tpu.memory_space<hbm>> -> memref<10000x128xf32, #tpu.memory_space<hbm>>
        tpu.wait_indirect_dma semaphore(%arg11 : memref<!tpu.dma_semaphore, #tpu.memory_space<semaphore_mem>>) src(%dma_wait3A_84 : memref<10000x128xf32, #tpu.memory_space<hbm>>) dst(%arg8 : memref<128x128xf32, #tpu.memory_space<vmem>>)
        %add3A_85 = arith.constant 1 : i32
        %add3A_86 = arith.addi %add3A_56, %add3A_85 : i32
        "tpu.region"() ({
          %run_scoped3A_87 = tpu.sem_alloc : memref<!tpu.dma_semaphore, #tpu.memory_space<semaphore_mem>>
          %dma_start3A_88 = arith.constant 0 : i32
          %dma_start3A_89 = tpu.memref_slice %arg6[%add3A_86, %dma_start3A_88] : memref<40x128xi32, #tpu.memory_space<vmem>> -> memref<1x128xi32, #tpu.memory_space<vmem>>
          %dma_start3A_90 = tpu.memref_squeeze %dma_start3A_89 : memref<1x128xi32, #tpu.memory_space<vmem>> -> memref<128xi32, #tpu.memory_space<vmem>>
          %dma_start3A_91 = arith.constant 0 : i32
          %dma_start3A_92 = arith.constant 0 : i32
          %dma_start3A_93 = tpu.memref_slice %arg9[%dma_start3A_91, %dma_start3A_92] : memref<10240x128xf32, #tpu.memory_space<vmem_shared>> -> memref<10240x128xf32, #tpu.memory_space<vmem_shared>>
          tpu.enqueue_indirect_dma source(%arg8 : memref<128x128xf32, #tpu.memory_space<vmem>>) target(%dma_start3A_93 : memref<10240x128xf32, #tpu.memory_space<vmem_shared>>) offsets(%dma_start3A_90 : memref<128xi32, #tpu.memory_space<vmem>>) semaphore(%run_scoped3A_87 : memref<!tpu.dma_semaphore, #tpu.memory_space<semaphore_mem>>) {add = true}
          %dma_wait3A_94 = arith.constant 0 : i32
          %dma_wait3A_95 = tpu.memref_slice %arg6[%add3A_86, %dma_wait3A_94] : memref<40x128xi32, #tpu.memory_space<vmem>> -> memref<1x128xi32, #tpu.memory_space<vmem>>
          %dma_wait3A_96 = tpu.memref_squeeze %dma_wait3A_95 : memref<1x128xi32, #tpu.memory_space<vmem>> -> memref<128xi32, #tpu.memory_space<vmem>>
          %dma_wait3A_97 = arith.constant 0 : i32
          %dma_wait3A_98 = arith.constant 0 : i32
          %dma_wait3A_99 = tpu.memref_slice %arg9[%dma_wait3A_97, %dma_wait3A_98] : memref<10240x128xf32, #tpu.memory_space<vmem_shared>> -> memref<10240x128xf32, #tpu.memory_space<vmem_shared>>
          tpu.wait_indirect_dma semaphore(%run_scoped3A_87 : memref<!tpu.dma_semaphore, #tpu.memory_space<semaphore_mem>>) src(%arg8 : memref<128x128xf32, #tpu.memory_space<vmem>>) dst(%dma_wait3A_99 : memref<10240x128xf32, #tpu.memory_space<vmem_shared>>)
          tpu.yield
        }) : () -> ()
      }
      %scan3A_51 = arith.constant 2 : i32
    } else {
    }
    %barrier3A_19 = arith.constant 0 : index
    tpu.barrier barrier_id(%barrier3A_19)
    %mul3A_20 = arith.constant 640 : i32
    %mul3A_21 = arith.muli %arg1, %mul3A_20 : i32
    %mul3A_22 = arith.constant 640 : i32
    %mul3A_23 = arith.muli %arg1, %mul3A_22 : i32
    "tpu.region"() ({
      %run_scoped3A = tpu.sem_alloc : memref<!tpu.dma_semaphore, #tpu.memory_space<semaphore_mem>>
      %dma_start3A = arith.constant 0 : i32
      %dma_start3A_24 = tpu.memref_slice %arg4[%arg0, %mul3A_23, %dma_start3A] : memref<2x10240x128xf32, #tpu.memory_space<hbm>> -> memref<1x640x128xf32, #tpu.memory_space<hbm>>
      %dma_start3A_25 = tpu.memref_squeeze %dma_start3A_24 : memref<1x640x128xf32, #tpu.memory_space<hbm>> -> memref<640x128xf32, #tpu.memory_space<hbm>>
      %dma_start3A_26 = arith.constant 0 : i32
      %dma_start3A_27 = tpu.memref_slice %arg9[%mul3A_21, %dma_start3A_26] : memref<10240x128xf32, #tpu.memory_space<vmem_shared>> -> memref<640x128xf32, #tpu.memory_space<vmem_shared>>
      tpu.enqueue_dma source(%dma_start3A_27 : memref<640x128xf32, #tpu.memory_space<vmem_shared>>) target(%dma_start3A_25 : memref<640x128xf32, #tpu.memory_space<hbm>>) target_semaphore(%run_scoped3A : memref<!tpu.dma_semaphore, #tpu.memory_space<semaphore_mem>>)
      %dma_wait3A = arith.constant 0 : i32
      %dma_wait3A_28 = tpu.memref_slice %arg4[%arg0, %mul3A_23, %dma_wait3A] : memref<2x10240x128xf32, #tpu.memory_space<hbm>> -> memref<1x640x128xf32, #tpu.memory_space<hbm>>
      %dma_wait3A_29 = tpu.memref_squeeze %dma_wait3A_28 : memref<1x640x128xf32, #tpu.memory_space<hbm>> -> memref<640x128xf32, #tpu.memory_space<hbm>>
      %dma_wait3A_30 = arith.constant 0 : i32
      %dma_wait3A_31 = tpu.memref_slice %arg9[%mul3A_21, %dma_wait3A_30] : memref<10240x128xf32, #tpu.memory_space<vmem_shared>> -> memref<640x128xf32, #tpu.memory_space<vmem_shared>>
      tpu.wait_dma2 semaphore(%run_scoped3A : memref<!tpu.dma_semaphore, #tpu.memory_space<semaphore_mem>>) src(%dma_wait3A_31 : memref<640x128xf32, #tpu.memory_space<vmem_shared>>) dst(%dma_wait3A_29 : memref<640x128xf32, #tpu.memory_space<hbm>>)
      tpu.yield
    }) : () -> ()
    return
  }
}

#map = affine_map<(d0, d1) -> (0, 0)>
#map1 = affine_map<(d0, d1) -> (0, 0, 0)>
module attributes {stable_mosaic.version = 14 : i64} {
  func.func @k(%arg0: i32, %arg1: i32, %arg2: memref<10000x128xf32, #tpu.memory_space<hbm>>, %arg3: memref<2x2500x128xi32, #tpu.memory_space<hbm>>, %arg4: memref<2x10240x128xf32, #tpu.memory_space<hbm>>, %arg5: memref<40x128xi32, #tpu.memory_space<vmem>>, %arg6: memref<40x128xi32, #tpu.memory_space<vmem>>, %arg7: memref<128x128xf32, #tpu.memory_space<vmem>>, %arg8: memref<128x128xf32, #tpu.memory_space<vmem>>, %arg9: memref<10240x128xf32, #tpu.memory_space<vmem_shared>>, %arg10: memref<!tpu.dma_semaphore, #tpu.memory_space<semaphore_mem>>, %arg11: memref<!tpu.dma_semaphore, #tpu.memory_space<semaphore_mem>>) attributes {dimension_semantics = [#tpu.dimension_semantics<core_parallel>, #tpu.dimension_semantics<subcore_parallel>], iteration_bounds = array<i64: 2, 16>, scalar_prefetch = 0 : i64, scratch_operands = 7 : i64, tpu.core_type = #tpu.core_type<sc_vector_subcore>, window_params = [{transform_indices = #map}, {transform_indices = #map1}, {transform_indices = #map1}]} {
    %broadcast_in_dim3A = arith.constant 0.000000e+00 : f32
    %broadcast_in_dim3A_0 = vector.broadcast %broadcast_in_dim3A : f32 to vector<16xf32>
    %scan3A = arith.constant 0 : i32
    %scan3A_1 = arith.constant 128 : i32
    %scan3A_2 = arith.addi %scan3A, %scan3A_1 : i32
    %scan3A_3 = arith.constant 1 : i32
    scf.for %scan3A_24 = %scan3A to %scan3A_2 step %scan3A_3  : i32 {
      %mul3A_25 = arith.constant 1 : i32
      %mul3A_26 = arith.muli %scan3A_24, %mul3A_25 : i32
      %add3A_27 = arith.constant 0 : i32
      %add3A_28 = arith.addi %add3A_27, %mul3A_26 : i32
      %scan3A_29 = arith.constant 0 : i32
      %scan3A_30 = arith.constant 8 : i32
      %scan3A_31 = arith.addi %scan3A_29, %scan3A_30 : i32
      %scan3A_32 = arith.constant 1 : i32
      scf.for %scan3A_34 = %scan3A_29 to %scan3A_31 step %scan3A_32  : i32 {
        %mul3A_35 = arith.constant 16 : i32
        %mul3A_36 = arith.muli %scan3A_34, %mul3A_35 : i32
        %add3A_37 = arith.constant 0 : i32
        %add3A_38 = arith.addi %add3A_37, %mul3A_36 : i32
        %swap3A = arith.index_cast %add3A_28 : i32 to index
        %swap3A_39 = arith.index_cast %add3A_38 : i32 to index
        %swap3A_40 = tpu.vector_load %arg7[%swap3A, %swap3A_39] {strides = array<i32>} : memref<128x128xf32, #tpu.memory_space<vmem>>, vector<1x16xf32>,
        %swap3A_41 = vector.shape_cast %swap3A_40 : vector<1x16xf32> to vector<16xf32>
        %swap3A_42 = vector.shape_cast %broadcast_in_dim3A_0 : vector<16xf32> to vector<1x16xf32>
        tpu.vector_store %arg7[%swap3A, %swap3A_39], %swap3A_42 {strides = array<i32>} : memref<128x128xf32, #tpu.memory_space<vmem>>, vector<1x16xf32>,
      }
      %scan3A_33 = arith.constant 8 : i32
    }
    %scan3A_4 = arith.constant 128 : i32
    %scan3A_5 = arith.constant 0 : i32
    %scan3A_6 = arith.constant 5 : i32
    %scan3A_7 = arith.addi %scan3A_5, %scan3A_6 : i32
    %scan3A_8 = arith.constant 1 : i32
    scf.for %scan3A_24 = %scan3A_5 to %scan3A_7 step %scan3A_8  : i32 {
      %mul3A_25 = arith.constant 128 : i32
      %mul3A_26 = arith.muli %scan3A_24, %mul3A_25 : i32
      %add3A_27 = arith.constant 0 : i32
      %add3A_28 = arith.addi %add3A_27, %mul3A_26 : i32
      %mul3A_29 = arith.constant 640 : i32
      %mul3A_30 = arith.muli %arg1, %mul3A_29 : i32
      %add3A_31 = arith.addi %mul3A_30, %add3A_28 : i32
      "tpu.region"() ({
        %run_scoped3A = tpu.sem_alloc : memref<!tpu.dma_semaphore, #tpu.memory_space<semaphore_mem>>
        %dma_start3A = arith.constant 0 : i32
        %dma_start3A_32 = tpu.memref_slice %arg9[%add3A_31, %dma_start3A] : memref<10240x128xf32, #tpu.memory_space<vmem_shared>> -> memref<128x128xf32, #tpu.memory_space<vmem_shared>>
        %dma_start3A_33 = arith.constant 0 : i32
        %dma_start3A_34 = tpu.memref_slice %arg9[%add3A_31, %dma_start3A_33] : memref<10240x128xf32, #tpu.memory_space<vmem_shared>> -> memref<128x128xf32, #tpu.memory_space<vmem_shared>>
        tpu.enqueue_dma source(%arg7 : memref<128x128xf32, #tpu.memory_space<vmem>>) target(%dma_start3A_34 : memref<128x128xf32, #tpu.memory_space<vmem_shared>>) target_semaphore(%run_scoped3A : memref<!tpu.dma_semaphore, #tpu.memory_space<semaphore_mem>>)
        %dma_wait3A = arith.constant 0 : i32
        %dma_wait3A_35 = tpu.memref_slice %arg9[%add3A_31, %dma_wait3A] : memref<10240x128xf32, #tpu.memory_space<vmem_shared>> -> memref<128x128xf32, #tpu.memory_space<vmem_shared>>
        %dma_wait3A_36 = arith.constant 0 : i32
        %dma_wait3A_37 = tpu.memref_slice %arg9[%add3A_31, %dma_wait3A_36] : memref<10240x128xf32, #tpu.memory_space<vmem_shared>> -> memref<128x128xf32, #tpu.memory_space<vmem_shared>>
        tpu.wait_dma2 semaphore(%run_scoped3A : memref<!tpu.dma_semaphore, #tpu.memory_space<semaphore_mem>>) src(%arg7 : memref<128x128xf32, #tpu.memory_space<vmem>>) dst(%dma_wait3A_37 : memref<128x128xf32, #tpu.memory_space<vmem_shared>>)
        tpu.yield
      }) : () -> ()
    }
    %scan3A_9 = arith.constant 5 : i32
    %barrier3A = arith.constant 0 : index
    tpu.barrier barrier_id(%barrier3A)
    %mul3A = arith.constant 16 : i32
    %mul3A_10 = arith.muli %arg0, %mul3A : i32
    %add3A = arith.addi %mul3A_10, %arg1 : i32
    %mul3A_11 = arith.constant 80 : i32
    %mul3A_12 = arith.muli %add3A, %mul3A_11 : i32
    %lt3A = arith.constant 31 : i32
    %lt3A_13 = arith.cmpi slt, %add3A, %lt3A : i32
    %convert_element_type3A = arith.extui %lt3A_13 : i1 to i32
    %cond3A = arith.constant 0 : i32
    %cond3A_14 = arith.cmpi ne, %convert_element_type3A, %cond3A : i32
    scf.if %cond3A_14 {
      %scan3A_24 = arith.constant 0 : i32
      %scan3A_25 = arith.constant 2 : i32
      %scan3A_26 = arith.addi %scan3A_24, %scan3A_25 : i32
      %scan3A_27 = arith.constant 1 : i32
      scf.for %scan3A_29 = %scan3A_24 to %scan3A_26 step %scan3A_27  : i32 {
        %mul3A_30 = arith.constant 40 : i32
        %mul3A_31 = arith.muli %scan3A_29, %mul3A_30 : i32
        %add3A_32 = arith.constant 0 : i32
        %add3A_33 = arith.addi %add3A_32, %mul3A_31 : i32
        %add3A_34 = arith.addi %mul3A_12, %add3A_33 : i32
        %run_scoped3A = arith.constant 0 : i32
        "tpu.region"() ({
          %run_scoped3A_47 = tpu.sem_alloc : memref<!tpu.dma_semaphore, #tpu.memory_space<semaphore_mem>>
          %dma_start3A_48 = arith.constant 0 : i32
          %dma_start3A_49 = arith.constant 0 : i32
          %dma_start3A_50 = tpu.memref_slice %arg5[%dma_start3A_48, %dma_start3A_49] : memref<40x128xi32, #tpu.memory_space<vmem>> -> memref<40x128xi32, #tpu.memory_space<vmem>>
          %dma_start3A_51 = arith.constant 0 : i32
          %dma_start3A_52 = tpu.memref_slice %arg3[%run_scoped3A, %add3A_34, %dma_start3A_51] : memref<2x2500x128xi32, #tpu.memory_space<hbm>> -> memref<1x40x128xi32, #tpu.memory_space<hbm>>
          %dma_start3A_53 = tpu.memref_squeeze %dma_start3A_52 : memref<1x40x128xi32, #tpu.memory_space<hbm>> -> memref<40x128xi32, #tpu.memory_space<hbm>>
          %dma_start3A_54 = arith.constant 0 : i32
          %dma_start3A_55 = arith.constant 0 : i32
          %dma_start3A_56 = tpu.memref_slice %arg5[%dma_start3A_54, %dma_start3A_55] : memref<40x128xi32, #tpu.memory_space<vmem>> -> memref<40x128xi32, #tpu.memory_space<vmem>>
          %dma_start3A_57 = arith.constant 0 : i32
          %dma_start3A_58 = tpu.memref_slice %arg3[%run_scoped3A, %add3A_34, %dma_start3A_57] : memref<2x2500x128xi32, #tpu.memory_space<hbm>> -> memref<1x40x128xi32, #tpu.memory_space<hbm>>
          %dma_start3A_59 = tpu.memref_squeeze %dma_start3A_58 : memref<1x40x128xi32, #tpu.memory_space<hbm>> -> memref<40x128xi32, #tpu.memory_space<hbm>>
          tpu.enqueue_dma source(%dma_start3A_59 : memref<40x128xi32, #tpu.memory_space<hbm>>) target(%dma_start3A_56 : memref<40x128xi32, #tpu.memory_space<vmem>>) target_semaphore(%run_scoped3A_47 : memref<!tpu.dma_semaphore, #tpu.memory_space<semaphore_mem>>)
          %dma_wait3A = arith.constant 0 : i32
          %dma_wait3A_60 = arith.constant 0 : i32
          %dma_wait3A_61 = tpu.memref_slice %arg5[%dma_wait3A, %dma_wait3A_60] : memref<40x128xi32, #tpu.memory_space<vmem>> -> memref<40x128xi32, #tpu.memory_space<vmem>>
          %dma_wait3A_62 = arith.constant 0 : i32
          %dma_wait3A_63 = tpu.memref_slice %arg3[%run_scoped3A, %add3A_34, %dma_wait3A_62] : memref<2x2500x128xi32, #tpu.memory_space<hbm>> -> memref<1x40x128xi32, #tpu.memory_space<hbm>>
          %dma_wait3A_64 = tpu.memref_squeeze %dma_wait3A_63 : memref<1x40x128xi32, #tpu.memory_space<hbm>> -> memref<40x128xi32, #tpu.memory_space<hbm>>
          %dma_wait3A_65 = arith.constant 0 : i32
          %dma_wait3A_66 = arith.constant 0 : i32
          %dma_wait3A_67 = tpu.memref_slice %arg5[%dma_wait3A_65, %dma_wait3A_66] : memref<40x128xi32, #tpu.memory_space<vmem>> -> memref<40x128xi32, #tpu.memory_space<vmem>>
          %dma_wait3A_68 = arith.constant 0 : i32
          %dma_wait3A_69 = tpu.memref_slice %arg3[%run_scoped3A, %add3A_34, %dma_wait3A_68] : memref<2x2500x128xi32, #tpu.memory_space<hbm>> -> memref<1x40x128xi32, #tpu.memory_space<hbm>>
          %dma_wait3A_70 = tpu.memref_squeeze %dma_wait3A_69 : memref<1x40x128xi32, #tpu.memory_space<hbm>> -> memref<40x128xi32, #tpu.memory_space<hbm>>
          tpu.wait_dma2 semaphore(%run_scoped3A_47 : memref<!tpu.dma_semaphore, #tpu.memory_space<semaphore_mem>>) src(%dma_wait3A_70 : memref<40x128xi32, #tpu.memory_space<hbm>>) dst(%dma_wait3A_67 : memref<40x128xi32, #tpu.memory_space<vmem>>)
          tpu.yield
        }) : () -> ()
        %run_scoped3A_35 = arith.constant 1 : i32
        "tpu.region"() ({
          %run_scoped3A_47 = tpu.sem_alloc : memref<!tpu.dma_semaphore, #tpu.memory_space<semaphore_mem>>
          %dma_start3A_48 = arith.constant 0 : i32
          %dma_start3A_49 = arith.constant 0 : i32
          %dma_start3A_50 = tpu.memref_slice %arg6[%dma_start3A_48, %dma_start3A_49] : memref<40x128xi32, #tpu.memory_space<vmem>> -> memref<40x128xi32, #tpu.memory_space<vmem>>
          %dma_start3A_51 = arith.constant 0 : i32
          %dma_start3A_52 = tpu.memref_slice %arg3[%run_scoped3A_35, %add3A_34, %dma_start3A_51] : memref<2x2500x128xi32, #tpu.memory_space<hbm>> -> memref<1x40x128xi32, #tpu.memory_space<hbm>>
          %dma_start3A_53 = tpu.memref_squeeze %dma_start3A_52 : memref<1x40x128xi32, #tpu.memory_space<hbm>> -> memref<40x128xi32, #tpu.memory_space<hbm>>
          %dma_start3A_54 = arith.constant 0 : i32
          %dma_start3A_55 = arith.constant 0 : i32
          %dma_start3A_56 = tpu.memref_slice %arg6[%dma_start3A_54, %dma_start3A_55] : memref<40x128xi32, #tpu.memory_space<vmem>> -> memref<40x128xi32, #tpu.memory_space<vmem>>
          %dma_start3A_57 = arith.constant 0 : i32
          %dma_start3A_58 = tpu.memref_slice %arg3[%run_scoped3A_35, %add3A_34, %dma_start3A_57] : memref<2x2500x128xi32, #tpu.memory_space<hbm>> -> memref<1x40x128xi32, #tpu.memory_space<hbm>>
          %dma_start3A_59 = tpu.memref_squeeze %dma_start3A_58 : memref<1x40x128xi32, #tpu.memory_space<hbm>> -> memref<40x128xi32, #tpu.memory_space<hbm>>
          tpu.enqueue_dma source(%dma_start3A_59 : memref<40x128xi32, #tpu.memory_space<hbm>>) target(%dma_start3A_56 : memref<40x128xi32, #tpu.memory_space<vmem>>) target_semaphore(%run_scoped3A_47 : memref<!tpu.dma_semaphore, #tpu.memory_space<semaphore_mem>>)
          %dma_wait3A = arith.constant 0 : i32
          %dma_wait3A_60 = arith.constant 0 : i32
          %dma_wait3A_61 = tpu.memref_slice %arg6[%dma_wait3A, %dma_wait3A_60] : memref<40x128xi32, #tpu.memory_space<vmem>> -> memref<40x128xi32, #tpu.memory_space<vmem>>
          %dma_wait3A_62 = arith.constant 0 : i32
          %dma_wait3A_63 = tpu.memref_slice %arg3[%run_scoped3A_35, %add3A_34, %dma_wait3A_62] : memref<2x2500x128xi32, #tpu.memory_space<hbm>> -> memref<1x40x128xi32, #tpu.memory_space<hbm>>
          %dma_wait3A_64 = tpu.memref_squeeze %dma_wait3A_63 : memref<1x40x128xi32, #tpu.memory_space<hbm>> -> memref<40x128xi32, #tpu.memory_space<hbm>>
          %dma_wait3A_65 = arith.constant 0 : i32
          %dma_wait3A_66 = arith.constant 0 : i32
          %dma_wait3A_67 = tpu.memref_slice %arg6[%dma_wait3A_65, %dma_wait3A_66] : memref<40x128xi32, #tpu.memory_space<vmem>> -> memref<40x128xi32, #tpu.memory_space<vmem>>
          %dma_wait3A_68 = arith.constant 0 : i32
          %dma_wait3A_69 = tpu.memref_slice %arg3[%run_scoped3A_35, %add3A_34, %dma_wait3A_68] : memref<2x2500x128xi32, #tpu.memory_space<hbm>> -> memref<1x40x128xi32, #tpu.memory_space<hbm>>
          %dma_wait3A_70 = tpu.memref_squeeze %dma_wait3A_69 : memref<1x40x128xi32, #tpu.memory_space<hbm>> -> memref<40x128xi32, #tpu.memory_space<hbm>>
          tpu.wait_dma2 semaphore(%run_scoped3A_47 : memref<!tpu.dma_semaphore, #tpu.memory_space<semaphore_mem>>) src(%dma_wait3A_70 : memref<40x128xi32, #tpu.memory_space<hbm>>) dst(%dma_wait3A_67 : memref<40x128xi32, #tpu.memory_space<vmem>>)
          tpu.yield
        }) : () -> ()
        %dma_start3A = arith.constant 0 : i32
        %dma_start3A_36 = arith.constant 0 : i32
        %dma_start3A_37 = tpu.memref_slice %arg5[%dma_start3A, %dma_start3A_36] : memref<40x128xi32, #tpu.memory_space<vmem>> -> memref<1x128xi32, #tpu.memory_space<vmem>>
        %dma_start3A_38 = tpu.memref_squeeze %dma_start3A_37 : memref<1x128xi32, #tpu.memory_space<vmem>> -> memref<128xi32, #tpu.memory_space<vmem>>
        %dma_start3A_39 = arith.constant 0 : i32
        %dma_start3A_40 = arith.constant 0 : i32
        %dma_start3A_41 = tpu.memref_slice %arg2[%dma_start3A_39, %dma_start3A_40] : memref<10000x128xf32, #tpu.memory_space<hbm>> -> memref<10000x128xf32, #tpu.memory_space<hbm>>
        tpu.enqueue_indirect_dma source(%dma_start3A_41 : memref<10000x128xf32, #tpu.memory_space<hbm>>) target(%arg7 : memref<128x128xf32, #tpu.memory_space<vmem>>) offsets(%dma_start3A_38 : memref<128xi32, #tpu.memory_space<vmem>>) semaphore(%arg10 : memref<!tpu.dma_semaphore, #tpu.memory_space<semaphore_mem>>)
        %scan3A_42 = arith.constant 0 : i32
        %scan3A_43 = arith.constant 20 : i32
        %scan3A_44 = arith.addi %scan3A_42, %scan3A_43 : i32
        %scan3A_45 = arith.constant 1 : i32
        scf.for %scan3A_47 = %scan3A_42 to %scan3A_44 step %scan3A_45  : i32 {
          %mul3A_48 = arith.constant 2 : i32
          %mul3A_49 = arith.muli %scan3A_47, %mul3A_48 : i32
          %add3A_50 = arith.constant 0 : i32
          %add3A_51 = arith.addi %add3A_50, %mul3A_49 : i32
          %add3A_52 = arith.constant 1 : i32
          %add3A_53 = arith.addi %add3A_51, %add3A_52 : i32
          %dma_start3A_54 = arith.constant 0 : i32
          %dma_start3A_55 = tpu.memref_slice %arg5[%add3A_53, %dma_start3A_54] : memref<40x128xi32, #tpu.memory_space<vmem>> -> memref<1x128xi32, #tpu.memory_space<vmem>>
          %dma_start3A_56 = tpu.memref_squeeze %dma_start3A_55 : memref<1x128xi32, #tpu.memory_space<vmem>> -> memref<128xi32, #tpu.memory_space<vmem>>
          %dma_start3A_57 = arith.constant 0 : i32
          %dma_start3A_58 = arith.constant 0 : i32
          %dma_start3A_59 = tpu.memref_slice %arg2[%dma_start3A_57, %dma_start3A_58] : memref<10000x128xf32, #tpu.memory_space<hbm>> -> memref<10000x128xf32, #tpu.memory_space<hbm>>
          tpu.enqueue_indirect_dma source(%dma_start3A_59 : memref<10000x128xf32, #tpu.memory_space<hbm>>) target(%arg8 : memref<128x128xf32, #tpu.memory_space<vmem>>) offsets(%dma_start3A_56 : memref<128xi32, #tpu.memory_space<vmem>>) semaphore(%arg11 : memref<!tpu.dma_semaphore, #tpu.memory_space<semaphore_mem>>)
          %dma_wait3A = arith.constant 0 : i32
          %dma_wait3A_60 = tpu.memref_slice %arg5[%add3A_51, %dma_wait3A] : memref<40x128xi32, #tpu.memory_space<vmem>> -> memref<1x128xi32, #tpu.memory_space<vmem>>
          %dma_wait3A_61 = tpu.memref_squeeze %dma_wait3A_60 : memref<1x128xi32, #tpu.memory_space<vmem>> -> memref<128xi32, #tpu.memory_space<vmem>>
          %dma_wait3A_62 = arith.constant 0 : i32
          %dma_wait3A_63 = arith.constant 0 : i32
          %dma_wait3A_64 = tpu.memref_slice %arg2[%dma_wait3A_62, %dma_wait3A_63] : memref<10000x128xf32, #tpu.memory_space<hbm>> -> memref<10000x128xf32, #tpu.memory_space<hbm>>
          tpu.wait_indirect_dma semaphore(%arg10 : memref<!tpu.dma_semaphore, #tpu.memory_space<semaphore_mem>>) src(%dma_wait3A_64 : memref<10000x128xf32, #tpu.memory_space<hbm>>) dst(%arg7 : memref<128x128xf32, #tpu.memory_space<vmem>>)
          "tpu.region"() ({
            %run_scoped3A_82 = tpu.sem_alloc : memref<!tpu.dma_semaphore, #tpu.memory_space<semaphore_mem>>
            %dma_start3A_83 = arith.constant 0 : i32
            %dma_start3A_84 = tpu.memref_slice %arg6[%add3A_51, %dma_start3A_83] : memref<40x128xi32, #tpu.memory_space<vmem>> -> memref<1x128xi32, #tpu.memory_space<vmem>>
            %dma_start3A_85 = tpu.memref_squeeze %dma_start3A_84 : memref<1x128xi32, #tpu.memory_space<vmem>> -> memref<128xi32, #tpu.memory_space<vmem>>
            %dma_start3A_86 = arith.constant 0 : i32
            %dma_start3A_87 = arith.constant 0 : i32
            %dma_start3A_88 = tpu.memref_slice %arg9[%dma_start3A_86, %dma_start3A_87] : memref<10240x128xf32, #tpu.memory_space<vmem_shared>> -> memref<10240x128xf32, #tpu.memory_space<vmem_shared>>
            tpu.enqueue_indirect_dma source(%arg7 : memref<128x128xf32, #tpu.memory_space<vmem>>) target(%dma_start3A_88 : memref<10240x128xf32, #tpu.memory_space<vmem_shared>>) offsets(%dma_start3A_85 : memref<128xi32, #tpu.memory_space<vmem>>) semaphore(%run_scoped3A_82 : memref<!tpu.dma_semaphore, #tpu.memory_space<semaphore_mem>>) {add = true}
            %dma_wait3A_89 = arith.constant 0 : i32
            %dma_wait3A_90 = tpu.memref_slice %arg6[%add3A_51, %dma_wait3A_89] : memref<40x128xi32, #tpu.memory_space<vmem>> -> memref<1x128xi32, #tpu.memory_space<vmem>>
            %dma_wait3A_91 = tpu.memref_squeeze %dma_wait3A_90 : memref<1x128xi32, #tpu.memory_space<vmem>> -> memref<128xi32, #tpu.memory_space<vmem>>
            %dma_wait3A_92 = arith.constant 0 : i32
            %dma_wait3A_93 = arith.constant 0 : i32
            %dma_wait3A_94 = tpu.memref_slice %arg9[%dma_wait3A_92, %dma_wait3A_93] : memref<10240x128xf32, #tpu.memory_space<vmem_shared>> -> memref<10240x128xf32, #tpu.memory_space<vmem_shared>>
            tpu.wait_indirect_dma semaphore(%run_scoped3A_82 : memref<!tpu.dma_semaphore, #tpu.memory_space<semaphore_mem>>) src(%arg7 : memref<128x128xf32, #tpu.memory_space<vmem>>) dst(%dma_wait3A_94 : memref<10240x128xf32, #tpu.memory_space<vmem_shared>>)
            tpu.yield
          }) : () -> ()
          %add3A_65 = arith.constant 2 : i32
          %add3A_66 = arith.addi %add3A_51, %add3A_65 : i32
          %lt3A_67 = arith.constant 40 : i32
          %lt3A_68 = arith.cmpi slt, %add3A_66, %lt3A_67 : i32
          %convert_element_type3A_69 = arith.extui %lt3A_68 : i1 to i32
          %cond3A_70 = arith.constant 0 : i32
          %cond3A_71 = arith.cmpi ne, %convert_element_type3A_69, %cond3A_70 : i32
          scf.if %cond3A_71 {
            %add3A_82 = arith.constant 2 : i32
            %add3A_83 = arith.addi %add3A_51, %add3A_82 : i32
            %dma_start3A_84 = arith.constant 0 : i32
            %dma_start3A_85 = tpu.memref_slice %arg5[%add3A_83, %dma_start3A_84] : memref<40x128xi32, #tpu.memory_space<vmem>> -> memref<1x128xi32, #tpu.memory_space<vmem>>
            %dma_start3A_86 = tpu.memref_squeeze %dma_start3A_85 : memref<1x128xi32, #tpu.memory_space<vmem>> -> memref<128xi32, #tpu.memory_space<vmem>>
            %dma_start3A_87 = arith.constant 0 : i32
            %dma_start3A_88 = arith.constant 0 : i32
            %dma_start3A_89 = tpu.memref_slice %arg2[%dma_start3A_87, %dma_start3A_88] : memref<10000x128xf32, #tpu.memory_space<hbm>> -> memref<10000x128xf32, #tpu.memory_space<hbm>>
            tpu.enqueue_indirect_dma source(%dma_start3A_89 : memref<10000x128xf32, #tpu.memory_space<hbm>>) target(%arg7 : memref<128x128xf32, #tpu.memory_space<vmem>>) offsets(%dma_start3A_86 : memref<128xi32, #tpu.memory_space<vmem>>) semaphore(%arg10 : memref<!tpu.dma_semaphore, #tpu.memory_space<semaphore_mem>>)
          } else {
          }
          %add3A_72 = arith.constant 1 : i32
          %add3A_73 = arith.addi %add3A_51, %add3A_72 : i32
          %dma_wait3A_74 = arith.constant 0 : i32
          %dma_wait3A_75 = tpu.memref_slice %arg5[%add3A_73, %dma_wait3A_74] : memref<40x128xi32, #tpu.memory_space<vmem>> -> memref<1x128xi32, #tpu.memory_space<vmem>>
          %dma_wait3A_76 = tpu.memref_squeeze %dma_wait3A_75 : memref<1x128xi32, #tpu.memory_space<vmem>> -> memref<128xi32, #tpu.memory_space<vmem>>
          %dma_wait3A_77 = arith.constant 0 : i32
          %dma_wait3A_78 = arith.constant 0 : i32
          %dma_wait3A_79 = tpu.memref_slice %arg2[%dma_wait3A_77, %dma_wait3A_78] : memref<10000x128xf32, #tpu.memory_space<hbm>> -> memref<10000x128xf32, #tpu.memory_space<hbm>>
          tpu.wait_indirect_dma semaphore(%arg11 : memref<!tpu.dma_semaphore, #tpu.memory_space<semaphore_mem>>) src(%dma_wait3A_79 : memref<10000x128xf32, #tpu.memory_space<hbm>>) dst(%arg8 : memref<128x128xf32, #tpu.memory_space<vmem>>)
          %add3A_80 = arith.constant 1 : i32
          %add3A_81 = arith.addi %add3A_51, %add3A_80 : i32
          "tpu.region"() ({
            %run_scoped3A_82 = tpu.sem_alloc : memref<!tpu.dma_semaphore, #tpu.memory_space<semaphore_mem>>
            %dma_start3A_83 = arith.constant 0 : i32
            %dma_start3A_84 = tpu.memref_slice %arg6[%add3A_81, %dma_start3A_83] : memref<40x128xi32, #tpu.memory_space<vmem>> -> memref<1x128xi32, #tpu.memory_space<vmem>>
            %dma_start3A_85 = tpu.memref_squeeze %dma_start3A_84 : memref<1x128xi32, #tpu.memory_space<vmem>> -> memref<128xi32, #tpu.memory_space<vmem>>
            %dma_start3A_86 = arith.constant 0 : i32
            %dma_start3A_87 = arith.constant 0 : i32
            %dma_start3A_88 = tpu.memref_slice %arg9[%dma_start3A_86, %dma_start3A_87] : memref<10240x128xf32, #tpu.memory_space<vmem_shared>> -> memref<10240x128xf32, #tpu.memory_space<vmem_shared>>
            tpu.enqueue_indirect_dma source(%arg8 : memref<128x128xf32, #tpu.memory_space<vmem>>) target(%dma_start3A_88 : memref<10240x128xf32, #tpu.memory_space<vmem_shared>>) offsets(%dma_start3A_85 : memref<128xi32, #tpu.memory_space<vmem>>) semaphore(%run_scoped3A_82 : memref<!tpu.dma_semaphore, #tpu.memory_space<semaphore_mem>>) {add = true}
            %dma_wait3A_89 = arith.constant 0 : i32
            %dma_wait3A_90 = tpu.memref_slice %arg6[%add3A_81, %dma_wait3A_89] : memref<40x128xi32, #tpu.memory_space<vmem>> -> memref<1x128xi32, #tpu.memory_space<vmem>>
            %dma_wait3A_91 = tpu.memref_squeeze %dma_wait3A_90 : memref<1x128xi32, #tpu.memory_space<vmem>> -> memref<128xi32, #tpu.memory_space<vmem>>
            %dma_wait3A_92 = arith.constant 0 : i32
            %dma_wait3A_93 = arith.constant 0 : i32
            %dma_wait3A_94 = tpu.memref_slice %arg9[%dma_wait3A_92, %dma_wait3A_93] : memref<10240x128xf32, #tpu.memory_space<vmem_shared>> -> memref<10240x128xf32, #tpu.memory_space<vmem_shared>>
            tpu.wait_indirect_dma semaphore(%run_scoped3A_82 : memref<!tpu.dma_semaphore, #tpu.memory_space<semaphore_mem>>) src(%arg8 : memref<128x128xf32, #tpu.memory_space<vmem>>) dst(%dma_wait3A_94 : memref<10240x128xf32, #tpu.memory_space<vmem_shared>>)
            tpu.yield
          }) : () -> ()
        }
        %scan3A_46 = arith.constant 20 : i32
      }
      %scan3A_28 = arith.constant 2 : i32
    } else {
    }
    %eq3A = arith.constant 31 : i32
    %eq3A_15 = arith.cmpi eq, %add3A, %eq3A : i32
    %convert_element_type3A_16 = arith.extui %eq3A_15 : i1 to i32
    %cond3A_17 = arith.constant 0 : i32
    %cond3A_18 = arith.cmpi ne, %convert_element_type3A_16, %cond3A_17 : i32
    scf.if %cond3A_18 {
      %run_scoped3A = arith.constant 0 : i32
      "tpu.region"() ({
        %run_scoped3A_52 = tpu.sem_alloc : memref<!tpu.dma_semaphore, #tpu.memory_space<semaphore_mem>>
        %dma_start3A_53 = arith.constant 0 : i32
        %dma_start3A_54 = arith.constant 0 : i32
        %dma_start3A_55 = tpu.memref_slice %arg5[%dma_start3A_53, %dma_start3A_54] : memref<40x128xi32, #tpu.memory_space<vmem>> -> memref<16x128xi32, #tpu.memory_space<vmem>>
        %dma_start3A_56 = arith.constant 0 : i32
        %dma_start3A_57 = tpu.memref_slice %arg3[%run_scoped3A, %mul3A_12, %dma_start3A_56] : memref<2x2500x128xi32, #tpu.memory_space<hbm>> -> memref<1x16x128xi32, #tpu.memory_space<hbm>>
        %dma_start3A_58 = tpu.memref_squeeze %dma_start3A_57 : memref<1x16x128xi32, #tpu.memory_space<hbm>> -> memref<16x128xi32, #tpu.memory_space<hbm>>
        %dma_start3A_59 = arith.constant 0 : i32
        %dma_start3A_60 = arith.constant 0 : i32
        %dma_start3A_61 = tpu.memref_slice %arg5[%dma_start3A_59, %dma_start3A_60] : memref<40x128xi32, #tpu.memory_space<vmem>> -> memref<16x128xi32, #tpu.memory_space<vmem>>
        %dma_start3A_62 = arith.constant 0 : i32
        %dma_start3A_63 = tpu.memref_slice %arg3[%run_scoped3A, %mul3A_12, %dma_start3A_62] : memref<2x2500x128xi32, #tpu.memory_space<hbm>> -> memref<1x16x128xi32, #tpu.memory_space<hbm>>
        %dma_start3A_64 = tpu.memref_squeeze %dma_start3A_63 : memref<1x16x128xi32, #tpu.memory_space<hbm>> -> memref<16x128xi32, #tpu.memory_space<hbm>>
        tpu.enqueue_dma source(%dma_start3A_64 : memref<16x128xi32, #tpu.memory_space<hbm>>) target(%dma_start3A_61 : memref<16x128xi32, #tpu.memory_space<vmem>>) target_semaphore(%run_scoped3A_52 : memref<!tpu.dma_semaphore, #tpu.memory_space<semaphore_mem>>)
        %dma_wait3A = arith.constant 0 : i32
        %dma_wait3A_65 = arith.constant 0 : i32
        %dma_wait3A_66 = tpu.memref_slice %arg5[%dma_wait3A, %dma_wait3A_65] : memref<40x128xi32, #tpu.memory_space<vmem>> -> memref<16x128xi32, #tpu.memory_space<vmem>>
        %dma_wait3A_67 = arith.constant 0 : i32
        %dma_wait3A_68 = tpu.memref_slice %arg3[%run_scoped3A, %mul3A_12, %dma_wait3A_67] : memref<2x2500x128xi32, #tpu.memory_space<hbm>> -> memref<1x16x128xi32, #tpu.memory_space<hbm>>
        %dma_wait3A_69 = tpu.memref_squeeze %dma_wait3A_68 : memref<1x16x128xi32, #tpu.memory_space<hbm>> -> memref<16x128xi32, #tpu.memory_space<hbm>>
        %dma_wait3A_70 = arith.constant 0 : i32
        %dma_wait3A_71 = arith.constant 0 : i32
        %dma_wait3A_72 = tpu.memref_slice %arg5[%dma_wait3A_70, %dma_wait3A_71] : memref<40x128xi32, #tpu.memory_space<vmem>> -> memref<16x128xi32, #tpu.memory_space<vmem>>
        %dma_wait3A_73 = arith.constant 0 : i32
        %dma_wait3A_74 = tpu.memref_slice %arg3[%run_scoped3A, %mul3A_12, %dma_wait3A_73] : memref<2x2500x128xi32, #tpu.memory_space<hbm>> -> memref<1x16x128xi32, #tpu.memory_space<hbm>>
        %dma_wait3A_75 = tpu.memref_squeeze %dma_wait3A_74 : memref<1x16x128xi32, #tpu.memory_space<hbm>> -> memref<16x128xi32, #tpu.memory_space<hbm>>
        tpu.wait_dma2 semaphore(%run_scoped3A_52 : memref<!tpu.dma_semaphore, #tpu.memory_space<semaphore_mem>>) src(%dma_wait3A_75 : memref<16x128xi32, #tpu.memory_space<hbm>>) dst(%dma_wait3A_72 : memref<16x128xi32, #tpu.memory_space<vmem>>)
        tpu.yield
      }) : () -> ()
      %run_scoped3A_24 = arith.constant 1 : i32
      "tpu.region"() ({
        %run_scoped3A_52 = tpu.sem_alloc : memref<!tpu.dma_semaphore, #tpu.memory_space<semaphore_mem>>
        %dma_start3A_53 = arith.constant 0 : i32
        %dma_start3A_54 = arith.constant 0 : i32
        %dma_start3A_55 = tpu.memref_slice %arg6[%dma_start3A_53, %dma_start3A_54] : memref<40x128xi32, #tpu.memory_space<vmem>> -> memref<16x128xi32, #tpu.memory_space<vmem>>
        %dma_start3A_56 = arith.constant 0 : i32
        %dma_start3A_57 = tpu.memref_slice %arg3[%run_scoped3A_24, %mul3A_12, %dma_start3A_56] : memref<2x2500x128xi32, #tpu.memory_space<hbm>> -> memref<1x16x128xi32, #tpu.memory_space<hbm>>
        %dma_start3A_58 = tpu.memref_squeeze %dma_start3A_57 : memref<1x16x128xi32, #tpu.memory_space<hbm>> -> memref<16x128xi32, #tpu.memory_space<hbm>>
        %dma_start3A_59 = arith.constant 0 : i32
        %dma_start3A_60 = arith.constant 0 : i32
        %dma_start3A_61 = tpu.memref_slice %arg6[%dma_start3A_59, %dma_start3A_60] : memref<40x128xi32, #tpu.memory_space<vmem>> -> memref<16x128xi32, #tpu.memory_space<vmem>>
        %dma_start3A_62 = arith.constant 0 : i32
        %dma_start3A_63 = tpu.memref_slice %arg3[%run_scoped3A_24, %mul3A_12, %dma_start3A_62] : memref<2x2500x128xi32, #tpu.memory_space<hbm>> -> memref<1x16x128xi32, #tpu.memory_space<hbm>>
        %dma_start3A_64 = tpu.memref_squeeze %dma_start3A_63 : memref<1x16x128xi32, #tpu.memory_space<hbm>> -> memref<16x128xi32, #tpu.memory_space<hbm>>
        tpu.enqueue_dma source(%dma_start3A_64 : memref<16x128xi32, #tpu.memory_space<hbm>>) target(%dma_start3A_61 : memref<16x128xi32, #tpu.memory_space<vmem>>) target_semaphore(%run_scoped3A_52 : memref<!tpu.dma_semaphore, #tpu.memory_space<semaphore_mem>>)
        %dma_wait3A = arith.constant 0 : i32
        %dma_wait3A_65 = arith.constant 0 : i32
        %dma_wait3A_66 = tpu.memref_slice %arg6[%dma_wait3A, %dma_wait3A_65] : memref<40x128xi32, #tpu.memory_space<vmem>> -> memref<16x128xi32, #tpu.memory_space<vmem>>
        %dma_wait3A_67 = arith.constant 0 : i32
        %dma_wait3A_68 = tpu.memref_slice %arg3[%run_scoped3A_24, %mul3A_12, %dma_wait3A_67] : memref<2x2500x128xi32, #tpu.memory_space<hbm>> -> memref<1x16x128xi32, #tpu.memory_space<hbm>>
        %dma_wait3A_69 = tpu.memref_squeeze %dma_wait3A_68 : memref<1x16x128xi32, #tpu.memory_space<hbm>> -> memref<16x128xi32, #tpu.memory_space<hbm>>
        %dma_wait3A_70 = arith.constant 0 : i32
        %dma_wait3A_71 = arith.constant 0 : i32
        %dma_wait3A_72 = tpu.memref_slice %arg6[%dma_wait3A_70, %dma_wait3A_71] : memref<40x128xi32, #tpu.memory_space<vmem>> -> memref<16x128xi32, #tpu.memory_space<vmem>>
        %dma_wait3A_73 = arith.constant 0 : i32
        %dma_wait3A_74 = tpu.memref_slice %arg3[%run_scoped3A_24, %mul3A_12, %dma_wait3A_73] : memref<2x2500x128xi32, #tpu.memory_space<hbm>> -> memref<1x16x128xi32, #tpu.memory_space<hbm>>
        %dma_wait3A_75 = tpu.memref_squeeze %dma_wait3A_74 : memref<1x16x128xi32, #tpu.memory_space<hbm>> -> memref<16x128xi32, #tpu.memory_space<hbm>>
        tpu.wait_dma2 semaphore(%run_scoped3A_52 : memref<!tpu.dma_semaphore, #tpu.memory_space<semaphore_mem>>) src(%dma_wait3A_75 : memref<16x128xi32, #tpu.memory_space<hbm>>) dst(%dma_wait3A_72 : memref<16x128xi32, #tpu.memory_space<vmem>>)
        tpu.yield
      }) : () -> ()
      %dma_start3A = arith.constant 0 : i32
      %dma_start3A_25 = arith.constant 0 : i32
      %dma_start3A_26 = tpu.memref_slice %arg5[%dma_start3A, %dma_start3A_25] : memref<40x128xi32, #tpu.memory_space<vmem>> -> memref<1x128xi32, #tpu.memory_space<vmem>>
      %dma_start3A_27 = tpu.memref_squeeze %dma_start3A_26 : memref<1x128xi32, #tpu.memory_space<vmem>> -> memref<128xi32, #tpu.memory_space<vmem>>
      %dma_start3A_28 = arith.constant 0 : i32
      %dma_start3A_29 = arith.constant 0 : i32
      %dma_start3A_30 = tpu.memref_slice %arg2[%dma_start3A_28, %dma_start3A_29] : memref<10000x128xf32, #tpu.memory_space<hbm>> -> memref<10000x128xf32, #tpu.memory_space<hbm>>
      tpu.enqueue_indirect_dma source(%dma_start3A_30 : memref<10000x128xf32, #tpu.memory_space<hbm>>) target(%arg7 : memref<128x128xf32, #tpu.memory_space<vmem>>) offsets(%dma_start3A_27 : memref<128xi32, #tpu.memory_space<vmem>>) semaphore(%arg10 : memref<!tpu.dma_semaphore, #tpu.memory_space<semaphore_mem>>)
      %scan3A_31 = arith.constant 0 : i32
      %scan3A_32 = arith.constant 8 : i32
      %scan3A_33 = arith.addi %scan3A_31, %scan3A_32 : i32
      %scan3A_34 = arith.constant 1 : i32
      scf.for %scan3A_52 = %scan3A_31 to %scan3A_33 step %scan3A_34  : i32 {
        %mul3A_53 = arith.constant 2 : i32
        %mul3A_54 = arith.muli %scan3A_52, %mul3A_53 : i32
        %add3A_55 = arith.constant 0 : i32
        %add3A_56 = arith.addi %add3A_55, %mul3A_54 : i32
        %add3A_57 = arith.constant 1 : i32
        %add3A_58 = arith.addi %add3A_56, %add3A_57 : i32
        %dma_start3A_59 = arith.constant 0 : i32
        %dma_start3A_60 = tpu.memref_slice %arg5[%add3A_58, %dma_start3A_59] : memref<40x128xi32, #tpu.memory_space<vmem>> -> memref<1x128xi32, #tpu.memory_space<vmem>>
        %dma_start3A_61 = tpu.memref_squeeze %dma_start3A_60 : memref<1x128xi32, #tpu.memory_space<vmem>> -> memref<128xi32, #tpu.memory_space<vmem>>
        %dma_start3A_62 = arith.constant 0 : i32
        %dma_start3A_63 = arith.constant 0 : i32
        %dma_start3A_64 = tpu.memref_slice %arg2[%dma_start3A_62, %dma_start3A_63] : memref<10000x128xf32, #tpu.memory_space<hbm>> -> memref<10000x128xf32, #tpu.memory_space<hbm>>
        tpu.enqueue_indirect_dma source(%dma_start3A_64 : memref<10000x128xf32, #tpu.memory_space<hbm>>) target(%arg8 : memref<128x128xf32, #tpu.memory_space<vmem>>) offsets(%dma_start3A_61 : memref<128xi32, #tpu.memory_space<vmem>>) semaphore(%arg11 : memref<!tpu.dma_semaphore, #tpu.memory_space<semaphore_mem>>)
        %dma_wait3A = arith.constant 0 : i32
        %dma_wait3A_65 = tpu.memref_slice %arg5[%add3A_56, %dma_wait3A] : memref<40x128xi32, #tpu.memory_space<vmem>> -> memref<1x128xi32, #tpu.memory_space<vmem>>
        %dma_wait3A_66 = tpu.memref_squeeze %dma_wait3A_65 : memref<1x128xi32, #tpu.memory_space<vmem>> -> memref<128xi32, #tpu.memory_space<vmem>>
        %dma_wait3A_67 = arith.constant 0 : i32
        %dma_wait3A_68 = arith.constant 0 : i32
        %dma_wait3A_69 = tpu.memref_slice %arg2[%dma_wait3A_67, %dma_wait3A_68] : memref<10000x128xf32, #tpu.memory_space<hbm>> -> memref<10000x128xf32, #tpu.memory_space<hbm>>
        tpu.wait_indirect_dma semaphore(%arg10 : memref<!tpu.dma_semaphore, #tpu.memory_space<semaphore_mem>>) src(%dma_wait3A_69 : memref<10000x128xf32, #tpu.memory_space<hbm>>) dst(%arg7 : memref<128x128xf32, #tpu.memory_space<vmem>>)
        "tpu.region"() ({
          %run_scoped3A_87 = tpu.sem_alloc : memref<!tpu.dma_semaphore, #tpu.memory_space<semaphore_mem>>
          %dma_start3A_88 = arith.constant 0 : i32
          %dma_start3A_89 = tpu.memref_slice %arg6[%add3A_56, %dma_start3A_88] : memref<40x128xi32, #tpu.memory_space<vmem>> -> memref<1x128xi32, #tpu.memory_space<vmem>>
          %dma_start3A_90 = tpu.memref_squeeze %dma_start3A_89 : memref<1x128xi32, #tpu.memory_space<vmem>> -> memref<128xi32, #tpu.memory_space<vmem>>
          %dma_start3A_91 = arith.constant 0 : i32
          %dma_start3A_92 = arith.constant 0 : i32
          %dma_start3A_93 = tpu.memref_slice %arg9[%dma_start3A_91, %dma_start3A_92] : memref<10240x128xf32, #tpu.memory_space<vmem_shared>> -> memref<10240x128xf32, #tpu.memory_space<vmem_shared>>
          tpu.enqueue_indirect_dma source(%arg7 : memref<128x128xf32, #tpu.memory_space<vmem>>) target(%dma_start3A_93 : memref<10240x128xf32, #tpu.memory_space<vmem_shared>>) offsets(%dma_start3A_90 : memref<128xi32, #tpu.memory_space<vmem>>) semaphore(%run_scoped3A_87 : memref<!tpu.dma_semaphore, #tpu.memory_space<semaphore_mem>>) {add = true}
          %dma_wait3A_94 = arith.constant 0 : i32
          %dma_wait3A_95 = tpu.memref_slice %arg6[%add3A_56, %dma_wait3A_94] : memref<40x128xi32, #tpu.memory_space<vmem>> -> memref<1x128xi32, #tpu.memory_space<vmem>>
          %dma_wait3A_96 = tpu.memref_squeeze %dma_wait3A_95 : memref<1x128xi32, #tpu.memory_space<vmem>> -> memref<128xi32, #tpu.memory_space<vmem>>
          %dma_wait3A_97 = arith.constant 0 : i32
          %dma_wait3A_98 = arith.constant 0 : i32
          %dma_wait3A_99 = tpu.memref_slice %arg9[%dma_wait3A_97, %dma_wait3A_98] : memref<10240x128xf32, #tpu.memory_space<vmem_shared>> -> memref<10240x128xf32, #tpu.memory_space<vmem_shared>>
          tpu.wait_indirect_dma semaphore(%run_scoped3A_87 : memref<!tpu.dma_semaphore, #tpu.memory_space<semaphore_mem>>) src(%arg7 : memref<128x128xf32, #tpu.memory_space<vmem>>) dst(%dma_wait3A_99 : memref<10240x128xf32, #tpu.memory_space<vmem_shared>>)
          tpu.yield
        }) : () -> ()
        %add3A_70 = arith.constant 2 : i32
        %add3A_71 = arith.addi %add3A_56, %add3A_70 : i32
        %lt3A_72 = arith.constant 16 : i32
        %lt3A_73 = arith.cmpi slt, %add3A_71, %lt3A_72 : i32
        %convert_element_type3A_74 = arith.extui %lt3A_73 : i1 to i32
        %cond3A_75 = arith.constant 0 : i32
        %cond3A_76 = arith.cmpi ne, %convert_element_type3A_74, %cond3A_75 : i32
        scf.if %cond3A_76 {
          %add3A_87 = arith.constant 2 : i32
          %add3A_88 = arith.addi %add3A_56, %add3A_87 : i32
          %dma_start3A_89 = arith.constant 0 : i32
          %dma_start3A_90 = tpu.memref_slice %arg5[%add3A_88, %dma_start3A_89] : memref<40x128xi32, #tpu.memory_space<vmem>> -> memref<1x128xi32, #tpu.memory_space<vmem>>
          %dma_start3A_91 = tpu.memref_squeeze %dma_start3A_90 : memref<1x128xi32, #tpu.memory_space<vmem>> -> memref<128xi32, #tpu.memory_space<vmem>>
          %dma_start3A_92 = arith.constant 0 : i32
          %dma_start3A_93 = arith.constant 0 : i32
          %dma_start3A_94 = tpu.memref_slice %arg2[%dma_start3A_92, %dma_start3A_93] : memref<10000x128xf32, #tpu.memory_space<hbm>> -> memref<10000x128xf32, #tpu.memory_space<hbm>>
          tpu.enqueue_indirect_dma source(%dma_start3A_94 : memref<10000x128xf32, #tpu.memory_space<hbm>>) target(%arg7 : memref<128x128xf32, #tpu.memory_space<vmem>>) offsets(%dma_start3A_91 : memref<128xi32, #tpu.memory_space<vmem>>) semaphore(%arg10 : memref<!tpu.dma_semaphore, #tpu.memory_space<semaphore_mem>>)
        } else {
        }
        %add3A_77 = arith.constant 1 : i32
        %add3A_78 = arith.addi %add3A_56, %add3A_77 : i32
        %dma_wait3A_79 = arith.constant 0 : i32
        %dma_wait3A_80 = tpu.memref_slice %arg5[%add3A_78, %dma_wait3A_79] : memref<40x128xi32, #tpu.memory_space<vmem>> -> memref<1x128xi32, #tpu.memory_space<vmem>>
        %dma_wait3A_81 = tpu.memref_squeeze %dma_wait3A_80 : memref<1x128xi32, #tpu.memory_space<vmem>> -> memref<128xi32, #tpu.memory_space<vmem>>
        %dma_wait3A_82 = arith.constant 0 : i32
        %dma_wait3A_83 = arith.constant 0 : i32
        %dma_wait3A_84 = tpu.memref_slice %arg2[%dma_wait3A_82, %dma_wait3A_83] : memref<10000x128xf32, #tpu.memory_space<hbm>> -> memref<10000x128xf32, #tpu.memory_space<hbm>>
        tpu.wait_indirect_dma semaphore(%arg11 : memref<!tpu.dma_semaphore, #tpu.memory_space<semaphore_mem>>) src(%dma_wait3A_84 : memref<10000x128xf32, #tpu.memory_space<hbm>>) dst(%arg8 : memref<128x128xf32, #tpu.memory_space<vmem>>)
        %add3A_85 = arith.constant 1 : i32
        %add3A_86 = arith.addi %add3A_56, %add3A_85 : i32
        "tpu.region"() ({
          %run_scoped3A_87 = tpu.sem_alloc : memref<!tpu.dma_semaphore, #tpu.memory_space<semaphore_mem>>
          %dma_start3A_88 = arith.constant 0 : i32
          %dma_start3A_89 = tpu.memref_slice %arg6[%add3A_86, %dma_start3A_88] : memref<40x128xi32, #tpu.memory_space<vmem>> -> memref<1x128xi32, #tpu.memory_space<vmem>>
          %dma_start3A_90 = tpu.memref_squeeze %dma_start3A_89 : memref<1x128xi32, #tpu.memory_space<vmem>> -> memref<128xi32, #tpu.memory_space<vmem>>
          %dma_start3A_91 = arith.constant 0 : i32
          %dma_start3A_92 = arith.constant 0 : i32
          %dma_start3A_93 = tpu.memref_slice %arg9[%dma_start3A_91, %dma_start3A_92] : memref<10240x128xf32, #tpu.memory_space<vmem_shared>> -> memref<10240x128xf32, #tpu.memory_space<vmem_shared>>
          tpu.enqueue_indirect_dma source(%arg8 : memref<128x128xf32, #tpu.memory_space<vmem>>) target(%dma_start3A_93 : memref<10240x128xf32, #tpu.memory_space<vmem_shared>>) offsets(%dma_start3A_90 : memref<128xi32, #tpu.memory_space<vmem>>) semaphore(%run_scoped3A_87 : memref<!tpu.dma_semaphore, #tpu.memory_space<semaphore_mem>>) {add = true}
          %dma_wait3A_94 = arith.constant 0 : i32
          %dma_wait3A_95 = tpu.memref_slice %arg6[%add3A_86, %dma_wait3A_94] : memref<40x128xi32, #tpu.memory_space<vmem>> -> memref<1x128xi32, #tpu.memory_space<vmem>>
          %dma_wait3A_96 = tpu.memref_squeeze %dma_wait3A_95 : memref<1x128xi32, #tpu.memory_space<vmem>> -> memref<128xi32, #tpu.memory_space<vmem>>
          %dma_wait3A_97 = arith.constant 0 : i32
          %dma_wait3A_98 = arith.constant 0 : i32
          %dma_wait3A_99 = tpu.memref_slice %arg9[%dma_wait3A_97, %dma_wait3A_98] : memref<10240x128xf32, #tpu.memory_space<vmem_shared>> -> memref<10240x128xf32, #tpu.memory_space<vmem_shared>>
          tpu.wait_indirect_dma semaphore(%run_scoped3A_87 : memref<!tpu.dma_semaphore, #tpu.memory_space<semaphore_mem>>) src(%arg8 : memref<128x128xf32, #tpu.memory_space<vmem>>) dst(%dma_wait3A_99 : memref<10240x128xf32, #tpu.memory_space<vmem_shared>>)
          tpu.yield
        }) : () -> ()
      }
      %scan3A_35 = arith.constant 8 : i32
      %add3A_36 = arith.constant 16 : i32
      %add3A_37 = arith.addi %mul3A_12, %add3A_36 : i32
      %run_scoped3A_38 = arith.constant 0 : i32
      "tpu.region"() ({
        %run_scoped3A_52 = tpu.sem_alloc : memref<!tpu.dma_semaphore, #tpu.memory_space<semaphore_mem>>
        %dma_start3A_53 = arith.constant 0 : i32
        %dma_start3A_54 = arith.constant 0 : i32
        %dma_start3A_55 = tpu.memref_slice %arg5[%dma_start3A_53, %dma_start3A_54] : memref<40x128xi32, #tpu.memory_space<vmem>> -> memref<4x128xi32, #tpu.memory_space<vmem>>
        %dma_start3A_56 = arith.constant 0 : i32
        %dma_start3A_57 = tpu.memref_slice %arg3[%run_scoped3A_38, %add3A_37, %dma_start3A_56] : memref<2x2500x128xi32, #tpu.memory_space<hbm>> -> memref<1x4x128xi32, #tpu.memory_space<hbm>>
        %dma_start3A_58 = tpu.memref_squeeze %dma_start3A_57 : memref<1x4x128xi32, #tpu.memory_space<hbm>> -> memref<4x128xi32, #tpu.memory_space<hbm>>
        %dma_start3A_59 = arith.constant 0 : i32
        %dma_start3A_60 = arith.constant 0 : i32
        %dma_start3A_61 = tpu.memref_slice %arg5[%dma_start3A_59, %dma_start3A_60] : memref<40x128xi32, #tpu.memory_space<vmem>> -> memref<4x128xi32, #tpu.memory_space<vmem>>
        %dma_start3A_62 = arith.constant 0 : i32
        %dma_start3A_63 = tpu.memref_slice %arg3[%run_scoped3A_38, %add3A_37, %dma_start3A_62] : memref<2x2500x128xi32, #tpu.memory_space<hbm>> -> memref<1x4x128xi32, #tpu.memory_space<hbm>>
        %dma_start3A_64 = tpu.memref_squeeze %dma_start3A_63 : memref<1x4x128xi32, #tpu.memory_space<hbm>> -> memref<4x128xi32, #tpu.memory_space<hbm>>
        tpu.enqueue_dma source(%dma_start3A_64 : memref<4x128xi32, #tpu.memory_space<hbm>>) target(%dma_start3A_61 : memref<4x128xi32, #tpu.memory_space<vmem>>) target_semaphore(%run_scoped3A_52 : memref<!tpu.dma_semaphore, #tpu.memory_space<semaphore_mem>>)
        %dma_wait3A = arith.constant 0 : i32
        %dma_wait3A_65 = arith.constant 0 : i32
        %dma_wait3A_66 = tpu.memref_slice %arg5[%dma_wait3A, %dma_wait3A_65] : memref<40x128xi32, #tpu.memory_space<vmem>> -> memref<4x128xi32, #tpu.memory_space<vmem>>
        %dma_wait3A_67 = arith.constant 0 : i32
        %dma_wait3A_68 = tpu.memref_slice %arg3[%run_scoped3A_38, %add3A_37, %dma_wait3A_67] : memref<2x2500x128xi32, #tpu.memory_space<hbm>> -> memref<1x4x128xi32, #tpu.memory_space<hbm>>
        %dma_wait3A_69 = tpu.memref_squeeze %dma_wait3A_68 : memref<1x4x128xi32, #tpu.memory_space<hbm>> -> memref<4x128xi32, #tpu.memory_space<hbm>>
        %dma_wait3A_70 = arith.constant 0 : i32
        %dma_wait3A_71 = arith.constant 0 : i32
        %dma_wait3A_72 = tpu.memref_slice %arg5[%dma_wait3A_70, %dma_wait3A_71] : memref<40x128xi32, #tpu.memory_space<vmem>> -> memref<4x128xi32, #tpu.memory_space<vmem>>
        %dma_wait3A_73 = arith.constant 0 : i32
        %dma_wait3A_74 = tpu.memref_slice %arg3[%run_scoped3A_38, %add3A_37, %dma_wait3A_73] : memref<2x2500x128xi32, #tpu.memory_space<hbm>> -> memref<1x4x128xi32, #tpu.memory_space<hbm>>
        %dma_wait3A_75 = tpu.memref_squeeze %dma_wait3A_74 : memref<1x4x128xi32, #tpu.memory_space<hbm>> -> memref<4x128xi32, #tpu.memory_space<hbm>>
        tpu.wait_dma2 semaphore(%run_scoped3A_52 : memref<!tpu.dma_semaphore, #tpu.memory_space<semaphore_mem>>) src(%dma_wait3A_75 : memref<4x128xi32, #tpu.memory_space<hbm>>) dst(%dma_wait3A_72 : memref<4x128xi32, #tpu.memory_space<vmem>>)
        tpu.yield
      }) : () -> ()
      %run_scoped3A_39 = arith.constant 1 : i32
      "tpu.region"() ({
        %run_scoped3A_52 = tpu.sem_alloc : memref<!tpu.dma_semaphore, #tpu.memory_space<semaphore_mem>>
        %dma_start3A_53 = arith.constant 0 : i32
        %dma_start3A_54 = arith.constant 0 : i32
        %dma_start3A_55 = tpu.memref_slice %arg6[%dma_start3A_53, %dma_start3A_54] : memref<40x128xi32, #tpu.memory_space<vmem>> -> memref<4x128xi32, #tpu.memory_space<vmem>>
        %dma_start3A_56 = arith.constant 0 : i32
        %dma_start3A_57 = tpu.memref_slice %arg3[%run_scoped3A_39, %add3A_37, %dma_start3A_56] : memref<2x2500x128xi32, #tpu.memory_space<hbm>> -> memref<1x4x128xi32, #tpu.memory_space<hbm>>
        %dma_start3A_58 = tpu.memref_squeeze %dma_start3A_57 : memref<1x4x128xi32, #tpu.memory_space<hbm>> -> memref<4x128xi32, #tpu.memory_space<hbm>>
        %dma_start3A_59 = arith.constant 0 : i32
        %dma_start3A_60 = arith.constant 0 : i32
        %dma_start3A_61 = tpu.memref_slice %arg6[%dma_start3A_59, %dma_start3A_60] : memref<40x128xi32, #tpu.memory_space<vmem>> -> memref<4x128xi32, #tpu.memory_space<vmem>>
        %dma_start3A_62 = arith.constant 0 : i32
        %dma_start3A_63 = tpu.memref_slice %arg3[%run_scoped3A_39, %add3A_37, %dma_start3A_62] : memref<2x2500x128xi32, #tpu.memory_space<hbm>> -> memref<1x4x128xi32, #tpu.memory_space<hbm>>
        %dma_start3A_64 = tpu.memref_squeeze %dma_start3A_63 : memref<1x4x128xi32, #tpu.memory_space<hbm>> -> memref<4x128xi32, #tpu.memory_space<hbm>>
        tpu.enqueue_dma source(%dma_start3A_64 : memref<4x128xi32, #tpu.memory_space<hbm>>) target(%dma_start3A_61 : memref<4x128xi32, #tpu.memory_space<vmem>>) target_semaphore(%run_scoped3A_52 : memref<!tpu.dma_semaphore, #tpu.memory_space<semaphore_mem>>)
        %dma_wait3A = arith.constant 0 : i32
        %dma_wait3A_65 = arith.constant 0 : i32
        %dma_wait3A_66 = tpu.memref_slice %arg6[%dma_wait3A, %dma_wait3A_65] : memref<40x128xi32, #tpu.memory_space<vmem>> -> memref<4x128xi32, #tpu.memory_space<vmem>>
        %dma_wait3A_67 = arith.constant 0 : i32
        %dma_wait3A_68 = tpu.memref_slice %arg3[%run_scoped3A_39, %add3A_37, %dma_wait3A_67] : memref<2x2500x128xi32, #tpu.memory_space<hbm>> -> memref<1x4x128xi32, #tpu.memory_space<hbm>>
        %dma_wait3A_69 = tpu.memref_squeeze %dma_wait3A_68 : memref<1x4x128xi32, #tpu.memory_space<hbm>> -> memref<4x128xi32, #tpu.memory_space<hbm>>
        %dma_wait3A_70 = arith.constant 0 : i32
        %dma_wait3A_71 = arith.constant 0 : i32
        %dma_wait3A_72 = tpu.memref_slice %arg6[%dma_wait3A_70, %dma_wait3A_71] : memref<40x128xi32, #tpu.memory_space<vmem>> -> memref<4x128xi32, #tpu.memory_space<vmem>>
        %dma_wait3A_73 = arith.constant 0 : i32
        %dma_wait3A_74 = tpu.memref_slice %arg3[%run_scoped3A_39, %add3A_37, %dma_wait3A_73] : memref<2x2500x128xi32, #tpu.memory_space<hbm>> -> memref<1x4x128xi32, #tpu.memory_space<hbm>>
        %dma_wait3A_75 = tpu.memref_squeeze %dma_wait3A_74 : memref<1x4x128xi32, #tpu.memory_space<hbm>> -> memref<4x128xi32, #tpu.memory_space<hbm>>
        tpu.wait_dma2 semaphore(%run_scoped3A_52 : memref<!tpu.dma_semaphore, #tpu.memory_space<semaphore_mem>>) src(%dma_wait3A_75 : memref<4x128xi32, #tpu.memory_space<hbm>>) dst(%dma_wait3A_72 : memref<4x128xi32, #tpu.memory_space<vmem>>)
        tpu.yield
      }) : () -> ()
      %dma_start3A_40 = arith.constant 0 : i32
      %dma_start3A_41 = arith.constant 0 : i32
      %dma_start3A_42 = tpu.memref_slice %arg5[%dma_start3A_40, %dma_start3A_41] : memref<40x128xi32, #tpu.memory_space<vmem>> -> memref<1x128xi32, #tpu.memory_space<vmem>>
      %dma_start3A_43 = tpu.memref_squeeze %dma_start3A_42 : memref<1x128xi32, #tpu.memory_space<vmem>> -> memref<128xi32, #tpu.memory_space<vmem>>
      %dma_start3A_44 = arith.constant 0 : i32
      %dma_start3A_45 = arith.constant 0 : i32
      %dma_start3A_46 = tpu.memref_slice %arg2[%dma_start3A_44, %dma_start3A_45] : memref<10000x128xf32, #tpu.memory_space<hbm>> -> memref<10000x128xf32, #tpu.memory_space<hbm>>
      tpu.enqueue_indirect_dma source(%dma_start3A_46 : memref<10000x128xf32, #tpu.memory_space<hbm>>) target(%arg7 : memref<128x128xf32, #tpu.memory_space<vmem>>) offsets(%dma_start3A_43 : memref<128xi32, #tpu.memory_space<vmem>>) semaphore(%arg10 : memref<!tpu.dma_semaphore, #tpu.memory_space<semaphore_mem>>)
      %scan3A_47 = arith.constant 0 : i32
      %scan3A_48 = arith.constant 2 : i32
      %scan3A_49 = arith.addi %scan3A_47, %scan3A_48 : i32
      %scan3A_50 = arith.constant 1 : i32
      scf.for %scan3A_52 = %scan3A_47 to %scan3A_49 step %scan3A_50  : i32 {
        %mul3A_53 = arith.constant 2 : i32
        %mul3A_54 = arith.muli %scan3A_52, %mul3A_53 : i32
        %add3A_55 = arith.constant 0 : i32
        %add3A_56 = arith.addi %add3A_55, %mul3A_54 : i32
        %add3A_57 = arith.constant 1 : i32
        %add3A_58 = arith.addi %add3A_56, %add3A_57 : i32
        %dma_start3A_59 = arith.constant 0 : i32
        %dma_start3A_60 = tpu.memref_slice %arg5[%add3A_58, %dma_start3A_59] : memref<40x128xi32, #tpu.memory_space<vmem>> -> memref<1x128xi32, #tpu.memory_space<vmem>>
        %dma_start3A_61 = tpu.memref_squeeze %dma_start3A_60 : memref<1x128xi32, #tpu.memory_space<vmem>> -> memref<128xi32, #tpu.memory_space<vmem>>
        %dma_start3A_62 = arith.constant 0 : i32
        %dma_start3A_63 = arith.constant 0 : i32
        %dma_start3A_64 = tpu.memref_slice %arg2[%dma_start3A_62, %dma_start3A_63] : memref<10000x128xf32, #tpu.memory_space<hbm>> -> memref<10000x128xf32, #tpu.memory_space<hbm>>
        tpu.enqueue_indirect_dma source(%dma_start3A_64 : memref<10000x128xf32, #tpu.memory_space<hbm>>) target(%arg8 : memref<128x128xf32, #tpu.memory_space<vmem>>) offsets(%dma_start3A_61 : memref<128xi32, #tpu.memory_space<vmem>>) semaphore(%arg11 : memref<!tpu.dma_semaphore, #tpu.memory_space<semaphore_mem>>)
        %dma_wait3A = arith.constant 0 : i32
        %dma_wait3A_65 = tpu.memref_slice %arg5[%add3A_56, %dma_wait3A] : memref<40x128xi32, #tpu.memory_space<vmem>> -> memref<1x128xi32, #tpu.memory_space<vmem>>
        %dma_wait3A_66 = tpu.memref_squeeze %dma_wait3A_65 : memref<1x128xi32, #tpu.memory_space<vmem>> -> memref<128xi32, #tpu.memory_space<vmem>>
        %dma_wait3A_67 = arith.constant 0 : i32
        %dma_wait3A_68 = arith.constant 0 : i32
        %dma_wait3A_69 = tpu.memref_slice %arg2[%dma_wait3A_67, %dma_wait3A_68] : memref<10000x128xf32, #tpu.memory_space<hbm>> -> memref<10000x128xf32, #tpu.memory_space<hbm>>
        tpu.wait_indirect_dma semaphore(%arg10 : memref<!tpu.dma_semaphore, #tpu.memory_space<semaphore_mem>>) src(%dma_wait3A_69 : memref<10000x128xf32, #tpu.memory_space<hbm>>) dst(%arg7 : memref<128x128xf32, #tpu.memory_space<vmem>>)
        "tpu.region"() ({
          %run_scoped3A_87 = tpu.sem_alloc : memref<!tpu.dma_semaphore, #tpu.memory_space<semaphore_mem>>
          %dma_start3A_88 = arith.constant 0 : i32
          %dma_start3A_89 = tpu.memref_slice %arg6[%add3A_56, %dma_start3A_88] : memref<40x128xi32, #tpu.memory_space<vmem>> -> memref<1x128xi32, #tpu.memory_space<vmem>>
          %dma_start3A_90 = tpu.memref_squeeze %dma_start3A_89 : memref<1x128xi32, #tpu.memory_space<vmem>> -> memref<128xi32, #tpu.memory_space<vmem>>
          %dma_start3A_91 = arith.constant 0 : i32
          %dma_start3A_92 = arith.constant 0 : i32
          %dma_start3A_93 = tpu.memref_slice %arg9[%dma_start3A_91, %dma_start3A_92] : memref<10240x128xf32, #tpu.memory_space<vmem_shared>> -> memref<10240x128xf32, #tpu.memory_space<vmem_shared>>
          tpu.enqueue_indirect_dma source(%arg7 : memref<128x128xf32, #tpu.memory_space<vmem>>) target(%dma_start3A_93 : memref<10240x128xf32, #tpu.memory_space<vmem_shared>>) offsets(%dma_start3A_90 : memref<128xi32, #tpu.memory_space<vmem>>) semaphore(%run_scoped3A_87 : memref<!tpu.dma_semaphore, #tpu.memory_space<semaphore_mem>>) {add = true}
          %dma_wait3A_94 = arith.constant 0 : i32
          %dma_wait3A_95 = tpu.memref_slice %arg6[%add3A_56, %dma_wait3A_94] : memref<40x128xi32, #tpu.memory_space<vmem>> -> memref<1x128xi32, #tpu.memory_space<vmem>>
          %dma_wait3A_96 = tpu.memref_squeeze %dma_wait3A_95 : memref<1x128xi32, #tpu.memory_space<vmem>> -> memref<128xi32, #tpu.memory_space<vmem>>
          %dma_wait3A_97 = arith.constant 0 : i32
          %dma_wait3A_98 = arith.constant 0 : i32
          %dma_wait3A_99 = tpu.memref_slice %arg9[%dma_wait3A_97, %dma_wait3A_98] : memref<10240x128xf32, #tpu.memory_space<vmem_shared>> -> memref<10240x128xf32, #tpu.memory_space<vmem_shared>>
          tpu.wait_indirect_dma semaphore(%run_scoped3A_87 : memref<!tpu.dma_semaphore, #tpu.memory_space<semaphore_mem>>) src(%arg7 : memref<128x128xf32, #tpu.memory_space<vmem>>) dst(%dma_wait3A_99 : memref<10240x128xf32, #tpu.memory_space<vmem_shared>>)
          tpu.yield
        }) : () -> ()
        %add3A_70 = arith.constant 2 : i32
        %add3A_71 = arith.addi %add3A_56, %add3A_70 : i32
        %lt3A_72 = arith.constant 4 : i32
        %lt3A_73 = arith.cmpi slt, %add3A_71, %lt3A_72 : i32
        %convert_element_type3A_74 = arith.extui %lt3A_73 : i1 to i32
        %cond3A_75 = arith.constant 0 : i32
        %cond3A_76 = arith.cmpi ne, %convert_element_type3A_74, %cond3A_75 : i32
        scf.if %cond3A_76 {
          %add3A_87 = arith.constant 2 : i32
          %add3A_88 = arith.addi %add3A_56, %add3A_87 : i32
          %dma_start3A_89 = arith.constant 0 : i32
          %dma_start3A_90 = tpu.memref_slice %arg5[%add3A_88, %dma_start3A_89] : memref<40x128xi32, #tpu.memory_space<vmem>> -> memref<1x128xi32, #tpu.memory_space<vmem>>
          %dma_start3A_91 = tpu.memref_squeeze %dma_start3A_90 : memref<1x128xi32, #tpu.memory_space<vmem>> -> memref<128xi32, #tpu.memory_space<vmem>>
          %dma_start3A_92 = arith.constant 0 : i32
          %dma_start3A_93 = arith.constant 0 : i32
          %dma_start3A_94 = tpu.memref_slice %arg2[%dma_start3A_92, %dma_start3A_93] : memref<10000x128xf32, #tpu.memory_space<hbm>> -> memref<10000x128xf32, #tpu.memory_space<hbm>>
          tpu.enqueue_indirect_dma source(%dma_start3A_94 : memref<10000x128xf32, #tpu.memory_space<hbm>>) target(%arg7 : memref<128x128xf32, #tpu.memory_space<vmem>>) offsets(%dma_start3A_91 : memref<128xi32, #tpu.memory_space<vmem>>) semaphore(%arg10 : memref<!tpu.dma_semaphore, #tpu.memory_space<semaphore_mem>>)
        } else {
        }
        %add3A_77 = arith.constant 1 : i32
        %add3A_78 = arith.addi %add3A_56, %add3A_77 : i32
        %dma_wait3A_79 = arith.constant 0 : i32
        %dma_wait3A_80 = tpu.memref_slice %arg5[%add3A_78, %dma_wait3A_79] : memref<40x128xi32, #tpu.memory_space<vmem>> -> memref<1x128xi32, #tpu.memory_space<vmem>>
        %dma_wait3A_81 = tpu.memref_squeeze %dma_wait3A_80 : memref<1x128xi32, #tpu.memory_space<vmem>> -> memref<128xi32, #tpu.memory_space<vmem>>
        %dma_wait3A_82 = arith.constant 0 : i32
        %dma_wait3A_83 = arith.constant 0 : i32
        %dma_wait3A_84 = tpu.memref_slice %arg2[%dma_wait3A_82, %dma_wait3A_83] : memref<10000x128xf32, #tpu.memory_space<hbm>> -> memref<10000x128xf32, #tpu.memory_space<hbm>>
        tpu.wait_indirect_dma semaphore(%arg11 : memref<!tpu.dma_semaphore, #tpu.memory_space<semaphore_mem>>) src(%dma_wait3A_84 : memref<10000x128xf32, #tpu.memory_space<hbm>>) dst(%arg8 : memref<128x128xf32, #tpu.memory_space<vmem>>)
        %add3A_85 = arith.constant 1 : i32
        %add3A_86 = arith.addi %add3A_56, %add3A_85 : i32
        "tpu.region"() ({
          %run_scoped3A_87 = tpu.sem_alloc : memref<!tpu.dma_semaphore, #tpu.memory_space<semaphore_mem>>
          %dma_start3A_88 = arith.constant 0 : i32
          %dma_start3A_89 = tpu.memref_slice %arg6[%add3A_86, %dma_start3A_88] : memref<40x128xi32, #tpu.memory_space<vmem>> -> memref<1x128xi32, #tpu.memory_space<vmem>>
          %dma_start3A_90 = tpu.memref_squeeze %dma_start3A_89 : memref<1x128xi32, #tpu.memory_space<vmem>> -> memref<128xi32, #tpu.memory_space<vmem>>
          %dma_start3A_91 = arith.constant 0 : i32
          %dma_start3A_92 = arith.constant 0 : i32
          %dma_start3A_93 = tpu.memref_slice %arg9[%dma_start3A_91, %dma_start3A_92] : memref<10240x128xf32, #tpu.memory_space<vmem_shared>> -> memref<10240x128xf32, #tpu.memory_space<vmem_shared>>
          tpu.enqueue_indirect_dma source(%arg8 : memref<128x128xf32, #tpu.memory_space<vmem>>) target(%dma_start3A_93 : memref<10240x128xf32, #tpu.memory_space<vmem_shared>>) offsets(%dma_start3A_90 : memref<128xi32, #tpu.memory_space<vmem>>) semaphore(%run_scoped3A_87 : memref<!tpu.dma_semaphore, #tpu.memory_space<semaphore_mem>>) {add = true}
          %dma_wait3A_94 = arith.constant 0 : i32
          %dma_wait3A_95 = tpu.memref_slice %arg6[%add3A_86, %dma_wait3A_94] : memref<40x128xi32, #tpu.memory_space<vmem>> -> memref<1x128xi32, #tpu.memory_space<vmem>>
          %dma_wait3A_96 = tpu.memref_squeeze %dma_wait3A_95 : memref<1x128xi32, #tpu.memory_space<vmem>> -> memref<128xi32, #tpu.memory_space<vmem>>
          %dma_wait3A_97 = arith.constant 0 : i32
          %dma_wait3A_98 = arith.constant 0 : i32
          %dma_wait3A_99 = tpu.memref_slice %arg9[%dma_wait3A_97, %dma_wait3A_98] : memref<10240x128xf32, #tpu.memory_space<vmem_shared>> -> memref<10240x128xf32, #tpu.memory_space<vmem_shared>>
          tpu.wait_indirect_dma semaphore(%run_scoped3A_87 : memref<!tpu.dma_semaphore, #tpu.memory_space<semaphore_mem>>) src(%arg8 : memref<128x128xf32, #tpu.memory_space<vmem>>) dst(%dma_wait3A_99 : memref<10240x128xf32, #tpu.memory_space<vmem_shared>>)
          tpu.yield
        }) : () -> ()
      }
      %scan3A_51 = arith.constant 2 : i32
    } else {
    }
    %barrier3A_19 = arith.constant 0 : index
    tpu.barrier barrier_id(%barrier3A_19)
    %mul3A_20 = arith.constant 640 : i32
    %mul3A_21 = arith.muli %arg1, %mul3A_20 : i32
    %mul3A_22 = arith.constant 640 : i32
    %mul3A_23 = arith.muli %arg1, %mul3A_22 : i32
    "tpu.region"() ({
      %run_scoped3A = tpu.sem_alloc : memref<!tpu.dma_semaphore, #tpu.memory_space<semaphore_mem>>
      %dma_start3A = arith.constant 0 : i32
      %dma_start3A_24 = tpu.memref_slice %arg4[%arg0, %mul3A_23, %dma_start3A] : memref<2x10240x128xf32, #tpu.memory_space<hbm>> -> memref<1x640x128xf32, #tpu.memory_space<hbm>>
      %dma_start3A_25 = tpu.memref_squeeze %dma_start3A_24 : memref<1x640x128xf32, #tpu.memory_space<hbm>> -> memref<640x128xf32, #tpu.memory_space<hbm>>
      %dma_start3A_26 = arith.constant 0 : i32
      %dma_start3A_27 = tpu.memref_slice %arg9[%mul3A_21, %dma_start3A_26] : memref<10240x128xf32, #tpu.memory_space<vmem_shared>> -> memref<640x128xf32, #tpu.memory_space<vmem_shared>>
      tpu.enqueue_dma source(%dma_start3A_27 : memref<640x128xf32, #tpu.memory_space<vmem_shared>>) target(%dma_start3A_25 : memref<640x128xf32, #tpu.memory_space<hbm>>) target_semaphore(%run_scoped3A : memref<!tpu.dma_semaphore, #tpu.memory_space<semaphore_mem>>)
      %dma_wait3A = arith.constant 0 : i32
      %dma_wait3A_28 = tpu.memref_slice %arg4[%arg0, %mul3A_23, %dma_wait3A] : memref<2x10240x128xf32, #tpu.memory_space<hbm>> -> memref<1x640x128xf32, #tpu.memory_space<hbm>>
      %dma_wait3A_29 = tpu.memref_squeeze %dma_wait3A_28 : memref<1x640x128xf32, #tpu.memory_space<hbm>> -> memref<640x128xf32, #tpu.memory_space<hbm>>
      %dma_wait3A_30 = arith.constant 0 : i32
      %dma_wait3A_31 = tpu.memref_slice %arg9[%mul3A_21, %dma_wait3A_30] : memref<10240x128xf32, #tpu.memory_space<vmem_shared>> -> memref<640x128xf32, #tpu.memory_space<vmem_shared>>
      tpu.wait_dma2 semaphore(%run_scoped3A : memref<!tpu.dma_semaphore, #tpu.memory_space<semaphore_mem>>) src(%dma_wait3A_31 : memref<640x128xf32, #tpu.memory_space<vmem_shared>>) dst(%dma_wait3A_29 : memref<640x128xf32, #tpu.memory_space<hbm>>)
      tpu.yield
    }) : () -> ()
    return
  }
}

#map = affine_map<(d0, d1) -> (0, 0)>
#map1 = affine_map<(d0, d1) -> (0, 0, 0)>
module attributes {stable_mosaic.version = 14 : i64} {
  func.func @k(%arg0: i32, %arg1: i32, %arg2: memref<10000x128xf32, #tpu.memory_space<hbm>>, %arg3: memref<2x2500x128xi32, #tpu.memory_space<hbm>>, %arg4: memref<2x10240x128xf32, #tpu.memory_space<hbm>>, %arg5: memref<40x128xi32, #tpu.memory_space<vmem>>, %arg6: memref<40x128xi32, #tpu.memory_space<vmem>>, %arg7: memref<128x128xf32, #tpu.memory_space<vmem>>, %arg8: memref<128x128xf32, #tpu.memory_space<vmem>>, %arg9: memref<10240x128xf32, #tpu.memory_space<vmem_shared>>, %arg10: memref<!tpu.dma_semaphore, #tpu.memory_space<semaphore_mem>>, %arg11: memref<!tpu.dma_semaphore, #tpu.memory_space<semaphore_mem>>) attributes {dimension_semantics = [#tpu.dimension_semantics<core_parallel>, #tpu.dimension_semantics<subcore_parallel>], iteration_bounds = array<i64: 2, 16>, scalar_prefetch = 0 : i64, scratch_operands = 7 : i64, tpu.core_type = #tpu.core_type<sc_vector_subcore>, window_params = [{transform_indices = #map}, {transform_indices = #map1}, {transform_indices = #map1}]} {
    %broadcast_in_dim3A = arith.constant 0.000000e+00 : f32
    %broadcast_in_dim3A_0 = vector.broadcast %broadcast_in_dim3A : f32 to vector<16xf32>
    %scan3A = arith.constant 0 : i32
    %scan3A_1 = arith.constant 128 : i32
    %scan3A_2 = arith.addi %scan3A, %scan3A_1 : i32
    %scan3A_3 = arith.constant 1 : i32
    scf.for %scan3A_24 = %scan3A to %scan3A_2 step %scan3A_3  : i32 {
      %mul3A_25 = arith.constant 1 : i32
      %mul3A_26 = arith.muli %scan3A_24, %mul3A_25 : i32
      %add3A_27 = arith.constant 0 : i32
      %add3A_28 = arith.addi %add3A_27, %mul3A_26 : i32
      %scan3A_29 = arith.constant 0 : i32
      %scan3A_30 = arith.constant 8 : i32
      %scan3A_31 = arith.addi %scan3A_29, %scan3A_30 : i32
      %scan3A_32 = arith.constant 1 : i32
      scf.for %scan3A_34 = %scan3A_29 to %scan3A_31 step %scan3A_32  : i32 {
        %mul3A_35 = arith.constant 16 : i32
        %mul3A_36 = arith.muli %scan3A_34, %mul3A_35 : i32
        %add3A_37 = arith.constant 0 : i32
        %add3A_38 = arith.addi %add3A_37, %mul3A_36 : i32
        %swap3A = arith.index_cast %add3A_28 : i32 to index
        %swap3A_39 = arith.index_cast %add3A_38 : i32 to index
        %swap3A_40 = tpu.vector_load %arg7[%swap3A, %swap3A_39] {strides = array<i32>} : memref<128x128xf32, #tpu.memory_space<vmem>>, vector<1x16xf32>,
        %swap3A_41 = vector.shape_cast %swap3A_40 : vector<1x16xf32> to vector<16xf32>
        %swap3A_42 = vector.shape_cast %broadcast_in_dim3A_0 : vector<16xf32> to vector<1x16xf32>
        tpu.vector_store %arg7[%swap3A, %swap3A_39], %swap3A_42 {strides = array<i32>} : memref<128x128xf32, #tpu.memory_space<vmem>>, vector<1x16xf32>,
      }
      %scan3A_33 = arith.constant 8 : i32
    }
    %scan3A_4 = arith.constant 128 : i32
    %scan3A_5 = arith.constant 0 : i32
    %scan3A_6 = arith.constant 5 : i32
    %scan3A_7 = arith.addi %scan3A_5, %scan3A_6 : i32
    %scan3A_8 = arith.constant 1 : i32
    scf.for %scan3A_24 = %scan3A_5 to %scan3A_7 step %scan3A_8  : i32 {
      %mul3A_25 = arith.constant 128 : i32
      %mul3A_26 = arith.muli %scan3A_24, %mul3A_25 : i32
      %add3A_27 = arith.constant 0 : i32
      %add3A_28 = arith.addi %add3A_27, %mul3A_26 : i32
      %mul3A_29 = arith.constant 640 : i32
      %mul3A_30 = arith.muli %arg1, %mul3A_29 : i32
      %add3A_31 = arith.addi %mul3A_30, %add3A_28 : i32
      "tpu.region"() ({
        %run_scoped3A = tpu.sem_alloc : memref<!tpu.dma_semaphore, #tpu.memory_space<semaphore_mem>>
        %dma_start3A = arith.constant 0 : i32
        %dma_start3A_32 = tpu.memref_slice %arg9[%add3A_31, %dma_start3A] : memref<10240x128xf32, #tpu.memory_space<vmem_shared>> -> memref<128x128xf32, #tpu.memory_space<vmem_shared>>
        %dma_start3A_33 = arith.constant 0 : i32
        %dma_start3A_34 = tpu.memref_slice %arg9[%add3A_31, %dma_start3A_33] : memref<10240x128xf32, #tpu.memory_space<vmem_shared>> -> memref<128x128xf32, #tpu.memory_space<vmem_shared>>
        tpu.enqueue_dma source(%arg7 : memref<128x128xf32, #tpu.memory_space<vmem>>) target(%dma_start3A_34 : memref<128x128xf32, #tpu.memory_space<vmem_shared>>) target_semaphore(%run_scoped3A : memref<!tpu.dma_semaphore, #tpu.memory_space<semaphore_mem>>)
        %dma_wait3A = arith.constant 0 : i32
        %dma_wait3A_35 = tpu.memref_slice %arg9[%add3A_31, %dma_wait3A] : memref<10240x128xf32, #tpu.memory_space<vmem_shared>> -> memref<128x128xf32, #tpu.memory_space<vmem_shared>>
        %dma_wait3A_36 = arith.constant 0 : i32
        %dma_wait3A_37 = tpu.memref_slice %arg9[%add3A_31, %dma_wait3A_36] : memref<10240x128xf32, #tpu.memory_space<vmem_shared>> -> memref<128x128xf32, #tpu.memory_space<vmem_shared>>
        tpu.wait_dma2 semaphore(%run_scoped3A : memref<!tpu.dma_semaphore, #tpu.memory_space<semaphore_mem>>) src(%arg7 : memref<128x128xf32, #tpu.memory_space<vmem>>) dst(%dma_wait3A_37 : memref<128x128xf32, #tpu.memory_space<vmem_shared>>)
        tpu.yield
      }) : () -> ()
    }
    %scan3A_9 = arith.constant 5 : i32
    %barrier3A = arith.constant 0 : index
    tpu.barrier barrier_id(%barrier3A)
    %mul3A = arith.constant 16 : i32
    %mul3A_10 = arith.muli %arg0, %mul3A : i32
    %add3A = arith.addi %mul3A_10, %arg1 : i32
    %mul3A_11 = arith.constant 80 : i32
    %mul3A_12 = arith.muli %add3A, %mul3A_11 : i32
    %lt3A = arith.constant 31 : i32
    %lt3A_13 = arith.cmpi slt, %add3A, %lt3A : i32
    %convert_element_type3A = arith.extui %lt3A_13 : i1 to i32
    %cond3A = arith.constant 0 : i32
    %cond3A_14 = arith.cmpi ne, %convert_element_type3A, %cond3A : i32
    scf.if %cond3A_14 {
      %scan3A_24 = arith.constant 0 : i32
      %scan3A_25 = arith.constant 2 : i32
      %scan3A_26 = arith.addi %scan3A_24, %scan3A_25 : i32
      %scan3A_27 = arith.constant 1 : i32
      scf.for %scan3A_29 = %scan3A_24 to %scan3A_26 step %scan3A_27  : i32 {
        %mul3A_30 = arith.constant 40 : i32
        %mul3A_31 = arith.muli %scan3A_29, %mul3A_30 : i32
        %add3A_32 = arith.constant 0 : i32
        %add3A_33 = arith.addi %add3A_32, %mul3A_31 : i32
        %add3A_34 = arith.addi %mul3A_12, %add3A_33 : i32
        %run_scoped3A = arith.constant 0 : i32
        "tpu.region"() ({
          %run_scoped3A_47 = tpu.sem_alloc : memref<!tpu.dma_semaphore, #tpu.memory_space<semaphore_mem>>
          %dma_start3A_48 = arith.constant 0 : i32
          %dma_start3A_49 = arith.constant 0 : i32
          %dma_start3A_50 = tpu.memref_slice %arg5[%dma_start3A_48, %dma_start3A_49] : memref<40x128xi32, #tpu.memory_space<vmem>> -> memref<40x128xi32, #tpu.memory_space<vmem>>
          %dma_start3A_51 = arith.constant 0 : i32
          %dma_start3A_52 = tpu.memref_slice %arg3[%run_scoped3A, %add3A_34, %dma_start3A_51] : memref<2x2500x128xi32, #tpu.memory_space<hbm>> -> memref<1x40x128xi32, #tpu.memory_space<hbm>>
          %dma_start3A_53 = tpu.memref_squeeze %dma_start3A_52 : memref<1x40x128xi32, #tpu.memory_space<hbm>> -> memref<40x128xi32, #tpu.memory_space<hbm>>
          %dma_start3A_54 = arith.constant 0 : i32
          %dma_start3A_55 = arith.constant 0 : i32
          %dma_start3A_56 = tpu.memref_slice %arg5[%dma_start3A_54, %dma_start3A_55] : memref<40x128xi32, #tpu.memory_space<vmem>> -> memref<40x128xi32, #tpu.memory_space<vmem>>
          %dma_start3A_57 = arith.constant 0 : i32
          %dma_start3A_58 = tpu.memref_slice %arg3[%run_scoped3A, %add3A_34, %dma_start3A_57] : memref<2x2500x128xi32, #tpu.memory_space<hbm>> -> memref<1x40x128xi32, #tpu.memory_space<hbm>>
          %dma_start3A_59 = tpu.memref_squeeze %dma_start3A_58 : memref<1x40x128xi32, #tpu.memory_space<hbm>> -> memref<40x128xi32, #tpu.memory_space<hbm>>
          tpu.enqueue_dma source(%dma_start3A_59 : memref<40x128xi32, #tpu.memory_space<hbm>>) target(%dma_start3A_56 : memref<40x128xi32, #tpu.memory_space<vmem>>) target_semaphore(%run_scoped3A_47 : memref<!tpu.dma_semaphore, #tpu.memory_space<semaphore_mem>>)
          %dma_wait3A = arith.constant 0 : i32
          %dma_wait3A_60 = arith.constant 0 : i32
          %dma_wait3A_61 = tpu.memref_slice %arg5[%dma_wait3A, %dma_wait3A_60] : memref<40x128xi32, #tpu.memory_space<vmem>> -> memref<40x128xi32, #tpu.memory_space<vmem>>
          %dma_wait3A_62 = arith.constant 0 : i32
          %dma_wait3A_63 = tpu.memref_slice %arg3[%run_scoped3A, %add3A_34, %dma_wait3A_62] : memref<2x2500x128xi32, #tpu.memory_space<hbm>> -> memref<1x40x128xi32, #tpu.memory_space<hbm>>
          %dma_wait3A_64 = tpu.memref_squeeze %dma_wait3A_63 : memref<1x40x128xi32, #tpu.memory_space<hbm>> -> memref<40x128xi32, #tpu.memory_space<hbm>>
          %dma_wait3A_65 = arith.constant 0 : i32
          %dma_wait3A_66 = arith.constant 0 : i32
          %dma_wait3A_67 = tpu.memref_slice %arg5[%dma_wait3A_65, %dma_wait3A_66] : memref<40x128xi32, #tpu.memory_space<vmem>> -> memref<40x128xi32, #tpu.memory_space<vmem>>
          %dma_wait3A_68 = arith.constant 0 : i32
          %dma_wait3A_69 = tpu.memref_slice %arg3[%run_scoped3A, %add3A_34, %dma_wait3A_68] : memref<2x2500x128xi32, #tpu.memory_space<hbm>> -> memref<1x40x128xi32, #tpu.memory_space<hbm>>
          %dma_wait3A_70 = tpu.memref_squeeze %dma_wait3A_69 : memref<1x40x128xi32, #tpu.memory_space<hbm>> -> memref<40x128xi32, #tpu.memory_space<hbm>>
          tpu.wait_dma2 semaphore(%run_scoped3A_47 : memref<!tpu.dma_semaphore, #tpu.memory_space<semaphore_mem>>) src(%dma_wait3A_70 : memref<40x128xi32, #tpu.memory_space<hbm>>) dst(%dma_wait3A_67 : memref<40x128xi32, #tpu.memory_space<vmem>>)
          tpu.yield
        }) : () -> ()
        %run_scoped3A_35 = arith.constant 1 : i32
        "tpu.region"() ({
          %run_scoped3A_47 = tpu.sem_alloc : memref<!tpu.dma_semaphore, #tpu.memory_space<semaphore_mem>>
          %dma_start3A_48 = arith.constant 0 : i32
          %dma_start3A_49 = arith.constant 0 : i32
          %dma_start3A_50 = tpu.memref_slice %arg6[%dma_start3A_48, %dma_start3A_49] : memref<40x128xi32, #tpu.memory_space<vmem>> -> memref<40x128xi32, #tpu.memory_space<vmem>>
          %dma_start3A_51 = arith.constant 0 : i32
          %dma_start3A_52 = tpu.memref_slice %arg3[%run_scoped3A_35, %add3A_34, %dma_start3A_51] : memref<2x2500x128xi32, #tpu.memory_space<hbm>> -> memref<1x40x128xi32, #tpu.memory_space<hbm>>
          %dma_start3A_53 = tpu.memref_squeeze %dma_start3A_52 : memref<1x40x128xi32, #tpu.memory_space<hbm>> -> memref<40x128xi32, #tpu.memory_space<hbm>>
          %dma_start3A_54 = arith.constant 0 : i32
          %dma_start3A_55 = arith.constant 0 : i32
          %dma_start3A_56 = tpu.memref_slice %arg6[%dma_start3A_54, %dma_start3A_55] : memref<40x128xi32, #tpu.memory_space<vmem>> -> memref<40x128xi32, #tpu.memory_space<vmem>>
          %dma_start3A_57 = arith.constant 0 : i32
          %dma_start3A_58 = tpu.memref_slice %arg3[%run_scoped3A_35, %add3A_34, %dma_start3A_57] : memref<2x2500x128xi32, #tpu.memory_space<hbm>> -> memref<1x40x128xi32, #tpu.memory_space<hbm>>
          %dma_start3A_59 = tpu.memref_squeeze %dma_start3A_58 : memref<1x40x128xi32, #tpu.memory_space<hbm>> -> memref<40x128xi32, #tpu.memory_space<hbm>>
          tpu.enqueue_dma source(%dma_start3A_59 : memref<40x128xi32, #tpu.memory_space<hbm>>) target(%dma_start3A_56 : memref<40x128xi32, #tpu.memory_space<vmem>>) target_semaphore(%run_scoped3A_47 : memref<!tpu.dma_semaphore, #tpu.memory_space<semaphore_mem>>)
          %dma_wait3A = arith.constant 0 : i32
          %dma_wait3A_60 = arith.constant 0 : i32
          %dma_wait3A_61 = tpu.memref_slice %arg6[%dma_wait3A, %dma_wait3A_60] : memref<40x128xi32, #tpu.memory_space<vmem>> -> memref<40x128xi32, #tpu.memory_space<vmem>>
          %dma_wait3A_62 = arith.constant 0 : i32
          %dma_wait3A_63 = tpu.memref_slice %arg3[%run_scoped3A_35, %add3A_34, %dma_wait3A_62] : memref<2x2500x128xi32, #tpu.memory_space<hbm>> -> memref<1x40x128xi32, #tpu.memory_space<hbm>>
          %dma_wait3A_64 = tpu.memref_squeeze %dma_wait3A_63 : memref<1x40x128xi32, #tpu.memory_space<hbm>> -> memref<40x128xi32, #tpu.memory_space<hbm>>
          %dma_wait3A_65 = arith.constant 0 : i32
          %dma_wait3A_66 = arith.constant 0 : i32
          %dma_wait3A_67 = tpu.memref_slice %arg6[%dma_wait3A_65, %dma_wait3A_66] : memref<40x128xi32, #tpu.memory_space<vmem>> -> memref<40x128xi32, #tpu.memory_space<vmem>>
          %dma_wait3A_68 = arith.constant 0 : i32
          %dma_wait3A_69 = tpu.memref_slice %arg3[%run_scoped3A_35, %add3A_34, %dma_wait3A_68] : memref<2x2500x128xi32, #tpu.memory_space<hbm>> -> memref<1x40x128xi32, #tpu.memory_space<hbm>>
          %dma_wait3A_70 = tpu.memref_squeeze %dma_wait3A_69 : memref<1x40x128xi32, #tpu.memory_space<hbm>> -> memref<40x128xi32, #tpu.memory_space<hbm>>
          tpu.wait_dma2 semaphore(%run_scoped3A_47 : memref<!tpu.dma_semaphore, #tpu.memory_space<semaphore_mem>>) src(%dma_wait3A_70 : memref<40x128xi32, #tpu.memory_space<hbm>>) dst(%dma_wait3A_67 : memref<40x128xi32, #tpu.memory_space<vmem>>)
          tpu.yield
        }) : () -> ()
        %dma_start3A = arith.constant 0 : i32
        %dma_start3A_36 = arith.constant 0 : i32
        %dma_start3A_37 = tpu.memref_slice %arg5[%dma_start3A, %dma_start3A_36] : memref<40x128xi32, #tpu.memory_space<vmem>> -> memref<1x128xi32, #tpu.memory_space<vmem>>
        %dma_start3A_38 = tpu.memref_squeeze %dma_start3A_37 : memref<1x128xi32, #tpu.memory_space<vmem>> -> memref<128xi32, #tpu.memory_space<vmem>>
        %dma_start3A_39 = arith.constant 0 : i32
        %dma_start3A_40 = arith.constant 0 : i32
        %dma_start3A_41 = tpu.memref_slice %arg2[%dma_start3A_39, %dma_start3A_40] : memref<10000x128xf32, #tpu.memory_space<hbm>> -> memref<10000x128xf32, #tpu.memory_space<hbm>>
        tpu.enqueue_indirect_dma source(%dma_start3A_41 : memref<10000x128xf32, #tpu.memory_space<hbm>>) target(%arg7 : memref<128x128xf32, #tpu.memory_space<vmem>>) offsets(%dma_start3A_38 : memref<128xi32, #tpu.memory_space<vmem>>) semaphore(%arg10 : memref<!tpu.dma_semaphore, #tpu.memory_space<semaphore_mem>>)
        %scan3A_42 = arith.constant 0 : i32
        %scan3A_43 = arith.constant 20 : i32
        %scan3A_44 = arith.addi %scan3A_42, %scan3A_43 : i32
        %scan3A_45 = arith.constant 1 : i32
        scf.for %scan3A_47 = %scan3A_42 to %scan3A_44 step %scan3A_45  : i32 {
          %mul3A_48 = arith.constant 2 : i32
          %mul3A_49 = arith.muli %scan3A_47, %mul3A_48 : i32
          %add3A_50 = arith.constant 0 : i32
          %add3A_51 = arith.addi %add3A_50, %mul3A_49 : i32
          %add3A_52 = arith.constant 1 : i32
          %add3A_53 = arith.addi %add3A_51, %add3A_52 : i32
          %dma_start3A_54 = arith.constant 0 : i32
          %dma_start3A_55 = tpu.memref_slice %arg5[%add3A_53, %dma_start3A_54] : memref<40x128xi32, #tpu.memory_space<vmem>> -> memref<1x128xi32, #tpu.memory_space<vmem>>
          %dma_start3A_56 = tpu.memref_squeeze %dma_start3A_55 : memref<1x128xi32, #tpu.memory_space<vmem>> -> memref<128xi32, #tpu.memory_space<vmem>>
          %dma_start3A_57 = arith.constant 0 : i32
          %dma_start3A_58 = arith.constant 0 : i32
          %dma_start3A_59 = tpu.memref_slice %arg2[%dma_start3A_57, %dma_start3A_58] : memref<10000x128xf32, #tpu.memory_space<hbm>> -> memref<10000x128xf32, #tpu.memory_space<hbm>>
          tpu.enqueue_indirect_dma source(%dma_start3A_59 : memref<10000x128xf32, #tpu.memory_space<hbm>>) target(%arg8 : memref<128x128xf32, #tpu.memory_space<vmem>>) offsets(%dma_start3A_56 : memref<128xi32, #tpu.memory_space<vmem>>) semaphore(%arg11 : memref<!tpu.dma_semaphore, #tpu.memory_space<semaphore_mem>>)
          %dma_wait3A = arith.constant 0 : i32
          %dma_wait3A_60 = tpu.memref_slice %arg5[%add3A_51, %dma_wait3A] : memref<40x128xi32, #tpu.memory_space<vmem>> -> memref<1x128xi32, #tpu.memory_space<vmem>>
          %dma_wait3A_61 = tpu.memref_squeeze %dma_wait3A_60 : memref<1x128xi32, #tpu.memory_space<vmem>> -> memref<128xi32, #tpu.memory_space<vmem>>
          %dma_wait3A_62 = arith.constant 0 : i32
          %dma_wait3A_63 = arith.constant 0 : i32
          %dma_wait3A_64 = tpu.memref_slice %arg2[%dma_wait3A_62, %dma_wait3A_63] : memref<10000x128xf32, #tpu.memory_space<hbm>> -> memref<10000x128xf32, #tpu.memory_space<hbm>>
          tpu.wait_indirect_dma semaphore(%arg10 : memref<!tpu.dma_semaphore, #tpu.memory_space<semaphore_mem>>) src(%dma_wait3A_64 : memref<10000x128xf32, #tpu.memory_space<hbm>>) dst(%arg7 : memref<128x128xf32, #tpu.memory_space<vmem>>)
          "tpu.region"() ({
            %run_scoped3A_82 = tpu.sem_alloc : memref<!tpu.dma_semaphore, #tpu.memory_space<semaphore_mem>>
            %dma_start3A_83 = arith.constant 0 : i32
            %dma_start3A_84 = tpu.memref_slice %arg6[%add3A_51, %dma_start3A_83] : memref<40x128xi32, #tpu.memory_space<vmem>> -> memref<1x128xi32, #tpu.memory_space<vmem>>
            %dma_start3A_85 = tpu.memref_squeeze %dma_start3A_84 : memref<1x128xi32, #tpu.memory_space<vmem>> -> memref<128xi32, #tpu.memory_space<vmem>>
            %dma_start3A_86 = arith.constant 0 : i32
            %dma_start3A_87 = arith.constant 0 : i32
            %dma_start3A_88 = tpu.memref_slice %arg9[%dma_start3A_86, %dma_start3A_87] : memref<10240x128xf32, #tpu.memory_space<vmem_shared>> -> memref<10240x128xf32, #tpu.memory_space<vmem_shared>>
            tpu.enqueue_indirect_dma source(%arg7 : memref<128x128xf32, #tpu.memory_space<vmem>>) target(%dma_start3A_88 : memref<10240x128xf32, #tpu.memory_space<vmem_shared>>) offsets(%dma_start3A_85 : memref<128xi32, #tpu.memory_space<vmem>>) semaphore(%run_scoped3A_82 : memref<!tpu.dma_semaphore, #tpu.memory_space<semaphore_mem>>) {add = true}
            %dma_wait3A_89 = arith.constant 0 : i32
            %dma_wait3A_90 = tpu.memref_slice %arg6[%add3A_51, %dma_wait3A_89] : memref<40x128xi32, #tpu.memory_space<vmem>> -> memref<1x128xi32, #tpu.memory_space<vmem>>
            %dma_wait3A_91 = tpu.memref_squeeze %dma_wait3A_90 : memref<1x128xi32, #tpu.memory_space<vmem>> -> memref<128xi32, #tpu.memory_space<vmem>>
            %dma_wait3A_92 = arith.constant 0 : i32
            %dma_wait3A_93 = arith.constant 0 : i32
            %dma_wait3A_94 = tpu.memref_slice %arg9[%dma_wait3A_92, %dma_wait3A_93] : memref<10240x128xf32, #tpu.memory_space<vmem_shared>> -> memref<10240x128xf32, #tpu.memory_space<vmem_shared>>
            tpu.wait_indirect_dma semaphore(%run_scoped3A_82 : memref<!tpu.dma_semaphore, #tpu.memory_space<semaphore_mem>>) src(%arg7 : memref<128x128xf32, #tpu.memory_space<vmem>>) dst(%dma_wait3A_94 : memref<10240x128xf32, #tpu.memory_space<vmem_shared>>)
            tpu.yield
          }) : () -> ()
          %add3A_65 = arith.constant 2 : i32
          %add3A_66 = arith.addi %add3A_51, %add3A_65 : i32
          %lt3A_67 = arith.constant 40 : i32
          %lt3A_68 = arith.cmpi slt, %add3A_66, %lt3A_67 : i32
          %convert_element_type3A_69 = arith.extui %lt3A_68 : i1 to i32
          %cond3A_70 = arith.constant 0 : i32
          %cond3A_71 = arith.cmpi ne, %convert_element_type3A_69, %cond3A_70 : i32
          scf.if %cond3A_71 {
            %add3A_82 = arith.constant 2 : i32
            %add3A_83 = arith.addi %add3A_51, %add3A_82 : i32
            %dma_start3A_84 = arith.constant 0 : i32
            %dma_start3A_85 = tpu.memref_slice %arg5[%add3A_83, %dma_start3A_84] : memref<40x128xi32, #tpu.memory_space<vmem>> -> memref<1x128xi32, #tpu.memory_space<vmem>>
            %dma_start3A_86 = tpu.memref_squeeze %dma_start3A_85 : memref<1x128xi32, #tpu.memory_space<vmem>> -> memref<128xi32, #tpu.memory_space<vmem>>
            %dma_start3A_87 = arith.constant 0 : i32
            %dma_start3A_88 = arith.constant 0 : i32
            %dma_start3A_89 = tpu.memref_slice %arg2[%dma_start3A_87, %dma_start3A_88] : memref<10000x128xf32, #tpu.memory_space<hbm>> -> memref<10000x128xf32, #tpu.memory_space<hbm>>
            tpu.enqueue_indirect_dma source(%dma_start3A_89 : memref<10000x128xf32, #tpu.memory_space<hbm>>) target(%arg7 : memref<128x128xf32, #tpu.memory_space<vmem>>) offsets(%dma_start3A_86 : memref<128xi32, #tpu.memory_space<vmem>>) semaphore(%arg10 : memref<!tpu.dma_semaphore, #tpu.memory_space<semaphore_mem>>)
          } else {
          }
          %add3A_72 = arith.constant 1 : i32
          %add3A_73 = arith.addi %add3A_51, %add3A_72 : i32
          %dma_wait3A_74 = arith.constant 0 : i32
          %dma_wait3A_75 = tpu.memref_slice %arg5[%add3A_73, %dma_wait3A_74] : memref<40x128xi32, #tpu.memory_space<vmem>> -> memref<1x128xi32, #tpu.memory_space<vmem>>
          %dma_wait3A_76 = tpu.memref_squeeze %dma_wait3A_75 : memref<1x128xi32, #tpu.memory_space<vmem>> -> memref<128xi32, #tpu.memory_space<vmem>>
          %dma_wait3A_77 = arith.constant 0 : i32
          %dma_wait3A_78 = arith.constant 0 : i32
          %dma_wait3A_79 = tpu.memref_slice %arg2[%dma_wait3A_77, %dma_wait3A_78] : memref<10000x128xf32, #tpu.memory_space<hbm>> -> memref<10000x128xf32, #tpu.memory_space<hbm>>
          tpu.wait_indirect_dma semaphore(%arg11 : memref<!tpu.dma_semaphore, #tpu.memory_space<semaphore_mem>>) src(%dma_wait3A_79 : memref<10000x128xf32, #tpu.memory_space<hbm>>) dst(%arg8 : memref<128x128xf32, #tpu.memory_space<vmem>>)
          %add3A_80 = arith.constant 1 : i32
          %add3A_81 = arith.addi %add3A_51, %add3A_80 : i32
          "tpu.region"() ({
            %run_scoped3A_82 = tpu.sem_alloc : memref<!tpu.dma_semaphore, #tpu.memory_space<semaphore_mem>>
            %dma_start3A_83 = arith.constant 0 : i32
            %dma_start3A_84 = tpu.memref_slice %arg6[%add3A_81, %dma_start3A_83] : memref<40x128xi32, #tpu.memory_space<vmem>> -> memref<1x128xi32, #tpu.memory_space<vmem>>
            %dma_start3A_85 = tpu.memref_squeeze %dma_start3A_84 : memref<1x128xi32, #tpu.memory_space<vmem>> -> memref<128xi32, #tpu.memory_space<vmem>>
            %dma_start3A_86 = arith.constant 0 : i32
            %dma_start3A_87 = arith.constant 0 : i32
            %dma_start3A_88 = tpu.memref_slice %arg9[%dma_start3A_86, %dma_start3A_87] : memref<10240x128xf32, #tpu.memory_space<vmem_shared>> -> memref<10240x128xf32, #tpu.memory_space<vmem_shared>>
            tpu.enqueue_indirect_dma source(%arg8 : memref<128x128xf32, #tpu.memory_space<vmem>>) target(%dma_start3A_88 : memref<10240x128xf32, #tpu.memory_space<vmem_shared>>) offsets(%dma_start3A_85 : memref<128xi32, #tpu.memory_space<vmem>>) semaphore(%run_scoped3A_82 : memref<!tpu.dma_semaphore, #tpu.memory_space<semaphore_mem>>) {add = true}
            %dma_wait3A_89 = arith.constant 0 : i32
            %dma_wait3A_90 = tpu.memref_slice %arg6[%add3A_81, %dma_wait3A_89] : memref<40x128xi32, #tpu.memory_space<vmem>> -> memref<1x128xi32, #tpu.memory_space<vmem>>
            %dma_wait3A_91 = tpu.memref_squeeze %dma_wait3A_90 : memref<1x128xi32, #tpu.memory_space<vmem>> -> memref<128xi32, #tpu.memory_space<vmem>>
            %dma_wait3A_92 = arith.constant 0 : i32
            %dma_wait3A_93 = arith.constant 0 : i32
            %dma_wait3A_94 = tpu.memref_slice %arg9[%dma_wait3A_92, %dma_wait3A_93] : memref<10240x128xf32, #tpu.memory_space<vmem_shared>> -> memref<10240x128xf32, #tpu.memory_space<vmem_shared>>
            tpu.wait_indirect_dma semaphore(%run_scoped3A_82 : memref<!tpu.dma_semaphore, #tpu.memory_space<semaphore_mem>>) src(%arg8 : memref<128x128xf32, #tpu.memory_space<vmem>>) dst(%dma_wait3A_94 : memref<10240x128xf32, #tpu.memory_space<vmem_shared>>)
            tpu.yield
          }) : () -> ()
        }
        %scan3A_46 = arith.constant 20 : i32
      }
      %scan3A_28 = arith.constant 2 : i32
    } else {
    }
    %eq3A = arith.constant 31 : i32
    %eq3A_15 = arith.cmpi eq, %add3A, %eq3A : i32
    %convert_element_type3A_16 = arith.extui %eq3A_15 : i1 to i32
    %cond3A_17 = arith.constant 0 : i32
    %cond3A_18 = arith.cmpi ne, %convert_element_type3A_16, %cond3A_17 : i32
    scf.if %cond3A_18 {
      %run_scoped3A = arith.constant 0 : i32
      "tpu.region"() ({
        %run_scoped3A_52 = tpu.sem_alloc : memref<!tpu.dma_semaphore, #tpu.memory_space<semaphore_mem>>
        %dma_start3A_53 = arith.constant 0 : i32
        %dma_start3A_54 = arith.constant 0 : i32
        %dma_start3A_55 = tpu.memref_slice %arg5[%dma_start3A_53, %dma_start3A_54] : memref<40x128xi32, #tpu.memory_space<vmem>> -> memref<16x128xi32, #tpu.memory_space<vmem>>
        %dma_start3A_56 = arith.constant 0 : i32
        %dma_start3A_57 = tpu.memref_slice %arg3[%run_scoped3A, %mul3A_12, %dma_start3A_56] : memref<2x2500x128xi32, #tpu.memory_space<hbm>> -> memref<1x16x128xi32, #tpu.memory_space<hbm>>
        %dma_start3A_58 = tpu.memref_squeeze %dma_start3A_57 : memref<1x16x128xi32, #tpu.memory_space<hbm>> -> memref<16x128xi32, #tpu.memory_space<hbm>>
        %dma_start3A_59 = arith.constant 0 : i32
        %dma_start3A_60 = arith.constant 0 : i32
        %dma_start3A_61 = tpu.memref_slice %arg5[%dma_start3A_59, %dma_start3A_60] : memref<40x128xi32, #tpu.memory_space<vmem>> -> memref<16x128xi32, #tpu.memory_space<vmem>>
        %dma_start3A_62 = arith.constant 0 : i32
        %dma_start3A_63 = tpu.memref_slice %arg3[%run_scoped3A, %mul3A_12, %dma_start3A_62] : memref<2x2500x128xi32, #tpu.memory_space<hbm>> -> memref<1x16x128xi32, #tpu.memory_space<hbm>>
        %dma_start3A_64 = tpu.memref_squeeze %dma_start3A_63 : memref<1x16x128xi32, #tpu.memory_space<hbm>> -> memref<16x128xi32, #tpu.memory_space<hbm>>
        tpu.enqueue_dma source(%dma_start3A_64 : memref<16x128xi32, #tpu.memory_space<hbm>>) target(%dma_start3A_61 : memref<16x128xi32, #tpu.memory_space<vmem>>) target_semaphore(%run_scoped3A_52 : memref<!tpu.dma_semaphore, #tpu.memory_space<semaphore_mem>>)
        %dma_wait3A = arith.constant 0 : i32
        %dma_wait3A_65 = arith.constant 0 : i32
        %dma_wait3A_66 = tpu.memref_slice %arg5[%dma_wait3A, %dma_wait3A_65] : memref<40x128xi32, #tpu.memory_space<vmem>> -> memref<16x128xi32, #tpu.memory_space<vmem>>
        %dma_wait3A_67 = arith.constant 0 : i32
        %dma_wait3A_68 = tpu.memref_slice %arg3[%run_scoped3A, %mul3A_12, %dma_wait3A_67] : memref<2x2500x128xi32, #tpu.memory_space<hbm>> -> memref<1x16x128xi32, #tpu.memory_space<hbm>>
        %dma_wait3A_69 = tpu.memref_squeeze %dma_wait3A_68 : memref<1x16x128xi32, #tpu.memory_space<hbm>> -> memref<16x128xi32, #tpu.memory_space<hbm>>
        %dma_wait3A_70 = arith.constant 0 : i32
        %dma_wait3A_71 = arith.constant 0 : i32
        %dma_wait3A_72 = tpu.memref_slice %arg5[%dma_wait3A_70, %dma_wait3A_71] : memref<40x128xi32, #tpu.memory_space<vmem>> -> memref<16x128xi32, #tpu.memory_space<vmem>>
        %dma_wait3A_73 = arith.constant 0 : i32
        %dma_wait3A_74 = tpu.memref_slice %arg3[%run_scoped3A, %mul3A_12, %dma_wait3A_73] : memref<2x2500x128xi32, #tpu.memory_space<hbm>> -> memref<1x16x128xi32, #tpu.memory_space<hbm>>
        %dma_wait3A_75 = tpu.memref_squeeze %dma_wait3A_74 : memref<1x16x128xi32, #tpu.memory_space<hbm>> -> memref<16x128xi32, #tpu.memory_space<hbm>>
        tpu.wait_dma2 semaphore(%run_scoped3A_52 : memref<!tpu.dma_semaphore, #tpu.memory_space<semaphore_mem>>) src(%dma_wait3A_75 : memref<16x128xi32, #tpu.memory_space<hbm>>) dst(%dma_wait3A_72 : memref<16x128xi32, #tpu.memory_space<vmem>>)
        tpu.yield
      }) : () -> ()
      %run_scoped3A_24 = arith.constant 1 : i32
      "tpu.region"() ({
        %run_scoped3A_52 = tpu.sem_alloc : memref<!tpu.dma_semaphore, #tpu.memory_space<semaphore_mem>>
        %dma_start3A_53 = arith.constant 0 : i32
        %dma_start3A_54 = arith.constant 0 : i32
        %dma_start3A_55 = tpu.memref_slice %arg6[%dma_start3A_53, %dma_start3A_54] : memref<40x128xi32, #tpu.memory_space<vmem>> -> memref<16x128xi32, #tpu.memory_space<vmem>>
        %dma_start3A_56 = arith.constant 0 : i32
        %dma_start3A_57 = tpu.memref_slice %arg3[%run_scoped3A_24, %mul3A_12, %dma_start3A_56] : memref<2x2500x128xi32, #tpu.memory_space<hbm>> -> memref<1x16x128xi32, #tpu.memory_space<hbm>>
        %dma_start3A_58 = tpu.memref_squeeze %dma_start3A_57 : memref<1x16x128xi32, #tpu.memory_space<hbm>> -> memref<16x128xi32, #tpu.memory_space<hbm>>
        %dma_start3A_59 = arith.constant 0 : i32
        %dma_start3A_60 = arith.constant 0 : i32
        %dma_start3A_61 = tpu.memref_slice %arg6[%dma_start3A_59, %dma_start3A_60] : memref<40x128xi32, #tpu.memory_space<vmem>> -> memref<16x128xi32, #tpu.memory_space<vmem>>
        %dma_start3A_62 = arith.constant 0 : i32
        %dma_start3A_63 = tpu.memref_slice %arg3[%run_scoped3A_24, %mul3A_12, %dma_start3A_62] : memref<2x2500x128xi32, #tpu.memory_space<hbm>> -> memref<1x16x128xi32, #tpu.memory_space<hbm>>
        %dma_start3A_64 = tpu.memref_squeeze %dma_start3A_63 : memref<1x16x128xi32, #tpu.memory_space<hbm>> -> memref<16x128xi32, #tpu.memory_space<hbm>>
        tpu.enqueue_dma source(%dma_start3A_64 : memref<16x128xi32, #tpu.memory_space<hbm>>) target(%dma_start3A_61 : memref<16x128xi32, #tpu.memory_space<vmem>>) target_semaphore(%run_scoped3A_52 : memref<!tpu.dma_semaphore, #tpu.memory_space<semaphore_mem>>)
        %dma_wait3A = arith.constant 0 : i32
        %dma_wait3A_65 = arith.constant 0 : i32
        %dma_wait3A_66 = tpu.memref_slice %arg6[%dma_wait3A, %dma_wait3A_65] : memref<40x128xi32, #tpu.memory_space<vmem>> -> memref<16x128xi32, #tpu.memory_space<vmem>>
        %dma_wait3A_67 = arith.constant 0 : i32
        %dma_wait3A_68 = tpu.memref_slice %arg3[%run_scoped3A_24, %mul3A_12, %dma_wait3A_67] : memref<2x2500x128xi32, #tpu.memory_space<hbm>> -> memref<1x16x128xi32, #tpu.memory_space<hbm>>
        %dma_wait3A_69 = tpu.memref_squeeze %dma_wait3A_68 : memref<1x16x128xi32, #tpu.memory_space<hbm>> -> memref<16x128xi32, #tpu.memory_space<hbm>>
        %dma_wait3A_70 = arith.constant 0 : i32
        %dma_wait3A_71 = arith.constant 0 : i32
        %dma_wait3A_72 = tpu.memref_slice %arg6[%dma_wait3A_70, %dma_wait3A_71] : memref<40x128xi32, #tpu.memory_space<vmem>> -> memref<16x128xi32, #tpu.memory_space<vmem>>
        %dma_wait3A_73 = arith.constant 0 : i32
        %dma_wait3A_74 = tpu.memref_slice %arg3[%run_scoped3A_24, %mul3A_12, %dma_wait3A_73] : memref<2x2500x128xi32, #tpu.memory_space<hbm>> -> memref<1x16x128xi32, #tpu.memory_space<hbm>>
        %dma_wait3A_75 = tpu.memref_squeeze %dma_wait3A_74 : memref<1x16x128xi32, #tpu.memory_space<hbm>> -> memref<16x128xi32, #tpu.memory_space<hbm>>
        tpu.wait_dma2 semaphore(%run_scoped3A_52 : memref<!tpu.dma_semaphore, #tpu.memory_space<semaphore_mem>>) src(%dma_wait3A_75 : memref<16x128xi32, #tpu.memory_space<hbm>>) dst(%dma_wait3A_72 : memref<16x128xi32, #tpu.memory_space<vmem>>)
        tpu.yield
      }) : () -> ()
      %dma_start3A = arith.constant 0 : i32
      %dma_start3A_25 = arith.constant 0 : i32
      %dma_start3A_26 = tpu.memref_slice %arg5[%dma_start3A, %dma_start3A_25] : memref<40x128xi32, #tpu.memory_space<vmem>> -> memref<1x128xi32, #tpu.memory_space<vmem>>
      %dma_start3A_27 = tpu.memref_squeeze %dma_start3A_26 : memref<1x128xi32, #tpu.memory_space<vmem>> -> memref<128xi32, #tpu.memory_space<vmem>>
      %dma_start3A_28 = arith.constant 0 : i32
      %dma_start3A_29 = arith.constant 0 : i32
      %dma_start3A_30 = tpu.memref_slice %arg2[%dma_start3A_28, %dma_start3A_29] : memref<10000x128xf32, #tpu.memory_space<hbm>> -> memref<10000x128xf32, #tpu.memory_space<hbm>>
      tpu.enqueue_indirect_dma source(%dma_start3A_30 : memref<10000x128xf32, #tpu.memory_space<hbm>>) target(%arg7 : memref<128x128xf32, #tpu.memory_space<vmem>>) offsets(%dma_start3A_27 : memref<128xi32, #tpu.memory_space<vmem>>) semaphore(%arg10 : memref<!tpu.dma_semaphore, #tpu.memory_space<semaphore_mem>>)
      %scan3A_31 = arith.constant 0 : i32
      %scan3A_32 = arith.constant 8 : i32
      %scan3A_33 = arith.addi %scan3A_31, %scan3A_32 : i32
      %scan3A_34 = arith.constant 1 : i32
      scf.for %scan3A_52 = %scan3A_31 to %scan3A_33 step %scan3A_34  : i32 {
        %mul3A_53 = arith.constant 2 : i32
        %mul3A_54 = arith.muli %scan3A_52, %mul3A_53 : i32
        %add3A_55 = arith.constant 0 : i32
        %add3A_56 = arith.addi %add3A_55, %mul3A_54 : i32
        %add3A_57 = arith.constant 1 : i32
        %add3A_58 = arith.addi %add3A_56, %add3A_57 : i32
        %dma_start3A_59 = arith.constant 0 : i32
        %dma_start3A_60 = tpu.memref_slice %arg5[%add3A_58, %dma_start3A_59] : memref<40x128xi32, #tpu.memory_space<vmem>> -> memref<1x128xi32, #tpu.memory_space<vmem>>
        %dma_start3A_61 = tpu.memref_squeeze %dma_start3A_60 : memref<1x128xi32, #tpu.memory_space<vmem>> -> memref<128xi32, #tpu.memory_space<vmem>>
        %dma_start3A_62 = arith.constant 0 : i32
        %dma_start3A_63 = arith.constant 0 : i32
        %dma_start3A_64 = tpu.memref_slice %arg2[%dma_start3A_62, %dma_start3A_63] : memref<10000x128xf32, #tpu.memory_space<hbm>> -> memref<10000x128xf32, #tpu.memory_space<hbm>>
        tpu.enqueue_indirect_dma source(%dma_start3A_64 : memref<10000x128xf32, #tpu.memory_space<hbm>>) target(%arg8 : memref<128x128xf32, #tpu.memory_space<vmem>>) offsets(%dma_start3A_61 : memref<128xi32, #tpu.memory_space<vmem>>) semaphore(%arg11 : memref<!tpu.dma_semaphore, #tpu.memory_space<semaphore_mem>>)
        %dma_wait3A = arith.constant 0 : i32
        %dma_wait3A_65 = tpu.memref_slice %arg5[%add3A_56, %dma_wait3A] : memref<40x128xi32, #tpu.memory_space<vmem>> -> memref<1x128xi32, #tpu.memory_space<vmem>>
        %dma_wait3A_66 = tpu.memref_squeeze %dma_wait3A_65 : memref<1x128xi32, #tpu.memory_space<vmem>> -> memref<128xi32, #tpu.memory_space<vmem>>
        %dma_wait3A_67 = arith.constant 0 : i32
        %dma_wait3A_68 = arith.constant 0 : i32
        %dma_wait3A_69 = tpu.memref_slice %arg2[%dma_wait3A_67, %dma_wait3A_68] : memref<10000x128xf32, #tpu.memory_space<hbm>> -> memref<10000x128xf32, #tpu.memory_space<hbm>>
        tpu.wait_indirect_dma semaphore(%arg10 : memref<!tpu.dma_semaphore, #tpu.memory_space<semaphore_mem>>) src(%dma_wait3A_69 : memref<10000x128xf32, #tpu.memory_space<hbm>>) dst(%arg7 : memref<128x128xf32, #tpu.memory_space<vmem>>)
        "tpu.region"() ({
          %run_scoped3A_87 = tpu.sem_alloc : memref<!tpu.dma_semaphore, #tpu.memory_space<semaphore_mem>>
          %dma_start3A_88 = arith.constant 0 : i32
          %dma_start3A_89 = tpu.memref_slice %arg6[%add3A_56, %dma_start3A_88] : memref<40x128xi32, #tpu.memory_space<vmem>> -> memref<1x128xi32, #tpu.memory_space<vmem>>
          %dma_start3A_90 = tpu.memref_squeeze %dma_start3A_89 : memref<1x128xi32, #tpu.memory_space<vmem>> -> memref<128xi32, #tpu.memory_space<vmem>>
          %dma_start3A_91 = arith.constant 0 : i32
          %dma_start3A_92 = arith.constant 0 : i32
          %dma_start3A_93 = tpu.memref_slice %arg9[%dma_start3A_91, %dma_start3A_92] : memref<10240x128xf32, #tpu.memory_space<vmem_shared>> -> memref<10240x128xf32, #tpu.memory_space<vmem_shared>>
          tpu.enqueue_indirect_dma source(%arg7 : memref<128x128xf32, #tpu.memory_space<vmem>>) target(%dma_start3A_93 : memref<10240x128xf32, #tpu.memory_space<vmem_shared>>) offsets(%dma_start3A_90 : memref<128xi32, #tpu.memory_space<vmem>>) semaphore(%run_scoped3A_87 : memref<!tpu.dma_semaphore, #tpu.memory_space<semaphore_mem>>) {add = true}
          %dma_wait3A_94 = arith.constant 0 : i32
          %dma_wait3A_95 = tpu.memref_slice %arg6[%add3A_56, %dma_wait3A_94] : memref<40x128xi32, #tpu.memory_space<vmem>> -> memref<1x128xi32, #tpu.memory_space<vmem>>
          %dma_wait3A_96 = tpu.memref_squeeze %dma_wait3A_95 : memref<1x128xi32, #tpu.memory_space<vmem>> -> memref<128xi32, #tpu.memory_space<vmem>>
          %dma_wait3A_97 = arith.constant 0 : i32
          %dma_wait3A_98 = arith.constant 0 : i32
          %dma_wait3A_99 = tpu.memref_slice %arg9[%dma_wait3A_97, %dma_wait3A_98] : memref<10240x128xf32, #tpu.memory_space<vmem_shared>> -> memref<10240x128xf32, #tpu.memory_space<vmem_shared>>
          tpu.wait_indirect_dma semaphore(%run_scoped3A_87 : memref<!tpu.dma_semaphore, #tpu.memory_space<semaphore_mem>>) src(%arg7 : memref<128x128xf32, #tpu.memory_space<vmem>>) dst(%dma_wait3A_99 : memref<10240x128xf32, #tpu.memory_space<vmem_shared>>)
          tpu.yield
        }) : () -> ()
        %add3A_70 = arith.constant 2 : i32
        %add3A_71 = arith.addi %add3A_56, %add3A_70 : i32
        %lt3A_72 = arith.constant 16 : i32
        %lt3A_73 = arith.cmpi slt, %add3A_71, %lt3A_72 : i32
        %convert_element_type3A_74 = arith.extui %lt3A_73 : i1 to i32
        %cond3A_75 = arith.constant 0 : i32
        %cond3A_76 = arith.cmpi ne, %convert_element_type3A_74, %cond3A_75 : i32
        scf.if %cond3A_76 {
          %add3A_87 = arith.constant 2 : i32
          %add3A_88 = arith.addi %add3A_56, %add3A_87 : i32
          %dma_start3A_89 = arith.constant 0 : i32
          %dma_start3A_90 = tpu.memref_slice %arg5[%add3A_88, %dma_start3A_89] : memref<40x128xi32, #tpu.memory_space<vmem>> -> memref<1x128xi32, #tpu.memory_space<vmem>>
          %dma_start3A_91 = tpu.memref_squeeze %dma_start3A_90 : memref<1x128xi32, #tpu.memory_space<vmem>> -> memref<128xi32, #tpu.memory_space<vmem>>
          %dma_start3A_92 = arith.constant 0 : i32
          %dma_start3A_93 = arith.constant 0 : i32
          %dma_start3A_94 = tpu.memref_slice %arg2[%dma_start3A_92, %dma_start3A_93] : memref<10000x128xf32, #tpu.memory_space<hbm>> -> memref<10000x128xf32, #tpu.memory_space<hbm>>
          tpu.enqueue_indirect_dma source(%dma_start3A_94 : memref<10000x128xf32, #tpu.memory_space<hbm>>) target(%arg7 : memref<128x128xf32, #tpu.memory_space<vmem>>) offsets(%dma_start3A_91 : memref<128xi32, #tpu.memory_space<vmem>>) semaphore(%arg10 : memref<!tpu.dma_semaphore, #tpu.memory_space<semaphore_mem>>)
        } else {
        }
        %add3A_77 = arith.constant 1 : i32
        %add3A_78 = arith.addi %add3A_56, %add3A_77 : i32
        %dma_wait3A_79 = arith.constant 0 : i32
        %dma_wait3A_80 = tpu.memref_slice %arg5[%add3A_78, %dma_wait3A_79] : memref<40x128xi32, #tpu.memory_space<vmem>> -> memref<1x128xi32, #tpu.memory_space<vmem>>
        %dma_wait3A_81 = tpu.memref_squeeze %dma_wait3A_80 : memref<1x128xi32, #tpu.memory_space<vmem>> -> memref<128xi32, #tpu.memory_space<vmem>>
        %dma_wait3A_82 = arith.constant 0 : i32
        %dma_wait3A_83 = arith.constant 0 : i32
        %dma_wait3A_84 = tpu.memref_slice %arg2[%dma_wait3A_82, %dma_wait3A_83] : memref<10000x128xf32, #tpu.memory_space<hbm>> -> memref<10000x128xf32, #tpu.memory_space<hbm>>
        tpu.wait_indirect_dma semaphore(%arg11 : memref<!tpu.dma_semaphore, #tpu.memory_space<semaphore_mem>>) src(%dma_wait3A_84 : memref<10000x128xf32, #tpu.memory_space<hbm>>) dst(%arg8 : memref<128x128xf32, #tpu.memory_space<vmem>>)
        %add3A_85 = arith.constant 1 : i32
        %add3A_86 = arith.addi %add3A_56, %add3A_85 : i32
        "tpu.region"() ({
          %run_scoped3A_87 = tpu.sem_alloc : memref<!tpu.dma_semaphore, #tpu.memory_space<semaphore_mem>>
          %dma_start3A_88 = arith.constant 0 : i32
          %dma_start3A_89 = tpu.memref_slice %arg6[%add3A_86, %dma_start3A_88] : memref<40x128xi32, #tpu.memory_space<vmem>> -> memref<1x128xi32, #tpu.memory_space<vmem>>
          %dma_start3A_90 = tpu.memref_squeeze %dma_start3A_89 : memref<1x128xi32, #tpu.memory_space<vmem>> -> memref<128xi32, #tpu.memory_space<vmem>>
          %dma_start3A_91 = arith.constant 0 : i32
          %dma_start3A_92 = arith.constant 0 : i32
          %dma_start3A_93 = tpu.memref_slice %arg9[%dma_start3A_91, %dma_start3A_92] : memref<10240x128xf32, #tpu.memory_space<vmem_shared>> -> memref<10240x128xf32, #tpu.memory_space<vmem_shared>>
          tpu.enqueue_indirect_dma source(%arg8 : memref<128x128xf32, #tpu.memory_space<vmem>>) target(%dma_start3A_93 : memref<10240x128xf32, #tpu.memory_space<vmem_shared>>) offsets(%dma_start3A_90 : memref<128xi32, #tpu.memory_space<vmem>>) semaphore(%run_scoped3A_87 : memref<!tpu.dma_semaphore, #tpu.memory_space<semaphore_mem>>) {add = true}
          %dma_wait3A_94 = arith.constant 0 : i32
          %dma_wait3A_95 = tpu.memref_slice %arg6[%add3A_86, %dma_wait3A_94] : memref<40x128xi32, #tpu.memory_space<vmem>> -> memref<1x128xi32, #tpu.memory_space<vmem>>
          %dma_wait3A_96 = tpu.memref_squeeze %dma_wait3A_95 : memref<1x128xi32, #tpu.memory_space<vmem>> -> memref<128xi32, #tpu.memory_space<vmem>>
          %dma_wait3A_97 = arith.constant 0 : i32
          %dma_wait3A_98 = arith.constant 0 : i32
          %dma_wait3A_99 = tpu.memref_slice %arg9[%dma_wait3A_97, %dma_wait3A_98] : memref<10240x128xf32, #tpu.memory_space<vmem_shared>> -> memref<10240x128xf32, #tpu.memory_space<vmem_shared>>
          tpu.wait_indirect_dma semaphore(%run_scoped3A_87 : memref<!tpu.dma_semaphore, #tpu.memory_space<semaphore_mem>>) src(%arg8 : memref<128x128xf32, #tpu.memory_space<vmem>>) dst(%dma_wait3A_99 : memref<10240x128xf32, #tpu.memory_space<vmem_shared>>)
          tpu.yield
        }) : () -> ()
      }
      %scan3A_35 = arith.constant 8 : i32
      %add3A_36 = arith.constant 16 : i32
      %add3A_37 = arith.addi %mul3A_12, %add3A_36 : i32
      %run_scoped3A_38 = arith.constant 0 : i32
      "tpu.region"() ({
        %run_scoped3A_52 = tpu.sem_alloc : memref<!tpu.dma_semaphore, #tpu.memory_space<semaphore_mem>>
        %dma_start3A_53 = arith.constant 0 : i32
        %dma_start3A_54 = arith.constant 0 : i32
        %dma_start3A_55 = tpu.memref_slice %arg5[%dma_start3A_53, %dma_start3A_54] : memref<40x128xi32, #tpu.memory_space<vmem>> -> memref<4x128xi32, #tpu.memory_space<vmem>>
        %dma_start3A_56 = arith.constant 0 : i32
        %dma_start3A_57 = tpu.memref_slice %arg3[%run_scoped3A_38, %add3A_37, %dma_start3A_56] : memref<2x2500x128xi32, #tpu.memory_space<hbm>> -> memref<1x4x128xi32, #tpu.memory_space<hbm>>
        %dma_start3A_58 = tpu.memref_squeeze %dma_start3A_57 : memref<1x4x128xi32, #tpu.memory_space<hbm>> -> memref<4x128xi32, #tpu.memory_space<hbm>>
        %dma_start3A_59 = arith.constant 0 : i32
        %dma_start3A_60 = arith.constant 0 : i32
        %dma_start3A_61 = tpu.memref_slice %arg5[%dma_start3A_59, %dma_start3A_60] : memref<40x128xi32, #tpu.memory_space<vmem>> -> memref<4x128xi32, #tpu.memory_space<vmem>>
        %dma_start3A_62 = arith.constant 0 : i32
        %dma_start3A_63 = tpu.memref_slice %arg3[%run_scoped3A_38, %add3A_37, %dma_start3A_62] : memref<2x2500x128xi32, #tpu.memory_space<hbm>> -> memref<1x4x128xi32, #tpu.memory_space<hbm>>
        %dma_start3A_64 = tpu.memref_squeeze %dma_start3A_63 : memref<1x4x128xi32, #tpu.memory_space<hbm>> -> memref<4x128xi32, #tpu.memory_space<hbm>>
        tpu.enqueue_dma source(%dma_start3A_64 : memref<4x128xi32, #tpu.memory_space<hbm>>) target(%dma_start3A_61 : memref<4x128xi32, #tpu.memory_space<vmem>>) target_semaphore(%run_scoped3A_52 : memref<!tpu.dma_semaphore, #tpu.memory_space<semaphore_mem>>)
        %dma_wait3A = arith.constant 0 : i32
        %dma_wait3A_65 = arith.constant 0 : i32
        %dma_wait3A_66 = tpu.memref_slice %arg5[%dma_wait3A, %dma_wait3A_65] : memref<40x128xi32, #tpu.memory_space<vmem>> -> memref<4x128xi32, #tpu.memory_space<vmem>>
        %dma_wait3A_67 = arith.constant 0 : i32
        %dma_wait3A_68 = tpu.memref_slice %arg3[%run_scoped3A_38, %add3A_37, %dma_wait3A_67] : memref<2x2500x128xi32, #tpu.memory_space<hbm>> -> memref<1x4x128xi32, #tpu.memory_space<hbm>>
        %dma_wait3A_69 = tpu.memref_squeeze %dma_wait3A_68 : memref<1x4x128xi32, #tpu.memory_space<hbm>> -> memref<4x128xi32, #tpu.memory_space<hbm>>
        %dma_wait3A_70 = arith.constant 0 : i32
        %dma_wait3A_71 = arith.constant 0 : i32
        %dma_wait3A_72 = tpu.memref_slice %arg5[%dma_wait3A_70, %dma_wait3A_71] : memref<40x128xi32, #tpu.memory_space<vmem>> -> memref<4x128xi32, #tpu.memory_space<vmem>>
        %dma_wait3A_73 = arith.constant 0 : i32
        %dma_wait3A_74 = tpu.memref_slice %arg3[%run_scoped3A_38, %add3A_37, %dma_wait3A_73] : memref<2x2500x128xi32, #tpu.memory_space<hbm>> -> memref<1x4x128xi32, #tpu.memory_space<hbm>>
        %dma_wait3A_75 = tpu.memref_squeeze %dma_wait3A_74 : memref<1x4x128xi32, #tpu.memory_space<hbm>> -> memref<4x128xi32, #tpu.memory_space<hbm>>
        tpu.wait_dma2 semaphore(%run_scoped3A_52 : memref<!tpu.dma_semaphore, #tpu.memory_space<semaphore_mem>>) src(%dma_wait3A_75 : memref<4x128xi32, #tpu.memory_space<hbm>>) dst(%dma_wait3A_72 : memref<4x128xi32, #tpu.memory_space<vmem>>)
        tpu.yield
      }) : () -> ()
      %run_scoped3A_39 = arith.constant 1 : i32
      "tpu.region"() ({
        %run_scoped3A_52 = tpu.sem_alloc : memref<!tpu.dma_semaphore, #tpu.memory_space<semaphore_mem>>
        %dma_start3A_53 = arith.constant 0 : i32
        %dma_start3A_54 = arith.constant 0 : i32
        %dma_start3A_55 = tpu.memref_slice %arg6[%dma_start3A_53, %dma_start3A_54] : memref<40x128xi32, #tpu.memory_space<vmem>> -> memref<4x128xi32, #tpu.memory_space<vmem>>
        %dma_start3A_56 = arith.constant 0 : i32
        %dma_start3A_57 = tpu.memref_slice %arg3[%run_scoped3A_39, %add3A_37, %dma_start3A_56] : memref<2x2500x128xi32, #tpu.memory_space<hbm>> -> memref<1x4x128xi32, #tpu.memory_space<hbm>>
        %dma_start3A_58 = tpu.memref_squeeze %dma_start3A_57 : memref<1x4x128xi32, #tpu.memory_space<hbm>> -> memref<4x128xi32, #tpu.memory_space<hbm>>
        %dma_start3A_59 = arith.constant 0 : i32
        %dma_start3A_60 = arith.constant 0 : i32
        %dma_start3A_61 = tpu.memref_slice %arg6[%dma_start3A_59, %dma_start3A_60] : memref<40x128xi32, #tpu.memory_space<vmem>> -> memref<4x128xi32, #tpu.memory_space<vmem>>
        %dma_start3A_62 = arith.constant 0 : i32
        %dma_start3A_63 = tpu.memref_slice %arg3[%run_scoped3A_39, %add3A_37, %dma_start3A_62] : memref<2x2500x128xi32, #tpu.memory_space<hbm>> -> memref<1x4x128xi32, #tpu.memory_space<hbm>>
        %dma_start3A_64 = tpu.memref_squeeze %dma_start3A_63 : memref<1x4x128xi32, #tpu.memory_space<hbm>> -> memref<4x128xi32, #tpu.memory_space<hbm>>
        tpu.enqueue_dma source(%dma_start3A_64 : memref<4x128xi32, #tpu.memory_space<hbm>>) target(%dma_start3A_61 : memref<4x128xi32, #tpu.memory_space<vmem>>) target_semaphore(%run_scoped3A_52 : memref<!tpu.dma_semaphore, #tpu.memory_space<semaphore_mem>>)
        %dma_wait3A = arith.constant 0 : i32
        %dma_wait3A_65 = arith.constant 0 : i32
        %dma_wait3A_66 = tpu.memref_slice %arg6[%dma_wait3A, %dma_wait3A_65] : memref<40x128xi32, #tpu.memory_space<vmem>> -> memref<4x128xi32, #tpu.memory_space<vmem>>
        %dma_wait3A_67 = arith.constant 0 : i32
        %dma_wait3A_68 = tpu.memref_slice %arg3[%run_scoped3A_39, %add3A_37, %dma_wait3A_67] : memref<2x2500x128xi32, #tpu.memory_space<hbm>> -> memref<1x4x128xi32, #tpu.memory_space<hbm>>
        %dma_wait3A_69 = tpu.memref_squeeze %dma_wait3A_68 : memref<1x4x128xi32, #tpu.memory_space<hbm>> -> memref<4x128xi32, #tpu.memory_space<hbm>>
        %dma_wait3A_70 = arith.constant 0 : i32
        %dma_wait3A_71 = arith.constant 0 : i32
        %dma_wait3A_72 = tpu.memref_slice %arg6[%dma_wait3A_70, %dma_wait3A_71] : memref<40x128xi32, #tpu.memory_space<vmem>> -> memref<4x128xi32, #tpu.memory_space<vmem>>
        %dma_wait3A_73 = arith.constant 0 : i32
        %dma_wait3A_74 = tpu.memref_slice %arg3[%run_scoped3A_39, %add3A_37, %dma_wait3A_73] : memref<2x2500x128xi32, #tpu.memory_space<hbm>> -> memref<1x4x128xi32, #tpu.memory_space<hbm>>
        %dma_wait3A_75 = tpu.memref_squeeze %dma_wait3A_74 : memref<1x4x128xi32, #tpu.memory_space<hbm>> -> memref<4x128xi32, #tpu.memory_space<hbm>>
        tpu.wait_dma2 semaphore(%run_scoped3A_52 : memref<!tpu.dma_semaphore, #tpu.memory_space<semaphore_mem>>) src(%dma_wait3A_75 : memref<4x128xi32, #tpu.memory_space<hbm>>) dst(%dma_wait3A_72 : memref<4x128xi32, #tpu.memory_space<vmem>>)
        tpu.yield
      }) : () -> ()
      %dma_start3A_40 = arith.constant 0 : i32
      %dma_start3A_41 = arith.constant 0 : i32
      %dma_start3A_42 = tpu.memref_slice %arg5[%dma_start3A_40, %dma_start3A_41] : memref<40x128xi32, #tpu.memory_space<vmem>> -> memref<1x128xi32, #tpu.memory_space<vmem>>
      %dma_start3A_43 = tpu.memref_squeeze %dma_start3A_42 : memref<1x128xi32, #tpu.memory_space<vmem>> -> memref<128xi32, #tpu.memory_space<vmem>>
      %dma_start3A_44 = arith.constant 0 : i32
      %dma_start3A_45 = arith.constant 0 : i32
      %dma_start3A_46 = tpu.memref_slice %arg2[%dma_start3A_44, %dma_start3A_45] : memref<10000x128xf32, #tpu.memory_space<hbm>> -> memref<10000x128xf32, #tpu.memory_space<hbm>>
      tpu.enqueue_indirect_dma source(%dma_start3A_46 : memref<10000x128xf32, #tpu.memory_space<hbm>>) target(%arg7 : memref<128x128xf32, #tpu.memory_space<vmem>>) offsets(%dma_start3A_43 : memref<128xi32, #tpu.memory_space<vmem>>) semaphore(%arg10 : memref<!tpu.dma_semaphore, #tpu.memory_space<semaphore_mem>>)
      %scan3A_47 = arith.constant 0 : i32
      %scan3A_48 = arith.constant 2 : i32
      %scan3A_49 = arith.addi %scan3A_47, %scan3A_48 : i32
      %scan3A_50 = arith.constant 1 : i32
      scf.for %scan3A_52 = %scan3A_47 to %scan3A_49 step %scan3A_50  : i32 {
        %mul3A_53 = arith.constant 2 : i32
        %mul3A_54 = arith.muli %scan3A_52, %mul3A_53 : i32
        %add3A_55 = arith.constant 0 : i32
        %add3A_56 = arith.addi %add3A_55, %mul3A_54 : i32
        %add3A_57 = arith.constant 1 : i32
        %add3A_58 = arith.addi %add3A_56, %add3A_57 : i32
        %dma_start3A_59 = arith.constant 0 : i32
        %dma_start3A_60 = tpu.memref_slice %arg5[%add3A_58, %dma_start3A_59] : memref<40x128xi32, #tpu.memory_space<vmem>> -> memref<1x128xi32, #tpu.memory_space<vmem>>
        %dma_start3A_61 = tpu.memref_squeeze %dma_start3A_60 : memref<1x128xi32, #tpu.memory_space<vmem>> -> memref<128xi32, #tpu.memory_space<vmem>>
        %dma_start3A_62 = arith.constant 0 : i32
        %dma_start3A_63 = arith.constant 0 : i32
        %dma_start3A_64 = tpu.memref_slice %arg2[%dma_start3A_62, %dma_start3A_63] : memref<10000x128xf32, #tpu.memory_space<hbm>> -> memref<10000x128xf32, #tpu.memory_space<hbm>>
        tpu.enqueue_indirect_dma source(%dma_start3A_64 : memref<10000x128xf32, #tpu.memory_space<hbm>>) target(%arg8 : memref<128x128xf32, #tpu.memory_space<vmem>>) offsets(%dma_start3A_61 : memref<128xi32, #tpu.memory_space<vmem>>) semaphore(%arg11 : memref<!tpu.dma_semaphore, #tpu.memory_space<semaphore_mem>>)
        %dma_wait3A = arith.constant 0 : i32
        %dma_wait3A_65 = tpu.memref_slice %arg5[%add3A_56, %dma_wait3A] : memref<40x128xi32, #tpu.memory_space<vmem>> -> memref<1x128xi32, #tpu.memory_space<vmem>>
        %dma_wait3A_66 = tpu.memref_squeeze %dma_wait3A_65 : memref<1x128xi32, #tpu.memory_space<vmem>> -> memref<128xi32, #tpu.memory_space<vmem>>
        %dma_wait3A_67 = arith.constant 0 : i32
        %dma_wait3A_68 = arith.constant 0 : i32
        %dma_wait3A_69 = tpu.memref_slice %arg2[%dma_wait3A_67, %dma_wait3A_68] : memref<10000x128xf32, #tpu.memory_space<hbm>> -> memref<10000x128xf32, #tpu.memory_space<hbm>>
        tpu.wait_indirect_dma semaphore(%arg10 : memref<!tpu.dma_semaphore, #tpu.memory_space<semaphore_mem>>) src(%dma_wait3A_69 : memref<10000x128xf32, #tpu.memory_space<hbm>>) dst(%arg7 : memref<128x128xf32, #tpu.memory_space<vmem>>)
        "tpu.region"() ({
          %run_scoped3A_87 = tpu.sem_alloc : memref<!tpu.dma_semaphore, #tpu.memory_space<semaphore_mem>>
          %dma_start3A_88 = arith.constant 0 : i32
          %dma_start3A_89 = tpu.memref_slice %arg6[%add3A_56, %dma_start3A_88] : memref<40x128xi32, #tpu.memory_space<vmem>> -> memref<1x128xi32, #tpu.memory_space<vmem>>
          %dma_start3A_90 = tpu.memref_squeeze %dma_start3A_89 : memref<1x128xi32, #tpu.memory_space<vmem>> -> memref<128xi32, #tpu.memory_space<vmem>>
          %dma_start3A_91 = arith.constant 0 : i32
          %dma_start3A_92 = arith.constant 0 : i32
          %dma_start3A_93 = tpu.memref_slice %arg9[%dma_start3A_91, %dma_start3A_92] : memref<10240x128xf32, #tpu.memory_space<vmem_shared>> -> memref<10240x128xf32, #tpu.memory_space<vmem_shared>>
          tpu.enqueue_indirect_dma source(%arg7 : memref<128x128xf32, #tpu.memory_space<vmem>>) target(%dma_start3A_93 : memref<10240x128xf32, #tpu.memory_space<vmem_shared>>) offsets(%dma_start3A_90 : memref<128xi32, #tpu.memory_space<vmem>>) semaphore(%run_scoped3A_87 : memref<!tpu.dma_semaphore, #tpu.memory_space<semaphore_mem>>) {add = true}
          %dma_wait3A_94 = arith.constant 0 : i32
          %dma_wait3A_95 = tpu.memref_slice %arg6[%add3A_56, %dma_wait3A_94] : memref<40x128xi32, #tpu.memory_space<vmem>> -> memref<1x128xi32, #tpu.memory_space<vmem>>
          %dma_wait3A_96 = tpu.memref_squeeze %dma_wait3A_95 : memref<1x128xi32, #tpu.memory_space<vmem>> -> memref<128xi32, #tpu.memory_space<vmem>>
          %dma_wait3A_97 = arith.constant 0 : i32
          %dma_wait3A_98 = arith.constant 0 : i32
          %dma_wait3A_99 = tpu.memref_slice %arg9[%dma_wait3A_97, %dma_wait3A_98] : memref<10240x128xf32, #tpu.memory_space<vmem_shared>> -> memref<10240x128xf32, #tpu.memory_space<vmem_shared>>
          tpu.wait_indirect_dma semaphore(%run_scoped3A_87 : memref<!tpu.dma_semaphore, #tpu.memory_space<semaphore_mem>>) src(%arg7 : memref<128x128xf32, #tpu.memory_space<vmem>>) dst(%dma_wait3A_99 : memref<10240x128xf32, #tpu.memory_space<vmem_shared>>)
          tpu.yield
        }) : () -> ()
        %add3A_70 = arith.constant 2 : i32
        %add3A_71 = arith.addi %add3A_56, %add3A_70 : i32
        %lt3A_72 = arith.constant 4 : i32
        %lt3A_73 = arith.cmpi slt, %add3A_71, %lt3A_72 : i32
        %convert_element_type3A_74 = arith.extui %lt3A_73 : i1 to i32
        %cond3A_75 = arith.constant 0 : i32
        %cond3A_76 = arith.cmpi ne, %convert_element_type3A_74, %cond3A_75 : i32
        scf.if %cond3A_76 {
          %add3A_87 = arith.constant 2 : i32
          %add3A_88 = arith.addi %add3A_56, %add3A_87 : i32
          %dma_start3A_89 = arith.constant 0 : i32
          %dma_start3A_90 = tpu.memref_slice %arg5[%add3A_88, %dma_start3A_89] : memref<40x128xi32, #tpu.memory_space<vmem>> -> memref<1x128xi32, #tpu.memory_space<vmem>>
          %dma_start3A_91 = tpu.memref_squeeze %dma_start3A_90 : memref<1x128xi32, #tpu.memory_space<vmem>> -> memref<128xi32, #tpu.memory_space<vmem>>
          %dma_start3A_92 = arith.constant 0 : i32
          %dma_start3A_93 = arith.constant 0 : i32
          %dma_start3A_94 = tpu.memref_slice %arg2[%dma_start3A_92, %dma_start3A_93] : memref<10000x128xf32, #tpu.memory_space<hbm>> -> memref<10000x128xf32, #tpu.memory_space<hbm>>
          tpu.enqueue_indirect_dma source(%dma_start3A_94 : memref<10000x128xf32, #tpu.memory_space<hbm>>) target(%arg7 : memref<128x128xf32, #tpu.memory_space<vmem>>) offsets(%dma_start3A_91 : memref<128xi32, #tpu.memory_space<vmem>>) semaphore(%arg10 : memref<!tpu.dma_semaphore, #tpu.memory_space<semaphore_mem>>)
        } else {
        }
        %add3A_77 = arith.constant 1 : i32
        %add3A_78 = arith.addi %add3A_56, %add3A_77 : i32
        %dma_wait3A_79 = arith.constant 0 : i32
        %dma_wait3A_80 = tpu.memref_slice %arg5[%add3A_78, %dma_wait3A_79] : memref<40x128xi32, #tpu.memory_space<vmem>> -> memref<1x128xi32, #tpu.memory_space<vmem>>
        %dma_wait3A_81 = tpu.memref_squeeze %dma_wait3A_80 : memref<1x128xi32, #tpu.memory_space<vmem>> -> memref<128xi32, #tpu.memory_space<vmem>>
        %dma_wait3A_82 = arith.constant 0 : i32
        %dma_wait3A_83 = arith.constant 0 : i32
        %dma_wait3A_84 = tpu.memref_slice %arg2[%dma_wait3A_82, %dma_wait3A_83] : memref<10000x128xf32, #tpu.memory_space<hbm>> -> memref<10000x128xf32, #tpu.memory_space<hbm>>
        tpu.wait_indirect_dma semaphore(%arg11 : memref<!tpu.dma_semaphore, #tpu.memory_space<semaphore_mem>>) src(%dma_wait3A_84 : memref<10000x128xf32, #tpu.memory_space<hbm>>) dst(%arg8 : memref<128x128xf32, #tpu.memory_space<vmem>>)
        %add3A_85 = arith.constant 1 : i32
        %add3A_86 = arith.addi %add3A_56, %add3A_85 : i32
        "tpu.region"() ({
          %run_scoped3A_87 = tpu.sem_alloc : memref<!tpu.dma_semaphore, #tpu.memory_space<semaphore_mem>>
          %dma_start3A_88 = arith.constant 0 : i32
          %dma_start3A_89 = tpu.memref_slice %arg6[%add3A_86, %dma_start3A_88] : memref<40x128xi32, #tpu.memory_space<vmem>> -> memref<1x128xi32, #tpu.memory_space<vmem>>
          %dma_start3A_90 = tpu.memref_squeeze %dma_start3A_89 : memref<1x128xi32, #tpu.memory_space<vmem>> -> memref<128xi32, #tpu.memory_space<vmem>>
          %dma_start3A_91 = arith.constant 0 : i32
          %dma_start3A_92 = arith.constant 0 : i32
          %dma_start3A_93 = tpu.memref_slice %arg9[%dma_start3A_91, %dma_start3A_92] : memref<10240x128xf32, #tpu.memory_space<vmem_shared>> -> memref<10240x128xf32, #tpu.memory_space<vmem_shared>>
          tpu.enqueue_indirect_dma source(%arg8 : memref<128x128xf32, #tpu.memory_space<vmem>>) target(%dma_start3A_93 : memref<10240x128xf32, #tpu.memory_space<vmem_shared>>) offsets(%dma_start3A_90 : memref<128xi32, #tpu.memory_space<vmem>>) semaphore(%run_scoped3A_87 : memref<!tpu.dma_semaphore, #tpu.memory_space<semaphore_mem>>) {add = true}
          %dma_wait3A_94 = arith.constant 0 : i32
          %dma_wait3A_95 = tpu.memref_slice %arg6[%add3A_86, %dma_wait3A_94] : memref<40x128xi32, #tpu.memory_space<vmem>> -> memref<1x128xi32, #tpu.memory_space<vmem>>
          %dma_wait3A_96 = tpu.memref_squeeze %dma_wait3A_95 : memref<1x128xi32, #tpu.memory_space<vmem>> -> memref<128xi32, #tpu.memory_space<vmem>>
          %dma_wait3A_97 = arith.constant 0 : i32
          %dma_wait3A_98 = arith.constant 0 : i32
          %dma_wait3A_99 = tpu.memref_slice %arg9[%dma_wait3A_97, %dma_wait3A_98] : memref<10240x128xf32, #tpu.memory_space<vmem_shared>> -> memref<10240x128xf32, #tpu.memory_space<vmem_shared>>
          tpu.wait_indirect_dma semaphore(%run_scoped3A_87 : memref<!tpu.dma_semaphore, #tpu.memory_space<semaphore_mem>>) src(%arg8 : memref<128x128xf32, #tpu.memory_space<vmem>>) dst(%dma_wait3A_99 : memref<10240x128xf32, #tpu.memory_space<vmem_shared>>)
          tpu.yield
        }) : () -> ()
      }
      %scan3A_51 = arith.constant 2 : i32
    } else {
    }
    %barrier3A_19 = arith.constant 0 : index
    tpu.barrier barrier_id(%barrier3A_19)
    %mul3A_20 = arith.constant 640 : i32
    %mul3A_21 = arith.muli %arg1, %mul3A_20 : i32
    %mul3A_22 = arith.constant 640 : i32
    %mul3A_23 = arith.muli %arg1, %mul3A_22 : i32
    "tpu.region"() ({
      %run_scoped3A = tpu.sem_alloc : memref<!tpu.dma_semaphore, #tpu.memory_space<semaphore_mem>>
      %dma_start3A = arith.constant 0 : i32
      %dma_start3A_24 = tpu.memref_slice %arg4[%arg0, %mul3A_23, %dma_start3A] : memref<2x10240x128xf32, #tpu.memory_space<hbm>> -> memref<1x640x128xf32, #tpu.memory_space<hbm>>
      %dma_start3A_25 = tpu.memref_squeeze %dma_start3A_24 : memref<1x640x128xf32, #tpu.memory_space<hbm>> -> memref<640x128xf32, #tpu.memory_space<hbm>>
      %dma_start3A_26 = arith.constant 0 : i32
      %dma_start3A_27 = tpu.memref_slice %arg9[%mul3A_21, %dma_start3A_26] : memref<10240x128xf32, #tpu.memory_space<vmem_shared>> -> memref<640x128xf32, #tpu.memory_space<vmem_shared>>
      tpu.enqueue_dma source(%dma_start3A_27 : memref<640x128xf32, #tpu.memory_space<vmem_shared>>) target(%dma_start3A_25 : memref<640x128xf32, #tpu.memory_space<hbm>>) target_semaphore(%run_scoped3A : memref<!tpu.dma_semaphore, #tpu.memory_space<semaphore_mem>>)
      %dma_wait3A = arith.constant 0 : i32
      %dma_wait3A_28 = tpu.memref_slice %arg4[%arg0, %mul3A_23, %dma_wait3A] : memref<2x10240x128xf32, #tpu.memory_space<hbm>> -> memref<1x640x128xf32, #tpu.memory_space<hbm>>
      %dma_wait3A_29 = tpu.memref_squeeze %dma_wait3A_28 : memref<1x640x128xf32, #tpu.memory_space<hbm>> -> memref<640x128xf32, #tpu.memory_space<hbm>>
      %dma_wait3A_30 = arith.constant 0 : i32
      %dma_wait3A_31 = tpu.memref_slice %arg9[%mul3A_21, %dma_wait3A_30] : memref<10240x128xf32, #tpu.memory_space<vmem_shared>> -> memref<640x128xf32, #tpu.memory_space<vmem_shared>>
      tpu.wait_dma2 semaphore(%run_scoped3A : memref<!tpu.dma_semaphore, #tpu.memory_space<semaphore_mem>>) src(%dma_wait3A_31 : memref<640x128xf32, #tpu.memory_space<vmem_shared>>) dst(%dma_wait3A_29 : memref<640x128xf32, #tpu.memory_space<hbm>>)
      tpu.yield
    }) : () -> ()
    return
  }
}

module attributes {stable_mosaic.version = 14 : i64} {
  func.func @_relu_eps_body(%arg0: i32, %arg1: memref<2048x128xf32, #tpu.memory_space<vmem>>, %arg2: memref<2048x128xf32, #tpu.memory_space<vmem>>) attributes {dimension_semantics = [#tpu.dimension_semantics<arbitrary>], iteration_bounds = array<i64: 5>, scalar_prefetch = 0 : i64, scratch_operands = 0 : i64, tpu.core_type = #tpu.core_type<tc>, window_params = [{transform_indices = @transform_0, window_bounds = array<i64: 2048, 128>}, {transform_indices = @transform_1, window_bounds = array<i64: 2048, 128>}]} {
    %get3A = arith.constant 0 : index
    %get3A_0 = arith.constant 0 : index
    %get3A_1 = vector.load %arg1[%get3A, %get3A_0] : memref<2048x128xf32, #tpu.memory_space<vmem>>, vector<2048x128xf32>
    %max3A = arith.constant 0.000000e+00 : f32
    %max3A_2 = vector.broadcast %max3A : f32 to vector<2048x128xf32>
    %max3A_3 = arith.maximumf %get3A_1, %max3A_2 : vector<2048x128xf32>
    %add3A = arith.constant 1.000000e-07 : f32
    %add3A_4 = vector.broadcast %add3A : f32 to vector<2048x128xf32>
    %add3A_5 = arith.addf %max3A_3, %add3A_4 : vector<2048x128xf32>
    %swap3A = arith.constant 0 : index
    %swap3A_6 = arith.constant 0 : index
    %swap3A_7 = vector.load %arg2[%swap3A, %swap3A_6] : memref<2048x128xf32, #tpu.memory_space<vmem>>, vector<2048x128xf32>
    tpu.vector_store %arg2[%swap3A, %swap3A_6], %add3A_5 {strides = array<i32>} : memref<2048x128xf32, #tpu.memory_space<vmem>>, vector<2048x128xf32>,
    return
  }
  func.func @transform_0(%arg0: i32) -> (i32, i32) {
    %c0_i32 = arith.constant 0 : i32
    %c0_i32_0 = arith.constant 0 : i32
    return %arg0, %c0_i32 : i32, i32
  }
  func.func @transform_1(%arg0: i32) -> (i32, i32) {
    %c0_i32 = arith.constant 0 : i32
    %c0_i32_0 = arith.constant 0 : i32
    return %arg0, %c0_i32 : i32, i32
  }
}

module attributes {stable_mosaic.version = 14 : i64} {
  func.func @_final_body(%arg0: i32, %arg1: memref<2x2048x128xf32, #tpu.memory_space<vmem>>, %arg2: memref<2048x128xf32, #tpu.memory_space<vmem>>, %arg3: memref<128x128xf32, #tpu.memory_space<vmem>>, %arg4: memref<1x128xf32, #tpu.memory_space<vmem>>, %arg5: memref<128x128xf32, #tpu.memory_space<vmem>>, %arg6: memref<1x128xf32, #tpu.memory_space<vmem>>, %arg7: memref<2048x128xf32, #tpu.memory_space<vmem>>) attributes {dimension_semantics = [#tpu.dimension_semantics<arbitrary>], iteration_bounds = array<i64: 5>, scalar_prefetch = 0 : i64, scratch_operands = 0 : i64, tpu.core_type = #tpu.core_type<tc>, window_params = [{transform_indices = @transform_0, window_bounds = array<i64: 2, 2048, 128>}, {transform_indices = @transform_1, window_bounds = array<i64: 2048, 128>}, {pipeline_mode = #tpu.pipeline_mode<synchronous>, transform_indices = @transform_2, window_bounds = array<i64: 128, 128>}, {pipeline_mode = #tpu.pipeline_mode<synchronous>, transform_indices = @transform_3, window_bounds = array<i64: 1, 128>}, {pipeline_mode = #tpu.pipeline_mode<synchronous>, transform_indices = @transform_4, window_bounds = array<i64: 128, 128>}, {pipeline_mode = #tpu.pipeline_mode<synchronous>, transform_indices = @transform_5, window_bounds = array<i64: 1, 128>}, {transform_indices = @transform_6, window_bounds = array<i64: 2048, 128>}]} {
    %get3A = arith.constant 0 : index
    %get3A_0 = arith.constant 0 : index
    %get3A_1 = arith.constant 0 : index
    %get3A_2 = vector.load %arg1[%get3A, %get3A_0, %get3A_1] : memref<2x2048x128xf32, #tpu.memory_space<vmem>>, vector<1x2048x128xf32>
    %get3A_3 = vector.shape_cast %get3A_2 : vector<1x2048x128xf32> to vector<2048x128xf32>
    %get3A_4 = arith.constant 1 : index
    %get3A_5 = arith.constant 0 : index
    %get3A_6 = arith.constant 0 : index
    %get3A_7 = vector.load %arg1[%get3A_4, %get3A_5, %get3A_6] : memref<2x2048x128xf32, #tpu.memory_space<vmem>>, vector<1x2048x128xf32>
    %get3A_8 = vector.shape_cast %get3A_7 : vector<1x2048x128xf32> to vector<2048x128xf32>
    %add3A = arith.addf %get3A_3, %get3A_8 : vector<2048x128xf32>
    %get3A_9 = arith.constant 0 : index
    %get3A_10 = arith.constant 0 : index
    %get3A_11 = vector.load %arg2[%get3A_9, %get3A_10] : memref<2048x128xf32, #tpu.memory_space<vmem>>, vector<2048x128xf32>
    %add3A_12 = arith.addf %add3A, %get3A_11 : vector<2048x128xf32>
    %get3A_13 = arith.constant 0 : index
    %get3A_14 = arith.constant 0 : index
    %get3A_15 = vector.load %arg3[%get3A_13, %get3A_14] : memref<128x128xf32, #tpu.memory_space<vmem>>, vector<128x128xf32>
    %dot_general3A = arith.constant dense<0.000000e+00> : vector<2048x128xf32>
    %dot_general3A_16 = tpu.matmul %add3A_12, %get3A_15, %dot_general3A {dimension_numbers = #tpu.dot_dimension_numbers<[1], [0], [0], [1], [0, 0, 1, 1], [], []>, transpose_lhs_hint = false} : vector<2048x128xf32>, vector<128x128xf32>, vector<2048x128xf32> -> vector<2048x128xf32>
    %get3A_17 = arith.constant 0 : index
    %get3A_18 = arith.constant 0 : index
    %get3A_19 = vector.load %arg4[%get3A_17, %get3A_18] : memref<1x128xf32, #tpu.memory_space<vmem>>, vector<1x128xf32>
    %add3A_20 = vector.broadcast %get3A_19 : vector<1x128xf32> to vector<2048x128xf32>
    %add3A_21 = arith.addf %dot_general3A_16, %add3A_20 : vector<2048x128xf32>
    %get3A_22 = arith.constant 0 : index
    %get3A_23 = arith.constant 0 : index
    %get3A_24 = vector.load %arg5[%get3A_22, %get3A_23] : memref<128x128xf32, #tpu.memory_space<vmem>>, vector<128x128xf32>
    %dot_general3A_25 = arith.constant dense<0.000000e+00> : vector<2048x128xf32>
    %dot_general3A_26 = tpu.matmul %add3A_21, %get3A_24, %dot_general3A_25 {dimension_numbers = #tpu.dot_dimension_numbers<[1], [0], [0], [1], [0, 0, 1, 1], [], []>, transpose_lhs_hint = false} : vector<2048x128xf32>, vector<128x128xf32>, vector<2048x128xf32> -> vector<2048x128xf32>
    %get3A_27 = arith.constant 0 : index
    %get3A_28 = arith.constant 0 : index
    %get3A_29 = vector.load %arg6[%get3A_27, %get3A_28] : memref<1x128xf32, #tpu.memory_space<vmem>>, vector<1x128xf32>
    %add3A_30 = vector.broadcast %get3A_29 : vector<1x128xf32> to vector<2048x128xf32>
    %add3A_31 = arith.addf %dot_general3A_26, %add3A_30 : vector<2048x128xf32>
    %swap3A = arith.constant 0 : index
    %swap3A_32 = arith.constant 0 : index
    %swap3A_33 = vector.load %arg7[%swap3A, %swap3A_32] : memref<2048x128xf32, #tpu.memory_space<vmem>>, vector<2048x128xf32>
    tpu.vector_store %arg7[%swap3A, %swap3A_32], %add3A_31 {strides = array<i32>} : memref<2048x128xf32, #tpu.memory_space<vmem>>, vector<2048x128xf32>,
    return
  }
  func.func @transform_0(%arg0: i32) -> (i32, i32, i32) {
    %c0_i32 = arith.constant 0 : i32
    %c0_i32_0 = arith.constant 0 : i32
    %c0_i32_1 = arith.constant 0 : i32
    return %c0_i32, %arg0, %c0_i32_0 : i32, i32, i32
  }
  func.func @transform_1(%arg0: i32) -> (i32, i32) {
    %c0_i32 = arith.constant 0 : i32
    %c0_i32_0 = arith.constant 0 : i32
    return %arg0, %c0_i32 : i32, i32
  }
  func.func @transform_2(%arg0: i32) -> (i32, i32) {
    %c0_i32 = arith.constant 0 : i32
    %c0_i32_0 = arith.constant 0 : i32
    %c0_i32_1 = arith.constant 0 : i32
    return %c0_i32, %c0_i32_0 : i32, i32
  }
  func.func @transform_3(%arg0: i32) -> (i32, i32) {
    %c0_i32 = arith.constant 0 : i32
    %c0_i32_0 = arith.constant 0 : i32
    %c0_i32_1 = arith.constant 0 : i32
    return %c0_i32, %c0_i32_0 : i32, i32
  }
  func.func @transform_4(%arg0: i32) -> (i32, i32) {
    %c0_i32 = arith.constant 0 : i32
    %c0_i32_0 = arith.constant 0 : i32
    %c0_i32_1 = arith.constant 0 : i32
    return %c0_i32, %c0_i32_0 : i32, i32
  }
  func.func @transform_5(%arg0: i32) -> (i32, i32) {
    %c0_i32 = arith.constant 0 : i32
    %c0_i32_0 = arith.constant 0 : i32
    %c0_i32_1 = arith.constant 0 : i32
    return %c0_i32, %c0_i32_0 : i32, i32
  }
  func.func @transform_6(%arg0: i32) -> (i32, i32) {
    %c0_i32 = arith.constant 0 : i32
    %c0_i32_0 = arith.constant 0 : i32
    return %arg0, %c0_i32 : i32, i32
  }
}

module attributes {stable_mosaic.version = 14 : i64} {
  func.func @_update_body(%arg0: i32, %arg1: memref<2x2048x128xf32, #tpu.memory_space<vmem>>, %arg2: memref<2048x128xf32, #tpu.memory_space<vmem>>, %arg3: memref<128x128xf32, #tpu.memory_space<vmem>>, %arg4: memref<1x128xf32, #tpu.memory_space<vmem>>, %arg5: memref<2048x128xf32, #tpu.memory_space<vmem>>, %arg6: memref<2048x128xf32, #tpu.memory_space<vmem>>) attributes {dimension_semantics = [#tpu.dimension_semantics<arbitrary>], iteration_bounds = array<i64: 5>, scalar_prefetch = 0 : i64, scratch_operands = 0 : i64, tpu.core_type = #tpu.core_type<tc>, window_params = [{transform_indices = @transform_0, window_bounds = array<i64: 2, 2048, 128>}, {transform_indices = @transform_1, window_bounds = array<i64: 2048, 128>}, {pipeline_mode = #tpu.pipeline_mode<synchronous>, transform_indices = @transform_2, window_bounds = array<i64: 128, 128>}, {pipeline_mode = #tpu.pipeline_mode<synchronous>, transform_indices = @transform_3, window_bounds = array<i64: 1, 128>}, {transform_indices = @transform_4, window_bounds = array<i64: 2048, 128>}, {transform_indices = @transform_5, window_bounds = array<i64: 2048, 128>}]} {
    %get3A = arith.constant 0 : index
    %get3A_0 = arith.constant 0 : index
    %get3A_1 = arith.constant 0 : index
    %get3A_2 = vector.load %arg1[%get3A, %get3A_0, %get3A_1] : memref<2x2048x128xf32, #tpu.memory_space<vmem>>, vector<1x2048x128xf32>
    %get3A_3 = vector.shape_cast %get3A_2 : vector<1x2048x128xf32> to vector<2048x128xf32>
    %get3A_4 = arith.constant 1 : index
    %get3A_5 = arith.constant 0 : index
    %get3A_6 = arith.constant 0 : index
    %get3A_7 = vector.load %arg1[%get3A_4, %get3A_5, %get3A_6] : memref<2x2048x128xf32, #tpu.memory_space<vmem>>, vector<1x2048x128xf32>
    %get3A_8 = vector.shape_cast %get3A_7 : vector<1x2048x128xf32> to vector<2048x128xf32>
    %add3A = arith.addf %get3A_3, %get3A_8 : vector<2048x128xf32>
    %get3A_9 = arith.constant 0 : index
    %get3A_10 = arith.constant 0 : index
    %get3A_11 = vector.load %arg2[%get3A_9, %get3A_10] : memref<2048x128xf32, #tpu.memory_space<vmem>>, vector<2048x128xf32>
    %add3A_12 = arith.addf %add3A, %get3A_11 : vector<2048x128xf32>
    %get3A_13 = arith.constant 0 : index
    %get3A_14 = arith.constant 0 : index
    %get3A_15 = vector.load %arg3[%get3A_13, %get3A_14] : memref<128x128xf32, #tpu.memory_space<vmem>>, vector<128x128xf32>
    %dot_general3A = arith.constant dense<0.000000e+00> : vector<2048x128xf32>
    %dot_general3A_16 = tpu.matmul %add3A_12, %get3A_15, %dot_general3A {dimension_numbers = #tpu.dot_dimension_numbers<[1], [0], [0], [1], [0, 0, 1, 1], [], []>, transpose_lhs_hint = false} : vector<2048x128xf32>, vector<128x128xf32>, vector<2048x128xf32> -> vector<2048x128xf32>
    %get3A_17 = arith.constant 0 : index
    %get3A_18 = arith.constant 0 : index
    %get3A_19 = vector.load %arg4[%get3A_17, %get3A_18] : memref<1x128xf32, #tpu.memory_space<vmem>>, vector<1x128xf32>
    %add3A_20 = vector.broadcast %get3A_19 : vector<1x128xf32> to vector<2048x128xf32>
    %add3A_21 = arith.addf %dot_general3A_16, %add3A_20 : vector<2048x128xf32>
    %swap3A = arith.constant 0 : index
    %swap3A_22 = arith.constant 0 : index
    %swap3A_23 = vector.load %arg5[%swap3A, %swap3A_22] : memref<2048x128xf32, #tpu.memory_space<vmem>>, vector<2048x128xf32>
    tpu.vector_store %arg5[%swap3A, %swap3A_22], %add3A_21 {strides = array<i32>} : memref<2048x128xf32, #tpu.memory_space<vmem>>, vector<2048x128xf32>,
    %max3A = arith.constant 0.000000e+00 : f32
    %max3A_24 = vector.broadcast %max3A : f32 to vector<2048x128xf32>
    %max3A_25 = arith.maximumf %add3A_21, %max3A_24 : vector<2048x128xf32>
    %add3A_26 = arith.constant 1.000000e-07 : f32
    %add3A_27 = vector.broadcast %add3A_26 : f32 to vector<2048x128xf32>
    %add3A_28 = arith.addf %max3A_25, %add3A_27 : vector<2048x128xf32>
    %swap3A_29 = arith.constant 0 : index
    %swap3A_30 = arith.constant 0 : index
    %swap3A_31 = vector.load %arg6[%swap3A_29, %swap3A_30] : memref<2048x128xf32, #tpu.memory_space<vmem>>, vector<2048x128xf32>
    tpu.vector_store %arg6[%swap3A_29, %swap3A_30], %add3A_28 {strides = array<i32>} : memref<2048x128xf32, #tpu.memory_space<vmem>>, vector<2048x128xf32>,
    return
  }
  func.func @transform_0(%arg0: i32) -> (i32, i32, i32) {
    %c0_i32 = arith.constant 0 : i32
    %c0_i32_0 = arith.constant 0 : i32
    %c0_i32_1 = arith.constant 0 : i32
    return %c0_i32, %arg0, %c0_i32_0 : i32, i32, i32
  }
  func.func @transform_1(%arg0: i32) -> (i32, i32) {
    %c0_i32 = arith.constant 0 : i32
    %c0_i32_0 = arith.constant 0 : i32
    return %arg0, %c0_i32 : i32, i32
  }
  func.func @transform_2(%arg0: i32) -> (i32, i32) {
    %c0_i32 = arith.constant 0 : i32
    %c0_i32_0 = arith.constant 0 : i32
    %c0_i32_1 = arith.constant 0 : i32
    return %c0_i32, %c0_i32_0 : i32, i32
  }
  func.func @transform_3(%arg0: i32) -> (i32, i32) {
    %c0_i32 = arith.constant 0 : i32
    %c0_i32_0 = arith.constant 0 : i32
    %c0_i32_1 = arith.constant 0 : i32
    return %c0_i32, %c0_i32_0 : i32, i32
  }
  func.func @transform_4(%arg0: i32) -> (i32, i32) {
    %c0_i32 = arith.constant 0 : i32
    %c0_i32_0 = arith.constant 0 : i32
    return %arg0, %c0_i32 : i32, i32
  }
  func.func @transform_5(%arg0: i32) -> (i32, i32) {
    %c0_i32 = arith.constant 0 : i32
    %c0_i32_0 = arith.constant 0 : i32
    return %arg0, %c0_i32 : i32, i32
  }
}

</mosaic_0001>

<sc_bundles>
// kernel: kernel.11.cloned.1.call-start
scs
__scs_entry_jumppad:
0x0: {  	(pc) =	sbr.rel $0x88, $3  }
0x1: {  	(tag) =	ssettag $0x0;
	lr =	simm.s32 $0x1  }
0x2: {  	[smem:$0x3F95] =	sst lr;
	_ =	strace $0xD0000000  }
0x3: {  	_ = 	snop  }
0x4: {  	_ = 	snop  }
0x5: {  	_ = 	snop  }
0x6: {  	_ = 	snop  }
0x7: {  	_ = 	snop  }
__scs_overlays_trampoline_lowered:
0x8: {  	[smem:$0x3FA4] =	sst s0  }
0x9: {  	[smem:$0x3FA5] =	sst s1  }
0xa: {  	[smem:$0x3FA6] =	sst s2  }
0xb: {  	[smem:$0x3FA7] =	sst s3  }
0xc: {  	[smem:$0x3FA8] =	sst s4  }
0xd: {  	[smem:$0x3FA9] =	sst s5  }
0xe: {  	[smem:$0x3FAA] =	sst s6  }
0xf: {  	[smem:$0x3FAB] =	sst s7  }
0x10: {  	[smem:$0x3FAC] =	sst s8  }
0x11: {  	[smem:$0x3FAD] =	sst s9;
	s0 =	simm.s32 @!p0 $0x0  }
0x12: {  	s1 =	sld [smem:$0x3F93];
	s0 =	simm.s32 @p0 $0x1  }
0x13: {  	[smem:$0x3FAE] =	sst s0;
	s0 =	simm.s32 @!p1 $0x0  }
0x14: {  	s2 =	sld [smem:$0x3F92];
	s0 =	simm.s32 @p1 $0x1  }
0x15: {  	[smem:$0x3FAF] =	sst s0;
	s0 =	simm.s32 @!p2 $0x0  }
0x16: {  	s3 =	sld [smem:$0x3FDB];
	s0 =	simm.s32 @p2 $0x1  }
0x17: {  	s4 =	simm.s32 $0x1BF5;
	[smem:$0x3FB1] =	sst s0  }
0x18: {  	s0 =	sld [smem:$0x3F94];
	_ =	swait.ge [sflag:s4], $0x0  }
0x19: {  	s7 =	sld [smem:$0x3F95]  }
0x1a: {  	s8 =	sadd.s32 $0xFFFFE003, lr  }
0x1b: {  	s9 =	sadd.s32 $0xFFFFFEF7, lr;
	s5 =	simm.s32 $0xFFFFFFFF;
	p2 =	slt.u32 s8, $0xFFFFF086  }
0x1c: {  	p1 =	slt.u32 s9, $0xF7A;
	s5 =	simm.s32 @!p2 $0x0  }
0x1d: {  	s5 =	simm.s32 @p1 $0x1;
	p0 =	seq.s32 s7, s2  }
0x1e: {  	s7 =	smul.u32 @!p0 $0xF7A, s2;
	p2 =	seq.s32 @!p0 s5, $0x0  }
0x1f: {  	s9 =	smul.u32 $0xF7A, s1;
	s8 =	simm.s32 @!p0 $0x1BF5;
	p2 =	por !p2, p0  }
0x20: {  	[sflag:s8] =	ssyncset.s32 @!p0 $0xFFFFF086;
	s6 =	sadd.s32 @!p0 s3, s7;
	s7 =	simm.s32 @!p0 $0x108  }
0x21: {  	s3 =	sadd.s32 s3, s9;
	s6 =	sadd.s32 @!p0 $0x88, s6;
	s7 =	simm.s32 @p2 $0x1082  }
0x22: {  	[simem:s7], [sflag:s8] =	dma.local @!p0 [hbm:s6], $0xF7A  }
0x23: {  	s9 =	sor.u32 $0xD0000000, s2;
	s6 =	simm.s32 $0x108;
	_ =	swait.ge @!p0 [sflag:s8], $0x0  }
0x24: {  	s3 =	sadd.s32 $0x88, s3;
	s6 =	simm.s32 @!p1 $0x1082;
	[sflag:s4] =	ssyncset.s32 $0xFFFFF086  }
0x25: {  	[simem:s6], [sflag:s4] =	dma.local [hbm:s3], $0xF7A  }
0x26: {  	[smem:$0x3F95] =	sst s1;
	(tag) =	ssettag s2;
	_ =	strace s9  }
0x27: {  	s1 =	sld [smem:$0x3FA5]  }
0x28: {  	s2 =	sld [smem:$0x3FA6]  }
0x29: {  	s4 =	sld [smem:$0x3FA8]  }
0x2a: {  	p0 =	seq.s32 s5, $0x0;
	s5 =	sld [smem:$0x3FA9]  }
0x2b: {  	s6 =	sld [smem:$0x3FAA]  }
0x2c: {  	s7 =	sld [smem:$0x3FAB]  }
0x2d: {  	s3 =	simm.s32 $0x108;
	s8 =	sld [smem:$0x3FAC]  }
0x2e: {  	s3 =	simm.s32 @!p0 $0x1082;
	s9 =	sld [smem:$0x3FAD]  }
0x2f: {  	lr =	sadd.s32 s0, s3;
	s0 =	sld [smem:$0x3FA4]  }
0x30: {  	s3 =	sld [smem:$0x3FA7]  }
0x31: {  	[smem:$0x3FB0] =	sst s10  }
0x32: {  	s10 =	sld [smem:$0x3FAE];
	_ =	sdelay $0x3  }
0x33: {  	p0 =	seq.s32 s10, $0x1;
	s10 =	sld [smem:$0x3FB0];
	_ =	sdelay $0x3  }
0x34: {  	[smem:$0x3FB0] =	sst s10  }
0x35: {  	s10 =	sld [smem:$0x3FAF];
	_ =	sdelay $0x3  }
0x36: {  	p1 =	seq.s32 s10, $0x1;
	s10 =	sld [smem:$0x3FB0];
	_ =	sdelay $0x3  }
0x37: {  	[smem:$0x3FB0] =	sst s10  }
0x38: {  	s10 =	sld [smem:$0x3FB1]  }
0x39: {  	_ = 	snop;
	(pc) =	sbr.ind lr, $3  }
0x3a: {  	_ = 	snop  }
0x3b: {  	_ = 	snop  }
0x3c: {  	p2 =	seq.s32 s10, $0x1;
	s10 =	sld [smem:$0x3FB0]  }
0x3d: {  	_ =	shalt  }
0x3e: {  	_ =	shalt  }
0x3f: {  	_ =	shalt  }
0x40: {  	_ =	shalt  }
0x41: {  	_ =	shalt  }
0x42: {  	_ =	shalt  }
0x43: {  	_ =	shalt  }
0x44: {  	_ =	shalt  }
0x45: {  	_ =	shalt  }
0x46: {  	_ =	shalt  }
0x47: {  	_ =	shalt  }
0x48: {  	_ =	shalt  }
0x49: {  	_ =	shalt  }
0x4a: {  	_ =	shalt  }
0x4b: {  	_ =	shalt  }
0x4c: {  	_ =	shalt  }
0x4d: {  	_ =	shalt  }
0x4e: {  	_ =	shalt  }
0x4f: {  	_ =	shalt  }
0x50: {  	_ =	shalt  }
0x51: {  	_ =	shalt  }
0x52: {  	_ =	shalt  }
0x53: {  	_ =	shalt  }
0x54: {  	_ =	shalt  }
0x55: {  	_ =	shalt  }
0x56: {  	_ =	shalt  }
0x57: {  	_ =	shalt  }
0x58: {  	_ =	shalt  }
0x59: {  	_ =	shalt  }
0x5a: {  	_ =	shalt  }
0x5b: {  	_ =	shalt  }
0x5c: {  	_ =	shalt  }
0x5d: {  	_ =	shalt  }
0x5e: {  	_ =	shalt  }
0x5f: {  	_ =	shalt  }
0x60: {  	_ =	shalt  }
0x61: {  	_ =	shalt  }
0x62: {  	_ =	shalt  }
0x63: {  	_ =	shalt  }
0x64: {  	_ =	shalt  }
0x65: {  	_ =	shalt  }
0x66: {  	_ =	shalt  }
0x67: {  	_ =	shalt  }
0x68: {  	_ =	shalt  }
0x69: {  	_ =	shalt  }
0x6a: {  	_ =	shalt  }
0x6b: {  	_ =	shalt  }
0x6c: {  	_ =	shalt  }
0x6d: {  	_ =	shalt  }
0x6e: {  	_ =	shalt  }
0x6f: {  	_ =	shalt  }
0x70: {  	_ =	shalt  }
0x71: {  	_ =	shalt  }
0x72: {  	_ =	shalt  }
0x73: {  	_ =	shalt  }
0x74: {  	_ =	shalt  }
0x75: {  	_ =	shalt  }
0x76: {  	_ =	shalt  }
0x77: {  	_ =	shalt  }
0x78: {  	_ =	shalt  }
0x79: {  	_ =	shalt  }
0x7a: {  	_ =	shalt  }
0x7b: {  	_ =	shalt  }
0x7c: {  	_ =	shalt  }
0x7d: {  	_ =	shalt  }
0x7e: {  	_ =	shalt  }
0x7f: {  	_ =	shalt  }
0x80: {  	_ =	shalt  }
0x81: {  	_ =	shalt  }
0x82: {  	_ =	shalt  }
0x83: {  	_ =	shalt  }
0x84: {  	_ =	shalt  }
0x85: {  	_ =	shalt  }
0x86: {  	_ =	shalt  }
0x87: {  	_ =	shalt  }
.Lfunc_end0:
.L_simem_size_0:
called_computation_lowered:
.L_overlay_start_0:
0x88: {  	s2 =	sld [smem:$0x3FD9]  }
0x89: {  	s3 =	sld [smem:$0x3FFE];
	_ =	sdelay $0x1  }
0x8a: {  	s1 =	srdreg.scid  }
0x8b: {  	s0 =	sand.u32 $0x1, s1  }
0x8c: {  	s17 =	sshll.u32 s0, $0xA;
	s2 =	sadd.s32 s3, s2  }
0x8d: {  	s2 =	sadd.s32 s2, s17  }
0x8e: {  	[smem:$0x3FBC] =	sst s2  }
0x8f: {  	_ = 	snop  }
0x90: {  	s2 =	sld [smem:$0x3FD0];
	(tm) =	ssettm $0x1  }
0x91: {  	s18 =	sld [smem:$0x3FFB];
	_ =	sdelay $0x3  }
0x92: {  	_ =	strace s18  }
0x93: {  	s3 =	sld [smem:$0x3FFC];
	_ =	sdelay $0x3  }
0x94: {  	_ =	strace s3  }
0x95: {  	s3 =	sld [smem:$0x3FFD];
	_ =	sdelay $0x3  }
0x96: {  	_ =	strace s3  }
0x97: {  	_ =	strace $0x8FFFFFFF  }
0x98: {  	s19 =	sld [smem:$0x3FDB];
	_ =	sdelay $0x1  }
0x99: {  	s4 =	simm.s32 $_scs_section_size  }
0x9a: {  	s5 =	simm.s32 $_size__tile_overlayer_lowered;
	s6 =	simm.s32 $_tile_overlayer_lowered  }
0x9b: {  	s22 =	simm.s32 $0x1BFF;
	s21 =	sshll.u32 s6, $0x1;
	s3 =	sadd.s32 s4, s19  }
0x9c: {  	s7 =	simm.s32 $0x0;
	s20 =	sshll.u32 s5, $0x1;
	s5 =	sadd.s32 s21, s3  }
0x9d: {  	[timem:s7], [sflag:s22] =	dma.local [hbm:s5], s20  }
0x9e: {  	_ =	swait.ge [sflag:s22], s20  }
0x9f: {  	s4 =	ssub.s32 $0x0, s20;
	[sflag:s22] =	ssyncset.done $0x0  }
0xa0: {  	[sflag:s22] =	ssyncadd.s32 s4;
	_ =	sdelay $0x1  }
0xa1: {  	s23 =	simm.s32 $0x1B8B  }
0xa2: {  	_ =	swait.ge [sflag:s23], $0x1  }
0xa3: {  	[sflag:s23] =	ssyncset.done $0x0  }
0xa4: {  	s25 =	simm.s32 $0x1B8E;
	s24 =	sld [smem:$0x3FFE];
	[sflag:s23] =	ssyncadd.s32 $0xFFFFFFFF  }
0xa5: {  	s26 =	simm.s32 $execute0_lowered;
	[smem:$0x3FD2] =	sst s25  }
0xa6: {  	s5 =	sshll.u32 s26, $0x1;
	_ =	strace $0x80000046;
	[dreg:$0x1] =	wrdreg $0xFFFFFFFF  }
0xa7: {  	s28 =	simm.s32 $_size_execute0_lowered;
	s3 =	sadd.s32 s3, s5;
	[dreg:$0x0] =	wrdreg $0x0  }
0xa8: {  	s5 =	sshll.u32 s28, $0x1;
	[dreg:$0x2] =	wrdreg s3  }
0xa9: {  	[dreg:$0x3] =	wrdreg s5  }
0xaa: {  	[dreg:$0x4] =	wrdreg $0xC0  }
0xab: {  	_ =	task [dreg:s7], $0x5FFFF  }
0xac: {  	[dreg:$0x1] =	wrdreg $0xFFFFFFFF  }
0xad: {  	[dreg:$0x0] =	wrdreg $0x60  }
0xae: {  	[dreg:$0x2] =	wrdreg s2  }
0xaf: {  	[dreg:$0x3] =	wrdreg s24  }
0xb0: {  	[dreg:$0x4] =	wrdreg $0xA8000  }
0xb1: {  	[dreg:$0x5] =	wrdreg $0x9  }
0xb2: {  	_ =	task.clear_ibuf [dreg:s7], $0x6FFFF;
	_ =	strace $0x90000046  }
0xb3: {  	s29 =	simm.s32 $0x9;
	_ =	strace $0x80000048  }
0xb4: {  	_ =	swait.ge [sflag:s29], $0x1  }
0xb5: {  	[sflag:s29] =	ssyncadd.s32 $0xFFFFFFFF  }
0xb6: {  	_ =	strace $0x90000048  }
0xb7: {  	_ =	sfence  }
0xb8: {  	s30 =	sld [smem:$0x0];
	_ =	sdelay $0x2  }
0xb9: {  	s31 =	sshll.u32 s1, $0xD;
	s1 =	sshrl.u32 s1, $0x2  }
0xba: {  	s3 =	sand.u32 $0x4000, s31;
	s1 =	sadd.s32 s1, s30  }
0xbb: {  	s0 =	sor.u32 s3, s0;
	s1 =	sshll.u32 s1, $0x11  }
0xbc: {  	s0 =	sor.u32 s1, s0  }
0xbd: {  	s0 =	sadd.s32 $0x8F2B, s0  }
0xbe: {  	[sflag:s0] =	ssyncadd.remote.s32 $0x1  }
0xbf: {  	_ =	sfence.sel $0xFFFF  }
0xc0: {  	[dreg:$0x0] =	wrdreg $0xFFFFFFFF;
	(pc) =	sbr.abs _section_cstart, $3  }
0xc1: {  	[dreg:$0x1] =	wrdreg $0xFFFFFFFF  }
0xc2: {  	_ =	task.clear_ibuf [dreg:s7], $0x2FFFF;
	_ =	strace $0x9FFFFFFF  }
0xc3: {  	(tm) =	ssettm $0x7FFFFFFF  }
tec
execute0_lowered:
.L_overlay_start_1:
0x0: {  	(tag) =	ssettag $0x1  }
0x1: {  	s0 =	rddreg [dreg:$0x0]  }
0x2: {  	s1 =	rddreg [dreg:$0x1]  }
0x3: {  	s2 =	srdreg.scid;
	s3 =	rddreg [dreg:$0x2];
	s4 =	simm.s32 $0x0  }
0x4: {  	s20 =	simm.s32 $0x2800;
	s28 =	simm.s32 $0x2;
	s5 =	sand.u32 $0x1, s2  }
0x5: {  	s2 =	stileid.u32;
	[smem:$0x7FF] =	sst s4;
	s9 =	sadd.s32 $0x3600, s1  }
0x6: {  	s19 =	sadd.s32 $0xD280, s1;
	s24 =	sadd.s32 $0xD100, s1;
	s6 =	smul.u32 $0x140000, s5  }
0x7: {  	s25 =	sadd.s32 $0x16D80, s1;
	s26 =	sadd.s32 $0xD200, s1;
	s7 =	smul.u32 $0x14000, s2  }
0x8: {  	_ =	strace $0x80000047;
	s21 =	ssub.s32 $0x2, s5;
	[dreg:$0x4] =	wrdreg s24  }
0x9: {  	s8 =	smul.u32 $0x50000, s2;
	s22 =	sshll.u32 s5, $0x4;
	[dreg:$0x5] =	wrdreg s25  }
0xa: {  	[dreg:$0x6] =	wrdreg s26;
	s24 =	simm.s32 $0x6800;
	s25 =	simm.s32 $0x1  }
0xb: {  	s10 =	sshrl.u32 s21, $0x1;
	s23 =	sor.u32 s2, s22;
	s22 =	simm.s32 $0x1400  }
0xc: {  	s6 =	sadd.s32 s7, s6;
	s7 =	ssub.s32 s21, s10;
	s8 =	sshrl.u32 s8, $0x2  }
0xd: {  	s29 =	smul.u32 $0x500, s23;
	p0 =	seq.s32 s23, $0x1F;
	s21 =	simm.s32 $0x3  }
0xe: {  	s23 =	simm.s32 $0x80;
	s6 =	sshrl.u32 s6, $0x3;
	s5 =	sadd.s32 s8, s3  }
0xf: {  	s11 =	smax.u32 s7, $0x1;
	s7 =	simm.s32 $0x2700;
	s8 =	simm.s32 $0x2780  }
0x10: {  	s6 =	sadd.s32 s6, s1;
	s1 =	sadd.s32 $0x16E80, s1;
	s12 =	sadd.s32 $0x4000, s5  }
.Ltmp0:
0x11: {  	s13 =	sadd.s32 $0x8000, s5;
	s14 =	sadd.s32 $0xC000, s5;
	(pc) =	sbr.rel .LBB2_1-.Ltmp0, $4  }
0x12: {  	s15 =	sadd.s32 $0x10000, s5;
	s30 =	sadd.s32 $0x280, s29;
	s31 =	sadd.s32 s9, s29  }
0x13: {  	s17 =	sadd.s32 s29, s19;
	[dreg:$0x7] =	wrdreg s1;
	s10 =	sadd.s32 $0x17000, s6  }
0x14: {  	[dreg:$0x8] =	wrdreg s31;
	s18 =	sadd.s32 s9, s30;
	s19 =	sadd.s32 s30, s19  }
0x15: {  	v0 =	vimm.f32 $0.0e+00;
	s1 =	simm.s32 $0x1580;
	s6 =	simm.s32 $0x1380;
	s9 =	simm.s32 $0x0  }
.LBB2_9:
0x16: {  	s16 =	rddreg [dreg:$0x4]  }
0x17: {  	[tilespmem:s4], [sflag:$0x3] =	stream.linear.gather [hbm4b:s16+s4], $0x800, $0x38;
	[tilespmem:$0x1E800] =	vst v63  }
0x18: {  	_ =	swait.ge [sflag:s21], $0x800  }
0x19: {  	[sflag:s21] =	ssyncset.done $0x0  }
0x1a: {  	s31 =	rddreg [dreg:$0x5];
	[sflag:s21] =	ssyncadd.s32 $0xFFFFF800  }
0x1b: {  	[tilespmem:s22], [sflag:$0x3] =	stream.linear.gather [hbm4b:s31+s4], $0x800, $0x38;
	[tilespmem:$0x1E800] =	vst v63  }
0x1c: {  	_ =	swait.ge [sflag:s21], $0x800  }
0x1d: {  	[sflag:s21] =	ssyncset.done $0x0  }
0x1e: {  	[sflag:s21] =	ssyncadd.s32 $0xFFFFF800  }
0x1f: {  	[tilespmem:s20], [sflag:$0x1] =	stream.indirect.gather [hbm4b:s0+s23], $0x80, s4, s23, $0xb8;
	[tilespmem:$0x1E800] =	vst v63  }
0x20: {  	_ = 	snop  }
0x21: {  	[tilespmem:s24], [sflag:$0x2] =	stream.indirect.gather [hbm4b:s0+s23], $0x80, s23, s23, $0xb8;
	[tilespmem:$0x1E800] =	vst v63  }
0x22: {  	_ =	swait.ge [sflag:s25], $0x4000  }
0x23: {  	[sflag:s25] =	ssyncset.done $0x0  }
0x24: {  	[sflag:s25] =	ssyncadd.s32 $0xFFFFC000  }
0x25: {  	[spmem:s3] =	stream.indirect.scatter.add.f32 [tilespmem:s20], [sflag:$0x3], $0x80, s22, s23, $0xb8;
	[tilespmem:$0x1E800] =	vst v63  }
0x26: {  	_ =	swait.ge [sflag:s21], $0x4000  }
0x27: {  	[sflag:s21] =	ssyncset.done $0x0  }
0x28: {  	s26 =	simm.s32 $0x100;
	[sflag:s21] =	ssyncadd.s32 $0xFFFFC000  }
0x29: {  	[tilespmem:s20], [sflag:$0x1] =	stream.indirect.gather [hbm4b:s0+s23], $0x80, s26, s23, $0xb8;
	[tilespmem:$0x1E800] =	vst v63  }
0x2a: {  	_ =	swait.ge [sflag:s28], $0x4000  }
0x2b: {  	[sflag:s28] =	ssyncset.done $0x0  }
0x2c: {  	s29 =	simm.s32 $0x1480;
	[sflag:s28] =	ssyncadd.s32 $0xFFFFC000  }
0x2d: {  	[spmem:s3] =	stream.indirect.scatter.add.f32 [tilespmem:s24], [sflag:$0x3], $0x80, s29, s23, $0xb8;
	[tilespmem:$0x1E800] =	vst v63  }
0x2e: {  	_ =	swait.ge [sflag:s21], $0x4000  }
0x2f: {  	[sflag:s21] =	ssyncset.done $0x0  }
0x30: {  	s30 =	simm.s32 $0x180;
	[sflag:s21] =	ssyncadd.s32 $0xFFFFC000  }
0x31: {  	[tilespmem:s24], [sflag:$0x2] =	stream.indirect.gather [hbm4b:s0+s23], $0x80, s30, s23, $0xb8;
	[tilespmem:$0x1E800] =	vst v63  }
0x32: {  	_ =	swait.ge [sflag:s25], $0x4000  }
0x33: {  	[sflag:s25] =	ssyncset.done $0x0  }
0x34: {  	s31 =	simm.s32 $0x1500;
	[sflag:s25] =	ssyncadd.s32 $0xFFFFC000  }
0x35: {  	[spmem:s3] =	stream.indirect.scatter.add.f32 [tilespmem:s20], [sflag:$0x3], $0x80, s31, s23, $0xb8;
	[tilespmem:$0x1E800] =	vst v63  }
0x36: {  	_ =	swait.ge [sflag:s21], $0x4000  }
0x37: {  	[sflag:s21] =	ssyncset.done $0x0  }
0x38: {  	s16 =	simm.s32 $0x200;
	[sflag:s21] =	ssyncadd.s32 $0xFFFFC000  }
0x39: {  	[tilespmem:s20], [sflag:$0x1] =	stream.indirect.gather [hbm4b:s0+s23], $0x80, s16, s23, $0xb8;
	[tilespmem:$0x1E800] =	vst v63  }
0x3a: {  	_ =	swait.ge [sflag:s28], $0x4000  }
0x3b: {  	[sflag:s28] =	ssyncset.done $0x0  }
0x3c: {  	[sflag:s28] =	ssyncadd.s32 $0xFFFFC000  }
0x3d: {  	[spmem:s3] =	stream.indirect.scatter.add.f32 [tilespmem:s24], [sflag:$0x3], $0x80, s1, s23, $0xb8;
	[tilespmem:$0x1E800] =	vst v63  }
0x3e: {  	_ =	swait.ge [sflag:s21], $0x4000  }
0x3f: {  	[sflag:s21] =	ssyncset.done $0x0  }
0x40: {  	s16 =	simm.s32 $0x280;
	[sflag:s21] =	ssyncadd.s32 $0xFFFFC000  }
0x41: {  	[tilespmem:s24], [sflag:$0x2] =	stream.indirect.gather [hbm4b:s0+s23], $0x80, s16, s23, $0xb8;
	[tilespmem:$0x1E800] =	vst v63  }
0x42: {  	_ =	swait.ge [sflag:s25], $0x4000  }
0x43: {  	[sflag:s25] =	ssyncset.done $0x0  }
0x44: {  	s16 =	simm.s32 $0x1600;
	[sflag:s25] =	ssyncadd.s32 $0xFFFFC000  }
0x45: {  	[spmem:s3] =	stream.indirect.scatter.add.f32 [tilespmem:s20], [sflag:$0x3], $0x80, s16, s23, $0xb8;
	[tilespmem:$0x1E800] =	vst v63  }
0x46: {  	_ =	swait.ge [sflag:s21], $0x4000  }
0x47: {  	[sflag:s21] =	ssyncset.done $0x0  }
0x48: {  	s16 =	simm.s32 $0x300;
	[sflag:s21] =	ssyncadd.s32 $0xFFFFC000  }
0x49: {  	[tilespmem:s20], [sflag:$0x1] =	stream.indirect.gather [hbm4b:s0+s23], $0x80, s16, s23, $0xb8;
	[tilespmem:$0x1E800] =	vst v63  }
0x4a: {  	_ =	swait.ge [sflag:s28], $0x4000  }
0x4b: {  	[sflag:s28] =	ssyncset.done $0x0  }
0x4c: {  	s16 =	simm.s32 $0x1680;
	[sflag:s28] =	ssyncadd.s32 $0xFFFFC000  }
0x4d: {  	[spmem:s3] =	stream.indirect.scatter.add.f32 [tilespmem:s24], [sflag:$0x3], $0x80, s16, s23, $0xb8;
	[tilespmem:$0x1E800] =	vst v63  }
0x4e: {  	_ =	swait.ge [sflag:s21], $0x4000  }
0x4f: {  	[sflag:s21] =	ssyncset.done $0x0  }
0x50: {  	s16 =	simm.s32 $0x380;
	[sflag:s21] =	ssyncadd.s32 $0xFFFFC000  }
0x51: {  	[tilespmem:s24], [sflag:$0x2] =	stream.indirect.gather [hbm4b:s0+s23], $0x80, s16, s23, $0xb8;
	[tilespmem:$0x1E800] =	vst v63  }
0x52: {  	_ =	swait.ge [sflag:s25], $0x4000  }
0x53: {  	[sflag:s25] =	ssyncset.done $0x0  }
0x54: {  	s16 =	simm.s32 $0x1700;
	[sflag:s25] =	ssyncadd.s32 $0xFFFFC000  }
0x55: {  	[spmem:s3] =	stream.indirect.scatter.add.f32 [tilespmem:s20], [sflag:$0x3], $0x80, s16, s23, $0xb8;
	[tilespmem:$0x1E800] =	vst v63  }
0x56: {  	_ =	swait.ge [sflag:s21], $0x4000  }
0x57: {  	[sflag:s21] =	ssyncset.done $0x0  }
0x58: {  	s16 =	simm.s32 $0x400;
	[sflag:s21] =	ssyncadd.s32 $0xFFFFC000  }
0x59: {  	[tilespmem:s20], [sflag:$0x1] =	stream.indirect.gather [hbm4b:s0+s23], $0x80, s16, s23, $0xb8;
	[tilespmem:$0x1E800] =	vst v63  }
0x5a: {  	_ =	swait.ge [sflag:s28], $0x4000  }
0x5b: {  	[sflag:s28] =	ssyncset.done $0x0  }
0x5c: {  	s16 =	simm.s32 $0x1780;
	[sflag:s28] =	ssyncadd.s32 $0xFFFFC000  }
0x5d: {  	[spmem:s3] =	stream.indirect.scatter.add.f32 [tilespmem:s24], [sflag:$0x3], $0x80, s16, s23, $0xb8;
	[tilespmem:$0x1E800] =	vst v63  }
0x5e: {  	_ =	swait.ge [sflag:s21], $0x4000  }
0x5f: {  	[sflag:s21] =	ssyncset.done $0x0  }
0x60: {  	s16 =	simm.s32 $0x480;
	[sflag:s21] =	ssyncadd.s32 $0xFFFFC000  }
0x61: {  	[tilespmem:s24], [sflag:$0x2] =	stream.indirect.gather [hbm4b:s0+s23], $0x80, s16, s23, $0xb8;
	[tilespmem:$0x1E800] =	vst v63  }
0x62: {  	_ =	swait.ge [sflag:s25], $0x4000  }
0x63: {  	[sflag:s25] =	ssyncset.done $0x0  }
0x64: {  	s16 =	simm.s32 $0x1800;
	[sflag:s25] =	ssyncadd.s32 $0xFFFFC000  }
0x65: {  	[spmem:s3] =	stream.indirect.scatter.add.f32 [tilespmem:s20], [sflag:$0x3], $0x80, s16, s23, $0xb8;
	[tilespmem:$0x1E800] =	vst v63  }
0x66: {  	_ =	swait.ge [sflag:s21], $0x4000  }
0x67: {  	[sflag:s21] =	ssyncset.done $0x0  }
0x68: {  	s16 =	simm.s32 $0x500;
	[sflag:s21] =	ssyncadd.s32 $0xFFFFC000  }
0x69: {  	[tilespmem:s20], [sflag:$0x1] =	stream.indirect.gather [hbm4b:s0+s23], $0x80, s16, s23, $0xb8;
	[tilespmem:$0x1E800] =	vst v63  }
0x6a: {  	_ =	swait.ge [sflag:s28], $0x4000  }
0x6b: {  	[sflag:s28] =	ssyncset.done $0x0  }
0x6c: {  	s16 =	simm.s32 $0x1880;
	[sflag:s28] =	ssyncadd.s32 $0xFFFFC000  }
0x6d: {  	[spmem:s3] =	stream.indirect.scatter.add.f32 [tilespmem:s24], [sflag:$0x3], $0x80, s16, s23, $0xb8;
	[tilespmem:$0x1E800] =	vst v63  }
0x6e: {  	_ =	swait.ge [sflag:s21], $0x4000  }
0x6f: {  	[sflag:s21] =	ssyncset.done $0x0  }
0x70: {  	s16 =	simm.s32 $0x580;
	[sflag:s21] =	ssyncadd.s32 $0xFFFFC000  }
0x71: {  	[tilespmem:s24], [sflag:$0x2] =	stream.indirect.gather [hbm4b:s0+s23], $0x80, s16, s23, $0xb8;
	[tilespmem:$0x1E800] =	vst v63  }
0x72: {  	_ =	swait.ge [sflag:s25], $0x4000  }
0x73: {  	[sflag:s25] =	ssyncset.done $0x0  }
0x74: {  	s16 =	simm.s32 $0x1900;
	[sflag:s25] =	ssyncadd.s32 $0xFFFFC000  }
0x75: {  	[spmem:s3] =	stream.indirect.scatter.add.f32 [tilespmem:s20], [sflag:$0x3], $0x80, s16, s23, $0xb8;
	[tilespmem:$0x1E800] =	vst v63  }
0x76: {  	_ =	swait.ge [sflag:s21], $0x4000  }
0x77: {  	[sflag:s21] =	ssyncset.done $0x0  }
0x78: {  	s16 =	simm.s32 $0x600;
	[sflag:s21] =	ssyncadd.s32 $0xFFFFC000  }
0x79: {  	[tilespmem:s20], [sflag:$0x1] =	stream.indirect.gather [hbm4b:s0+s23], $0x80, s16, s23, $0xb8;
	[tilespmem:$0x1E800] =	vst v63  }
0x7a: {  	_ =	swait.ge [sflag:s28], $0x4000  }
0x7b: {  	[sflag:s28] =	ssyncset.done $0x0  }
0x7c: {  	s16 =	simm.s32 $0x1980;
	[sflag:s28] =	ssyncadd.s32 $0xFFFFC000  }
0x7d: {  	[spmem:s3] =	stream.indirect.scatter.add.f32 [tilespmem:s24], [sflag:$0x3], $0x80, s16, s23, $0xb8;
	[tilespmem:$0x1E800] =	vst v63  }
0x7e: {  	_ =	swait.ge [sflag:s21], $0x4000  }
0x7f: {  	[sflag:s21] =	ssyncset.done $0x0  }
0x80: {  	s16 =	simm.s32 $0x680;
	[sflag:s21] =	ssyncadd.s32 $0xFFFFC000  }
0x81: {  	[tilespmem:s24], [sflag:$0x2] =	stream.indirect.gather [hbm4b:s0+s23], $0x80, s16, s23, $0xb8;
	[tilespmem:$0x1E800] =	vst v63  }
0x82: {  	_ =	swait.ge [sflag:s25], $0x4000  }
0x83: {  	[sflag:s25] =	ssyncset.done $0x0  }
0x84: {  	s16 =	simm.s32 $0x1A00;
	[sflag:s25] =	ssyncadd.s32 $0xFFFFC000  }
0x85: {  	[spmem:s3] =	stream.indirect.scatter.add.f32 [tilespmem:s20], [sflag:$0x3], $0x80, s16, s23, $0xb8;
	[tilespmem:$0x1E800] =	vst v63  }
0x86: {  	_ =	swait.ge [sflag:s21], $0x4000  }
0x87: {  	[sflag:s21] =	ssyncset.done $0x0  }
0x88: {  	s16 =	simm.s32 $0x700;
	[sflag:s21] =	ssyncadd.s32 $0xFFFFC000  }
0x89: {  	[tilespmem:s20], [sflag:$0x1] =	stream.indirect.gather [hbm4b:s0+s23], $0x80, s16, s23, $0xb8;
	[tilespmem:$0x1E800] =	vst v63  }
0x8a: {  	_ =	swait.ge [sflag:s28], $0x4000  }
0x8b: {  	[sflag:s28] =	ssyncset.done $0x0  }
0x8c: {  	s16 =	simm.s32 $0x1A80;
	[sflag:s28] =	ssyncadd.s32 $0xFFFFC000  }
0x8d: {  	[spmem:s3] =	stream.indirect.scatter.add.f32 [tilespmem:s24], [sflag:$0x3], $0x80, s16, s23, $0xb8;
	[tilespmem:$0x1E800] =	vst v63  }
0x8e: {  	_ =	swait.ge [sflag:s21], $0x4000  }
0x8f: {  	[sflag:s21] =	ssyncset.done $0x0  }
0x90: {  	s16 =	simm.s32 $0x780;
	[sflag:s21] =	ssyncadd.s32 $0xFFFFC000  }
0x91: {  	[tilespmem:s24], [sflag:$0x2] =	stream.indirect.gather [hbm4b:s0+s23], $0x80, s16, s23, $0xb8;
	[tilespmem:$0x1E800] =	vst v63  }
0x92: {  	_ =	swait.ge [sflag:s25], $0x4000  }
0x93: {  	[sflag:s25] =	ssyncset.done $0x0  }
0x94: {  	s16 =	simm.s32 $0x1B00;
	[sflag:s25] =	ssyncadd.s32 $0xFFFFC000  }
0x95: {  	[spmem:s3] =	stream.indirect.scatter.add.f32 [tilespmem:s20], [sflag:$0x3], $0x80, s16, s23, $0xb8;
	[tilespmem:$0x1E800] =	vst v63  }
0x96: {  	_ =	swait.ge [sflag:s21], $0x4000  }
0x97: {  	[sflag:s21] =	ssyncset.done $0x0  }
0x98: {  	[sflag:s21] =	ssyncadd.s32 $0xFFFFC000  }
0x99: {  	_ =	swait.ge [sflag:s28], $0x4000  }
0x9a: {  	[sflag:s28] =	ssyncset.done $0x0  }
0x9b: {  	s16 =	simm.s32 $0x1B80;
	[sflag:s28] =	ssyncadd.s32 $0xFFFFC000  }
0x9c: {  	[spmem:s3] =	stream.indirect.scatter.add.f32 [tilespmem:s24], [sflag:$0x3], $0x80, s16, s23, $0xb8;
	[tilespmem:$0x1E800] =	vst v63  }
0x9d: {  	_ =	swait.ge [sflag:s21], $0x4000  }
0x9e: {  	[sflag:s21] =	ssyncset.done $0x0  }
0x9f: {  	s16 =	rddreg [dreg:$0x6];
	[sflag:s21] =	ssyncadd.s32 $0xFFFFC000  }
0xa0: {  	[tilespmem:s4], [sflag:$0x3] =	stream.linear.gather [hbm4b:s16+s4], $0x200, $0x38;
	[tilespmem:$0x1E800] =	vst v63  }
0xa1: {  	_ =	swait.ge [sflag:s21], $0x200  }
0xa2: {  	[sflag:s21] =	ssyncset.done $0x0  }
0xa3: {  	s16 =	rddreg [dreg:$0x7];
	[sflag:s21] =	ssyncadd.s32 $0xFFFFFE00  }
0xa4: {  	[tilespmem:s22], [sflag:$0x3] =	stream.linear.gather [hbm4b:s16+s4], $0x200, $0x38;
	[tilespmem:$0x1E800] =	vst v63  }
0xa5: {  	_ =	swait.ge [sflag:s21], $0x200  }
0xa6: {  	[sflag:s21] =	ssyncset.done $0x0  }
0xa7: {  	[sflag:s21] =	ssyncadd.s32 $0xFFFFFE00  }
0xa8: {  	[tilespmem:s20], [sflag:$0x1] =	stream.indirect.gather [hbm4b:s0+s23], $0x80, s4, s23, $0xb8;
	[tilespmem:$0x1E800] =	vst v63  }
0xa9: {  	_ = 	snop  }
0xaa: {  	[tilespmem:s24], [sflag:$0x2] =	stream.indirect.gather [hbm4b:s0+s23], $0x80, s23, s23, $0xb8;
	[tilespmem:$0x1E800] =	vst v63  }
0xab: {  	_ =	swait.ge [sflag:s25], $0x4000  }
0xac: {  	[sflag:s25] =	ssyncset.done $0x0  }
0xad: {  	[sflag:s25] =	ssyncadd.s32 $0xFFFFC000  }
0xae: {  	[spmem:s3] =	stream.indirect.scatter.add.f32 [tilespmem:s20], [sflag:$0x3], $0x80, s22, s23, $0xb8;
	[tilespmem:$0x1E800] =	vst v63  }
0xaf: {  	_ =	swait.ge [sflag:s21], $0x4000  }
0xb0: {  	[sflag:s21] =	ssyncset.done $0x0  }
0xb1: {  	[sflag:s21] =	ssyncadd.s32 $0xFFFFC000  }
0xb2: {  	[tilespmem:s20], [sflag:$0x1] =	stream.indirect.gather [hbm4b:s0+s23], $0x80, s26, s23, $0xb8;
	[tilespmem:$0x1E800] =	vst v63  }
0xb3: {  	_ =	swait.ge [sflag:s28], $0x4000  }
0xb4: {  	[sflag:s28] =	ssyncset.done $0x0  }
0xb5: {  	[sflag:s28] =	ssyncadd.s32 $0xFFFFC000  }
0xb6: {  	[spmem:s3] =	stream.indirect.scatter.add.f32 [tilespmem:s24], [sflag:$0x3], $0x80, s29, s23, $0xb8;
	[tilespmem:$0x1E800] =	vst v63  }
0xb7: {  	_ =	swait.ge [sflag:s21], $0x4000  }
0xb8: {  	[sflag:s21] =	ssyncset.done $0x0  }
0xb9: {  	[sflag:s21] =	ssyncadd.s32 $0xFFFFC000  }
0xba: {  	[tilespmem:s24], [sflag:$0x2] =	stream.indirect.gather [hbm4b:s0+s23], $0x80, s30, s23, $0xb8;
	[tilespmem:$0x1E800] =	vst v63  }
0xbb: {  	_ =	swait.ge [sflag:s25], $0x4000  }
0xbc: {  	[sflag:s25] =	ssyncset.done $0x0  }
0xbd: {  	[sflag:s25] =	ssyncadd.s32 $0xFFFFC000  }
0xbe: {  	[spmem:s3] =	stream.indirect.scatter.add.f32 [tilespmem:s20], [sflag:$0x3], $0x80, s31, s23, $0xb8;
	[tilespmem:$0x1E800] =	vst v63  }
0xbf: {  	_ =	swait.ge [sflag:s21], $0x4000  }
0xc0: {  	[sflag:s21] =	ssyncset.done $0x0  }
0xc1: {  	[sflag:s21] =	ssyncadd.s32 $0xFFFFC000  }
0xc2: {  	_ =	swait.ge [sflag:s28], $0x4000  }
0xc3: {  	[sflag:s28] =	ssyncset.done $0x0  }
0xc4: {  	[sflag:s28] =	ssyncadd.s32 $0xFFFFC000  }
0xc5: {  	[spmem:s3] =	stream.indirect.scatter.add.f32 [tilespmem:s24], [sflag:$0x3], $0x80, s1, s23, $0xb8;
	[tilespmem:$0x1E800] =	vst v63  }
0xc6: {  	_ =	swait.ge [sflag:s21], $0x4000  }
0xc7: {  	[sflag:s21] =	ssyncset.done $0x0  }
0xc8: {  	[sflag:s21] =	ssyncadd.s32 $0xFFFFC000  }
.LBB2_10:
0xc9: {  	s9 =	sadd.s32 $0x1, s9  }
0xca: {  	s16 =	sshll.u32 s2, $0x6;
	[bflag:$0x0] =	sbarrier.arrive $0xFFFF;
	p1 =	sne.s32 s9, s11  }
.Ltmp1:
0xcb: {  	s26 =	sshrl.u32 s5, $0x3;
	s16 =	sor.u32 $0x1C03, s16;
	(pc) =	sbr.rel @!p1 .LBB2_11-.Ltmp1, $4  }
0xcc: {  	[hbm:s10], [sflag:s16] =	dma.local [spmem:s26], $0x2800  }
0xcd: {  	_ =	swait.ge [sflag:s21], $0x2800  }
0xce: {  	[sflag:s21] =	ssyncset.done $0x0  }
0xcf: {  	[sflag:s21] =	ssyncadd.s32 $0xFFFFD800  }
.LBB2_1:
0xd0: {  	s26 =	simm.s32 $0x0;
	s29 =	simm.s32 $0x200  }
.LBB2_2:
0xd1: {  	p1 =	sne.s32 s29, $0xFE00;
	[tilespmem:s26+$0x2870] =	vst v0  }
0xd2: {  	[tilespmem:s26+$0x2800] =	vst v0  }
0xd3: {  	[tilespmem:s26+$0x2810] =	vst v0  }
.Ltmp2:
0xd4: {  	[tilespmem:s26+$0x2820] =	vst v0;
	(pc) =	sbr.rel @p1 .LBB2_2-.Ltmp2, $4  }
0xd5: {  	[tilespmem:s26+$0x2830] =	vst v0  }
0xd6: {  	[tilespmem:s26+$0x2840] =	vst v0  }
0xd7: {  	[tilespmem:s26+$0x2850] =	vst v0  }
0xd8: {  	[tilespmem:s26+$0x2860] =	vst v0;
	s26 =	sshra.s32 s29, $0x2;
	s29 =	sadd.s32 $0x200, s29  }
0xd9: {  	[tilespmem:s26+$0x2870] =	vst v0  }
0xda: {  	[tilespmem:s26+$0x2800] =	vst v0  }
0xdb: {  	[tilespmem:s26+$0x2810] =	vst v0  }
0xdc: {  	[tilespmem:s26+$0x2820] =	vst v0  }
0xdd: {  	[tilespmem:s26+$0x2830] =	vst v0  }
0xde: {  	[tilespmem:s26+$0x2840] =	vst v0  }
0xdf: {  	[tilespmem:s26+$0x2850] =	vst v0  }
0xe0: {  	[tilespmem:s26+$0x2860] =	vst v0  }
0xe1: {  	[spmem:s5] =	stream.linear.scatter [tilespmem:s20], [sflag:$0x3], $0x4000, $0x38;
	[tilespmem:$0x1E800] =	vst v63  }
0xe2: {  	_ =	swait.ge [sflag:s21], $0x4000  }
0xe3: {  	[sflag:s21] =	ssyncset.done $0x0  }
0xe4: {  	[sflag:s21] =	ssyncadd.s32 $0xFFFFC000  }
0xe5: {  	[spmem:s12] =	stream.linear.scatter [tilespmem:s20], [sflag:$0x3], $0x4000, $0x38;
	[tilespmem:$0x1E800] =	vst v63  }
0xe6: {  	_ =	swait.ge [sflag:s21], $0x4000  }
0xe7: {  	[sflag:s21] =	ssyncset.done $0x0  }
0xe8: {  	[sflag:s21] =	ssyncadd.s32 $0xFFFFC000  }
0xe9: {  	[spmem:s13] =	stream.linear.scatter [tilespmem:s20], [sflag:$0x3], $0x4000, $0x38;
	[tilespmem:$0x1E800] =	vst v63  }
0xea: {  	_ =	swait.ge [sflag:s21], $0x4000  }
0xeb: {  	[sflag:s21] =	ssyncset.done $0x0  }
0xec: {  	[sflag:s21] =	ssyncadd.s32 $0xFFFFC000  }
0xed: {  	[spmem:s14] =	stream.linear.scatter [tilespmem:s20], [sflag:$0x3], $0x4000, $0x38;
	[tilespmem:$0x1E800] =	vst v63  }
0xee: {  	_ =	swait.ge [sflag:s21], $0x4000  }
0xef: {  	[sflag:s21] =	ssyncset.done $0x0  }
0xf0: {  	[sflag:s21] =	ssyncadd.s32 $0xFFFFC000  }
0xf1: {  	[spmem:s15] =	stream.linear.scatter [tilespmem:s20], [sflag:$0x3], $0x4000, $0x38;
	[tilespmem:$0x1E800] =	vst v63  }
.Ltmp3:
0xf2: {  	_ =	swait.ge [sflag:s21], $0x4000;
	(pc) =	sbr.rel @p0 .LBB2_9-.Ltmp3, $3  }
0xf3: {  	[sflag:s21] =	ssyncset.done $0x0  }
0xf4: {  	[sflag:s21] =	ssyncadd.s32 $0xFFFFC000  }
0xf5: {  	[bflag:$0x0] =	sbarrier.arrive $0xFFFF;
	_ =	sdelay $0x1  }
0xf6: {  	s26 =	simm.s32 $0x0;
	s16 =	rddreg [dreg:$0x8]  }
0xf7: {  	[tilespmem:s26], [sflag:$0x3] =	stream.linear.gather [hbm4b:s16+s26], $0x1400, $0x38;
	[tilespmem:$0x1E800] =	vst v63  }
0xf8: {  	_ =	swait.ge [sflag:s21], $0x1400  }
0xf9: {  	[sflag:s21] =	ssyncset.done $0x0  }
0xfa: {  	[sflag:s21] =	ssyncadd.s32 $0xFFFFEC00  }
0xfb: {  	[tilespmem:s22], [sflag:$0x3] =	stream.linear.gather [hbm4b:s17+s26], $0x1400, $0x38;
	[tilespmem:$0x1E800] =	vst v63  }
0xfc: {  	_ =	swait.ge [sflag:s21], $0x1400  }
0xfd: {  	[sflag:s21] =	ssyncset.done $0x0  }
0xfe: {  	[sflag:s21] =	ssyncadd.s32 $0xFFFFEC00  }
0xff: {  	[tilespmem:s20], [sflag:$0x1] =	stream.indirect.gather [hbm4b:s0+s23], $0x80, s26, s23, $0xb8;
	[tilespmem:$0x1E800] =	vst v63  }
0x100: {  	s31 =	simm.s32 $0x80  }
0x101: {  	[tilespmem:s24], [sflag:$0x2] =	stream.indirect.gather [hbm4b:s0+s23], $0x80, s31, s23, $0xb8;
	[tilespmem:$0x1E800] =	vst v63  }
0x102: {  	_ =	swait.ge [sflag:s25], $0x4000  }
0x103: {  	[sflag:s25] =	ssyncset.done $0x0  }
0x104: {  	s16 =	simm.s32 $0x1400;
	[sflag:s25] =	ssyncadd.s32 $0xFFFFC000  }
0x105: {  	[spmem:s3] =	stream.indirect.scatter.add.f32 [tilespmem:s20], [sflag:$0x3], $0x80, s16, s23, $0xb8;
	[tilespmem:$0x1E800] =	vst v63  }
0x106: {  	_ =	swait.ge [sflag:s21], $0x4000  }
0x107: {  	[sflag:s21] =	ssyncset.done $0x0  }
0x108: {  	s30 =	simm.s32 $0x100;
	[sflag:s21] =	ssyncadd.s32 $0xFFFFC000  }
0x109: {  	[tilespmem:s20], [sflag:$0x1] =	stream.indirect.gather [hbm4b:s0+s23], $0x80, s30, s23, $0xb8;
	[tilespmem:$0x1E800] =	vst v63  }
0x10a: {  	_ =	swait.ge [sflag:s28], $0x4000  }
0x10b: {  	[sflag:s28] =	ssyncset.done $0x0  }
0x10c: {  	s31 =	simm.s32 $0x1480;
	[sflag:s28] =	ssyncadd.s32 $0xFFFFC000  }
0x10d: {  	[spmem:s3] =	stream.indirect.scatter.add.f32 [tilespmem:s24], [sflag:$0x3], $0x80, s31, s23, $0xb8;
	[tilespmem:$0x1E800] =	vst v63  }
0x10e: {  	_ =	swait.ge [sflag:s21], $0x4000  }
0x10f: {  	s29 =	simm.s32 $0x800;
	s26 =	simm.s32 $0x100;
	[sflag:s21] =	ssyncset.done $0x0  }
.LBB2_5:
0x110: {  	s30 =	sadd.s32 $0x80, s26  }
0x111: {  	[sflag:s21] =	ssyncadd.s32 $0xFFFFC000;
	s31 =	smov.u32 s29;
	s16 =	sadd.s32 $0x400, s29  }
0x112: {  	[tilespmem:s24], [sflag:$0x2] =	stream.indirect.gather [hbm4b:s0+s23], $0x80, s30, s23, $0xb8;
	[tilespmem:$0x1E800] =	vst v63  }
0x113: {  	p1 =	sne.s32 s29, $0x4800;
	_ =	swait.ge [sflag:s25], $0x4000  }
0x114: {  	[sflag:s25] =	ssyncset.done $0x0  }
0x115: {  	s29 =	sadd.s32 $0x1400, s26;
	[sflag:s25] =	ssyncadd.s32 $0xFFFFC000  }
0x116: {  	[spmem:s3] =	stream.indirect.scatter.add.f32 [tilespmem:s20], [sflag:$0x3], $0x80, s29, s23, $0xb8;
	[tilespmem:$0x1E800] =	vst v63  }
0x117: {  	_ =	swait.ge [sflag:s21], $0x4000  }
0x118: {  	[sflag:s21] =	ssyncset.done $0x0  }
0x119: {  	s29 =	sadd.s32 $0x100, s26;
	[sflag:s21] =	ssyncadd.s32 $0xFFFFC000  }
0x11a: {  	[tilespmem:s20], [sflag:$0x1] =	stream.indirect.gather [hbm4b:s0+s23], $0x80, s29, s23, $0xb8;
	[tilespmem:$0x1E800] =	vst v63  }
0x11b: {  	_ =	swait.ge [sflag:s28], $0x4000  }
.Ltmp4:
0x11c: {  	[sflag:s28] =	ssyncset.done $0x0;
	(pc) =	sbr.rel @p1 .LBB2_5-.Ltmp4, $4  }
0x11d: {  	s26 =	sadd.s32 $0x1480, s26;
	[sflag:s28] =	ssyncadd.s32 $0xFFFFC000  }
0x11e: {  	[spmem:s3] =	stream.indirect.scatter.add.f32 [tilespmem:s24], [sflag:$0x3], $0x80, s26, s23, $0xb8;
	[tilespmem:$0x1E800] =	vst v63  }
0x11f: {  	_ =	swait.ge [sflag:s21], $0x4000  }
0x120: {  	s29 =	smov.u32 s16;
	s26 =	sshra.s32 s31, $0x2;
	[sflag:s21] =	ssyncset.done $0x0  }
0x121: {  	s16 =	sadd.s32 $0x80, s26;
	[sflag:s21] =	ssyncadd.s32 $0xFFFFC000  }
0x122: {  	[tilespmem:s24], [sflag:$0x2] =	stream.indirect.gather [hbm4b:s0+s23], $0x80, s16, s23, $0xb8;
	[tilespmem:$0x1E800] =	vst v63  }
0x123: {  	_ =	swait.ge [sflag:s25], $0x4000  }
0x124: {  	[sflag:s25] =	ssyncset.done $0x0  }
0x125: {  	s30 =	sadd.s32 $0x1400, s26;
	[sflag:s25] =	ssyncadd.s32 $0xFFFFC000  }
0x126: {  	[spmem:s3] =	stream.indirect.scatter.add.f32 [tilespmem:s20], [sflag:$0x3], $0x80, s30, s23, $0xb8;
	[tilespmem:$0x1E800] =	vst v63  }
0x127: {  	_ =	swait.ge [sflag:s21], $0x4000  }
0x128: {  	[sflag:s21] =	ssyncset.done $0x0  }
0x129: {  	s31 =	sadd.s32 $0x100, s26;
	[sflag:s21] =	ssyncadd.s32 $0xFFFFC000  }
0x12a: {  	[tilespmem:s20], [sflag:$0x1] =	stream.indirect.gather [hbm4b:s0+s23], $0x80, s31, s23, $0xb8;
	[tilespmem:$0x1E800] =	vst v63  }
0x12b: {  	_ =	swait.ge [sflag:s28], $0x4000  }
0x12c: {  	[sflag:s28] =	ssyncset.done $0x0  }
0x12d: {  	s26 =	sadd.s32 $0x1480, s26;
	[sflag:s28] =	ssyncadd.s32 $0xFFFFC000  }
0x12e: {  	[spmem:s3] =	stream.indirect.scatter.add.f32 [tilespmem:s24], [sflag:$0x3], $0x80, s26, s23, $0xb8;
	[tilespmem:$0x1E800] =	vst v63  }
0x12f: {  	_ =	swait.ge [sflag:s21], $0x4000  }
0x130: {  	[sflag:s21] =	ssyncset.done $0x0  }
0x131: {  	[sflag:s21] =	ssyncadd.s32 $0xFFFFC000  }
0x132: {  	[tilespmem:s24], [sflag:$0x2] =	stream.indirect.gather [hbm4b:s0+s23], $0x80, s6, s23, $0xb8;
	[tilespmem:$0x1E800] =	vst v63  }
0x133: {  	_ =	swait.ge [sflag:s25], $0x4000  }
0x134: {  	[sflag:s25] =	ssyncset.done $0x0  }
0x135: {  	[sflag:s25] =	ssyncadd.s32 $0xFFFFC000  }
0x136: {  	[spmem:s3] =	stream.indirect.scatter.add.f32 [tilespmem:s20], [sflag:$0x3], $0x80, s7, s23, $0xb8;
	[tilespmem:$0x1E800] =	vst v63  }
0x137: {  	_ =	swait.ge [sflag:s21], $0x4000  }
0x138: {  	[sflag:s21] =	ssyncset.done $0x0  }
0x139: {  	[sflag:s21] =	ssyncadd.s32 $0xFFFFC000  }
0x13a: {  	_ =	swait.ge [sflag:s28], $0x4000  }
0x13b: {  	[sflag:s28] =	ssyncset.done $0x0  }
0x13c: {  	[sflag:s28] =	ssyncadd.s32 $0xFFFFC000  }
0x13d: {  	[spmem:s3] =	stream.indirect.scatter.add.f32 [tilespmem:s24], [sflag:$0x3], $0x80, s8, s23, $0xb8;
	[tilespmem:$0x1E800] =	vst v63  }
0x13e: {  	_ =	swait.ge [sflag:s21], $0x4000  }
0x13f: {  	[sflag:s21] =	ssyncset.done $0x0  }
0x140: {  	s30 =	simm.s32 $0x0;
	[sflag:s21] =	ssyncadd.s32 $0xFFFFC000  }
0x141: {  	[tilespmem:s30], [sflag:$0x3] =	stream.linear.gather [hbm4b:s18+s30], $0x1400, $0x38;
	[tilespmem:$0x1E800] =	vst v63  }
0x142: {  	_ =	swait.ge [sflag:s21], $0x1400  }
0x143: {  	[sflag:s21] =	ssyncset.done $0x0  }
0x144: {  	[sflag:s21] =	ssyncadd.s32 $0xFFFFEC00  }
0x145: {  	[tilespmem:s22], [sflag:$0x3] =	stream.linear.gather [hbm4b:s19+s30], $0x1400, $0x38;
	[tilespmem:$0x1E800] =	vst v63  }
0x146: {  	_ =	swait.ge [sflag:s21], $0x1400  }
0x147: {  	[sflag:s21] =	ssyncset.done $0x0  }
0x148: {  	[sflag:s21] =	ssyncadd.s32 $0xFFFFEC00  }
0x149: {  	[tilespmem:s20], [sflag:$0x1] =	stream.indirect.gather [hbm4b:s0+s23], $0x80, s30, s23, $0xb8;
	[tilespmem:$0x1E800] =	vst v63  }
0x14a: {  	s31 =	simm.s32 $0x80  }
0x14b: {  	[tilespmem:s24], [sflag:$0x2] =	stream.indirect.gather [hbm4b:s0+s23], $0x80, s31, s23, $0xb8;
	[tilespmem:$0x1E800] =	vst v63  }
0x14c: {  	_ =	swait.ge [sflag:s25], $0x4000  }
0x14d: {  	[sflag:s25] =	ssyncset.done $0x0  }
0x14e: {  	s26 =	simm.s32 $0x1400;
	[sflag:s25] =	ssyncadd.s32 $0xFFFFC000  }
0x14f: {  	[spmem:s3] =	stream.indirect.scatter.add.f32 [tilespmem:s20], [sflag:$0x3], $0x80, s26, s23, $0xb8;
	[tilespmem:$0x1E800] =	vst v63  }
0x150: {  	_ =	swait.ge [sflag:s21], $0x4000  }
0x151: {  	[sflag:s21] =	ssyncset.done $0x0  }
0x152: {  	s30 =	simm.s32 $0x100;
	[sflag:s21] =	ssyncadd.s32 $0xFFFFC000  }
0x153: {  	[tilespmem:s20], [sflag:$0x1] =	stream.indirect.gather [hbm4b:s0+s23], $0x80, s30, s23, $0xb8;
	[tilespmem:$0x1E800] =	vst v63  }
0x154: {  	_ =	swait.ge [sflag:s28], $0x4000  }
0x155: {  	[sflag:s28] =	ssyncset.done $0x0  }
0x156: {  	s31 =	simm.s32 $0x1480;
	[sflag:s28] =	ssyncadd.s32 $0xFFFFC000  }
0x157: {  	[spmem:s3] =	stream.indirect.scatter.add.f32 [tilespmem:s24], [sflag:$0x3], $0x80, s31, s23, $0xb8;
	[tilespmem:$0x1E800] =	vst v63  }
0x158: {  	_ =	swait.ge [sflag:s21], $0x4000  }
0x159: {  	s29 =	simm.s32 $0x800;
	s26 =	simm.s32 $0x100;
	[sflag:s21] =	ssyncset.done $0x0  }
.LBB2_7:
0x15a: {  	s16 =	sadd.s32 $0x80, s26  }
0x15b: {  	[sflag:s21] =	ssyncadd.s32 $0xFFFFC000;
	s30 =	smov.u32 s29;
	s31 =	sadd.s32 $0x400, s29  }
0x15c: {  	[tilespmem:s24], [sflag:$0x2] =	stream.indirect.gather [hbm4b:s0+s23], $0x80, s16, s23, $0xb8;
	[tilespmem:$0x1E800] =	vst v63  }
0x15d: {  	p1 =	sne.s32 s29, $0x4800;
	_ =	swait.ge [sflag:s25], $0x4000  }
0x15e: {  	[sflag:s25] =	ssyncset.done $0x0  }
0x15f: {  	s16 =	sadd.s32 $0x1400, s26;
	[sflag:s25] =	ssyncadd.s32 $0xFFFFC000  }
0x160: {  	[spmem:s3] =	stream.indirect.scatter.add.f32 [tilespmem:s20], [sflag:$0x3], $0x80, s16, s23, $0xb8;
	[tilespmem:$0x1E800] =	vst v63  }
0x161: {  	_ =	swait.ge [sflag:s21], $0x4000  }
0x162: {  	[sflag:s21] =	ssyncset.done $0x0  }
0x163: {  	s16 =	sadd.s32 $0x100, s26;
	[sflag:s21] =	ssyncadd.s32 $0xFFFFC000  }
0x164: {  	[tilespmem:s20], [sflag:$0x1] =	stream.indirect.gather [hbm4b:s0+s23], $0x80, s16, s23, $0xb8;
	[tilespmem:$0x1E800] =	vst v63  }
0x165: {  	_ =	swait.ge [sflag:s28], $0x4000  }
.Ltmp5:
0x166: {  	[sflag:s28] =	ssyncset.done $0x0;
	(pc) =	sbr.rel @p1 .LBB2_7-.Ltmp5, $4  }
0x167: {  	s16 =	sadd.s32 $0x1480, s26;
	[sflag:s28] =	ssyncadd.s32 $0xFFFFC000  }
0x168: {  	[spmem:s3] =	stream.indirect.scatter.add.f32 [tilespmem:s24], [sflag:$0x3], $0x80, s16, s23, $0xb8;
	[tilespmem:$0x1E800] =	vst v63  }
0x169: {  	_ =	swait.ge [sflag:s21], $0x4000  }
0x16a: {  	s29 =	smov.u32 s31;
	s26 =	sshra.s32 s30, $0x2;
	[sflag:s21] =	ssyncset.done $0x0  }
0x16b: {  	s16 =	sadd.s32 $0x80, s26;
	[sflag:s21] =	ssyncadd.s32 $0xFFFFC000  }
0x16c: {  	[tilespmem:s24], [sflag:$0x2] =	stream.indirect.gather [hbm4b:s0+s23], $0x80, s16, s23, $0xb8;
	[tilespmem:$0x1E800] =	vst v63  }
0x16d: {  	_ =	swait.ge [sflag:s25], $0x4000  }
0x16e: {  	[sflag:s25] =	ssyncset.done $0x0  }
0x16f: {  	s29 =	sadd.s32 $0x1400, s26;
	[sflag:s25] =	ssyncadd.s32 $0xFFFFC000  }
0x170: {  	[spmem:s3] =	stream.indirect.scatter.add.f32 [tilespmem:s20], [sflag:$0x3], $0x80, s29, s23, $0xb8;
	[tilespmem:$0x1E800] =	vst v63  }
0x171: {  	_ =	swait.ge [sflag:s21], $0x4000  }
0x172: {  	[sflag:s21] =	ssyncset.done $0x0  }
0x173: {  	s30 =	sadd.s32 $0x100, s26;
	[sflag:s21] =	ssyncadd.s32 $0xFFFFC000  }
0x174: {  	[tilespmem:s20], [sflag:$0x1] =	stream.indirect.gather [hbm4b:s0+s23], $0x80, s30, s23, $0xb8;
	[tilespmem:$0x1E800] =	vst v63  }
0x175: {  	_ =	swait.ge [sflag:s28], $0x4000  }
0x176: {  	[sflag:s28] =	ssyncset.done $0x0  }
0x177: {  	s31 =	sadd.s32 $0x1480, s26;
	[sflag:s28] =	ssyncadd.s32 $0xFFFFC000  }
0x178: {  	[spmem:s3] =	stream.indirect.scatter.add.f32 [tilespmem:s24], [sflag:$0x3], $0x80, s31, s23, $0xb8;
	[tilespmem:$0x1E800] =	vst v63  }
0x179: {  	_ =	swait.ge [sflag:s21], $0x4000  }
0x17a: {  	[sflag:s21] =	ssyncset.done $0x0  }
0x17b: {  	[sflag:s21] =	ssyncadd.s32 $0xFFFFC000  }
0x17c: {  	[tilespmem:s24], [sflag:$0x2] =	stream.indirect.gather [hbm4b:s0+s23], $0x80, s6, s23, $0xb8;
	[tilespmem:$0x1E800] =	vst v63  }
0x17d: {  	_ =	swait.ge [sflag:s25], $0x4000  }
0x17e: {  	[sflag:s25] =	ssyncset.done $0x0  }
0x17f: {  	[sflag:s25] =	ssyncadd.s32 $0xFFFFC000  }
0x180: {  	[spmem:s3] =	stream.indirect.scatter.add.f32 [tilespmem:s20], [sflag:$0x3], $0x80, s7, s23, $0xb8;
	[tilespmem:$0x1E800] =	vst v63  }
0x181: {  	_ =	swait.ge [sflag:s21], $0x4000  }
0x182: {  	[sflag:s21] =	ssyncset.done $0x0  }
0x183: {  	[sflag:s21] =	ssyncadd.s32 $0xFFFFC000  }
0x184: {  	_ =	swait.ge [sflag:s28], $0x4000  }
0x185: {  	[sflag:s28] =	ssyncset.done $0x0  }
.Ltmp6:
0x186: {  	[sflag:s28] =	ssyncadd.s32 $0xFFFFC000;
	(pc) =	sbr.rel .LBB2_10-.Ltmp6, $4  }
0x187: {  	[spmem:s3] =	stream.indirect.scatter.add.f32 [tilespmem:s24], [sflag:$0x3], $0x80, s8, s23, $0xb8;
	[tilespmem:$0x1E800] =	vst v63  }
0x188: {  	_ =	swait.ge [sflag:s21], $0x4000  }
0x189: {  	[sflag:s21] =	ssyncset.done $0x0  }
0x18a: {  	[sflag:s21] =	ssyncadd.s32 $0xFFFFC000  }
.LBB2_11:
0x18b: {  	_ =	sfence.sel $0x180000  }
0x18c: {  	[bflag:$0x0] =	sbarrier.arrive $0xFFFF  }
0x18d: {  	_ =	strace $0x90000047  }
0x18e: {  	[bflag:$0x2] =	sbarrier.arrive $0xFFFF  }
0x18f: {  	p0 =	sne.s32 s2, $0x0;
	s0 =	rddreg [dreg:$0x3]  }
0x190: {  	s0 =	sadd.s32 @!p0 $0x100000, s0  }
0x191: {  	[sflag:s0] =	ssyncadd.tile.s32 @!p0 $0x1;
	_ =	shalt  }
.Lfunc_end2:
_tile_overlayer_lowered:
.L_overlay_start_2:
0x192: {  	(tag) =	ssettag $0x2  }
0x193: {  	s0 =	rddreg [dreg:$0x0];
	s2 =	stileid.u32  }
0x194: {  	s1 =	rddreg [dreg:$0x1];
	p0 =	sne.s32 s2, $0x0  }
0x195: {  	s3 =	rddreg [dreg:$0x2];
	[bflag:$0x3] =	sbarrier.arrive $0xFFFF;
	s2 =	simm.s32 @!p0 $0x1C03  }
0x196: {  	[timem:s3], [sflag:s2] =	dma.local @!p0 [hbm:s0], s1  }
0x197: {  	s0 =	simm.s32 @!p0 $0x3  }
0x198: {  	_ =	swait.ge @!p0 [sflag:s0], s1  }
0x199: {  	s1 =	ssub.s32 @!p0 $0x0, s1;
	[sflag:s0] =	ssyncset.done @!p0 $0x0  }
0x19a: {  	[sflag:s0] =	ssyncadd.s32 @!p0 s1  }
0x19b: {  	[bflag:$0x3] =	sbarrier.arrive $0xFFFF  }
0x19c: {  	_ =	shalt  }

// kernel: kernel.14.cloned.1.call-start
scs
__scs_entry_jumppad:
0x0: {  	(pc) =	sbr.rel $0x88, $3  }
0x1: {  	(tag) =	ssettag $0x0;
	lr =	simm.s32 $0x1  }
0x2: {  	[smem:$0x3F95] =	sst lr;
	_ =	strace $0xD0000000  }
0x3: {  	_ = 	snop  }
0x4: {  	_ = 	snop  }
0x5: {  	_ = 	snop  }
0x6: {  	_ = 	snop  }
0x7: {  	_ = 	snop  }
__scs_overlays_trampoline_lowered:
0x8: {  	[smem:$0x3FA4] =	sst s0  }
0x9: {  	[smem:$0x3FA5] =	sst s1  }
0xa: {  	[smem:$0x3FA6] =	sst s2  }
0xb: {  	[smem:$0x3FA7] =	sst s3  }
0xc: {  	[smem:$0x3FA8] =	sst s4  }
0xd: {  	[smem:$0x3FA9] =	sst s5  }
0xe: {  	[smem:$0x3FAA] =	sst s6  }
0xf: {  	[smem:$0x3FAB] =	sst s7  }
0x10: {  	[smem:$0x3FAC] =	sst s8  }
0x11: {  	[smem:$0x3FAD] =	sst s9;
	s0 =	simm.s32 @!p0 $0x0  }
0x12: {  	s1 =	sld [smem:$0x3F93];
	s0 =	simm.s32 @p0 $0x1  }
0x13: {  	[smem:$0x3FAE] =	sst s0;
	s0 =	simm.s32 @!p1 $0x0  }
0x14: {  	s2 =	sld [smem:$0x3F92];
	s0 =	simm.s32 @p1 $0x1  }
0x15: {  	[smem:$0x3FAF] =	sst s0;
	s0 =	simm.s32 @!p2 $0x0  }
0x16: {  	s3 =	sld [smem:$0x3FDB];
	s0 =	simm.s32 @p2 $0x1  }
0x17: {  	s4 =	simm.s32 $0x1BF5;
	[smem:$0x3FB1] =	sst s0  }
0x18: {  	s0 =	sld [smem:$0x3F94];
	_ =	swait.ge [sflag:s4], $0x0  }
0x19: {  	s7 =	sld [smem:$0x3F95]  }
0x1a: {  	s8 =	sadd.s32 $0xFFFFE003, lr  }
0x1b: {  	s9 =	sadd.s32 $0xFFFFFEF7, lr;
	s5 =	simm.s32 $0xFFFFFFFF;
	p2 =	slt.u32 s8, $0xFFFFF086  }
0x1c: {  	p1 =	slt.u32 s9, $0xF7A;
	s5 =	simm.s32 @!p2 $0x0  }
0x1d: {  	s5 =	simm.s32 @p1 $0x1;
	p0 =	seq.s32 s7, s2  }
0x1e: {  	s7 =	smul.u32 @!p0 $0xF7A, s2;
	p2 =	seq.s32 @!p0 s5, $0x0  }
0x1f: {  	s9 =	smul.u32 $0xF7A, s1;
	s8 =	simm.s32 @!p0 $0x1BF5;
	p2 =	por !p2, p0  }
0x20: {  	[sflag:s8] =	ssyncset.s32 @!p0 $0xFFFFF086;
	s6 =	sadd.s32 @!p0 s3, s7;
	s7 =	simm.s32 @!p0 $0x108  }
0x21: {  	s3 =	sadd.s32 s3, s9;
	s6 =	sadd.s32 @!p0 $0x88, s6;
	s7 =	simm.s32 @p2 $0x1082  }
0x22: {  	[simem:s7], [sflag:s8] =	dma.local @!p0 [hbm:s6], $0xF7A  }
0x23: {  	s9 =	sor.u32 $0xD0000000, s2;
	s6 =	simm.s32 $0x108;
	_ =	swait.ge @!p0 [sflag:s8], $0x0  }
0x24: {  	s3 =	sadd.s32 $0x88, s3;
	s6 =	simm.s32 @!p1 $0x1082;
	[sflag:s4] =	ssyncset.s32 $0xFFFFF086  }
0x25: {  	[simem:s6], [sflag:s4] =	dma.local [hbm:s3], $0xF7A  }
0x26: {  	[smem:$0x3F95] =	sst s1;
	(tag) =	ssettag s2;
	_ =	strace s9  }
0x27: {  	s1 =	sld [smem:$0x3FA5]  }
0x28: {  	s2 =	sld [smem:$0x3FA6]  }
0x29: {  	s4 =	sld [smem:$0x3FA8]  }
0x2a: {  	p0 =	seq.s32 s5, $0x0;
	s5 =	sld [smem:$0x3FA9]  }
0x2b: {  	s6 =	sld [smem:$0x3FAA]  }
0x2c: {  	s7 =	sld [smem:$0x3FAB]  }
0x2d: {  	s3 =	simm.s32 $0x108;
	s8 =	sld [smem:$0x3FAC]  }
0x2e: {  	s3 =	simm.s32 @!p0 $0x1082;
	s9 =	sld [smem:$0x3FAD]  }
0x2f: {  	lr =	sadd.s32 s0, s3;
	s0 =	sld [smem:$0x3FA4]  }
0x30: {  	s3 =	sld [smem:$0x3FA7]  }
0x31: {  	[smem:$0x3FB0] =	sst s10  }
0x32: {  	s10 =	sld [smem:$0x3FAE];
	_ =	sdelay $0x3  }
0x33: {  	p0 =	seq.s32 s10, $0x1;
	s10 =	sld [smem:$0x3FB0];
	_ =	sdelay $0x3  }
0x34: {  	[smem:$0x3FB0] =	sst s10  }
0x35: {  	s10 =	sld [smem:$0x3FAF];
	_ =	sdelay $0x3  }
0x36: {  	p1 =	seq.s32 s10, $0x1;
	s10 =	sld [smem:$0x3FB0];
	_ =	sdelay $0x3  }
0x37: {  	[smem:$0x3FB0] =	sst s10  }
0x38: {  	s10 =	sld [smem:$0x3FB1]  }
0x39: {  	_ = 	snop;
	(pc) =	sbr.ind lr, $3  }
0x3a: {  	_ = 	snop  }
0x3b: {  	_ = 	snop  }
0x3c: {  	p2 =	seq.s32 s10, $0x1;
	s10 =	sld [smem:$0x3FB0]  }
0x3d: {  	_ =	shalt  }
0x3e: {  	_ =	shalt  }
0x3f: {  	_ =	shalt  }
0x40: {  	_ =	shalt  }
0x41: {  	_ =	shalt  }
0x42: {  	_ =	shalt  }
0x43: {  	_ =	shalt  }
0x44: {  	_ =	shalt  }
0x45: {  	_ =	shalt  }
0x46: {  	_ =	shalt  }
0x47: {  	_ =	shalt  }
0x48: {  	_ =	shalt  }
0x49: {  	_ =	shalt  }
0x4a: {  	_ =	shalt  }
0x4b: {  	_ =	shalt  }
0x4c: {  	_ =	shalt  }
0x4d: {  	_ =	shalt  }
0x4e: {  	_ =	shalt  }
0x4f: {  	_ =	shalt  }
0x50: {  	_ =	shalt  }
0x51: {  	_ =	shalt  }
0x52: {  	_ =	shalt  }
0x53: {  	_ =	shalt  }
0x54: {  	_ =	shalt  }
0x55: {  	_ =	shalt  }
0x56: {  	_ =	shalt  }
0x57: {  	_ =	shalt  }
0x58: {  	_ =	shalt  }
0x59: {  	_ =	shalt  }
0x5a: {  	_ =	shalt  }
0x5b: {  	_ =	shalt  }
0x5c: {  	_ =	shalt  }
0x5d: {  	_ =	shalt  }
0x5e: {  	_ =	shalt  }
0x5f: {  	_ =	shalt  }
0x60: {  	_ =	shalt  }
0x61: {  	_ =	shalt  }
0x62: {  	_ =	shalt  }
0x63: {  	_ =	shalt  }
0x64: {  	_ =	shalt  }
0x65: {  	_ =	shalt  }
0x66: {  	_ =	shalt  }
0x67: {  	_ =	shalt  }
0x68: {  	_ =	shalt  }
0x69: {  	_ =	shalt  }
0x6a: {  	_ =	shalt  }
0x6b: {  	_ =	shalt  }
0x6c: {  	_ =	shalt  }
0x6d: {  	_ =	shalt  }
0x6e: {  	_ =	shalt  }
0x6f: {  	_ =	shalt  }
0x70: {  	_ =	shalt  }
0x71: {  	_ =	shalt  }
0x72: {  	_ =	shalt  }
0x73: {  	_ =	shalt  }
0x74: {  	_ =	shalt  }
0x75: {  	_ =	shalt  }
0x76: {  	_ =	shalt  }
0x77: {  	_ =	shalt  }
0x78: {  	_ =	shalt  }
0x79: {  	_ =	shalt  }
0x7a: {  	_ =	shalt  }
0x7b: {  	_ =	shalt  }
0x7c: {  	_ =	shalt  }
0x7d: {  	_ =	shalt  }
0x7e: {  	_ =	shalt  }
0x7f: {  	_ =	shalt  }
0x80: {  	_ =	shalt  }
0x81: {  	_ =	shalt  }
0x82: {  	_ =	shalt  }
0x83: {  	_ =	shalt  }
0x84: {  	_ =	shalt  }
0x85: {  	_ =	shalt  }
0x86: {  	_ =	shalt  }
0x87: {  	_ =	shalt  }
.Lfunc_end0:
.L_simem_size_0:
called_computation.1_lowered:
.L_overlay_start_0:
0x88: {  	s2 =	sld [smem:$0x3FD9]  }
0x89: {  	s3 =	sld [smem:$0x3FFE];
	_ =	sdelay $0x1  }
0x8a: {  	s1 =	srdreg.scid  }
0x8b: {  	s0 =	sand.u32 $0x1, s1  }
0x8c: {  	s17 =	sshll.u32 s0, $0xA;
	s2 =	sadd.s32 s3, s2  }
0x8d: {  	s2 =	sadd.s32 s2, s17  }
0x8e: {  	[smem:$0x3FBC] =	sst s2  }
0x8f: {  	_ = 	snop  }
0x90: {  	s2 =	sld [smem:$0x3FD0];
	(tm) =	ssettm $0x1  }
0x91: {  	s18 =	sld [smem:$0x3FFB];
	_ =	sdelay $0x3  }
0x92: {  	_ =	strace s18  }
0x93: {  	s3 =	sld [smem:$0x3FFC];
	_ =	sdelay $0x3  }
0x94: {  	_ =	strace s3  }
0x95: {  	s3 =	sld [smem:$0x3FFD];
	_ =	sdelay $0x3  }
0x96: {  	_ =	strace s3  }
0x97: {  	_ =	strace $0x8FFFFFFF  }
0x98: {  	s19 =	sld [smem:$0x3FDB];
	_ =	sdelay $0x1  }
0x99: {  	s4 =	simm.s32 $_scs_section_size  }
0x9a: {  	s5 =	simm.s32 $_size__tile_overlayer_lowered;
	s6 =	simm.s32 $_tile_overlayer_lowered  }
0x9b: {  	s22 =	simm.s32 $0x1BFF;
	s21 =	sshll.u32 s6, $0x1;
	s3 =	sadd.s32 s4, s19  }
0x9c: {  	s7 =	simm.s32 $0x0;
	s20 =	sshll.u32 s5, $0x1;
	s5 =	sadd.s32 s21, s3  }
0x9d: {  	[timem:s7], [sflag:s22] =	dma.local [hbm:s5], s20  }
0x9e: {  	_ =	swait.ge [sflag:s22], s20  }
0x9f: {  	s4 =	ssub.s32 $0x0, s20;
	[sflag:s22] =	ssyncset.done $0x0  }
0xa0: {  	[sflag:s22] =	ssyncadd.s32 s4;
	_ =	sdelay $0x1  }
0xa1: {  	s23 =	simm.s32 $0x1B8B  }
0xa2: {  	_ =	swait.ge [sflag:s23], $0x1  }
0xa3: {  	[sflag:s23] =	ssyncset.done $0x0  }
0xa4: {  	s25 =	simm.s32 $0x1B8E;
	s24 =	sld [smem:$0x3FFE];
	[sflag:s23] =	ssyncadd.s32 $0xFFFFFFFF  }
0xa5: {  	s26 =	simm.s32 $execute0_lowered;
	[smem:$0x3FD2] =	sst s25  }
0xa6: {  	s5 =	sshll.u32 s26, $0x1;
	_ =	strace $0x80000049;
	[dreg:$0x1] =	wrdreg $0xFFFFFFFF  }
0xa7: {  	s28 =	simm.s32 $_size_execute0_lowered;
	s3 =	sadd.s32 s3, s5;
	[dreg:$0x0] =	wrdreg $0x0  }
0xa8: {  	s5 =	sshll.u32 s28, $0x1;
	[dreg:$0x2] =	wrdreg s3  }
0xa9: {  	[dreg:$0x3] =	wrdreg s5  }
0xaa: {  	[dreg:$0x4] =	wrdreg $0xC0  }
0xab: {  	_ =	task [dreg:s7], $0x5FFFF  }
0xac: {  	[dreg:$0x1] =	wrdreg $0xFFFFFFFF  }
0xad: {  	[dreg:$0x0] =	wrdreg $0x60  }
0xae: {  	[dreg:$0x2] =	wrdreg s2  }
0xaf: {  	[dreg:$0x3] =	wrdreg s24  }
0xb0: {  	[dreg:$0x4] =	wrdreg $0xA8000  }
0xb1: {  	[dreg:$0x5] =	wrdreg $0x9  }
0xb2: {  	_ =	task.clear_ibuf [dreg:s7], $0x6FFFF;
	_ =	strace $0x90000049  }
0xb3: {  	s29 =	simm.s32 $0x9;
	_ =	strace $0x8000004B  }
0xb4: {  	_ =	swait.ge [sflag:s29], $0x1  }
0xb5: {  	[sflag:s29] =	ssyncadd.s32 $0xFFFFFFFF  }
0xb6: {  	_ =	strace $0x9000004B  }
0xb7: {  	_ =	sfence  }
0xb8: {  	s30 =	sld [smem:$0x0];
	_ =	sdelay $0x2  }
0xb9: {  	s31 =	sshll.u32 s1, $0xD;
	s1 =	sshrl.u32 s1, $0x2  }
0xba: {  	s3 =	sand.u32 $0x4000, s31;
	s1 =	sadd.s32 s1, s30  }
0xbb: {  	s0 =	sor.u32 s3, s0;
	s1 =	sshll.u32 s1, $0x11  }
0xbc: {  	s0 =	sor.u32 s1, s0  }
0xbd: {  	s0 =	sadd.s32 $0x8F2B, s0  }
0xbe: {  	[sflag:s0] =	ssyncadd.remote.s32 $0x1  }
0xbf: {  	_ =	sfence.sel $0xFFFF  }
0xc0: {  	[dreg:$0x0] =	wrdreg $0xFFFFFFFF;
	(pc) =	sbr.abs _section_cstart, $3  }
0xc1: {  	[dreg:$0x1] =	wrdreg $0xFFFFFFFF  }
0xc2: {  	_ =	task.clear_ibuf [dreg:s7], $0x2FFFF;
	_ =	strace $0x9FFFFFFF  }
0xc3: {  	(tm) =	ssettm $0x7FFFFFFF  }
tec
execute0_lowered:
.L_overlay_start_1:
0x0: {  	(tag) =	ssettag $0x1  }
0x1: {  	s0 =	rddreg [dreg:$0x0]  }
0x2: {  	s1 =	rddreg [dreg:$0x1]  }
0x3: {  	s2 =	srdreg.scid;
	s3 =	rddreg [dreg:$0x2];
	s4 =	simm.s32 $0x0  }
0x4: {  	s20 =	simm.s32 $0x2800;
	s28 =	simm.s32 $0x2;
	s5 =	sand.u32 $0x1, s2  }
0x5: {  	s2 =	stileid.u32;
	[smem:$0x7FF] =	sst s4;
	s9 =	sadd.s32 $0x3600, s1  }
0x6: {  	s19 =	sadd.s32 $0xD280, s1;
	s24 =	sadd.s32 $0xD100, s1;
	s6 =	smul.u32 $0x140000, s5  }
0x7: {  	s25 =	sadd.s32 $0x16D80, s1;
	s26 =	sadd.s32 $0xD200, s1;
	s7 =	smul.u32 $0x14000, s2  }
0x8: {  	_ =	strace $0x8000004A;
	s21 =	ssub.s32 $0x2, s5;
	[dreg:$0x4] =	wrdreg s24  }
0x9: {  	s8 =	smul.u32 $0x50000, s2;
	s22 =	sshll.u32 s5, $0x4;
	[dreg:$0x5] =	wrdreg s25  }
0xa: {  	[dreg:$0x6] =	wrdreg s26;
	s24 =	simm.s32 $0x6800;
	s25 =	simm.s32 $0x1  }
0xb: {  	s10 =	sshrl.u32 s21, $0x1;
	s23 =	sor.u32 s2, s22;
	s22 =	simm.s32 $0x1400  }
0xc: {  	s6 =	sadd.s32 s7, s6;
	s7 =	ssub.s32 s21, s10;
	s8 =	sshrl.u32 s8, $0x2  }
0xd: {  	s29 =	smul.u32 $0x500, s23;
	p0 =	seq.s32 s23, $0x1F;
	s21 =	simm.s32 $0x3  }
0xe: {  	s23 =	simm.s32 $0x80;
	s6 =	sshrl.u32 s6, $0x3;
	s5 =	sadd.s32 s8, s3  }
0xf: {  	s11 =	smax.u32 s7, $0x1;
	s7 =	simm.s32 $0x2700;
	s8 =	simm.s32 $0x2780  }
0x10: {  	s6 =	sadd.s32 s6, s1;
	s1 =	sadd.s32 $0x16E80, s1;
	s12 =	sadd.s32 $0x4000, s5  }
.Ltmp0:
0x11: {  	s13 =	sadd.s32 $0x8000, s5;
	s14 =	sadd.s32 $0xC000, s5;
	(pc) =	sbr.rel .LBB2_1-.Ltmp0, $4  }
0x12: {  	s15 =	sadd.s32 $0x10000, s5;
	s30 =	sadd.s32 $0x280, s29;
	s31 =	sadd.s32 s9, s29  }
0x13: {  	s17 =	sadd.s32 s29, s19;
	[dreg:$0x7] =	wrdreg s1;
	s10 =	sadd.s32 $0x17000, s6  }
0x14: {  	[dreg:$0x8] =	wrdreg s31;
	s18 =	sadd.s32 s9, s30;
	s19 =	sadd.s32 s30, s19  }
0x15: {  	v0 =	vimm.f32 $0.0e+00;
	s1 =	simm.s32 $0x1580;
	s6 =	simm.s32 $0x1380;
	s9 =	simm.s32 $0x0  }
.LBB2_9:
0x16: {  	s16 =	rddreg [dreg:$0x4]  }
0x17: {  	[tilespmem:s4], [sflag:$0x3] =	stream.linear.gather [hbm4b:s16+s4], $0x800, $0x38;
	[tilespmem:$0x1E800] =	vst v63  }
0x18: {  	_ =	swait.ge [sflag:s21], $0x800  }
0x19: {  	[sflag:s21] =	ssyncset.done $0x0  }
0x1a: {  	s31 =	rddreg [dreg:$0x5];
	[sflag:s21] =	ssyncadd.s32 $0xFFFFF800  }
0x1b: {  	[tilespmem:s22], [sflag:$0x3] =	stream.linear.gather [hbm4b:s31+s4], $0x800, $0x38;
	[tilespmem:$0x1E800] =	vst v63  }
0x1c: {  	_ =	swait.ge [sflag:s21], $0x800  }
0x1d: {  	[sflag:s21] =	ssyncset.done $0x0  }
0x1e: {  	[sflag:s21] =	ssyncadd.s32 $0xFFFFF800  }
0x1f: {  	[tilespmem:s20], [sflag:$0x1] =	stream.indirect.gather [hbm4b:s0+s23], $0x80, s4, s23, $0xb8;
	[tilespmem:$0x1E800] =	vst v63  }
0x20: {  	_ = 	snop  }
0x21: {  	[tilespmem:s24], [sflag:$0x2] =	stream.indirect.gather [hbm4b:s0+s23], $0x80, s23, s23, $0xb8;
	[tilespmem:$0x1E800] =	vst v63  }
0x22: {  	_ =	swait.ge [sflag:s25], $0x4000  }
0x23: {  	[sflag:s25] =	ssyncset.done $0x0  }
0x24: {  	[sflag:s25] =	ssyncadd.s32 $0xFFFFC000  }
0x25: {  	[spmem:s3] =	stream.indirect.scatter.add.f32 [tilespmem:s20], [sflag:$0x3], $0x80, s22, s23, $0xb8;
	[tilespmem:$0x1E800] =	vst v63  }
0x26: {  	_ =	swait.ge [sflag:s21], $0x4000  }
0x27: {  	[sflag:s21] =	ssyncset.done $0x0  }
0x28: {  	s26 =	simm.s32 $0x100;
	[sflag:s21] =	ssyncadd.s32 $0xFFFFC000  }
0x29: {  	[tilespmem:s20], [sflag:$0x1] =	stream.indirect.gather [hbm4b:s0+s23], $0x80, s26, s23, $0xb8;
	[tilespmem:$0x1E800] =	vst v63  }
0x2a: {  	_ =	swait.ge [sflag:s28], $0x4000  }
0x2b: {  	[sflag:s28] =	ssyncset.done $0x0  }
0x2c: {  	s29 =	simm.s32 $0x1480;
	[sflag:s28] =	ssyncadd.s32 $0xFFFFC000  }
0x2d: {  	[spmem:s3] =	stream.indirect.scatter.add.f32 [tilespmem:s24], [sflag:$0x3], $0x80, s29, s23, $0xb8;
	[tilespmem:$0x1E800] =	vst v63  }
0x2e: {  	_ =	swait.ge [sflag:s21], $0x4000  }
0x2f: {  	[sflag:s21] =	ssyncset.done $0x0  }
0x30: {  	s30 =	simm.s32 $0x180;
	[sflag:s21] =	ssyncadd.s32 $0xFFFFC000  }
0x31: {  	[tilespmem:s24], [sflag:$0x2] =	stream.indirect.gather [hbm4b:s0+s23], $0x80, s30, s23, $0xb8;
	[tilespmem:$0x1E800] =	vst v63  }
0x32: {  	_ =	swait.ge [sflag:s25], $0x4000  }
0x33: {  	[sflag:s25] =	ssyncset.done $0x0  }
0x34: {  	s31 =	simm.s32 $0x1500;
	[sflag:s25] =	ssyncadd.s32 $0xFFFFC000  }
0x35: {  	[spmem:s3] =	stream.indirect.scatter.add.f32 [tilespmem:s20], [sflag:$0x3], $0x80, s31, s23, $0xb8;
	[tilespmem:$0x1E800] =	vst v63  }
0x36: {  	_ =	swait.ge [sflag:s21], $0x4000  }
0x37: {  	[sflag:s21] =	ssyncset.done $0x0  }
0x38: {  	s16 =	simm.s32 $0x200;
	[sflag:s21] =	ssyncadd.s32 $0xFFFFC000  }
0x39: {  	[tilespmem:s20], [sflag:$0x1] =	stream.indirect.gather [hbm4b:s0+s23], $0x80, s16, s23, $0xb8;
	[tilespmem:$0x1E800] =	vst v63  }
0x3a: {  	_ =	swait.ge [sflag:s28], $0x4000  }
0x3b: {  	[sflag:s28] =	ssyncset.done $0x0  }
0x3c: {  	[sflag:s28] =	ssyncadd.s32 $0xFFFFC000  }
0x3d: {  	[spmem:s3] =	stream.indirect.scatter.add.f32 [tilespmem:s24], [sflag:$0x3], $0x80, s1, s23, $0xb8;
	[tilespmem:$0x1E800] =	vst v63  }
0x3e: {  	_ =	swait.ge [sflag:s21], $0x4000  }
0x3f: {  	[sflag:s21] =	ssyncset.done $0x0  }
0x40: {  	s16 =	simm.s32 $0x280;
	[sflag:s21] =	ssyncadd.s32 $0xFFFFC000  }
0x41: {  	[tilespmem:s24], [sflag:$0x2] =	stream.indirect.gather [hbm4b:s0+s23], $0x80, s16, s23, $0xb8;
	[tilespmem:$0x1E800] =	vst v63  }
0x42: {  	_ =	swait.ge [sflag:s25], $0x4000  }
0x43: {  	[sflag:s25] =	ssyncset.done $0x0  }
0x44: {  	s16 =	simm.s32 $0x1600;
	[sflag:s25] =	ssyncadd.s32 $0xFFFFC000  }
0x45: {  	[spmem:s3] =	stream.indirect.scatter.add.f32 [tilespmem:s20], [sflag:$0x3], $0x80, s16, s23, $0xb8;
	[tilespmem:$0x1E800] =	vst v63  }
0x46: {  	_ =	swait.ge [sflag:s21], $0x4000  }
0x47: {  	[sflag:s21] =	ssyncset.done $0x0  }
0x48: {  	s16 =	simm.s32 $0x300;
	[sflag:s21] =	ssyncadd.s32 $0xFFFFC000  }
0x49: {  	[tilespmem:s20], [sflag:$0x1] =	stream.indirect.gather [hbm4b:s0+s23], $0x80, s16, s23, $0xb8;
	[tilespmem:$0x1E800] =	vst v63  }
0x4a: {  	_ =	swait.ge [sflag:s28], $0x4000  }
0x4b: {  	[sflag:s28] =	ssyncset.done $0x0  }
0x4c: {  	s16 =	simm.s32 $0x1680;
	[sflag:s28] =	ssyncadd.s32 $0xFFFFC000  }
0x4d: {  	[spmem:s3] =	stream.indirect.scatter.add.f32 [tilespmem:s24], [sflag:$0x3], $0x80, s16, s23, $0xb8;
	[tilespmem:$0x1E800] =	vst v63  }
0x4e: {  	_ =	swait.ge [sflag:s21], $0x4000  }
0x4f: {  	[sflag:s21] =	ssyncset.done $0x0  }
0x50: {  	s16 =	simm.s32 $0x380;
	[sflag:s21] =	ssyncadd.s32 $0xFFFFC000  }
0x51: {  	[tilespmem:s24], [sflag:$0x2] =	stream.indirect.gather [hbm4b:s0+s23], $0x80, s16, s23, $0xb8;
	[tilespmem:$0x1E800] =	vst v63  }
0x52: {  	_ =	swait.ge [sflag:s25], $0x4000  }
0x53: {  	[sflag:s25] =	ssyncset.done $0x0  }
0x54: {  	s16 =	simm.s32 $0x1700;
	[sflag:s25] =	ssyncadd.s32 $0xFFFFC000  }
0x55: {  	[spmem:s3] =	stream.indirect.scatter.add.f32 [tilespmem:s20], [sflag:$0x3], $0x80, s16, s23, $0xb8;
	[tilespmem:$0x1E800] =	vst v63  }
0x56: {  	_ =	swait.ge [sflag:s21], $0x4000  }
0x57: {  	[sflag:s21] =	ssyncset.done $0x0  }
0x58: {  	s16 =	simm.s32 $0x400;
	[sflag:s21] =	ssyncadd.s32 $0xFFFFC000  }
0x59: {  	[tilespmem:s20], [sflag:$0x1] =	stream.indirect.gather [hbm4b:s0+s23], $0x80, s16, s23, $0xb8;
	[tilespmem:$0x1E800] =	vst v63  }
0x5a: {  	_ =	swait.ge [sflag:s28], $0x4000  }
0x5b: {  	[sflag:s28] =	ssyncset.done $0x0  }
0x5c: {  	s16 =	simm.s32 $0x1780;
	[sflag:s28] =	ssyncadd.s32 $0xFFFFC000  }
0x5d: {  	[spmem:s3] =	stream.indirect.scatter.add.f32 [tilespmem:s24], [sflag:$0x3], $0x80, s16, s23, $0xb8;
	[tilespmem:$0x1E800] =	vst v63  }
0x5e: {  	_ =	swait.ge [sflag:s21], $0x4000  }
0x5f: {  	[sflag:s21] =	ssyncset.done $0x0  }
0x60: {  	s16 =	simm.s32 $0x480;
	[sflag:s21] =	ssyncadd.s32 $0xFFFFC000  }
0x61: {  	[tilespmem:s24], [sflag:$0x2] =	stream.indirect.gather [hbm4b:s0+s23], $0x80, s16, s23, $0xb8;
	[tilespmem:$0x1E800] =	vst v63  }
0x62: {  	_ =	swait.ge [sflag:s25], $0x4000  }
0x63: {  	[sflag:s25] =	ssyncset.done $0x0  }
0x64: {  	s16 =	simm.s32 $0x1800;
	[sflag:s25] =	ssyncadd.s32 $0xFFFFC000  }
0x65: {  	[spmem:s3] =	stream.indirect.scatter.add.f32 [tilespmem:s20], [sflag:$0x3], $0x80, s16, s23, $0xb8;
	[tilespmem:$0x1E800] =	vst v63  }
0x66: {  	_ =	swait.ge [sflag:s21], $0x4000  }
0x67: {  	[sflag:s21] =	ssyncset.done $0x0  }
0x68: {  	s16 =	simm.s32 $0x500;
	[sflag:s21] =	ssyncadd.s32 $0xFFFFC000  }
0x69: {  	[tilespmem:s20], [sflag:$0x1] =	stream.indirect.gather [hbm4b:s0+s23], $0x80, s16, s23, $0xb8;
	[tilespmem:$0x1E800] =	vst v63  }
0x6a: {  	_ =	swait.ge [sflag:s28], $0x4000  }
0x6b: {  	[sflag:s28] =	ssyncset.done $0x0  }
0x6c: {  	s16 =	simm.s32 $0x1880;
	[sflag:s28] =	ssyncadd.s32 $0xFFFFC000  }
0x6d: {  	[spmem:s3] =	stream.indirect.scatter.add.f32 [tilespmem:s24], [sflag:$0x3], $0x80, s16, s23, $0xb8;
	[tilespmem:$0x1E800] =	vst v63  }
0x6e: {  	_ =	swait.ge [sflag:s21], $0x4000  }
0x6f: {  	[sflag:s21] =	ssyncset.done $0x0  }
0x70: {  	s16 =	simm.s32 $0x580;
	[sflag:s21] =	ssyncadd.s32 $0xFFFFC000  }
0x71: {  	[tilespmem:s24], [sflag:$0x2] =	stream.indirect.gather [hbm4b:s0+s23], $0x80, s16, s23, $0xb8;
	[tilespmem:$0x1E800] =	vst v63  }
0x72: {  	_ =	swait.ge [sflag:s25], $0x4000  }
0x73: {  	[sflag:s25] =	ssyncset.done $0x0  }
0x74: {  	s16 =	simm.s32 $0x1900;
	[sflag:s25] =	ssyncadd.s32 $0xFFFFC000  }
0x75: {  	[spmem:s3] =	stream.indirect.scatter.add.f32 [tilespmem:s20], [sflag:$0x3], $0x80, s16, s23, $0xb8;
	[tilespmem:$0x1E800] =	vst v63  }
0x76: {  	_ =	swait.ge [sflag:s21], $0x4000  }
0x77: {  	[sflag:s21] =	ssyncset.done $0x0  }
0x78: {  	s16 =	simm.s32 $0x600;
	[sflag:s21] =	ssyncadd.s32 $0xFFFFC000  }
0x79: {  	[tilespmem:s20], [sflag:$0x1] =	stream.indirect.gather [hbm4b:s0+s23], $0x80, s16, s23, $0xb8;
	[tilespmem:$0x1E800] =	vst v63  }
0x7a: {  	_ =	swait.ge [sflag:s28], $0x4000  }
0x7b: {  	[sflag:s28] =	ssyncset.done $0x0  }
0x7c: {  	s16 =	simm.s32 $0x1980;
	[sflag:s28] =	ssyncadd.s32 $0xFFFFC000  }
0x7d: {  	[spmem:s3] =	stream.indirect.scatter.add.f32 [tilespmem:s24], [sflag:$0x3], $0x80, s16, s23, $0xb8;
	[tilespmem:$0x1E800] =	vst v63  }
0x7e: {  	_ =	swait.ge [sflag:s21], $0x4000  }
0x7f: {  	[sflag:s21] =	ssyncset.done $0x0  }
0x80: {  	s16 =	simm.s32 $0x680;
	[sflag:s21] =	ssyncadd.s32 $0xFFFFC000  }
0x81: {  	[tilespmem:s24], [sflag:$0x2] =	stream.indirect.gather [hbm4b:s0+s23], $0x80, s16, s23, $0xb8;
	[tilespmem:$0x1E800] =	vst v63  }
0x82: {  	_ =	swait.ge [sflag:s25], $0x4000  }
0x83: {  	[sflag:s25] =	ssyncset.done $0x0  }
0x84: {  	s16 =	simm.s32 $0x1A00;
	[sflag:s25] =	ssyncadd.s32 $0xFFFFC000  }
0x85: {  	[spmem:s3] =	stream.indirect.scatter.add.f32 [tilespmem:s20], [sflag:$0x3], $0x80, s16, s23, $0xb8;
	[tilespmem:$0x1E800] =	vst v63  }
0x86: {  	_ =	swait.ge [sflag:s21], $0x4000  }
0x87: {  	[sflag:s21] =	ssyncset.done $0x0  }
0x88: {  	s16 =	simm.s32 $0x700;
	[sflag:s21] =	ssyncadd.s32 $0xFFFFC000  }
0x89: {  	[tilespmem:s20], [sflag:$0x1] =	stream.indirect.gather [hbm4b:s0+s23], $0x80, s16, s23, $0xb8;
	[tilespmem:$0x1E800] =	vst v63  }
0x8a: {  	_ =	swait.ge [sflag:s28], $0x4000  }
0x8b: {  	[sflag:s28] =	ssyncset.done $0x0  }
0x8c: {  	s16 =	simm.s32 $0x1A80;
	[sflag:s28] =	ssyncadd.s32 $0xFFFFC000  }
0x8d: {  	[spmem:s3] =	stream.indirect.scatter.add.f32 [tilespmem:s24], [sflag:$0x3], $0x80, s16, s23, $0xb8;
	[tilespmem:$0x1E800] =	vst v63  }
0x8e: {  	_ =	swait.ge [sflag:s21], $0x4000  }
0x8f: {  	[sflag:s21] =	ssyncset.done $0x0  }
0x90: {  	s16 =	simm.s32 $0x780;
	[sflag:s21] =	ssyncadd.s32 $0xFFFFC000  }
0x91: {  	[tilespmem:s24], [sflag:$0x2] =	stream.indirect.gather [hbm4b:s0+s23], $0x80, s16, s23, $0xb8;
	[tilespmem:$0x1E800] =	vst v63  }
0x92: {  	_ =	swait.ge [sflag:s25], $0x4000  }
0x93: {  	[sflag:s25] =	ssyncset.done $0x0  }
0x94: {  	s16 =	simm.s32 $0x1B00;
	[sflag:s25] =	ssyncadd.s32 $0xFFFFC000  }
0x95: {  	[spmem:s3] =	stream.indirect.scatter.add.f32 [tilespmem:s20], [sflag:$0x3], $0x80, s16, s23, $0xb8;
	[tilespmem:$0x1E800] =	vst v63  }
0x96: {  	_ =	swait.ge [sflag:s21], $0x4000  }
0x97: {  	[sflag:s21] =	ssyncset.done $0x0  }
0x98: {  	[sflag:s21] =	ssyncadd.s32 $0xFFFFC000  }
0x99: {  	_ =	swait.ge [sflag:s28], $0x4000  }
0x9a: {  	[sflag:s28] =	ssyncset.done $0x0  }
0x9b: {  	s16 =	simm.s32 $0x1B80;
	[sflag:s28] =	ssyncadd.s32 $0xFFFFC000  }
0x9c: {  	[spmem:s3] =	stream.indirect.scatter.add.f32 [tilespmem:s24], [sflag:$0x3], $0x80, s16, s23, $0xb8;
	[tilespmem:$0x1E800] =	vst v63  }
0x9d: {  	_ =	swait.ge [sflag:s21], $0x4000  }
0x9e: {  	[sflag:s21] =	ssyncset.done $0x0  }
0x9f: {  	s16 =	rddreg [dreg:$0x6];
	[sflag:s21] =	ssyncadd.s32 $0xFFFFC000  }
0xa0: {  	[tilespmem:s4], [sflag:$0x3] =	stream.linear.gather [hbm4b:s16+s4], $0x200, $0x38;
	[tilespmem:$0x1E800] =	vst v63  }
0xa1: {  	_ =	swait.ge [sflag:s21], $0x200  }
0xa2: {  	[sflag:s21] =	ssyncset.done $0x0  }
0xa3: {  	s16 =	rddreg [dreg:$0x7];
	[sflag:s21] =	ssyncadd.s32 $0xFFFFFE00  }
0xa4: {  	[tilespmem:s22], [sflag:$0x3] =	stream.linear.gather [hbm4b:s16+s4], $0x200, $0x38;
	[tilespmem:$0x1E800] =	vst v63  }
0xa5: {  	_ =	swait.ge [sflag:s21], $0x200  }
0xa6: {  	[sflag:s21] =	ssyncset.done $0x0  }
0xa7: {  	[sflag:s21] =	ssyncadd.s32 $0xFFFFFE00  }
0xa8: {  	[tilespmem:s20], [sflag:$0x1] =	stream.indirect.gather [hbm4b:s0+s23], $0x80, s4, s23, $0xb8;
	[tilespmem:$0x1E800] =	vst v63  }
0xa9: {  	_ = 	snop  }
0xaa: {  	[tilespmem:s24], [sflag:$0x2] =	stream.indirect.gather [hbm4b:s0+s23], $0x80, s23, s23, $0xb8;
	[tilespmem:$0x1E800] =	vst v63  }
0xab: {  	_ =	swait.ge [sflag:s25], $0x4000  }
0xac: {  	[sflag:s25] =	ssyncset.done $0x0  }
0xad: {  	[sflag:s25] =	ssyncadd.s32 $0xFFFFC000  }
0xae: {  	[spmem:s3] =	stream.indirect.scatter.add.f32 [tilespmem:s20], [sflag:$0x3], $0x80, s22, s23, $0xb8;
	[tilespmem:$0x1E800] =	vst v63  }
0xaf: {  	_ =	swait.ge [sflag:s21], $0x4000  }
0xb0: {  	[sflag:s21] =	ssyncset.done $0x0  }
0xb1: {  	[sflag:s21] =	ssyncadd.s32 $0xFFFFC000  }
0xb2: {  	[tilespmem:s20], [sflag:$0x1] =	stream.indirect.gather [hbm4b:s0+s23], $0x80, s26, s23, $0xb8;
	[tilespmem:$0x1E800] =	vst v63  }
0xb3: {  	_ =	swait.ge [sflag:s28], $0x4000  }
0xb4: {  	[sflag:s28] =	ssyncset.done $0x0  }
0xb5: {  	[sflag:s28] =	ssyncadd.s32 $0xFFFFC000  }
0xb6: {  	[spmem:s3] =	stream.indirect.scatter.add.f32 [tilespmem:s24], [sflag:$0x3], $0x80, s29, s23, $0xb8;
	[tilespmem:$0x1E800] =	vst v63  }
0xb7: {  	_ =	swait.ge [sflag:s21], $0x4000  }
0xb8: {  	[sflag:s21] =	ssyncset.done $0x0  }
0xb9: {  	[sflag:s21] =	ssyncadd.s32 $0xFFFFC000  }
0xba: {  	[tilespmem:s24], [sflag:$0x2] =	stream.indirect.gather [hbm4b:s0+s23], $0x80, s30, s23, $0xb8;
	[tilespmem:$0x1E800] =	vst v63  }
0xbb: {  	_ =	swait.ge [sflag:s25], $0x4000  }
0xbc: {  	[sflag:s25] =	ssyncset.done $0x0  }
0xbd: {  	[sflag:s25] =	ssyncadd.s32 $0xFFFFC000  }
0xbe: {  	[spmem:s3] =	stream.indirect.scatter.add.f32 [tilespmem:s20], [sflag:$0x3], $0x80, s31, s23, $0xb8;
	[tilespmem:$0x1E800] =	vst v63  }
0xbf: {  	_ =	swait.ge [sflag:s21], $0x4000  }
0xc0: {  	[sflag:s21] =	ssyncset.done $0x0  }
0xc1: {  	[sflag:s21] =	ssyncadd.s32 $0xFFFFC000  }
0xc2: {  	_ =	swait.ge [sflag:s28], $0x4000  }
0xc3: {  	[sflag:s28] =	ssyncset.done $0x0  }
0xc4: {  	[sflag:s28] =	ssyncadd.s32 $0xFFFFC000  }
0xc5: {  	[spmem:s3] =	stream.indirect.scatter.add.f32 [tilespmem:s24], [sflag:$0x3], $0x80, s1, s23, $0xb8;
	[tilespmem:$0x1E800] =	vst v63  }
0xc6: {  	_ =	swait.ge [sflag:s21], $0x4000  }
0xc7: {  	[sflag:s21] =	ssyncset.done $0x0  }
0xc8: {  	[sflag:s21] =	ssyncadd.s32 $0xFFFFC000  }
.LBB2_10:
0xc9: {  	s9 =	sadd.s32 $0x1, s9  }
0xca: {  	s16 =	sshll.u32 s2, $0x6;
	[bflag:$0x0] =	sbarrier.arrive $0xFFFF;
	p1 =	sne.s32 s9, s11  }
.Ltmp1:
0xcb: {  	s26 =	sshrl.u32 s5, $0x3;
	s16 =	sor.u32 $0x1C03, s16;
	(pc) =	sbr.rel @!p1 .LBB2_11-.Ltmp1, $4  }
0xcc: {  	[hbm:s10], [sflag:s16] =	dma.local [spmem:s26], $0x2800  }
0xcd: {  	_ =	swait.ge [sflag:s21], $0x2800  }
0xce: {  	[sflag:s21] =	ssyncset.done $0x0  }
0xcf: {  	[sflag:s21] =	ssyncadd.s32 $0xFFFFD800  }
.LBB2_1:
0xd0: {  	s26 =	simm.s32 $0x0;
	s29 =	simm.s32 $0x200  }
.LBB2_2:
0xd1: {  	p1 =	sne.s32 s29, $0xFE00;
	[tilespmem:s26+$0x2870] =	vst v0  }
0xd2: {  	[tilespmem:s26+$0x2800] =	vst v0  }
0xd3: {  	[tilespmem:s26+$0x2810] =	vst v0  }
.Ltmp2:
0xd4: {  	[tilespmem:s26+$0x2820] =	vst v0;
	(pc) =	sbr.rel @p1 .LBB2_2-.Ltmp2, $4  }
0xd5: {  	[tilespmem:s26+$0x2830] =	vst v0  }
0xd6: {  	[tilespmem:s26+$0x2840] =	vst v0  }
0xd7: {  	[tilespmem:s26+$0x2850] =	vst v0  }
0xd8: {  	[tilespmem:s26+$0x2860] =	vst v0;
	s26 =	sshra.s32 s29, $0x2;
	s29 =	sadd.s32 $0x200, s29  }
0xd9: {  	[tilespmem:s26+$0x2870] =	vst v0  }
0xda: {  	[tilespmem:s26+$0x2800] =	vst v0  }
0xdb: {  	[tilespmem:s26+$0x2810] =	vst v0  }
0xdc: {  	[tilespmem:s26+$0x2820] =	vst v0  }
0xdd: {  	[tilespmem:s26+$0x2830] =	vst v0  }
0xde: {  	[tilespmem:s26+$0x2840] =	vst v0  }
0xdf: {  	[tilespmem:s26+$0x2850] =	vst v0  }
0xe0: {  	[tilespmem:s26+$0x2860] =	vst v0  }
0xe1: {  	[spmem:s5] =	stream.linear.scatter [tilespmem:s20], [sflag:$0x3], $0x4000, $0x38;
	[tilespmem:$0x1E800] =	vst v63  }
0xe2: {  	_ =	swait.ge [sflag:s21], $0x4000  }
0xe3: {  	[sflag:s21] =	ssyncset.done $0x0  }
0xe4: {  	[sflag:s21] =	ssyncadd.s32 $0xFFFFC000  }
0xe5: {  	[spmem:s12] =	stream.linear.scatter [tilespmem:s20], [sflag:$0x3], $0x4000, $0x38;
	[tilespmem:$0x1E800] =	vst v63  }
0xe6: {  	_ =	swait.ge [sflag:s21], $0x4000  }
0xe7: {  	[sflag:s21] =	ssyncset.done $0x0  }
0xe8: {  	[sflag:s21] =	ssyncadd.s32 $0xFFFFC000  }
0xe9: {  	[spmem:s13] =	stream.linear.scatter [tilespmem:s20], [sflag:$0x3], $0x4000, $0x38;
	[tilespmem:$0x1E800] =	vst v63  }
0xea: {  	_ =	swait.ge [sflag:s21], $0x4000  }
0xeb: {  	[sflag:s21] =	ssyncset.done $0x0  }
0xec: {  	[sflag:s21] =	ssyncadd.s32 $0xFFFFC000  }
0xed: {  	[spmem:s14] =	stream.linear.scatter [tilespmem:s20], [sflag:$0x3], $0x4000, $0x38;
	[tilespmem:$0x1E800] =	vst v63  }
0xee: {  	_ =	swait.ge [sflag:s21], $0x4000  }
0xef: {  	[sflag:s21] =	ssyncset.done $0x0  }
0xf0: {  	[sflag:s21] =	ssyncadd.s32 $0xFFFFC000  }
0xf1: {  	[spmem:s15] =	stream.linear.scatter [tilespmem:s20], [sflag:$0x3], $0x4000, $0x38;
	[tilespmem:$0x1E800] =	vst v63  }
.Ltmp3:
0xf2: {  	_ =	swait.ge [sflag:s21], $0x4000;
	(pc) =	sbr.rel @p0 .LBB2_9-.Ltmp3, $3  }
0xf3: {  	[sflag:s21] =	ssyncset.done $0x0  }
0xf4: {  	[sflag:s21] =	ssyncadd.s32 $0xFFFFC000  }
0xf5: {  	[bflag:$0x0] =	sbarrier.arrive $0xFFFF;
	_ =	sdelay $0x1  }
0xf6: {  	s26 =	simm.s32 $0x0;
	s16 =	rddreg [dreg:$0x8]  }
0xf7: {  	[tilespmem:s26], [sflag:$0x3] =	stream.linear.gather [hbm4b:s16+s26], $0x1400, $0x38;
	[tilespmem:$0x1E800] =	vst v63  }
0xf8: {  	_ =	swait.ge [sflag:s21], $0x1400  }
0xf9: {  	[sflag:s21] =	ssyncset.done $0x0  }
0xfa: {  	[sflag:s21] =	ssyncadd.s32 $0xFFFFEC00  }
0xfb: {  	[tilespmem:s22], [sflag:$0x3] =	stream.linear.gather [hbm4b:s17+s26], $0x1400, $0x38;
	[tilespmem:$0x1E800] =	vst v63  }
0xfc: {  	_ =	swait.ge [sflag:s21], $0x1400  }
0xfd: {  	[sflag:s21] =	ssyncset.done $0x0  }
0xfe: {  	[sflag:s21] =	ssyncadd.s32 $0xFFFFEC00  }
0xff: {  	[tilespmem:s20], [sflag:$0x1] =	stream.indirect.gather [hbm4b:s0+s23], $0x80, s26, s23, $0xb8;
	[tilespmem:$0x1E800] =	vst v63  }
0x100: {  	s31 =	simm.s32 $0x80  }
0x101: {  	[tilespmem:s24], [sflag:$0x2] =	stream.indirect.gather [hbm4b:s0+s23], $0x80, s31, s23, $0xb8;
	[tilespmem:$0x1E800] =	vst v63  }
0x102: {  	_ =	swait.ge [sflag:s25], $0x4000  }
0x103: {  	[sflag:s25] =	ssyncset.done $0x0  }
0x104: {  	s16 =	simm.s32 $0x1400;
	[sflag:s25] =	ssyncadd.s32 $0xFFFFC000  }
0x105: {  	[spmem:s3] =	stream.indirect.scatter.add.f32 [tilespmem:s20], [sflag:$0x3], $0x80, s16, s23, $0xb8;
	[tilespmem:$0x1E800] =	vst v63  }
0x106: {  	_ =	swait.ge [sflag:s21], $0x4000  }
0x107: {  	[sflag:s21] =	ssyncset.done $0x0  }
0x108: {  	s30 =	simm.s32 $0x100;
	[sflag:s21] =	ssyncadd.s32 $0xFFFFC000  }
0x109: {  	[tilespmem:s20], [sflag:$0x1] =	stream.indirect.gather [hbm4b:s0+s23], $0x80, s30, s23, $0xb8;
	[tilespmem:$0x1E800] =	vst v63  }
0x10a: {  	_ =	swait.ge [sflag:s28], $0x4000  }
0x10b: {  	[sflag:s28] =	ssyncset.done $0x0  }
0x10c: {  	s31 =	simm.s32 $0x1480;
	[sflag:s28] =	ssyncadd.s32 $0xFFFFC000  }
0x10d: {  	[spmem:s3] =	stream.indirect.scatter.add.f32 [tilespmem:s24], [sflag:$0x3], $0x80, s31, s23, $0xb8;
	[tilespmem:$0x1E800] =	vst v63  }
0x10e: {  	_ =	swait.ge [sflag:s21], $0x4000  }
0x10f: {  	s29 =	simm.s32 $0x800;
	s26 =	simm.s32 $0x100;
	[sflag:s21] =	ssyncset.done $0x0  }
.LBB2_5:
0x110: {  	s30 =	sadd.s32 $0x80, s26  }
0x111: {  	[sflag:s21] =	ssyncadd.s32 $0xFFFFC000;
	s31 =	smov.u32 s29;
	s16 =	sadd.s32 $0x400, s29  }
0x112: {  	[tilespmem:s24], [sflag:$0x2] =	stream.indirect.gather [hbm4b:s0+s23], $0x80, s30, s23, $0xb8;
	[tilespmem:$0x1E800] =	vst v63  }
0x113: {  	p1 =	sne.s32 s29, $0x4800;
	_ =	swait.ge [sflag:s25], $0x4000  }
0x114: {  	[sflag:s25] =	ssyncset.done $0x0  }
0x115: {  	s29 =	sadd.s32 $0x1400, s26;
	[sflag:s25] =	ssyncadd.s32 $0xFFFFC000  }
0x116: {  	[spmem:s3] =	stream.indirect.scatter.add.f32 [tilespmem:s20], [sflag:$0x3], $0x80, s29, s23, $0xb8;
	[tilespmem:$0x1E800] =	vst v63  }
0x117: {  	_ =	swait.ge [sflag:s21], $0x4000  }
0x118: {  	[sflag:s21] =	ssyncset.done $0x0  }
0x119: {  	s29 =	sadd.s32 $0x100, s26;
	[sflag:s21] =	ssyncadd.s32 $0xFFFFC000  }
0x11a: {  	[tilespmem:s20], [sflag:$0x1] =	stream.indirect.gather [hbm4b:s0+s23], $0x80, s29, s23, $0xb8;
	[tilespmem:$0x1E800] =	vst v63  }
0x11b: {  	_ =	swait.ge [sflag:s28], $0x4000  }
.Ltmp4:
0x11c: {  	[sflag:s28] =	ssyncset.done $0x0;
	(pc) =	sbr.rel @p1 .LBB2_5-.Ltmp4, $4  }
0x11d: {  	s26 =	sadd.s32 $0x1480, s26;
	[sflag:s28] =	ssyncadd.s32 $0xFFFFC000  }
0x11e: {  	[spmem:s3] =	stream.indirect.scatter.add.f32 [tilespmem:s24], [sflag:$0x3], $0x80, s26, s23, $0xb8;
	[tilespmem:$0x1E800] =	vst v63  }
0x11f: {  	_ =	swait.ge [sflag:s21], $0x4000  }
0x120: {  	s29 =	smov.u32 s16;
	s26 =	sshra.s32 s31, $0x2;
	[sflag:s21] =	ssyncset.done $0x0  }
0x121: {  	s16 =	sadd.s32 $0x80, s26;
	[sflag:s21] =	ssyncadd.s32 $0xFFFFC000  }
0x122: {  	[tilespmem:s24], [sflag:$0x2] =	stream.indirect.gather [hbm4b:s0+s23], $0x80, s16, s23, $0xb8;
	[tilespmem:$0x1E800] =	vst v63  }
0x123: {  	_ =	swait.ge [sflag:s25], $0x4000  }
0x124: {  	[sflag:s25] =	ssyncset.done $0x0  }
0x125: {  	s30 =	sadd.s32 $0x1400, s26;
	[sflag:s25] =	ssyncadd.s32 $0xFFFFC000  }
0x126: {  	[spmem:s3] =	stream.indirect.scatter.add.f32 [tilespmem:s20], [sflag:$0x3], $0x80, s30, s23, $0xb8;
	[tilespmem:$0x1E800] =	vst v63  }
0x127: {  	_ =	swait.ge [sflag:s21], $0x4000  }
0x128: {  	[sflag:s21] =	ssyncset.done $0x0  }
0x129: {  	s31 =	sadd.s32 $0x100, s26;
	[sflag:s21] =	ssyncadd.s32 $0xFFFFC000  }
0x12a: {  	[tilespmem:s20], [sflag:$0x1] =	stream.indirect.gather [hbm4b:s0+s23], $0x80, s31, s23, $0xb8;
	[tilespmem:$0x1E800] =	vst v63  }
0x12b: {  	_ =	swait.ge [sflag:s28], $0x4000  }
0x12c: {  	[sflag:s28] =	ssyncset.done $0x0  }
0x12d: {  	s26 =	sadd.s32 $0x1480, s26;
	[sflag:s28] =	ssyncadd.s32 $0xFFFFC000  }
0x12e: {  	[spmem:s3] =	stream.indirect.scatter.add.f32 [tilespmem:s24], [sflag:$0x3], $0x80, s26, s23, $0xb8;
	[tilespmem:$0x1E800] =	vst v63  }
0x12f: {  	_ =	swait.ge [sflag:s21], $0x4000  }
0x130: {  	[sflag:s21] =	ssyncset.done $0x0  }
0x131: {  	[sflag:s21] =	ssyncadd.s32 $0xFFFFC000  }
0x132: {  	[tilespmem:s24], [sflag:$0x2] =	stream.indirect.gather [hbm4b:s0+s23], $0x80, s6, s23, $0xb8;
	[tilespmem:$0x1E800] =	vst v63  }
0x133: {  	_ =	swait.ge [sflag:s25], $0x4000  }
0x134: {  	[sflag:s25] =	ssyncset.done $0x0  }
0x135: {  	[sflag:s25] =	ssyncadd.s32 $0xFFFFC000  }
0x136: {  	[spmem:s3] =	stream.indirect.scatter.add.f32 [tilespmem:s20], [sflag:$0x3], $0x80, s7, s23, $0xb8;
	[tilespmem:$0x1E800] =	vst v63  }
0x137: {  	_ =	swait.ge [sflag:s21], $0x4000  }
0x138: {  	[sflag:s21] =	ssyncset.done $0x0  }
0x139: {  	[sflag:s21] =	ssyncadd.s32 $0xFFFFC000  }
0x13a: {  	_ =	swait.ge [sflag:s28], $0x4000  }
0x13b: {  	[sflag:s28] =	ssyncset.done $0x0  }
0x13c: {  	[sflag:s28] =	ssyncadd.s32 $0xFFFFC000  }
0x13d: {  	[spmem:s3] =	stream.indirect.scatter.add.f32 [tilespmem:s24], [sflag:$0x3], $0x80, s8, s23, $0xb8;
	[tilespmem:$0x1E800] =	vst v63  }
0x13e: {  	_ =	swait.ge [sflag:s21], $0x4000  }
0x13f: {  	[sflag:s21] =	ssyncset.done $0x0  }
0x140: {  	s30 =	simm.s32 $0x0;
	[sflag:s21] =	ssyncadd.s32 $0xFFFFC000  }
0x141: {  	[tilespmem:s30], [sflag:$0x3] =	stream.linear.gather [hbm4b:s18+s30], $0x1400, $0x38;
	[tilespmem:$0x1E800] =	vst v63  }
0x142: {  	_ =	swait.ge [sflag:s21], $0x1400  }
0x143: {  	[sflag:s21] =	ssyncset.done $0x0  }
0x144: {  	[sflag:s21] =	ssyncadd.s32 $0xFFFFEC00  }
0x145: {  	[tilespmem:s22], [sflag:$0x3] =	stream.linear.gather [hbm4b:s19+s30], $0x1400, $0x38;
	[tilespmem:$0x1E800] =	vst v63  }
0x146: {  	_ =	swait.ge [sflag:s21], $0x1400  }
0x147: {  	[sflag:s21] =	ssyncset.done $0x0  }
0x148: {  	[sflag:s21] =	ssyncadd.s32 $0xFFFFEC00  }
0x149: {  	[tilespmem:s20], [sflag:$0x1] =	stream.indirect.gather [hbm4b:s0+s23], $0x80, s30, s23, $0xb8;
	[tilespmem:$0x1E800] =	vst v63  }
0x14a: {  	s31 =	simm.s32 $0x80  }
0x14b: {  	[tilespmem:s24], [sflag:$0x2] =	stream.indirect.gather [hbm4b:s0+s23], $0x80, s31, s23, $0xb8;
	[tilespmem:$0x1E800] =	vst v63  }
0x14c: {  	_ =	swait.ge [sflag:s25], $0x4000  }
0x14d: {  	[sflag:s25] =	ssyncset.done $0x0  }
0x14e: {  	s26 =	simm.s32 $0x1400;
	[sflag:s25] =	ssyncadd.s32 $0xFFFFC000  }
0x14f: {  	[spmem:s3] =	stream.indirect.scatter.add.f32 [tilespmem:s20], [sflag:$0x3], $0x80, s26, s23, $0xb8;
	[tilespmem:$0x1E800] =	vst v63  }
0x150: {  	_ =	swait.ge [sflag:s21], $0x4000  }
0x151: {  	[sflag:s21] =	ssyncset.done $0x0  }
0x152: {  	s30 =	simm.s32 $0x100;
	[sflag:s21] =	ssyncadd.s32 $0xFFFFC000  }
0x153: {  	[tilespmem:s20], [sflag:$0x1] =	stream.indirect.gather [hbm4b:s0+s23], $0x80, s30, s23, $0xb8;
	[tilespmem:$0x1E800] =	vst v63  }
0x154: {  	_ =	swait.ge [sflag:s28], $0x4000  }
0x155: {  	[sflag:s28] =	ssyncset.done $0x0  }
0x156: {  	s31 =	simm.s32 $0x1480;
	[sflag:s28] =	ssyncadd.s32 $0xFFFFC000  }
0x157: {  	[spmem:s3] =	stream.indirect.scatter.add.f32 [tilespmem:s24], [sflag:$0x3], $0x80, s31, s23, $0xb8;
	[tilespmem:$0x1E800] =	vst v63  }
0x158: {  	_ =	swait.ge [sflag:s21], $0x4000  }
0x159: {  	s29 =	simm.s32 $0x800;
	s26 =	simm.s32 $0x100;
	[sflag:s21] =	ssyncset.done $0x0  }
.LBB2_7:
0x15a: {  	s16 =	sadd.s32 $0x80, s26  }
0x15b: {  	[sflag:s21] =	ssyncadd.s32 $0xFFFFC000;
	s30 =	smov.u32 s29;
	s31 =	sadd.s32 $0x400, s29  }
0x15c: {  	[tilespmem:s24], [sflag:$0x2] =	stream.indirect.gather [hbm4b:s0+s23], $0x80, s16, s23, $0xb8;
	[tilespmem:$0x1E800] =	vst v63  }
0x15d: {  	p1 =	sne.s32 s29, $0x4800;
	_ =	swait.ge [sflag:s25], $0x4000  }
0x15e: {  	[sflag:s25] =	ssyncset.done $0x0  }
0x15f: {  	s16 =	sadd.s32 $0x1400, s26;
	[sflag:s25] =	ssyncadd.s32 $0xFFFFC000  }
0x160: {  	[spmem:s3] =	stream.indirect.scatter.add.f32 [tilespmem:s20], [sflag:$0x3], $0x80, s16, s23, $0xb8;
	[tilespmem:$0x1E800] =	vst v63  }
0x161: {  	_ =	swait.ge [sflag:s21], $0x4000  }
0x162: {  	[sflag:s21] =	ssyncset.done $0x0  }
0x163: {  	s16 =	sadd.s32 $0x100, s26;
	[sflag:s21] =	ssyncadd.s32 $0xFFFFC000  }
0x164: {  	[tilespmem:s20], [sflag:$0x1] =	stream.indirect.gather [hbm4b:s0+s23], $0x80, s16, s23, $0xb8;
	[tilespmem:$0x1E800] =	vst v63  }
0x165: {  	_ =	swait.ge [sflag:s28], $0x4000  }
.Ltmp5:
0x166: {  	[sflag:s28] =	ssyncset.done $0x0;
	(pc) =	sbr.rel @p1 .LBB2_7-.Ltmp5, $4  }
0x167: {  	s16 =	sadd.s32 $0x1480, s26;
	[sflag:s28] =	ssyncadd.s32 $0xFFFFC000  }
0x168: {  	[spmem:s3] =	stream.indirect.scatter.add.f32 [tilespmem:s24], [sflag:$0x3], $0x80, s16, s23, $0xb8;
	[tilespmem:$0x1E800] =	vst v63  }
0x169: {  	_ =	swait.ge [sflag:s21], $0x4000  }
0x16a: {  	s29 =	smov.u32 s31;
	s26 =	sshra.s32 s30, $0x2;
	[sflag:s21] =	ssyncset.done $0x0  }
0x16b: {  	s16 =	sadd.s32 $0x80, s26;
	[sflag:s21] =	ssyncadd.s32 $0xFFFFC000  }
0x16c: {  	[tilespmem:s24], [sflag:$0x2] =	stream.indirect.gather [hbm4b:s0+s23], $0x80, s16, s23, $0xb8;
	[tilespmem:$0x1E800] =	vst v63  }
0x16d: {  	_ =	swait.ge [sflag:s25], $0x4000  }
0x16e: {  	[sflag:s25] =	ssyncset.done $0x0  }
0x16f: {  	s29 =	sadd.s32 $0x1400, s26;
	[sflag:s25] =	ssyncadd.s32 $0xFFFFC000  }
0x170: {  	[spmem:s3] =	stream.indirect.scatter.add.f32 [tilespmem:s20], [sflag:$0x3], $0x80, s29, s23, $0xb8;
	[tilespmem:$0x1E800] =	vst v63  }
0x171: {  	_ =	swait.ge [sflag:s21], $0x4000  }
0x172: {  	[sflag:s21] =	ssyncset.done $0x0  }
0x173: {  	s30 =	sadd.s32 $0x100, s26;
	[sflag:s21] =	ssyncadd.s32 $0xFFFFC000  }
0x174: {  	[tilespmem:s20], [sflag:$0x1] =	stream.indirect.gather [hbm4b:s0+s23], $0x80, s30, s23, $0xb8;
	[tilespmem:$0x1E800] =	vst v63  }
0x175: {  	_ =	swait.ge [sflag:s28], $0x4000  }
0x176: {  	[sflag:s28] =	ssyncset.done $0x0  }
0x177: {  	s31 =	sadd.s32 $0x1480, s26;
	[sflag:s28] =	ssyncadd.s32 $0xFFFFC000  }
0x178: {  	[spmem:s3] =	stream.indirect.scatter.add.f32 [tilespmem:s24], [sflag:$0x3], $0x80, s31, s23, $0xb8;
	[tilespmem:$0x1E800] =	vst v63  }
0x179: {  	_ =	swait.ge [sflag:s21], $0x4000  }
0x17a: {  	[sflag:s21] =	ssyncset.done $0x0  }
0x17b: {  	[sflag:s21] =	ssyncadd.s32 $0xFFFFC000  }
0x17c: {  	[tilespmem:s24], [sflag:$0x2] =	stream.indirect.gather [hbm4b:s0+s23], $0x80, s6, s23, $0xb8;
	[tilespmem:$0x1E800] =	vst v63  }
0x17d: {  	_ =	swait.ge [sflag:s25], $0x4000  }
0x17e: {  	[sflag:s25] =	ssyncset.done $0x0  }
0x17f: {  	[sflag:s25] =	ssyncadd.s32 $0xFFFFC000  }
0x180: {  	[spmem:s3] =	stream.indirect.scatter.add.f32 [tilespmem:s20], [sflag:$0x3], $0x80, s7, s23, $0xb8;
	[tilespmem:$0x1E800] =	vst v63  }
0x181: {  	_ =	swait.ge [sflag:s21], $0x4000  }
0x182: {  	[sflag:s21] =	ssyncset.done $0x0  }
0x183: {  	[sflag:s21] =	ssyncadd.s32 $0xFFFFC000  }
0x184: {  	_ =	swait.ge [sflag:s28], $0x4000  }
0x185: {  	[sflag:s28] =	ssyncset.done $0x0  }
.Ltmp6:
0x186: {  	[sflag:s28] =	ssyncadd.s32 $0xFFFFC000;
	(pc) =	sbr.rel .LBB2_10-.Ltmp6, $4  }
0x187: {  	[spmem:s3] =	stream.indirect.scatter.add.f32 [tilespmem:s24], [sflag:$0x3], $0x80, s8, s23, $0xb8;
	[tilespmem:$0x1E800] =	vst v63  }
0x188: {  	_ =	swait.ge [sflag:s21], $0x4000  }
0x189: {  	[sflag:s21] =	ssyncset.done $0x0  }
0x18a: {  	[sflag:s21] =	ssyncadd.s32 $0xFFFFC000  }
.LBB2_11:
0x18b: {  	_ =	sfence.sel $0x180000  }
0x18c: {  	[bflag:$0x0] =	sbarrier.arrive $0xFFFF  }
0x18d: {  	_ =	strace $0x9000004A  }
0x18e: {  	[bflag:$0x2] =	sbarrier.arrive $0xFFFF  }
0x18f: {  	p0 =	sne.s32 s2, $0x0;
	s0 =	rddreg [dreg:$0x3]  }
0x190: {  	s0 =	sadd.s32 @!p0 $0x100000, s0  }
0x191: {  	[sflag:s0] =	ssyncadd.tile.s32 @!p0 $0x1;
	_ =	shalt  }
.Lfunc_end2:
_tile_overlayer_lowered:
.L_overlay_start_2:
0x192: {  	(tag) =	ssettag $0x2  }
0x193: {  	s0 =	rddreg [dreg:$0x0];
	s2 =	stileid.u32  }
0x194: {  	s1 =	rddreg [dreg:$0x1];
	p0 =	sne.s32 s2, $0x0  }
0x195: {  	s3 =	rddreg [dreg:$0x2];
	[bflag:$0x3] =	sbarrier.arrive $0xFFFF;
	s2 =	simm.s32 @!p0 $0x1C03  }
0x196: {  	[timem:s3], [sflag:s2] =	dma.local @!p0 [hbm:s0], s1  }
0x197: {  	s0 =	simm.s32 @!p0 $0x3  }
0x198: {  	_ =	swait.ge @!p0 [sflag:s0], s1  }
0x199: {  	s1 =	ssub.s32 @!p0 $0x0, s1;
	[sflag:s0] =	ssyncset.done @!p0 $0x0  }
0x19a: {  	[sflag:s0] =	ssyncadd.s32 @!p0 s1  }
0x19b: {  	[bflag:$0x3] =	sbarrier.arrive $0xFFFF  }
0x19c: {  	_ =	shalt  }

// kernel: kernel.17.cloned.1.call-start
scs
__scs_entry_jumppad:
0x0: {  	(pc) =	sbr.rel $0x88, $3  }
0x1: {  	(tag) =	ssettag $0x0;
	lr =	simm.s32 $0x1  }
0x2: {  	[smem:$0x3F95] =	sst lr;
	_ =	strace $0xD0000000  }
0x3: {  	_ = 	snop  }
0x4: {  	_ = 	snop  }
0x5: {  	_ = 	snop  }
0x6: {  	_ = 	snop  }
0x7: {  	_ = 	snop  }
__scs_overlays_trampoline_lowered:
0x8: {  	[smem:$0x3FA4] =	sst s0  }
0x9: {  	[smem:$0x3FA5] =	sst s1  }
0xa: {  	[smem:$0x3FA6] =	sst s2  }
0xb: {  	[smem:$0x3FA7] =	sst s3  }
0xc: {  	[smem:$0x3FA8] =	sst s4  }
0xd: {  	[smem:$0x3FA9] =	sst s5  }
0xe: {  	[smem:$0x3FAA] =	sst s6  }
0xf: {  	[smem:$0x3FAB] =	sst s7  }
0x10: {  	[smem:$0x3FAC] =	sst s8  }
0x11: {  	[smem:$0x3FAD] =	sst s9;
	s0 =	simm.s32 @!p0 $0x0  }
0x12: {  	s1 =	sld [smem:$0x3F93];
	s0 =	simm.s32 @p0 $0x1  }
0x13: {  	[smem:$0x3FAE] =	sst s0;
	s0 =	simm.s32 @!p1 $0x0  }
0x14: {  	s2 =	sld [smem:$0x3F92];
	s0 =	simm.s32 @p1 $0x1  }
0x15: {  	[smem:$0x3FAF] =	sst s0;
	s0 =	simm.s32 @!p2 $0x0  }
0x16: {  	s3 =	sld [smem:$0x3FDB];
	s0 =	simm.s32 @p2 $0x1  }
0x17: {  	s4 =	simm.s32 $0x1BF5;
	[smem:$0x3FB1] =	sst s0  }
0x18: {  	s0 =	sld [smem:$0x3F94];
	_ =	swait.ge [sflag:s4], $0x0  }
0x19: {  	s7 =	sld [smem:$0x3F95]  }
0x1a: {  	s8 =	sadd.s32 $0xFFFFE003, lr  }
0x1b: {  	s9 =	sadd.s32 $0xFFFFFEF7, lr;
	s5 =	simm.s32 $0xFFFFFFFF;
	p2 =	slt.u32 s8, $0xFFFFF086  }
0x1c: {  	p1 =	slt.u32 s9, $0xF7A;
	s5 =	simm.s32 @!p2 $0x0  }
0x1d: {  	s5 =	simm.s32 @p1 $0x1;
	p0 =	seq.s32 s7, s2  }
0x1e: {  	s7 =	smul.u32 @!p0 $0xF7A, s2;
	p2 =	seq.s32 @!p0 s5, $0x0  }
0x1f: {  	s9 =	smul.u32 $0xF7A, s1;
	s8 =	simm.s32 @!p0 $0x1BF5;
	p2 =	por !p2, p0  }
0x20: {  	[sflag:s8] =	ssyncset.s32 @!p0 $0xFFFFF086;
	s6 =	sadd.s32 @!p0 s3, s7;
	s7 =	simm.s32 @!p0 $0x108  }
0x21: {  	s3 =	sadd.s32 s3, s9;
	s6 =	sadd.s32 @!p0 $0x88, s6;
	s7 =	simm.s32 @p2 $0x1082  }
0x22: {  	[simem:s7], [sflag:s8] =	dma.local @!p0 [hbm:s6], $0xF7A  }
0x23: {  	s9 =	sor.u32 $0xD0000000, s2;
	s6 =	simm.s32 $0x108;
	_ =	swait.ge @!p0 [sflag:s8], $0x0  }
0x24: {  	s3 =	sadd.s32 $0x88, s3;
	s6 =	simm.s32 @!p1 $0x1082;
	[sflag:s4] =	ssyncset.s32 $0xFFFFF086  }
0x25: {  	[simem:s6], [sflag:s4] =	dma.local [hbm:s3], $0xF7A  }
0x26: {  	[smem:$0x3F95] =	sst s1;
	(tag) =	ssettag s2;
	_ =	strace s9  }
0x27: {  	s1 =	sld [smem:$0x3FA5]  }
0x28: {  	s2 =	sld [smem:$0x3FA6]  }
0x29: {  	s4 =	sld [smem:$0x3FA8]  }
0x2a: {  	p0 =	seq.s32 s5, $0x0;
	s5 =	sld [smem:$0x3FA9]  }
0x2b: {  	s6 =	sld [smem:$0x3FAA]  }
0x2c: {  	s7 =	sld [smem:$0x3FAB]  }
0x2d: {  	s3 =	simm.s32 $0x108;
	s8 =	sld [smem:$0x3FAC]  }
0x2e: {  	s3 =	simm.s32 @!p0 $0x1082;
	s9 =	sld [smem:$0x3FAD]  }
0x2f: {  	lr =	sadd.s32 s0, s3;
	s0 =	sld [smem:$0x3FA4]  }
0x30: {  	s3 =	sld [smem:$0x3FA7]  }
0x31: {  	[smem:$0x3FB0] =	sst s10  }
0x32: {  	s10 =	sld [smem:$0x3FAE];
	_ =	sdelay $0x3  }
0x33: {  	p0 =	seq.s32 s10, $0x1;
	s10 =	sld [smem:$0x3FB0];
	_ =	sdelay $0x3  }
0x34: {  	[smem:$0x3FB0] =	sst s10  }
0x35: {  	s10 =	sld [smem:$0x3FAF];
	_ =	sdelay $0x3  }
0x36: {  	p1 =	seq.s32 s10, $0x1;
	s10 =	sld [smem:$0x3FB0];
	_ =	sdelay $0x3  }
0x37: {  	[smem:$0x3FB0] =	sst s10  }
0x38: {  	s10 =	sld [smem:$0x3FB1]  }
0x39: {  	_ = 	snop;
	(pc) =	sbr.ind lr, $3  }
0x3a: {  	_ = 	snop  }
0x3b: {  	_ = 	snop  }
0x3c: {  	p2 =	seq.s32 s10, $0x1;
	s10 =	sld [smem:$0x3FB0]  }
0x3d: {  	_ =	shalt  }
0x3e: {  	_ =	shalt  }
0x3f: {  	_ =	shalt  }
0x40: {  	_ =	shalt  }
0x41: {  	_ =	shalt  }
0x42: {  	_ =	shalt  }
0x43: {  	_ =	shalt  }
0x44: {  	_ =	shalt  }
0x45: {  	_ =	shalt  }
0x46: {  	_ =	shalt  }
0x47: {  	_ =	shalt  }
0x48: {  	_ =	shalt  }
0x49: {  	_ =	shalt  }
0x4a: {  	_ =	shalt  }
0x4b: {  	_ =	shalt  }
0x4c: {  	_ =	shalt  }
0x4d: {  	_ =	shalt  }
0x4e: {  	_ =	shalt  }
0x4f: {  	_ =	shalt  }
0x50: {  	_ =	shalt  }
0x51: {  	_ =	shalt  }
0x52: {  	_ =	shalt  }
0x53: {  	_ =	shalt  }
0x54: {  	_ =	shalt  }
0x55: {  	_ =	shalt  }
0x56: {  	_ =	shalt  }
0x57: {  	_ =	shalt  }
0x58: {  	_ =	shalt  }
0x59: {  	_ =	shalt  }
0x5a: {  	_ =	shalt  }
0x5b: {  	_ =	shalt  }
0x5c: {  	_ =	shalt  }
0x5d: {  	_ =	shalt  }
0x5e: {  	_ =	shalt  }
0x5f: {  	_ =	shalt  }
0x60: {  	_ =	shalt  }
0x61: {  	_ =	shalt  }
0x62: {  	_ =	shalt  }
0x63: {  	_ =	shalt  }
0x64: {  	_ =	shalt  }
0x65: {  	_ =	shalt  }
0x66: {  	_ =	shalt  }
0x67: {  	_ =	shalt  }
0x68: {  	_ =	shalt  }
0x69: {  	_ =	shalt  }
0x6a: {  	_ =	shalt  }
0x6b: {  	_ =	shalt  }
0x6c: {  	_ =	shalt  }
0x6d: {  	_ =	shalt  }
0x6e: {  	_ =	shalt  }
0x6f: {  	_ =	shalt  }
0x70: {  	_ =	shalt  }
0x71: {  	_ =	shalt  }
0x72: {  	_ =	shalt  }
0x73: {  	_ =	shalt  }
0x74: {  	_ =	shalt  }
0x75: {  	_ =	shalt  }
0x76: {  	_ =	shalt  }
0x77: {  	_ =	shalt  }
0x78: {  	_ =	shalt  }
0x79: {  	_ =	shalt  }
0x7a: {  	_ =	shalt  }
0x7b: {  	_ =	shalt  }
0x7c: {  	_ =	shalt  }
0x7d: {  	_ =	shalt  }
0x7e: {  	_ =	shalt  }
0x7f: {  	_ =	shalt  }
0x80: {  	_ =	shalt  }
0x81: {  	_ =	shalt  }
0x82: {  	_ =	shalt  }
0x83: {  	_ =	shalt  }
0x84: {  	_ =	shalt  }
0x85: {  	_ =	shalt  }
0x86: {  	_ =	shalt  }
0x87: {  	_ =	shalt  }
.Lfunc_end0:
.L_simem_size_0:
called_computation.2_lowered:
.L_overlay_start_0:
0x88: {  	s2 =	sld [smem:$0x3FD9]  }
0x89: {  	s3 =	sld [smem:$0x3FFE];
	_ =	sdelay $0x1  }
0x8a: {  	s1 =	srdreg.scid  }
0x8b: {  	s0 =	sand.u32 $0x1, s1  }
0x8c: {  	s17 =	sshll.u32 s0, $0xA;
	s2 =	sadd.s32 s3, s2  }
0x8d: {  	s2 =	sadd.s32 s2, s17  }
0x8e: {  	[smem:$0x3FBC] =	sst s2  }
0x8f: {  	_ = 	snop  }
0x90: {  	s2 =	sld [smem:$0x3FD0];
	(tm) =	ssettm $0x1  }
0x91: {  	s18 =	sld [smem:$0x3FFB];
	_ =	sdelay $0x3  }
0x92: {  	_ =	strace s18  }
0x93: {  	s3 =	sld [smem:$0x3FFC];
	_ =	sdelay $0x3  }
0x94: {  	_ =	strace s3  }
0x95: {  	s3 =	sld [smem:$0x3FFD];
	_ =	sdelay $0x3  }
0x96: {  	_ =	strace s3  }
0x97: {  	_ =	strace $0x8FFFFFFF  }
0x98: {  	s19 =	sld [smem:$0x3FDB];
	_ =	sdelay $0x1  }
0x99: {  	s4 =	simm.s32 $_scs_section_size  }
0x9a: {  	s5 =	simm.s32 $_size__tile_overlayer_lowered;
	s6 =	simm.s32 $_tile_overlayer_lowered  }
0x9b: {  	s22 =	simm.s32 $0x1BFF;
	s21 =	sshll.u32 s6, $0x1;
	s3 =	sadd.s32 s4, s19  }
0x9c: {  	s7 =	simm.s32 $0x0;
	s20 =	sshll.u32 s5, $0x1;
	s5 =	sadd.s32 s21, s3  }
0x9d: {  	[timem:s7], [sflag:s22] =	dma.local [hbm:s5], s20  }
0x9e: {  	_ =	swait.ge [sflag:s22], s20  }
0x9f: {  	s4 =	ssub.s32 $0x0, s20;
	[sflag:s22] =	ssyncset.done $0x0  }
0xa0: {  	[sflag:s22] =	ssyncadd.s32 s4;
	_ =	sdelay $0x1  }
0xa1: {  	s23 =	simm.s32 $0x1B8B  }
0xa2: {  	_ =	swait.ge [sflag:s23], $0x1  }
0xa3: {  	[sflag:s23] =	ssyncset.done $0x0  }
0xa4: {  	s25 =	simm.s32 $0x1B8E;
	s24 =	sld [smem:$0x3FFE];
	[sflag:s23] =	ssyncadd.s32 $0xFFFFFFFF  }
0xa5: {  	s26 =	simm.s32 $execute0_lowered;
	[smem:$0x3FD2] =	sst s25  }
0xa6: {  	s5 =	sshll.u32 s26, $0x1;
	_ =	strace $0x8000004C;
	[dreg:$0x1] =	wrdreg $0xFFFFFFFF  }
0xa7: {  	s28 =	simm.s32 $_size_execute0_lowered;
	s3 =	sadd.s32 s3, s5;
	[dreg:$0x0] =	wrdreg $0x0  }
0xa8: {  	s5 =	sshll.u32 s28, $0x1;
	[dreg:$0x2] =	wrdreg s3  }
0xa9: {  	[dreg:$0x3] =	wrdreg s5  }
0xaa: {  	[dreg:$0x4] =	wrdreg $0xC0  }
0xab: {  	_ =	task [dreg:s7], $0x5FFFF  }
0xac: {  	[dreg:$0x1] =	wrdreg $0xFFFFFFFF  }
0xad: {  	[dreg:$0x0] =	wrdreg $0x60  }
0xae: {  	[dreg:$0x2] =	wrdreg s2  }
0xaf: {  	[dreg:$0x3] =	wrdreg s24  }
0xb0: {  	[dreg:$0x4] =	wrdreg $0xA8000  }
0xb1: {  	[dreg:$0x5] =	wrdreg $0x9  }
0xb2: {  	_ =	task.clear_ibuf [dreg:s7], $0x6FFFF;
	_ =	strace $0x9000004C  }
0xb3: {  	s29 =	simm.s32 $0x9;
	_ =	strace $0x8000004E  }
0xb4: {  	_ =	swait.ge [sflag:s29], $0x1  }
0xb5: {  	[sflag:s29] =	ssyncadd.s32 $0xFFFFFFFF  }
0xb6: {  	_ =	strace $0x9000004E  }
0xb7: {  	_ =	sfence  }
0xb8: {  	s30 =	sld [smem:$0x0];
	_ =	sdelay $0x2  }
0xb9: {  	s31 =	sshll.u32 s1, $0xD;
	s1 =	sshrl.u32 s1, $0x2  }
0xba: {  	s3 =	sand.u32 $0x4000, s31;
	s1 =	sadd.s32 s1, s30  }
0xbb: {  	s0 =	sor.u32 s3, s0;
	s1 =	sshll.u32 s1, $0x11  }
0xbc: {  	s0 =	sor.u32 s1, s0  }
0xbd: {  	s0 =	sadd.s32 $0x8F2B, s0  }
0xbe: {  	[sflag:s0] =	ssyncadd.remote.s32 $0x1  }
0xbf: {  	_ =	sfence.sel $0xFFFF  }
0xc0: {  	[dreg:$0x0] =	wrdreg $0xFFFFFFFF;
	(pc) =	sbr.abs _section_cstart, $3  }
0xc1: {  	[dreg:$0x1] =	wrdreg $0xFFFFFFFF  }
0xc2: {  	_ =	task.clear_ibuf [dreg:s7], $0x2FFFF;
	_ =	strace $0x9FFFFFFF  }
0xc3: {  	(tm) =	ssettm $0x7FFFFFFF  }
tec
execute0_lowered:
.L_overlay_start_1:
0x0: {  	(tag) =	ssettag $0x1  }
0x1: {  	s0 =	rddreg [dreg:$0x0]  }
0x2: {  	s1 =	rddreg [dreg:$0x1]  }
0x3: {  	s2 =	srdreg.scid;
	s3 =	rddreg [dreg:$0x2];
	s4 =	simm.s32 $0x0  }
0x4: {  	s20 =	simm.s32 $0x2800;
	s28 =	simm.s32 $0x2;
	s5 =	sand.u32 $0x1, s2  }
0x5: {  	s2 =	stileid.u32;
	[smem:$0x7FF] =	sst s4;
	s9 =	sadd.s32 $0x3600, s1  }
0x6: {  	s19 =	sadd.s32 $0xD280, s1;
	s24 =	sadd.s32 $0xD100, s1;
	s6 =	smul.u32 $0x140000, s5  }
0x7: {  	s25 =	sadd.s32 $0x16D80, s1;
	s26 =	sadd.s32 $0xD200, s1;
	s7 =	smul.u32 $0x14000, s2  }
0x8: {  	_ =	strace $0x8000004D;
	s21 =	ssub.s32 $0x2, s5;
	[dreg:$0x4] =	wrdreg s24  }
0x9: {  	s8 =	smul.u32 $0x50000, s2;
	s22 =	sshll.u32 s5, $0x4;
	[dreg:$0x5] =	wrdreg s25  }
0xa: {  	[dreg:$0x6] =	wrdreg s26;
	s24 =	simm.s32 $0x6800;
	s25 =	simm.s32 $0x1  }
0xb: {  	s10 =	sshrl.u32 s21, $0x1;
	s23 =	sor.u32 s2, s22;
	s22 =	simm.s32 $0x1400  }
0xc: {  	s6 =	sadd.s32 s7, s6;
	s7 =	ssub.s32 s21, s10;
	s8 =	sshrl.u32 s8, $0x2  }
0xd: {  	s29 =	smul.u32 $0x500, s23;
	p0 =	seq.s32 s23, $0x1F;
	s21 =	simm.s32 $0x3  }
0xe: {  	s23 =	simm.s32 $0x80;
	s6 =	sshrl.u32 s6, $0x3;
	s5 =	sadd.s32 s8, s3  }
0xf: {  	s11 =	smax.u32 s7, $0x1;
	s7 =	simm.s32 $0x2700;
	s8 =	simm.s32 $0x2780  }
0x10: {  	s6 =	sadd.s32 s6, s1;
	s1 =	sadd.s32 $0x16E80, s1;
	s12 =	sadd.s32 $0x4000, s5  }
.Ltmp0:
0x11: {  	s13 =	sadd.s32 $0x8000, s5;
	s14 =	sadd.s32 $0xC000, s5;
	(pc) =	sbr.rel .LBB2_1-.Ltmp0, $4  }
0x12: {  	s15 =	sadd.s32 $0x10000, s5;
	s30 =	sadd.s32 $0x280, s29;
	s31 =	sadd.s32 s9, s29  }
0x13: {  	s17 =	sadd.s32 s29, s19;
	[dreg:$0x7] =	wrdreg s1;
	s10 =	sadd.s32 $0x17000, s6  }
0x14: {  	[dreg:$0x8] =	wrdreg s31;
	s18 =	sadd.s32 s9, s30;
	s19 =	sadd.s32 s30, s19  }
0x15: {  	v0 =	vimm.f32 $0.0e+00;
	s1 =	simm.s32 $0x1580;
	s6 =	simm.s32 $0x1380;
	s9 =	simm.s32 $0x0  }
.LBB2_9:
0x16: {  	s16 =	rddreg [dreg:$0x4]  }
0x17: {  	[tilespmem:s4], [sflag:$0x3] =	stream.linear.gather [hbm4b:s16+s4], $0x800, $0x38;
	[tilespmem:$0x1E800] =	vst v63  }
0x18: {  	_ =	swait.ge [sflag:s21], $0x800  }
0x19: {  	[sflag:s21] =	ssyncset.done $0x0  }
0x1a: {  	s31 =	rddreg [dreg:$0x5];
	[sflag:s21] =	ssyncadd.s32 $0xFFFFF800  }
0x1b: {  	[tilespmem:s22], [sflag:$0x3] =	stream.linear.gather [hbm4b:s31+s4], $0x800, $0x38;
	[tilespmem:$0x1E800] =	vst v63  }
0x1c: {  	_ =	swait.ge [sflag:s21], $0x800  }
0x1d: {  	[sflag:s21] =	ssyncset.done $0x0  }
0x1e: {  	[sflag:s21] =	ssyncadd.s32 $0xFFFFF800  }
0x1f: {  	[tilespmem:s20], [sflag:$0x1] =	stream.indirect.gather [hbm4b:s0+s23], $0x80, s4, s23, $0xb8;
	[tilespmem:$0x1E800] =	vst v63  }
0x20: {  	_ = 	snop  }
0x21: {  	[tilespmem:s24], [sflag:$0x2] =	stream.indirect.gather [hbm4b:s0+s23], $0x80, s23, s23, $0xb8;
	[tilespmem:$0x1E800] =	vst v63  }
0x22: {  	_ =	swait.ge [sflag:s25], $0x4000  }
0x23: {  	[sflag:s25] =	ssyncset.done $0x0  }
0x24: {  	[sflag:s25] =	ssyncadd.s32 $0xFFFFC000  }
0x25: {  	[spmem:s3] =	stream.indirect.scatter.add.f32 [tilespmem:s20], [sflag:$0x3], $0x80, s22, s23, $0xb8;
	[tilespmem:$0x1E800] =	vst v63  }
0x26: {  	_ =	swait.ge [sflag:s21], $0x4000  }
0x27: {  	[sflag:s21] =	ssyncset.done $0x0  }
0x28: {  	s26 =	simm.s32 $0x100;
	[sflag:s21] =	ssyncadd.s32 $0xFFFFC000  }
0x29: {  	[tilespmem:s20], [sflag:$0x1] =	stream.indirect.gather [hbm4b:s0+s23], $0x80, s26, s23, $0xb8;
	[tilespmem:$0x1E800] =	vst v63  }
0x2a: {  	_ =	swait.ge [sflag:s28], $0x4000  }
0x2b: {  	[sflag:s28] =	ssyncset.done $0x0  }
0x2c: {  	s29 =	simm.s32 $0x1480;
	[sflag:s28] =	ssyncadd.s32 $0xFFFFC000  }
0x2d: {  	[spmem:s3] =	stream.indirect.scatter.add.f32 [tilespmem:s24], [sflag:$0x3], $0x80, s29, s23, $0xb8;
	[tilespmem:$0x1E800] =	vst v63  }
0x2e: {  	_ =	swait.ge [sflag:s21], $0x4000  }
0x2f: {  	[sflag:s21] =	ssyncset.done $0x0  }
0x30: {  	s30 =	simm.s32 $0x180;
	[sflag:s21] =	ssyncadd.s32 $0xFFFFC000  }
0x31: {  	[tilespmem:s24], [sflag:$0x2] =	stream.indirect.gather [hbm4b:s0+s23], $0x80, s30, s23, $0xb8;
	[tilespmem:$0x1E800] =	vst v63  }
0x32: {  	_ =	swait.ge [sflag:s25], $0x4000  }
0x33: {  	[sflag:s25] =	ssyncset.done $0x0  }
0x34: {  	s31 =	simm.s32 $0x1500;
	[sflag:s25] =	ssyncadd.s32 $0xFFFFC000  }
0x35: {  	[spmem:s3] =	stream.indirect.scatter.add.f32 [tilespmem:s20], [sflag:$0x3], $0x80, s31, s23, $0xb8;
	[tilespmem:$0x1E800] =	vst v63  }
0x36: {  	_ =	swait.ge [sflag:s21], $0x4000  }
0x37: {  	[sflag:s21] =	ssyncset.done $0x0  }
0x38: {  	s16 =	simm.s32 $0x200;
	[sflag:s21] =	ssyncadd.s32 $0xFFFFC000  }
0x39: {  	[tilespmem:s20], [sflag:$0x1] =	stream.indirect.gather [hbm4b:s0+s23], $0x80, s16, s23, $0xb8;
	[tilespmem:$0x1E800] =	vst v63  }
0x3a: {  	_ =	swait.ge [sflag:s28], $0x4000  }
0x3b: {  	[sflag:s28] =	ssyncset.done $0x0  }
0x3c: {  	[sflag:s28] =	ssyncadd.s32 $0xFFFFC000  }
0x3d: {  	[spmem:s3] =	stream.indirect.scatter.add.f32 [tilespmem:s24], [sflag:$0x3], $0x80, s1, s23, $0xb8;
	[tilespmem:$0x1E800] =	vst v63  }
0x3e: {  	_ =	swait.ge [sflag:s21], $0x4000  }
0x3f: {  	[sflag:s21] =	ssyncset.done $0x0  }
0x40: {  	s16 =	simm.s32 $0x280;
	[sflag:s21] =	ssyncadd.s32 $0xFFFFC000  }
0x41: {  	[tilespmem:s24], [sflag:$0x2] =	stream.indirect.gather [hbm4b:s0+s23], $0x80, s16, s23, $0xb8;
	[tilespmem:$0x1E800] =	vst v63  }
0x42: {  	_ =	swait.ge [sflag:s25], $0x4000  }
0x43: {  	[sflag:s25] =	ssyncset.done $0x0  }
0x44: {  	s16 =	simm.s32 $0x1600;
	[sflag:s25] =	ssyncadd.s32 $0xFFFFC000  }
0x45: {  	[spmem:s3] =	stream.indirect.scatter.add.f32 [tilespmem:s20], [sflag:$0x3], $0x80, s16, s23, $0xb8;
	[tilespmem:$0x1E800] =	vst v63  }
0x46: {  	_ =	swait.ge [sflag:s21], $0x4000  }
0x47: {  	[sflag:s21] =	ssyncset.done $0x0  }
0x48: {  	s16 =	simm.s32 $0x300;
	[sflag:s21] =	ssyncadd.s32 $0xFFFFC000  }
0x49: {  	[tilespmem:s20], [sflag:$0x1] =	stream.indirect.gather [hbm4b:s0+s23], $0x80, s16, s23, $0xb8;
	[tilespmem:$0x1E800] =	vst v63  }
0x4a: {  	_ =	swait.ge [sflag:s28], $0x4000  }
0x4b: {  	[sflag:s28] =	ssyncset.done $0x0  }
0x4c: {  	s16 =	simm.s32 $0x1680;
	[sflag:s28] =	ssyncadd.s32 $0xFFFFC000  }
0x4d: {  	[spmem:s3] =	stream.indirect.scatter.add.f32 [tilespmem:s24], [sflag:$0x3], $0x80, s16, s23, $0xb8;
	[tilespmem:$0x1E800] =	vst v63  }
0x4e: {  	_ =	swait.ge [sflag:s21], $0x4000  }
0x4f: {  	[sflag:s21] =	ssyncset.done $0x0  }
0x50: {  	s16 =	simm.s32 $0x380;
	[sflag:s21] =	ssyncadd.s32 $0xFFFFC000  }
0x51: {  	[tilespmem:s24], [sflag:$0x2] =	stream.indirect.gather [hbm4b:s0+s23], $0x80, s16, s23, $0xb8;
	[tilespmem:$0x1E800] =	vst v63  }
0x52: {  	_ =	swait.ge [sflag:s25], $0x4000  }
0x53: {  	[sflag:s25] =	ssyncset.done $0x0  }
0x54: {  	s16 =	simm.s32 $0x1700;
	[sflag:s25] =	ssyncadd.s32 $0xFFFFC000  }
0x55: {  	[spmem:s3] =	stream.indirect.scatter.add.f32 [tilespmem:s20], [sflag:$0x3], $0x80, s16, s23, $0xb8;
	[tilespmem:$0x1E800] =	vst v63  }
0x56: {  	_ =	swait.ge [sflag:s21], $0x4000  }
0x57: {  	[sflag:s21] =	ssyncset.done $0x0  }
0x58: {  	s16 =	simm.s32 $0x400;
	[sflag:s21] =	ssyncadd.s32 $0xFFFFC000  }
0x59: {  	[tilespmem:s20], [sflag:$0x1] =	stream.indirect.gather [hbm4b:s0+s23], $0x80, s16, s23, $0xb8;
	[tilespmem:$0x1E800] =	vst v63  }
0x5a: {  	_ =	swait.ge [sflag:s28], $0x4000  }
0x5b: {  	[sflag:s28] =	ssyncset.done $0x0  }
0x5c: {  	s16 =	simm.s32 $0x1780;
	[sflag:s28] =	ssyncadd.s32 $0xFFFFC000  }
0x5d: {  	[spmem:s3] =	stream.indirect.scatter.add.f32 [tilespmem:s24], [sflag:$0x3], $0x80, s16, s23, $0xb8;
	[tilespmem:$0x1E800] =	vst v63  }
0x5e: {  	_ =	swait.ge [sflag:s21], $0x4000  }
0x5f: {  	[sflag:s21] =	ssyncset.done $0x0  }
0x60: {  	s16 =	simm.s32 $0x480;
	[sflag:s21] =	ssyncadd.s32 $0xFFFFC000  }
0x61: {  	[tilespmem:s24], [sflag:$0x2] =	stream.indirect.gather [hbm4b:s0+s23], $0x80, s16, s23, $0xb8;
	[tilespmem:$0x1E800] =	vst v63  }
0x62: {  	_ =	swait.ge [sflag:s25], $0x4000  }
0x63: {  	[sflag:s25] =	ssyncset.done $0x0  }
0x64: {  	s16 =	simm.s32 $0x1800;
	[sflag:s25] =	ssyncadd.s32 $0xFFFFC000  }
0x65: {  	[spmem:s3] =	stream.indirect.scatter.add.f32 [tilespmem:s20], [sflag:$0x3], $0x80, s16, s23, $0xb8;
	[tilespmem:$0x1E800] =	vst v63  }
0x66: {  	_ =	swait.ge [sflag:s21], $0x4000  }
0x67: {  	[sflag:s21] =	ssyncset.done $0x0  }
0x68: {  	s16 =	simm.s32 $0x500;
	[sflag:s21] =	ssyncadd.s32 $0xFFFFC000  }
0x69: {  	[tilespmem:s20], [sflag:$0x1] =	stream.indirect.gather [hbm4b:s0+s23], $0x80, s16, s23, $0xb8;
	[tilespmem:$0x1E800] =	vst v63  }
0x6a: {  	_ =	swait.ge [sflag:s28], $0x4000  }
0x6b: {  	[sflag:s28] =	ssyncset.done $0x0  }
0x6c: {  	s16 =	simm.s32 $0x1880;
	[sflag:s28] =	ssyncadd.s32 $0xFFFFC000  }
0x6d: {  	[spmem:s3] =	stream.indirect.scatter.add.f32 [tilespmem:s24], [sflag:$0x3], $0x80, s16, s23, $0xb8;
	[tilespmem:$0x1E800] =	vst v63  }
0x6e: {  	_ =	swait.ge [sflag:s21], $0x4000  }
0x6f: {  	[sflag:s21] =	ssyncset.done $0x0  }
0x70: {  	s16 =	simm.s32 $0x580;
	[sflag:s21] =	ssyncadd.s32 $0xFFFFC000  }
0x71: {  	[tilespmem:s24], [sflag:$0x2] =	stream.indirect.gather [hbm4b:s0+s23], $0x80, s16, s23, $0xb8;
	[tilespmem:$0x1E800] =	vst v63  }
0x72: {  	_ =	swait.ge [sflag:s25], $0x4000  }
0x73: {  	[sflag:s25] =	ssyncset.done $0x0  }
0x74: {  	s16 =	simm.s32 $0x1900;
	[sflag:s25] =	ssyncadd.s32 $0xFFFFC000  }
0x75: {  	[spmem:s3] =	stream.indirect.scatter.add.f32 [tilespmem:s20], [sflag:$0x3], $0x80, s16, s23, $0xb8;
	[tilespmem:$0x1E800] =	vst v63  }
0x76: {  	_ =	swait.ge [sflag:s21], $0x4000  }
0x77: {  	[sflag:s21] =	ssyncset.done $0x0  }
0x78: {  	s16 =	simm.s32 $0x600;
	[sflag:s21] =	ssyncadd.s32 $0xFFFFC000  }
0x79: {  	[tilespmem:s20], [sflag:$0x1] =	stream.indirect.gather [hbm4b:s0+s23], $0x80, s16, s23, $0xb8;
	[tilespmem:$0x1E800] =	vst v63  }
0x7a: {  	_ =	swait.ge [sflag:s28], $0x4000  }
0x7b: {  	[sflag:s28] =	ssyncset.done $0x0  }
0x7c: {  	s16 =	simm.s32 $0x1980;
	[sflag:s28] =	ssyncadd.s32 $0xFFFFC000  }
0x7d: {  	[spmem:s3] =	stream.indirect.scatter.add.f32 [tilespmem:s24], [sflag:$0x3], $0x80, s16, s23, $0xb8;
	[tilespmem:$0x1E800] =	vst v63  }
0x7e: {  	_ =	swait.ge [sflag:s21], $0x4000  }
0x7f: {  	[sflag:s21] =	ssyncset.done $0x0  }
0x80: {  	s16 =	simm.s32 $0x680;
	[sflag:s21] =	ssyncadd.s32 $0xFFFFC000  }
0x81: {  	[tilespmem:s24], [sflag:$0x2] =	stream.indirect.gather [hbm4b:s0+s23], $0x80, s16, s23, $0xb8;
	[tilespmem:$0x1E800] =	vst v63  }
0x82: {  	_ =	swait.ge [sflag:s25], $0x4000  }
0x83: {  	[sflag:s25] =	ssyncset.done $0x0  }
0x84: {  	s16 =	simm.s32 $0x1A00;
	[sflag:s25] =	ssyncadd.s32 $0xFFFFC000  }
0x85: {  	[spmem:s3] =	stream.indirect.scatter.add.f32 [tilespmem:s20], [sflag:$0x3], $0x80, s16, s23, $0xb8;
	[tilespmem:$0x1E800] =	vst v63  }
0x86: {  	_ =	swait.ge [sflag:s21], $0x4000  }
0x87: {  	[sflag:s21] =	ssyncset.done $0x0  }
0x88: {  	s16 =	simm.s32 $0x700;
	[sflag:s21] =	ssyncadd.s32 $0xFFFFC000  }
0x89: {  	[tilespmem:s20], [sflag:$0x1] =	stream.indirect.gather [hbm4b:s0+s23], $0x80, s16, s23, $0xb8;
	[tilespmem:$0x1E800] =	vst v63  }
0x8a: {  	_ =	swait.ge [sflag:s28], $0x4000  }
0x8b: {  	[sflag:s28] =	ssyncset.done $0x0  }
0x8c: {  	s16 =	simm.s32 $0x1A80;
	[sflag:s28] =	ssyncadd.s32 $0xFFFFC000  }
0x8d: {  	[spmem:s3] =	stream.indirect.scatter.add.f32 [tilespmem:s24], [sflag:$0x3], $0x80, s16, s23, $0xb8;
	[tilespmem:$0x1E800] =	vst v63  }
0x8e: {  	_ =	swait.ge [sflag:s21], $0x4000  }
0x8f: {  	[sflag:s21] =	ssyncset.done $0x0  }
0x90: {  	s16 =	simm.s32 $0x780;
	[sflag:s21] =	ssyncadd.s32 $0xFFFFC000  }
0x91: {  	[tilespmem:s24], [sflag:$0x2] =	stream.indirect.gather [hbm4b:s0+s23], $0x80, s16, s23, $0xb8;
	[tilespmem:$0x1E800] =	vst v63  }
0x92: {  	_ =	swait.ge [sflag:s25], $0x4000  }
0x93: {  	[sflag:s25] =	ssyncset.done $0x0  }
0x94: {  	s16 =	simm.s32 $0x1B00;
	[sflag:s25] =	ssyncadd.s32 $0xFFFFC000  }
0x95: {  	[spmem:s3] =	stream.indirect.scatter.add.f32 [tilespmem:s20], [sflag:$0x3], $0x80, s16, s23, $0xb8;
	[tilespmem:$0x1E800] =	vst v63  }
0x96: {  	_ =	swait.ge [sflag:s21], $0x4000  }
0x97: {  	[sflag:s21] =	ssyncset.done $0x0  }
0x98: {  	[sflag:s21] =	ssyncadd.s32 $0xFFFFC000  }
0x99: {  	_ =	swait.ge [sflag:s28], $0x4000  }
0x9a: {  	[sflag:s28] =	ssyncset.done $0x0  }
0x9b: {  	s16 =	simm.s32 $0x1B80;
	[sflag:s28] =	ssyncadd.s32 $0xFFFFC000  }
0x9c: {  	[spmem:s3] =	stream.indirect.scatter.add.f32 [tilespmem:s24], [sflag:$0x3], $0x80, s16, s23, $0xb8;
	[tilespmem:$0x1E800] =	vst v63  }
0x9d: {  	_ =	swait.ge [sflag:s21], $0x4000  }
0x9e: {  	[sflag:s21] =	ssyncset.done $0x0  }
0x9f: {  	s16 =	rddreg [dreg:$0x6];
	[sflag:s21] =	ssyncadd.s32 $0xFFFFC000  }
0xa0: {  	[tilespmem:s4], [sflag:$0x3] =	stream.linear.gather [hbm4b:s16+s4], $0x200, $0x38;
	[tilespmem:$0x1E800] =	vst v63  }
0xa1: {  	_ =	swait.ge [sflag:s21], $0x200  }
0xa2: {  	[sflag:s21] =	ssyncset.done $0x0  }
0xa3: {  	s16 =	rddreg [dreg:$0x7];
	[sflag:s21] =	ssyncadd.s32 $0xFFFFFE00  }
0xa4: {  	[tilespmem:s22], [sflag:$0x3] =	stream.linear.gather [hbm4b:s16+s4], $0x200, $0x38;
	[tilespmem:$0x1E800] =	vst v63  }
0xa5: {  	_ =	swait.ge [sflag:s21], $0x200  }
0xa6: {  	[sflag:s21] =	ssyncset.done $0x0  }
0xa7: {  	[sflag:s21] =	ssyncadd.s32 $0xFFFFFE00  }
0xa8: {  	[tilespmem:s20], [sflag:$0x1] =	stream.indirect.gather [hbm4b:s0+s23], $0x80, s4, s23, $0xb8;
	[tilespmem:$0x1E800] =	vst v63  }
0xa9: {  	_ = 	snop  }
0xaa: {  	[tilespmem:s24], [sflag:$0x2] =	stream.indirect.gather [hbm4b:s0+s23], $0x80, s23, s23, $0xb8;
	[tilespmem:$0x1E800] =	vst v63  }
0xab: {  	_ =	swait.ge [sflag:s25], $0x4000  }
0xac: {  	[sflag:s25] =	ssyncset.done $0x0  }
0xad: {  	[sflag:s25] =	ssyncadd.s32 $0xFFFFC000  }
0xae: {  	[spmem:s3] =	stream.indirect.scatter.add.f32 [tilespmem:s20], [sflag:$0x3], $0x80, s22, s23, $0xb8;
	[tilespmem:$0x1E800] =	vst v63  }
0xaf: {  	_ =	swait.ge [sflag:s21], $0x4000  }
0xb0: {  	[sflag:s21] =	ssyncset.done $0x0  }
0xb1: {  	[sflag:s21] =	ssyncadd.s32 $0xFFFFC000  }
0xb2: {  	[tilespmem:s20], [sflag:$0x1] =	stream.indirect.gather [hbm4b:s0+s23], $0x80, s26, s23, $0xb8;
	[tilespmem:$0x1E800] =	vst v63  }
0xb3: {  	_ =	swait.ge [sflag:s28], $0x4000  }
0xb4: {  	[sflag:s28] =	ssyncset.done $0x0  }
0xb5: {  	[sflag:s28] =	ssyncadd.s32 $0xFFFFC000  }
0xb6: {  	[spmem:s3] =	stream.indirect.scatter.add.f32 [tilespmem:s24], [sflag:$0x3], $0x80, s29, s23, $0xb8;
	[tilespmem:$0x1E800] =	vst v63  }
0xb7: {  	_ =	swait.ge [sflag:s21], $0x4000  }
0xb8: {  	[sflag:s21] =	ssyncset.done $0x0  }
0xb9: {  	[sflag:s21] =	ssyncadd.s32 $0xFFFFC000  }
0xba: {  	[tilespmem:s24], [sflag:$0x2] =	stream.indirect.gather [hbm4b:s0+s23], $0x80, s30, s23, $0xb8;
	[tilespmem:$0x1E800] =	vst v63  }
0xbb: {  	_ =	swait.ge [sflag:s25], $0x4000  }
0xbc: {  	[sflag:s25] =	ssyncset.done $0x0  }
0xbd: {  	[sflag:s25] =	ssyncadd.s32 $0xFFFFC000  }
0xbe: {  	[spmem:s3] =	stream.indirect.scatter.add.f32 [tilespmem:s20], [sflag:$0x3], $0x80, s31, s23, $0xb8;
	[tilespmem:$0x1E800] =	vst v63  }
0xbf: {  	_ =	swait.ge [sflag:s21], $0x4000  }
0xc0: {  	[sflag:s21] =	ssyncset.done $0x0  }
0xc1: {  	[sflag:s21] =	ssyncadd.s32 $0xFFFFC000  }
0xc2: {  	_ =	swait.ge [sflag:s28], $0x4000  }
0xc3: {  	[sflag:s28] =	ssyncset.done $0x0  }
0xc4: {  	[sflag:s28] =	ssyncadd.s32 $0xFFFFC000  }
0xc5: {  	[spmem:s3] =	stream.indirect.scatter.add.f32 [tilespmem:s24], [sflag:$0x3], $0x80, s1, s23, $0xb8;
	[tilespmem:$0x1E800] =	vst v63  }
0xc6: {  	_ =	swait.ge [sflag:s21], $0x4000  }
0xc7: {  	[sflag:s21] =	ssyncset.done $0x0  }
0xc8: {  	[sflag:s21] =	ssyncadd.s32 $0xFFFFC000  }
.LBB2_10:
0xc9: {  	s9 =	sadd.s32 $0x1, s9  }
0xca: {  	s16 =	sshll.u32 s2, $0x6;
	[bflag:$0x0] =	sbarrier.arrive $0xFFFF;
	p1 =	sne.s32 s9, s11  }
.Ltmp1:
0xcb: {  	s26 =	sshrl.u32 s5, $0x3;
	s16 =	sor.u32 $0x1C03, s16;
	(pc) =	sbr.rel @!p1 .LBB2_11-.Ltmp1, $4  }
0xcc: {  	[hbm:s10], [sflag:s16] =	dma.local [spmem:s26], $0x2800  }
0xcd: {  	_ =	swait.ge [sflag:s21], $0x2800  }
0xce: {  	[sflag:s21] =	ssyncset.done $0x0  }
0xcf: {  	[sflag:s21] =	ssyncadd.s32 $0xFFFFD800  }
.LBB2_1:
0xd0: {  	s26 =	simm.s32 $0x0;
	s29 =	simm.s32 $0x200  }
.LBB2_2:
0xd1: {  	p1 =	sne.s32 s29, $0xFE00;
	[tilespmem:s26+$0x2870] =	vst v0  }
0xd2: {  	[tilespmem:s26+$0x2800] =	vst v0  }
0xd3: {  	[tilespmem:s26+$0x2810] =	vst v0  }
.Ltmp2:
0xd4: {  	[tilespmem:s26+$0x2820] =	vst v0;
	(pc) =	sbr.rel @p1 .LBB2_2-.Ltmp2, $4  }
0xd5: {  	[tilespmem:s26+$0x2830] =	vst v0  }
0xd6: {  	[tilespmem:s26+$0x2840] =	vst v0  }
0xd7: {  	[tilespmem:s26+$0x2850] =	vst v0  }
0xd8: {  	[tilespmem:s26+$0x2860] =	vst v0;
	s26 =	sshra.s32 s29, $0x2;
	s29 =	sadd.s32 $0x200, s29  }
0xd9: {  	[tilespmem:s26+$0x2870] =	vst v0  }
0xda: {  	[tilespmem:s26+$0x2800] =	vst v0  }
0xdb: {  	[tilespmem:s26+$0x2810] =	vst v0  }
0xdc: {  	[tilespmem:s26+$0x2820] =	vst v0  }
0xdd: {  	[tilespmem:s26+$0x2830] =	vst v0  }
0xde: {  	[tilespmem:s26+$0x2840] =	vst v0  }
0xdf: {  	[tilespmem:s26+$0x2850] =	vst v0  }
0xe0: {  	[tilespmem:s26+$0x2860] =	vst v0  }
0xe1: {  	[spmem:s5] =	stream.linear.scatter [tilespmem:s20], [sflag:$0x3], $0x4000, $0x38;
	[tilespmem:$0x1E800] =	vst v63  }
0xe2: {  	_ =	swait.ge [sflag:s21], $0x4000  }
0xe3: {  	[sflag:s21] =	ssyncset.done $0x0  }
0xe4: {  	[sflag:s21] =	ssyncadd.s32 $0xFFFFC000  }
0xe5: {  	[spmem:s12] =	stream.linear.scatter [tilespmem:s20], [sflag:$0x3], $0x4000, $0x38;
	[tilespmem:$0x1E800] =	vst v63  }
0xe6: {  	_ =	swait.ge [sflag:s21], $0x4000  }
0xe7: {  	[sflag:s21] =	ssyncset.done $0x0  }
0xe8: {  	[sflag:s21] =	ssyncadd.s32 $0xFFFFC000  }
0xe9: {  	[spmem:s13] =	stream.linear.scatter [tilespmem:s20], [sflag:$0x3], $0x4000, $0x38;
	[tilespmem:$0x1E800] =	vst v63  }
0xea: {  	_ =	swait.ge [sflag:s21], $0x4000  }
0xeb: {  	[sflag:s21] =	ssyncset.done $0x0  }
0xec: {  	[sflag:s21] =	ssyncadd.s32 $0xFFFFC000  }
0xed: {  	[spmem:s14] =	stream.linear.scatter [tilespmem:s20], [sflag:$0x3], $0x4000, $0x38;
	[tilespmem:$0x1E800] =	vst v63  }
0xee: {  	_ =	swait.ge [sflag:s21], $0x4000  }
0xef: {  	[sflag:s21] =	ssyncset.done $0x0  }
0xf0: {  	[sflag:s21] =	ssyncadd.s32 $0xFFFFC000  }
0xf1: {  	[spmem:s15] =	stream.linear.scatter [tilespmem:s20], [sflag:$0x3], $0x4000, $0x38;
	[tilespmem:$0x1E800] =	vst v63  }
.Ltmp3:
0xf2: {  	_ =	swait.ge [sflag:s21], $0x4000;
	(pc) =	sbr.rel @p0 .LBB2_9-.Ltmp3, $3  }
0xf3: {  	[sflag:s21] =	ssyncset.done $0x0  }
0xf4: {  	[sflag:s21] =	ssyncadd.s32 $0xFFFFC000  }
0xf5: {  	[bflag:$0x0] =	sbarrier.arrive $0xFFFF;
	_ =	sdelay $0x1  }
0xf6: {  	s26 =	simm.s32 $0x0;
	s16 =	rddreg [dreg:$0x8]  }
0xf7: {  	[tilespmem:s26], [sflag:$0x3] =	stream.linear.gather [hbm4b:s16+s26], $0x1400, $0x38;
	[tilespmem:$0x1E800] =	vst v63  }
0xf8: {  	_ =	swait.ge [sflag:s21], $0x1400  }
0xf9: {  	[sflag:s21] =	ssyncset.done $0x0  }
0xfa: {  	[sflag:s21] =	ssyncadd.s32 $0xFFFFEC00  }
0xfb: {  	[tilespmem:s22], [sflag:$0x3] =	stream.linear.gather [hbm4b:s17+s26], $0x1400, $0x38;
	[tilespmem:$0x1E800] =	vst v63  }
0xfc: {  	_ =	swait.ge [sflag:s21], $0x1400  }
0xfd: {  	[sflag:s21] =	ssyncset.done $0x0  }
0xfe: {  	[sflag:s21] =	ssyncadd.s32 $0xFFFFEC00  }
0xff: {  	[tilespmem:s20], [sflag:$0x1] =	stream.indirect.gather [hbm4b:s0+s23], $0x80, s26, s23, $0xb8;
	[tilespmem:$0x1E800] =	vst v63  }
0x100: {  	s31 =	simm.s32 $0x80  }
0x101: {  	[tilespmem:s24], [sflag:$0x2] =	stream.indirect.gather [hbm4b:s0+s23], $0x80, s31, s23, $0xb8;
	[tilespmem:$0x1E800] =	vst v63  }
0x102: {  	_ =	swait.ge [sflag:s25], $0x4000  }
0x103: {  	[sflag:s25] =	ssyncset.done $0x0  }
0x104: {  	s16 =	simm.s32 $0x1400;
	[sflag:s25] =	ssyncadd.s32 $0xFFFFC000  }
0x105: {  	[spmem:s3] =	stream.indirect.scatter.add.f32 [tilespmem:s20], [sflag:$0x3], $0x80, s16, s23, $0xb8;
	[tilespmem:$0x1E800] =	vst v63  }
0x106: {  	_ =	swait.ge [sflag:s21], $0x4000  }
0x107: {  	[sflag:s21] =	ssyncset.done $0x0  }
0x108: {  	s30 =	simm.s32 $0x100;
	[sflag:s21] =	ssyncadd.s32 $0xFFFFC000  }
0x109: {  	[tilespmem:s20], [sflag:$0x1] =	stream.indirect.gather [hbm4b:s0+s23], $0x80, s30, s23, $0xb8;
	[tilespmem:$0x1E800] =	vst v63  }
0x10a: {  	_ =	swait.ge [sflag:s28], $0x4000  }
0x10b: {  	[sflag:s28] =	ssyncset.done $0x0  }
0x10c: {  	s31 =	simm.s32 $0x1480;
	[sflag:s28] =	ssyncadd.s32 $0xFFFFC000  }
0x10d: {  	[spmem:s3] =	stream.indirect.scatter.add.f32 [tilespmem:s24], [sflag:$0x3], $0x80, s31, s23, $0xb8;
	[tilespmem:$0x1E800] =	vst v63  }
0x10e: {  	_ =	swait.ge [sflag:s21], $0x4000  }
0x10f: {  	s29 =	simm.s32 $0x800;
	s26 =	simm.s32 $0x100;
	[sflag:s21] =	ssyncset.done $0x0  }
.LBB2_5:
0x110: {  	s30 =	sadd.s32 $0x80, s26  }
0x111: {  	[sflag:s21] =	ssyncadd.s32 $0xFFFFC000;
	s31 =	smov.u32 s29;
	s16 =	sadd.s32 $0x400, s29  }
0x112: {  	[tilespmem:s24], [sflag:$0x2] =	stream.indirect.gather [hbm4b:s0+s23], $0x80, s30, s23, $0xb8;
	[tilespmem:$0x1E800] =	vst v63  }
0x113: {  	p1 =	sne.s32 s29, $0x4800;
	_ =	swait.ge [sflag:s25], $0x4000  }
0x114: {  	[sflag:s25] =	ssyncset.done $0x0  }
0x115: {  	s29 =	sadd.s32 $0x1400, s26;
	[sflag:s25] =	ssyncadd.s32 $0xFFFFC000  }
0x116: {  	[spmem:s3] =	stream.indirect.scatter.add.f32 [tilespmem:s20], [sflag:$0x3], $0x80, s29, s23, $0xb8;
	[tilespmem:$0x1E800] =	vst v63  }
0x117: {  	_ =	swait.ge [sflag:s21], $0x4000  }
0x118: {  	[sflag:s21] =	ssyncset.done $0x0  }
0x119: {  	s29 =	sadd.s32 $0x100, s26;
	[sflag:s21] =	ssyncadd.s32 $0xFFFFC000  }
0x11a: {  	[tilespmem:s20], [sflag:$0x1] =	stream.indirect.gather [hbm4b:s0+s23], $0x80, s29, s23, $0xb8;
	[tilespmem:$0x1E800] =	vst v63  }
0x11b: {  	_ =	swait.ge [sflag:s28], $0x4000  }
.Ltmp4:
0x11c: {  	[sflag:s28] =	ssyncset.done $0x0;
	(pc) =	sbr.rel @p1 .LBB2_5-.Ltmp4, $4  }
0x11d: {  	s26 =	sadd.s32 $0x1480, s26;
	[sflag:s28] =	ssyncadd.s32 $0xFFFFC000  }
0x11e: {  	[spmem:s3] =	stream.indirect.scatter.add.f32 [tilespmem:s24], [sflag:$0x3], $0x80, s26, s23, $0xb8;
	[tilespmem:$0x1E800] =	vst v63  }
0x11f: {  	_ =	swait.ge [sflag:s21], $0x4000  }
0x120: {  	s29 =	smov.u32 s16;
	s26 =	sshra.s32 s31, $0x2;
	[sflag:s21] =	ssyncset.done $0x0  }
0x121: {  	s16 =	sadd.s32 $0x80, s26;
	[sflag:s21] =	ssyncadd.s32 $0xFFFFC000  }
0x122: {  	[tilespmem:s24], [sflag:$0x2] =	stream.indirect.gather [hbm4b:s0+s23], $0x80, s16, s23, $0xb8;
	[tilespmem:$0x1E800] =	vst v63  }
0x123: {  	_ =	swait.ge [sflag:s25], $0x4000  }
0x124: {  	[sflag:s25] =	ssyncset.done $0x0  }
0x125: {  	s30 =	sadd.s32 $0x1400, s26;
	[sflag:s25] =	ssyncadd.s32 $0xFFFFC000  }
0x126: {  	[spmem:s3] =	stream.indirect.scatter.add.f32 [tilespmem:s20], [sflag:$0x3], $0x80, s30, s23, $0xb8;
	[tilespmem:$0x1E800] =	vst v63  }
0x127: {  	_ =	swait.ge [sflag:s21], $0x4000  }
0x128: {  	[sflag:s21] =	ssyncset.done $0x0  }
0x129: {  	s31 =	sadd.s32 $0x100, s26;
	[sflag:s21] =	ssyncadd.s32 $0xFFFFC000  }
0x12a: {  	[tilespmem:s20], [sflag:$0x1] =	stream.indirect.gather [hbm4b:s0+s23], $0x80, s31, s23, $0xb8;
	[tilespmem:$0x1E800] =	vst v63  }
0x12b: {  	_ =	swait.ge [sflag:s28], $0x4000  }
0x12c: {  	[sflag:s28] =	ssyncset.done $0x0  }
0x12d: {  	s26 =	sadd.s32 $0x1480, s26;
	[sflag:s28] =	ssyncadd.s32 $0xFFFFC000  }
0x12e: {  	[spmem:s3] =	stream.indirect.scatter.add.f32 [tilespmem:s24], [sflag:$0x3], $0x80, s26, s23, $0xb8;
	[tilespmem:$0x1E800] =	vst v63  }
0x12f: {  	_ =	swait.ge [sflag:s21], $0x4000  }
0x130: {  	[sflag:s21] =	ssyncset.done $0x0  }
0x131: {  	[sflag:s21] =	ssyncadd.s32 $0xFFFFC000  }
0x132: {  	[tilespmem:s24], [sflag:$0x2] =	stream.indirect.gather [hbm4b:s0+s23], $0x80, s6, s23, $0xb8;
	[tilespmem:$0x1E800] =	vst v63  }
0x133: {  	_ =	swait.ge [sflag:s25], $0x4000  }
0x134: {  	[sflag:s25] =	ssyncset.done $0x0  }
0x135: {  	[sflag:s25] =	ssyncadd.s32 $0xFFFFC000  }
0x136: {  	[spmem:s3] =	stream.indirect.scatter.add.f32 [tilespmem:s20], [sflag:$0x3], $0x80, s7, s23, $0xb8;
	[tilespmem:$0x1E800] =	vst v63  }
0x137: {  	_ =	swait.ge [sflag:s21], $0x4000  }
0x138: {  	[sflag:s21] =	ssyncset.done $0x0  }
0x139: {  	[sflag:s21] =	ssyncadd.s32 $0xFFFFC000  }
0x13a: {  	_ =	swait.ge [sflag:s28], $0x4000  }
0x13b: {  	[sflag:s28] =	ssyncset.done $0x0  }
0x13c: {  	[sflag:s28] =	ssyncadd.s32 $0xFFFFC000  }
0x13d: {  	[spmem:s3] =	stream.indirect.scatter.add.f32 [tilespmem:s24], [sflag:$0x3], $0x80, s8, s23, $0xb8;
	[tilespmem:$0x1E800] =	vst v63  }
0x13e: {  	_ =	swait.ge [sflag:s21], $0x4000  }
0x13f: {  	[sflag:s21] =	ssyncset.done $0x0  }
0x140: {  	s30 =	simm.s32 $0x0;
	[sflag:s21] =	ssyncadd.s32 $0xFFFFC000  }
0x141: {  	[tilespmem:s30], [sflag:$0x3] =	stream.linear.gather [hbm4b:s18+s30], $0x1400, $0x38;
	[tilespmem:$0x1E800] =	vst v63  }
0x142: {  	_ =	swait.ge [sflag:s21], $0x1400  }
0x143: {  	[sflag:s21] =	ssyncset.done $0x0  }
0x144: {  	[sflag:s21] =	ssyncadd.s32 $0xFFFFEC00  }
0x145: {  	[tilespmem:s22], [sflag:$0x3] =	stream.linear.gather [hbm4b:s19+s30], $0x1400, $0x38;
	[tilespmem:$0x1E800] =	vst v63  }
0x146: {  	_ =	swait.ge [sflag:s21], $0x1400  }
0x147: {  	[sflag:s21] =	ssyncset.done $0x0  }
0x148: {  	[sflag:s21] =	ssyncadd.s32 $0xFFFFEC00  }
0x149: {  	[tilespmem:s20], [sflag:$0x1] =	stream.indirect.gather [hbm4b:s0+s23], $0x80, s30, s23, $0xb8;
	[tilespmem:$0x1E800] =	vst v63  }
0x14a: {  	s31 =	simm.s32 $0x80  }
0x14b: {  	[tilespmem:s24], [sflag:$0x2] =	stream.indirect.gather [hbm4b:s0+s23], $0x80, s31, s23, $0xb8;
	[tilespmem:$0x1E800] =	vst v63  }
0x14c: {  	_ =	swait.ge [sflag:s25], $0x4000  }
0x14d: {  	[sflag:s25] =	ssyncset.done $0x0  }
0x14e: {  	s26 =	simm.s32 $0x1400;
	[sflag:s25] =	ssyncadd.s32 $0xFFFFC000  }
0x14f: {  	[spmem:s3] =	stream.indirect.scatter.add.f32 [tilespmem:s20], [sflag:$0x3], $0x80, s26, s23, $0xb8;
	[tilespmem:$0x1E800] =	vst v63  }
0x150: {  	_ =	swait.ge [sflag:s21], $0x4000  }
0x151: {  	[sflag:s21] =	ssyncset.done $0x0  }
0x152: {  	s30 =	simm.s32 $0x100;
	[sflag:s21] =	ssyncadd.s32 $0xFFFFC000  }
0x153: {  	[tilespmem:s20], [sflag:$0x1] =	stream.indirect.gather [hbm4b:s0+s23], $0x80, s30, s23, $0xb8;
	[tilespmem:$0x1E800] =	vst v63  }
0x154: {  	_ =	swait.ge [sflag:s28], $0x4000  }
0x155: {  	[sflag:s28] =	ssyncset.done $0x0  }
0x156: {  	s31 =	simm.s32 $0x1480;
	[sflag:s28] =	ssyncadd.s32 $0xFFFFC000  }
0x157: {  	[spmem:s3] =	stream.indirect.scatter.add.f32 [tilespmem:s24], [sflag:$0x3], $0x80, s31, s23, $0xb8;
	[tilespmem:$0x1E800] =	vst v63  }
0x158: {  	_ =	swait.ge [sflag:s21], $0x4000  }
0x159: {  	s29 =	simm.s32 $0x800;
	s26 =	simm.s32 $0x100;
	[sflag:s21] =	ssyncset.done $0x0  }
.LBB2_7:
0x15a: {  	s16 =	sadd.s32 $0x80, s26  }
0x15b: {  	[sflag:s21] =	ssyncadd.s32 $0xFFFFC000;
	s30 =	smov.u32 s29;
	s31 =	sadd.s32 $0x400, s29  }
0x15c: {  	[tilespmem:s24], [sflag:$0x2] =	stream.indirect.gather [hbm4b:s0+s23], $0x80, s16, s23, $0xb8;
	[tilespmem:$0x1E800] =	vst v63  }
0x15d: {  	p1 =	sne.s32 s29, $0x4800;
	_ =	swait.ge [sflag:s25], $0x4000  }
0x15e: {  	[sflag:s25] =	ssyncset.done $0x0  }
0x15f: {  	s16 =	sadd.s32 $0x1400, s26;
	[sflag:s25] =	ssyncadd.s32 $0xFFFFC000  }
0x160: {  	[spmem:s3] =	stream.indirect.scatter.add.f32 [tilespmem:s20], [sflag:$0x3], $0x80, s16, s23, $0xb8;
	[tilespmem:$0x1E800] =	vst v63  }
0x161: {  	_ =	swait.ge [sflag:s21], $0x4000  }
0x162: {  	[sflag:s21] =	ssyncset.done $0x0  }
0x163: {  	s16 =	sadd.s32 $0x100, s26;
	[sflag:s21] =	ssyncadd.s32 $0xFFFFC000  }
0x164: {  	[tilespmem:s20], [sflag:$0x1] =	stream.indirect.gather [hbm4b:s0+s23], $0x80, s16, s23, $0xb8;
	[tilespmem:$0x1E800] =	vst v63  }
0x165: {  	_ =	swait.ge [sflag:s28], $0x4000  }
.Ltmp5:
0x166: {  	[sflag:s28] =	ssyncset.done $0x0;
	(pc) =	sbr.rel @p1 .LBB2_7-.Ltmp5, $4  }
0x167: {  	s16 =	sadd.s32 $0x1480, s26;
	[sflag:s28] =	ssyncadd.s32 $0xFFFFC000  }
0x168: {  	[spmem:s3] =	stream.indirect.scatter.add.f32 [tilespmem:s24], [sflag:$0x3], $0x80, s16, s23, $0xb8;
	[tilespmem:$0x1E800] =	vst v63  }
0x169: {  	_ =	swait.ge [sflag:s21], $0x4000  }
0x16a: {  	s29 =	smov.u32 s31;
	s26 =	sshra.s32 s30, $0x2;
	[sflag:s21] =	ssyncset.done $0x0  }
0x16b: {  	s16 =	sadd.s32 $0x80, s26;
	[sflag:s21] =	ssyncadd.s32 $0xFFFFC000  }
0x16c: {  	[tilespmem:s24], [sflag:$0x2] =	stream.indirect.gather [hbm4b:s0+s23], $0x80, s16, s23, $0xb8;
	[tilespmem:$0x1E800] =	vst v63  }
0x16d: {  	_ =	swait.ge [sflag:s25], $0x4000  }
0x16e: {  	[sflag:s25] =	ssyncset.done $0x0  }
0x16f: {  	s29 =	sadd.s32 $0x1400, s26;
	[sflag:s25] =	ssyncadd.s32 $0xFFFFC000  }
0x170: {  	[spmem:s3] =	stream.indirect.scatter.add.f32 [tilespmem:s20], [sflag:$0x3], $0x80, s29, s23, $0xb8;
	[tilespmem:$0x1E800] =	vst v63  }
0x171: {  	_ =	swait.ge [sflag:s21], $0x4000  }
0x172: {  	[sflag:s21] =	ssyncset.done $0x0  }
0x173: {  	s30 =	sadd.s32 $0x100, s26;
	[sflag:s21] =	ssyncadd.s32 $0xFFFFC000  }
0x174: {  	[tilespmem:s20], [sflag:$0x1] =	stream.indirect.gather [hbm4b:s0+s23], $0x80, s30, s23, $0xb8;
	[tilespmem:$0x1E800] =	vst v63  }
0x175: {  	_ =	swait.ge [sflag:s28], $0x4000  }
0x176: {  	[sflag:s28] =	ssyncset.done $0x0  }
0x177: {  	s31 =	sadd.s32 $0x1480, s26;
	[sflag:s28] =	ssyncadd.s32 $0xFFFFC000  }
0x178: {  	[spmem:s3] =	stream.indirect.scatter.add.f32 [tilespmem:s24], [sflag:$0x3], $0x80, s31, s23, $0xb8;
	[tilespmem:$0x1E800] =	vst v63  }
0x179: {  	_ =	swait.ge [sflag:s21], $0x4000  }
0x17a: {  	[sflag:s21] =	ssyncset.done $0x0  }
0x17b: {  	[sflag:s21] =	ssyncadd.s32 $0xFFFFC000  }
0x17c: {  	[tilespmem:s24], [sflag:$0x2] =	stream.indirect.gather [hbm4b:s0+s23], $0x80, s6, s23, $0xb8;
	[tilespmem:$0x1E800] =	vst v63  }
0x17d: {  	_ =	swait.ge [sflag:s25], $0x4000  }
0x17e: {  	[sflag:s25] =	ssyncset.done $0x0  }
0x17f: {  	[sflag:s25] =	ssyncadd.s32 $0xFFFFC000  }
0x180: {  	[spmem:s3] =	stream.indirect.scatter.add.f32 [tilespmem:s20], [sflag:$0x3], $0x80, s7, s23, $0xb8;
	[tilespmem:$0x1E800] =	vst v63  }
0x181: {  	_ =	swait.ge [sflag:s21], $0x4000  }
0x182: {  	[sflag:s21] =	ssyncset.done $0x0  }
0x183: {  	[sflag:s21] =	ssyncadd.s32 $0xFFFFC000  }
0x184: {  	_ =	swait.ge [sflag:s28], $0x4000  }
0x185: {  	[sflag:s28] =	ssyncset.done $0x0  }
.Ltmp6:
0x186: {  	[sflag:s28] =	ssyncadd.s32 $0xFFFFC000;
	(pc) =	sbr.rel .LBB2_10-.Ltmp6, $4  }
0x187: {  	[spmem:s3] =	stream.indirect.scatter.add.f32 [tilespmem:s24], [sflag:$0x3], $0x80, s8, s23, $0xb8;
	[tilespmem:$0x1E800] =	vst v63  }
0x188: {  	_ =	swait.ge [sflag:s21], $0x4000  }
0x189: {  	[sflag:s21] =	ssyncset.done $0x0  }
0x18a: {  	[sflag:s21] =	ssyncadd.s32 $0xFFFFC000  }
.LBB2_11:
0x18b: {  	_ =	sfence.sel $0x180000  }
0x18c: {  	[bflag:$0x0] =	sbarrier.arrive $0xFFFF  }
0x18d: {  	_ =	strace $0x9000004D  }
0x18e: {  	[bflag:$0x2] =	sbarrier.arrive $0xFFFF  }
0x18f: {  	p0 =	sne.s32 s2, $0x0;
	s0 =	rddreg [dreg:$0x3]  }
0x190: {  	s0 =	sadd.s32 @!p0 $0x100000, s0  }
0x191: {  	[sflag:s0] =	ssyncadd.tile.s32 @!p0 $0x1;
	_ =	shalt  }
.Lfunc_end2:
_tile_overlayer_lowered:
.L_overlay_start_2:
0x192: {  	(tag) =	ssettag $0x2  }
0x193: {  	s0 =	rddreg [dreg:$0x0];
	s2 =	stileid.u32  }
0x194: {  	s1 =	rddreg [dreg:$0x1];
	p0 =	sne.s32 s2, $0x0  }
0x195: {  	s3 =	rddreg [dreg:$0x2];
	[bflag:$0x3] =	sbarrier.arrive $0xFFFF;
	s2 =	simm.s32 @!p0 $0x1C03  }
0x196: {  	[timem:s3], [sflag:s2] =	dma.local @!p0 [hbm:s0], s1  }
0x197: {  	s0 =	simm.s32 @!p0 $0x3  }
0x198: {  	_ =	swait.ge @!p0 [sflag:s0], s1  }
0x199: {  	s1 =	ssub.s32 @!p0 $0x0, s1;
	[sflag:s0] =	ssyncset.done @!p0 $0x0  }
0x19a: {  	[sflag:s0] =	ssyncadd.s32 @!p0 s1  }
0x19b: {  	[bflag:$0x3] =	sbarrier.arrive $0xFFFF  }
0x19c: {  	_ =	shalt  }

// kernel: kernel.20.cloned.1.call-start
scs
__scs_entry_jumppad:
0x0: {  	(pc) =	sbr.rel $0x88, $3  }
0x1: {  	(tag) =	ssettag $0x0;
	lr =	simm.s32 $0x1  }
0x2: {  	[smem:$0x3F95] =	sst lr;
	_ =	strace $0xD0000000  }
0x3: {  	_ = 	snop  }
0x4: {  	_ = 	snop  }
0x5: {  	_ = 	snop  }
0x6: {  	_ = 	snop  }
0x7: {  	_ = 	snop  }
__scs_overlays_trampoline_lowered:
0x8: {  	[smem:$0x3FA4] =	sst s0  }
0x9: {  	[smem:$0x3FA5] =	sst s1  }
0xa: {  	[smem:$0x3FA6] =	sst s2  }
0xb: {  	[smem:$0x3FA7] =	sst s3  }
0xc: {  	[smem:$0x3FA8] =	sst s4  }
0xd: {  	[smem:$0x3FA9] =	sst s5  }
0xe: {  	[smem:$0x3FAA] =	sst s6  }
0xf: {  	[smem:$0x3FAB] =	sst s7  }
0x10: {  	[smem:$0x3FAC] =	sst s8  }
0x11: {  	[smem:$0x3FAD] =	sst s9;
	s0 =	simm.s32 @!p0 $0x0  }
0x12: {  	s1 =	sld [smem:$0x3F93];
	s0 =	simm.s32 @p0 $0x1  }
0x13: {  	[smem:$0x3FAE] =	sst s0;
	s0 =	simm.s32 @!p1 $0x0  }
0x14: {  	s2 =	sld [smem:$0x3F92];
	s0 =	simm.s32 @p1 $0x1  }
0x15: {  	[smem:$0x3FAF] =	sst s0;
	s0 =	simm.s32 @!p2 $0x0  }
0x16: {  	s3 =	sld [smem:$0x3FDB];
	s0 =	simm.s32 @p2 $0x1  }
0x17: {  	s4 =	simm.s32 $0x1BF5;
	[smem:$0x3FB1] =	sst s0  }
0x18: {  	s0 =	sld [smem:$0x3F94];
	_ =	swait.ge [sflag:s4], $0x0  }
0x19: {  	s7 =	sld [smem:$0x3F95]  }
0x1a: {  	s8 =	sadd.s32 $0xFFFFE003, lr  }
0x1b: {  	s9 =	sadd.s32 $0xFFFFFEF7, lr;
	s5 =	simm.s32 $0xFFFFFFFF;
	p2 =	slt.u32 s8, $0xFFFFF086  }
0x1c: {  	p1 =	slt.u32 s9, $0xF7A;
	s5 =	simm.s32 @!p2 $0x0  }
0x1d: {  	s5 =	simm.s32 @p1 $0x1;
	p0 =	seq.s32 s7, s2  }
0x1e: {  	s7 =	smul.u32 @!p0 $0xF7A, s2;
	p2 =	seq.s32 @!p0 s5, $0x0  }
0x1f: {  	s9 =	smul.u32 $0xF7A, s1;
	s8 =	simm.s32 @!p0 $0x1BF5;
	p2 =	por !p2, p0  }
0x20: {  	[sflag:s8] =	ssyncset.s32 @!p0 $0xFFFFF086;
	s6 =	sadd.s32 @!p0 s3, s7;
	s7 =	simm.s32 @!p0 $0x108  }
0x21: {  	s3 =	sadd.s32 s3, s9;
	s6 =	sadd.s32 @!p0 $0x88, s6;
	s7 =	simm.s32 @p2 $0x1082  }
0x22: {  	[simem:s7], [sflag:s8] =	dma.local @!p0 [hbm:s6], $0xF7A  }
0x23: {  	s9 =	sor.u32 $0xD0000000, s2;
	s6 =	simm.s32 $0x108;
	_ =	swait.ge @!p0 [sflag:s8], $0x0  }
0x24: {  	s3 =	sadd.s32 $0x88, s3;
	s6 =	simm.s32 @!p1 $0x1082;
	[sflag:s4] =	ssyncset.s32 $0xFFFFF086  }
0x25: {  	[simem:s6], [sflag:s4] =	dma.local [hbm:s3], $0xF7A  }
0x26: {  	[smem:$0x3F95] =	sst s1;
	(tag) =	ssettag s2;
	_ =	strace s9  }
0x27: {  	s1 =	sld [smem:$0x3FA5]  }
0x28: {  	s2 =	sld [smem:$0x3FA6]  }
0x29: {  	s4 =	sld [smem:$0x3FA8]  }
0x2a: {  	p0 =	seq.s32 s5, $0x0;
	s5 =	sld [smem:$0x3FA9]  }
0x2b: {  	s6 =	sld [smem:$0x3FAA]  }
0x2c: {  	s7 =	sld [smem:$0x3FAB]  }
0x2d: {  	s3 =	simm.s32 $0x108;
	s8 =	sld [smem:$0x3FAC]  }
0x2e: {  	s3 =	simm.s32 @!p0 $0x1082;
	s9 =	sld [smem:$0x3FAD]  }
0x2f: {  	lr =	sadd.s32 s0, s3;
	s0 =	sld [smem:$0x3FA4]  }
0x30: {  	s3 =	sld [smem:$0x3FA7]  }
0x31: {  	[smem:$0x3FB0] =	sst s10  }
0x32: {  	s10 =	sld [smem:$0x3FAE];
	_ =	sdelay $0x3  }
0x33: {  	p0 =	seq.s32 s10, $0x1;
	s10 =	sld [smem:$0x3FB0];
	_ =	sdelay $0x3  }
0x34: {  	[smem:$0x3FB0] =	sst s10  }
0x35: {  	s10 =	sld [smem:$0x3FAF];
	_ =	sdelay $0x3  }
0x36: {  	p1 =	seq.s32 s10, $0x1;
	s10 =	sld [smem:$0x3FB0];
	_ =	sdelay $0x3  }
0x37: {  	[smem:$0x3FB0] =	sst s10  }
0x38: {  	s10 =	sld [smem:$0x3FB1]  }
0x39: {  	_ = 	snop;
	(pc) =	sbr.ind lr, $3  }
0x3a: {  	_ = 	snop  }
0x3b: {  	_ = 	snop  }
0x3c: {  	p2 =	seq.s32 s10, $0x1;
	s10 =	sld [smem:$0x3FB0]  }
0x3d: {  	_ =	shalt  }
0x3e: {  	_ =	shalt  }
0x3f: {  	_ =	shalt  }
0x40: {  	_ =	shalt  }
0x41: {  	_ =	shalt  }
0x42: {  	_ =	shalt  }
0x43: {  	_ =	shalt  }
0x44: {  	_ =	shalt  }
0x45: {  	_ =	shalt  }
0x46: {  	_ =	shalt  }
0x47: {  	_ =	shalt  }
0x48: {  	_ =	shalt  }
0x49: {  	_ =	shalt  }
0x4a: {  	_ =	shalt  }
0x4b: {  	_ =	shalt  }
0x4c: {  	_ =	shalt  }
0x4d: {  	_ =	shalt  }
0x4e: {  	_ =	shalt  }
0x4f: {  	_ =	shalt  }
0x50: {  	_ =	shalt  }
0x51: {  	_ =	shalt  }
0x52: {  	_ =	shalt  }
0x53: {  	_ =	shalt  }
0x54: {  	_ =	shalt  }
0x55: {  	_ =	shalt  }
0x56: {  	_ =	shalt  }
0x57: {  	_ =	shalt  }
0x58: {  	_ =	shalt  }
0x59: {  	_ =	shalt  }
0x5a: {  	_ =	shalt  }
0x5b: {  	_ =	shalt  }
0x5c: {  	_ =	shalt  }
0x5d: {  	_ =	shalt  }
0x5e: {  	_ =	shalt  }
0x5f: {  	_ =	shalt  }
0x60: {  	_ =	shalt  }
0x61: {  	_ =	shalt  }
0x62: {  	_ =	shalt  }
0x63: {  	_ =	shalt  }
0x64: {  	_ =	shalt  }
0x65: {  	_ =	shalt  }
0x66: {  	_ =	shalt  }
0x67: {  	_ =	shalt  }
0x68: {  	_ =	shalt  }
0x69: {  	_ =	shalt  }
0x6a: {  	_ =	shalt  }
0x6b: {  	_ =	shalt  }
0x6c: {  	_ =	shalt  }
0x6d: {  	_ =	shalt  }
0x6e: {  	_ =	shalt  }
0x6f: {  	_ =	shalt  }
0x70: {  	_ =	shalt  }
0x71: {  	_ =	shalt  }
0x72: {  	_ =	shalt  }
0x73: {  	_ =	shalt  }
0x74: {  	_ =	shalt  }
0x75: {  	_ =	shalt  }
0x76: {  	_ =	shalt  }
0x77: {  	_ =	shalt  }
0x78: {  	_ =	shalt  }
0x79: {  	_ =	shalt  }
0x7a: {  	_ =	shalt  }
0x7b: {  	_ =	shalt  }
0x7c: {  	_ =	shalt  }
0x7d: {  	_ =	shalt  }
0x7e: {  	_ =	shalt  }
0x7f: {  	_ =	shalt  }
0x80: {  	_ =	shalt  }
0x81: {  	_ =	shalt  }
0x82: {  	_ =	shalt  }
0x83: {  	_ =	shalt  }
0x84: {  	_ =	shalt  }
0x85: {  	_ =	shalt  }
0x86: {  	_ =	shalt  }
0x87: {  	_ =	shalt  }
.Lfunc_end0:
.L_simem_size_0:
called_computation.3_lowered:
.L_overlay_start_0:
0x88: {  	s2 =	sld [smem:$0x3FD9]  }
0x89: {  	s3 =	sld [smem:$0x3FFE];
	_ =	sdelay $0x1  }
0x8a: {  	s1 =	srdreg.scid  }
0x8b: {  	s0 =	sand.u32 $0x1, s1  }
0x8c: {  	s17 =	sshll.u32 s0, $0xA;
	s2 =	sadd.s32 s3, s2  }
0x8d: {  	s2 =	sadd.s32 s2, s17  }
0x8e: {  	[smem:$0x3FBC] =	sst s2  }
0x8f: {  	_ = 	snop  }
0x90: {  	s2 =	sld [smem:$0x3FD0];
	(tm) =	ssettm $0x1  }
0x91: {  	s18 =	sld [smem:$0x3FFB];
	_ =	sdelay $0x3  }
0x92: {  	_ =	strace s18  }
0x93: {  	s3 =	sld [smem:$0x3FFC];
	_ =	sdelay $0x3  }
0x94: {  	_ =	strace s3  }
0x95: {  	s3 =	sld [smem:$0x3FFD];
	_ =	sdelay $0x3  }
0x96: {  	_ =	strace s3  }
0x97: {  	_ =	strace $0x8FFFFFFF  }
0x98: {  	s19 =	sld [smem:$0x3FDB];
	_ =	sdelay $0x1  }
0x99: {  	s4 =	simm.s32 $_scs_section_size  }
0x9a: {  	s5 =	simm.s32 $_size__tile_overlayer_lowered;
	s6 =	simm.s32 $_tile_overlayer_lowered  }
0x9b: {  	s22 =	simm.s32 $0x1BFF;
	s21 =	sshll.u32 s6, $0x1;
	s3 =	sadd.s32 s4, s19  }
0x9c: {  	s7 =	simm.s32 $0x0;
	s20 =	sshll.u32 s5, $0x1;
	s5 =	sadd.s32 s21, s3  }
0x9d: {  	[timem:s7], [sflag:s22] =	dma.local [hbm:s5], s20  }
0x9e: {  	_ =	swait.ge [sflag:s22], s20  }
0x9f: {  	s4 =	ssub.s32 $0x0, s20;
	[sflag:s22] =	ssyncset.done $0x0  }
0xa0: {  	[sflag:s22] =	ssyncadd.s32 s4;
	_ =	sdelay $0x1  }
0xa1: {  	s23 =	simm.s32 $0x1B8B  }
0xa2: {  	_ =	swait.ge [sflag:s23], $0x1  }
0xa3: {  	[sflag:s23] =	ssyncset.done $0x0  }
0xa4: {  	s25 =	simm.s32 $0x1B8E;
	s24 =	sld [smem:$0x3FFE];
	[sflag:s23] =	ssyncadd.s32 $0xFFFFFFFF  }
0xa5: {  	s26 =	simm.s32 $execute0_lowered;
	[smem:$0x3FD2] =	sst s25  }
0xa6: {  	s5 =	sshll.u32 s26, $0x1;
	_ =	strace $0x8000004F;
	[dreg:$0x1] =	wrdreg $0xFFFFFFFF  }
0xa7: {  	s28 =	simm.s32 $_size_execute0_lowered;
	s3 =	sadd.s32 s3, s5;
	[dreg:$0x0] =	wrdreg $0x0  }
0xa8: {  	s5 =	sshll.u32 s28, $0x1;
	[dreg:$0x2] =	wrdreg s3  }
0xa9: {  	[dreg:$0x3] =	wrdreg s5  }
0xaa: {  	[dreg:$0x4] =	wrdreg $0xC0  }
0xab: {  	_ =	task [dreg:s7], $0x5FFFF  }
0xac: {  	[dreg:$0x1] =	wrdreg $0xFFFFFFFF  }
0xad: {  	[dreg:$0x0] =	wrdreg $0x60  }
0xae: {  	[dreg:$0x2] =	wrdreg s2  }
0xaf: {  	[dreg:$0x3] =	wrdreg s24  }
0xb0: {  	[dreg:$0x4] =	wrdreg $0xA8000  }
0xb1: {  	[dreg:$0x5] =	wrdreg $0x9  }
0xb2: {  	_ =	task.clear_ibuf [dreg:s7], $0x6FFFF;
	_ =	strace $0x9000004F  }
0xb3: {  	s29 =	simm.s32 $0x9;
	_ =	strace $0x80000051  }
0xb4: {  	_ =	swait.ge [sflag:s29], $0x1  }
0xb5: {  	[sflag:s29] =	ssyncadd.s32 $0xFFFFFFFF  }
0xb6: {  	_ =	strace $0x90000051  }
0xb7: {  	_ =	sfence  }
0xb8: {  	s30 =	sld [smem:$0x0];
	_ =	sdelay $0x2  }
0xb9: {  	s31 =	sshll.u32 s1, $0xD;
	s1 =	sshrl.u32 s1, $0x2  }
0xba: {  	s3 =	sand.u32 $0x4000, s31;
	s1 =	sadd.s32 s1, s30  }
0xbb: {  	s0 =	sor.u32 s3, s0;
	s1 =	sshll.u32 s1, $0x11  }
0xbc: {  	s0 =	sor.u32 s1, s0  }
0xbd: {  	s0 =	sadd.s32 $0x8F2B, s0  }
0xbe: {  	[sflag:s0] =	ssyncadd.remote.s32 $0x1  }
0xbf: {  	_ =	sfence.sel $0xFFFF  }
0xc0: {  	[dreg:$0x0] =	wrdreg $0xFFFFFFFF;
	(pc) =	sbr.abs _section_cstart, $3  }
0xc1: {  	[dreg:$0x1] =	wrdreg $0xFFFFFFFF  }
0xc2: {  	_ =	task.clear_ibuf [dreg:s7], $0x2FFFF;
	_ =	strace $0x9FFFFFFF  }
0xc3: {  	(tm) =	ssettm $0x7FFFFFFF  }
tec
execute0_lowered:
.L_overlay_start_1:
0x0: {  	(tag) =	ssettag $0x1  }
0x1: {  	s0 =	rddreg [dreg:$0x0]  }
0x2: {  	s1 =	rddreg [dreg:$0x1]  }
0x3: {  	s2 =	srdreg.scid;
	s3 =	rddreg [dreg:$0x2];
	s4 =	simm.s32 $0x0  }
0x4: {  	s20 =	simm.s32 $0x2800;
	s28 =	simm.s32 $0x2;
	s5 =	sand.u32 $0x1, s2  }
0x5: {  	s2 =	stileid.u32;
	[smem:$0x7FF] =	sst s4;
	s9 =	sadd.s32 $0x3600, s1  }
0x6: {  	s19 =	sadd.s32 $0xD280, s1;
	s24 =	sadd.s32 $0xD100, s1;
	s6 =	smul.u32 $0x140000, s5  }
0x7: {  	s25 =	sadd.s32 $0x16D80, s1;
	s26 =	sadd.s32 $0xD200, s1;
	s7 =	smul.u32 $0x14000, s2  }
0x8: {  	_ =	strace $0x80000050;
	s21 =	ssub.s32 $0x2, s5;
	[dreg:$0x4] =	wrdreg s24  }
0x9: {  	s8 =	smul.u32 $0x50000, s2;
	s22 =	sshll.u32 s5, $0x4;
	[dreg:$0x5] =	wrdreg s25  }
0xa: {  	[dreg:$0x6] =	wrdreg s26;
	s24 =	simm.s32 $0x6800;
	s25 =	simm.s32 $0x1  }
0xb: {  	s10 =	sshrl.u32 s21, $0x1;
	s23 =	sor.u32 s2, s22;
	s22 =	simm.s32 $0x1400  }
0xc: {  	s6 =	sadd.s32 s7, s6;
	s7 =	ssub.s32 s21, s10;
	s8 =	sshrl.u32 s8, $0x2  }
0xd: {  	s29 =	smul.u32 $0x500, s23;
	p0 =	seq.s32 s23, $0x1F;
	s21 =	simm.s32 $0x3  }
0xe: {  	s23 =	simm.s32 $0x80;
	s6 =	sshrl.u32 s6, $0x3;
	s5 =	sadd.s32 s8, s3  }
0xf: {  	s11 =	smax.u32 s7, $0x1;
	s7 =	simm.s32 $0x2700;
	s8 =	simm.s32 $0x2780  }
0x10: {  	s6 =	sadd.s32 s6, s1;
	s1 =	sadd.s32 $0x16E80, s1;
	s12 =	sadd.s32 $0x4000, s5  }
.Ltmp0:
0x11: {  	s13 =	sadd.s32 $0x8000, s5;
	s14 =	sadd.s32 $0xC000, s5;
	(pc) =	sbr.rel .LBB2_1-.Ltmp0, $4  }
0x12: {  	s15 =	sadd.s32 $0x10000, s5;
	s30 =	sadd.s32 $0x280, s29;
	s31 =	sadd.s32 s9, s29  }
0x13: {  	s17 =	sadd.s32 s29, s19;
	[dreg:$0x7] =	wrdreg s1;
	s10 =	sadd.s32 $0x17000, s6  }
0x14: {  	[dreg:$0x8] =	wrdreg s31;
	s18 =	sadd.s32 s9, s30;
	s19 =	sadd.s32 s30, s19  }
0x15: {  	v0 =	vimm.f32 $0.0e+00;
	s1 =	simm.s32 $0x1580;
	s6 =	simm.s32 $0x1380;
	s9 =	simm.s32 $0x0  }
.LBB2_9:
0x16: {  	s16 =	rddreg [dreg:$0x4]  }
0x17: {  	[tilespmem:s4], [sflag:$0x3] =	stream.linear.gather [hbm4b:s16+s4], $0x800, $0x38;
	[tilespmem:$0x1E800] =	vst v63  }
0x18: {  	_ =	swait.ge [sflag:s21], $0x800  }
0x19: {  	[sflag:s21] =	ssyncset.done $0x0  }
0x1a: {  	s31 =	rddreg [dreg:$0x5];
	[sflag:s21] =	ssyncadd.s32 $0xFFFFF800  }
0x1b: {  	[tilespmem:s22], [sflag:$0x3] =	stream.linear.gather [hbm4b:s31+s4], $0x800, $0x38;
	[tilespmem:$0x1E800] =	vst v63  }
0x1c: {  	_ =	swait.ge [sflag:s21], $0x800  }
0x1d: {  	[sflag:s21] =	ssyncset.done $0x0  }
0x1e: {  	[sflag:s21] =	ssyncadd.s32 $0xFFFFF800  }
0x1f: {  	[tilespmem:s20], [sflag:$0x1] =	stream.indirect.gather [hbm4b:s0+s23], $0x80, s4, s23, $0xb8;
	[tilespmem:$0x1E800] =	vst v63  }
0x20: {  	_ = 	snop  }
0x21: {  	[tilespmem:s24], [sflag:$0x2] =	stream.indirect.gather [hbm4b:s0+s23], $0x80, s23, s23, $0xb8;
	[tilespmem:$0x1E800] =	vst v63  }
0x22: {  	_ =	swait.ge [sflag:s25], $0x4000  }
0x23: {  	[sflag:s25] =	ssyncset.done $0x0  }
0x24: {  	[sflag:s25] =	ssyncadd.s32 $0xFFFFC000  }
0x25: {  	[spmem:s3] =	stream.indirect.scatter.add.f32 [tilespmem:s20], [sflag:$0x3], $0x80, s22, s23, $0xb8;
	[tilespmem:$0x1E800] =	vst v63  }
0x26: {  	_ =	swait.ge [sflag:s21], $0x4000  }
0x27: {  	[sflag:s21] =	ssyncset.done $0x0  }
0x28: {  	s26 =	simm.s32 $0x100;
	[sflag:s21] =	ssyncadd.s32 $0xFFFFC000  }
0x29: {  	[tilespmem:s20], [sflag:$0x1] =	stream.indirect.gather [hbm4b:s0+s23], $0x80, s26, s23, $0xb8;
	[tilespmem:$0x1E800] =	vst v63  }
0x2a: {  	_ =	swait.ge [sflag:s28], $0x4000  }
0x2b: {  	[sflag:s28] =	ssyncset.done $0x0  }
0x2c: {  	s29 =	simm.s32 $0x1480;
	[sflag:s28] =	ssyncadd.s32 $0xFFFFC000  }
0x2d: {  	[spmem:s3] =	stream.indirect.scatter.add.f32 [tilespmem:s24], [sflag:$0x3], $0x80, s29, s23, $0xb8;
	[tilespmem:$0x1E800] =	vst v63  }
0x2e: {  	_ =	swait.ge [sflag:s21], $0x4000  }
0x2f: {  	[sflag:s21] =	ssyncset.done $0x0  }
0x30: {  	s30 =	simm.s32 $0x180;
	[sflag:s21] =	ssyncadd.s32 $0xFFFFC000  }
0x31: {  	[tilespmem:s24], [sflag:$0x2] =	stream.indirect.gather [hbm4b:s0+s23], $0x80, s30, s23, $0xb8;
	[tilespmem:$0x1E800] =	vst v63  }
0x32: {  	_ =	swait.ge [sflag:s25], $0x4000  }
0x33: {  	[sflag:s25] =	ssyncset.done $0x0  }
0x34: {  	s31 =	simm.s32 $0x1500;
	[sflag:s25] =	ssyncadd.s32 $0xFFFFC000  }
0x35: {  	[spmem:s3] =	stream.indirect.scatter.add.f32 [tilespmem:s20], [sflag:$0x3], $0x80, s31, s23, $0xb8;
	[tilespmem:$0x1E800] =	vst v63  }
0x36: {  	_ =	swait.ge [sflag:s21], $0x4000  }
0x37: {  	[sflag:s21] =	ssyncset.done $0x0  }
0x38: {  	s16 =	simm.s32 $0x200;
	[sflag:s21] =	ssyncadd.s32 $0xFFFFC000  }
0x39: {  	[tilespmem:s20], [sflag:$0x1] =	stream.indirect.gather [hbm4b:s0+s23], $0x80, s16, s23, $0xb8;
	[tilespmem:$0x1E800] =	vst v63  }
0x3a: {  	_ =	swait.ge [sflag:s28], $0x4000  }
0x3b: {  	[sflag:s28] =	ssyncset.done $0x0  }
0x3c: {  	[sflag:s28] =	ssyncadd.s32 $0xFFFFC000  }
0x3d: {  	[spmem:s3] =	stream.indirect.scatter.add.f32 [tilespmem:s24], [sflag:$0x3], $0x80, s1, s23, $0xb8;
	[tilespmem:$0x1E800] =	vst v63  }
0x3e: {  	_ =	swait.ge [sflag:s21], $0x4000  }
0x3f: {  	[sflag:s21] =	ssyncset.done $0x0  }
0x40: {  	s16 =	simm.s32 $0x280;
	[sflag:s21] =	ssyncadd.s32 $0xFFFFC000  }
0x41: {  	[tilespmem:s24], [sflag:$0x2] =	stream.indirect.gather [hbm4b:s0+s23], $0x80, s16, s23, $0xb8;
	[tilespmem:$0x1E800] =	vst v63  }
0x42: {  	_ =	swait.ge [sflag:s25], $0x4000  }
0x43: {  	[sflag:s25] =	ssyncset.done $0x0  }
0x44: {  	s16 =	simm.s32 $0x1600;
	[sflag:s25] =	ssyncadd.s32 $0xFFFFC000  }
0x45: {  	[spmem:s3] =	stream.indirect.scatter.add.f32 [tilespmem:s20], [sflag:$0x3], $0x80, s16, s23, $0xb8;
	[tilespmem:$0x1E800] =	vst v63  }
0x46: {  	_ =	swait.ge [sflag:s21], $0x4000  }
0x47: {  	[sflag:s21] =	ssyncset.done $0x0  }
0x48: {  	s16 =	simm.s32 $0x300;
	[sflag:s21] =	ssyncadd.s32 $0xFFFFC000  }
0x49: {  	[tilespmem:s20], [sflag:$0x1] =	stream.indirect.gather [hbm4b:s0+s23], $0x80, s16, s23, $0xb8;
	[tilespmem:$0x1E800] =	vst v63  }
0x4a: {  	_ =	swait.ge [sflag:s28], $0x4000  }
0x4b: {  	[sflag:s28] =	ssyncset.done $0x0  }
0x4c: {  	s16 =	simm.s32 $0x1680;
	[sflag:s28] =	ssyncadd.s32 $0xFFFFC000  }
0x4d: {  	[spmem:s3] =	stream.indirect.scatter.add.f32 [tilespmem:s24], [sflag:$0x3], $0x80, s16, s23, $0xb8;
	[tilespmem:$0x1E800] =	vst v63  }
0x4e: {  	_ =	swait.ge [sflag:s21], $0x4000  }
0x4f: {  	[sflag:s21] =	ssyncset.done $0x0  }
0x50: {  	s16 =	simm.s32 $0x380;
	[sflag:s21] =	ssyncadd.s32 $0xFFFFC000  }
0x51: {  	[tilespmem:s24], [sflag:$0x2] =	stream.indirect.gather [hbm4b:s0+s23], $0x80, s16, s23, $0xb8;
	[tilespmem:$0x1E800] =	vst v63  }
0x52: {  	_ =	swait.ge [sflag:s25], $0x4000  }
0x53: {  	[sflag:s25] =	ssyncset.done $0x0  }
0x54: {  	s16 =	simm.s32 $0x1700;
	[sflag:s25] =	ssyncadd.s32 $0xFFFFC000  }
0x55: {  	[spmem:s3] =	stream.indirect.scatter.add.f32 [tilespmem:s20], [sflag:$0x3], $0x80, s16, s23, $0xb8;
	[tilespmem:$0x1E800] =	vst v63  }
0x56: {  	_ =	swait.ge [sflag:s21], $0x4000  }
0x57: {  	[sflag:s21] =	ssyncset.done $0x0  }
0x58: {  	s16 =	simm.s32 $0x400;
	[sflag:s21] =	ssyncadd.s32 $0xFFFFC000  }
0x59: {  	[tilespmem:s20], [sflag:$0x1] =	stream.indirect.gather [hbm4b:s0+s23], $0x80, s16, s23, $0xb8;
	[tilespmem:$0x1E800] =	vst v63  }
0x5a: {  	_ =	swait.ge [sflag:s28], $0x4000  }
0x5b: {  	[sflag:s28] =	ssyncset.done $0x0  }
0x5c: {  	s16 =	simm.s32 $0x1780;
	[sflag:s28] =	ssyncadd.s32 $0xFFFFC000  }
0x5d: {  	[spmem:s3] =	stream.indirect.scatter.add.f32 [tilespmem:s24], [sflag:$0x3], $0x80, s16, s23, $0xb8;
	[tilespmem:$0x1E800] =	vst v63  }
0x5e: {  	_ =	swait.ge [sflag:s21], $0x4000  }
0x5f: {  	[sflag:s21] =	ssyncset.done $0x0  }
0x60: {  	s16 =	simm.s32 $0x480;
	[sflag:s21] =	ssyncadd.s32 $0xFFFFC000  }
0x61: {  	[tilespmem:s24], [sflag:$0x2] =	stream.indirect.gather [hbm4b:s0+s23], $0x80, s16, s23, $0xb8;
	[tilespmem:$0x1E800] =	vst v63  }
0x62: {  	_ =	swait.ge [sflag:s25], $0x4000  }
0x63: {  	[sflag:s25] =	ssyncset.done $0x0  }
0x64: {  	s16 =	simm.s32 $0x1800;
	[sflag:s25] =	ssyncadd.s32 $0xFFFFC000  }
0x65: {  	[spmem:s3] =	stream.indirect.scatter.add.f32 [tilespmem:s20], [sflag:$0x3], $0x80, s16, s23, $0xb8;
	[tilespmem:$0x1E800] =	vst v63  }
0x66: {  	_ =	swait.ge [sflag:s21], $0x4000  }
0x67: {  	[sflag:s21] =	ssyncset.done $0x0  }
0x68: {  	s16 =	simm.s32 $0x500;
	[sflag:s21] =	ssyncadd.s32 $0xFFFFC000  }
0x69: {  	[tilespmem:s20], [sflag:$0x1] =	stream.indirect.gather [hbm4b:s0+s23], $0x80, s16, s23, $0xb8;
	[tilespmem:$0x1E800] =	vst v63  }
0x6a: {  	_ =	swait.ge [sflag:s28], $0x4000  }
0x6b: {  	[sflag:s28] =	ssyncset.done $0x0  }
0x6c: {  	s16 =	simm.s32 $0x1880;
	[sflag:s28] =	ssyncadd.s32 $0xFFFFC000  }
0x6d: {  	[spmem:s3] =	stream.indirect.scatter.add.f32 [tilespmem:s24], [sflag:$0x3], $0x80, s16, s23, $0xb8;
	[tilespmem:$0x1E800] =	vst v63  }
0x6e: {  	_ =	swait.ge [sflag:s21], $0x4000  }
0x6f: {  	[sflag:s21] =	ssyncset.done $0x0  }
0x70: {  	s16 =	simm.s32 $0x580;
	[sflag:s21] =	ssyncadd.s32 $0xFFFFC000  }
0x71: {  	[tilespmem:s24], [sflag:$0x2] =	stream.indirect.gather [hbm4b:s0+s23], $0x80, s16, s23, $0xb8;
	[tilespmem:$0x1E800] =	vst v63  }
0x72: {  	_ =	swait.ge [sflag:s25], $0x4000  }
0x73: {  	[sflag:s25] =	ssyncset.done $0x0  }
0x74: {  	s16 =	simm.s32 $0x1900;
	[sflag:s25] =	ssyncadd.s32 $0xFFFFC000  }
0x75: {  	[spmem:s3] =	stream.indirect.scatter.add.f32 [tilespmem:s20], [sflag:$0x3], $0x80, s16, s23, $0xb8;
	[tilespmem:$0x1E800] =	vst v63  }
0x76: {  	_ =	swait.ge [sflag:s21], $0x4000  }
0x77: {  	[sflag:s21] =	ssyncset.done $0x0  }
0x78: {  	s16 =	simm.s32 $0x600;
	[sflag:s21] =	ssyncadd.s32 $0xFFFFC000  }
0x79: {  	[tilespmem:s20], [sflag:$0x1] =	stream.indirect.gather [hbm4b:s0+s23], $0x80, s16, s23, $0xb8;
	[tilespmem:$0x1E800] =	vst v63  }
0x7a: {  	_ =	swait.ge [sflag:s28], $0x4000  }
0x7b: {  	[sflag:s28] =	ssyncset.done $0x0  }
0x7c: {  	s16 =	simm.s32 $0x1980;
	[sflag:s28] =	ssyncadd.s32 $0xFFFFC000  }
0x7d: {  	[spmem:s3] =	stream.indirect.scatter.add.f32 [tilespmem:s24], [sflag:$0x3], $0x80, s16, s23, $0xb8;
	[tilespmem:$0x1E800] =	vst v63  }
0x7e: {  	_ =	swait.ge [sflag:s21], $0x4000  }
0x7f: {  	[sflag:s21] =	ssyncset.done $0x0  }
0x80: {  	s16 =	simm.s32 $0x680;
	[sflag:s21] =	ssyncadd.s32 $0xFFFFC000  }
0x81: {  	[tilespmem:s24], [sflag:$0x2] =	stream.indirect.gather [hbm4b:s0+s23], $0x80, s16, s23, $0xb8;
	[tilespmem:$0x1E800] =	vst v63  }
0x82: {  	_ =	swait.ge [sflag:s25], $0x4000  }
0x83: {  	[sflag:s25] =	ssyncset.done $0x0  }
0x84: {  	s16 =	simm.s32 $0x1A00;
	[sflag:s25] =	ssyncadd.s32 $0xFFFFC000  }
0x85: {  	[spmem:s3] =	stream.indirect.scatter.add.f32 [tilespmem:s20], [sflag:$0x3], $0x80, s16, s23, $0xb8;
	[tilespmem:$0x1E800] =	vst v63  }
0x86: {  	_ =	swait.ge [sflag:s21], $0x4000  }
0x87: {  	[sflag:s21] =	ssyncset.done $0x0  }
0x88: {  	s16 =	simm.s32 $0x700;
	[sflag:s21] =	ssyncadd.s32 $0xFFFFC000  }
0x89: {  	[tilespmem:s20], [sflag:$0x1] =	stream.indirect.gather [hbm4b:s0+s23], $0x80, s16, s23, $0xb8;
	[tilespmem:$0x1E800] =	vst v63  }
0x8a: {  	_ =	swait.ge [sflag:s28], $0x4000  }
0x8b: {  	[sflag:s28] =	ssyncset.done $0x0  }
0x8c: {  	s16 =	simm.s32 $0x1A80;
	[sflag:s28] =	ssyncadd.s32 $0xFFFFC000  }
0x8d: {  	[spmem:s3] =	stream.indirect.scatter.add.f32 [tilespmem:s24], [sflag:$0x3], $0x80, s16, s23, $0xb8;
	[tilespmem:$0x1E800] =	vst v63  }
0x8e: {  	_ =	swait.ge [sflag:s21], $0x4000  }
0x8f: {  	[sflag:s21] =	ssyncset.done $0x0  }
0x90: {  	s16 =	simm.s32 $0x780;
	[sflag:s21] =	ssyncadd.s32 $0xFFFFC000  }
0x91: {  	[tilespmem:s24], [sflag:$0x2] =	stream.indirect.gather [hbm4b:s0+s23], $0x80, s16, s23, $0xb8;
	[tilespmem:$0x1E800] =	vst v63  }
0x92: {  	_ =	swait.ge [sflag:s25], $0x4000  }
0x93: {  	[sflag:s25] =	ssyncset.done $0x0  }
0x94: {  	s16 =	simm.s32 $0x1B00;
	[sflag:s25] =	ssyncadd.s32 $0xFFFFC000  }
0x95: {  	[spmem:s3] =	stream.indirect.scatter.add.f32 [tilespmem:s20], [sflag:$0x3], $0x80, s16, s23, $0xb8;
	[tilespmem:$0x1E800] =	vst v63  }
0x96: {  	_ =	swait.ge [sflag:s21], $0x4000  }
0x97: {  	[sflag:s21] =	ssyncset.done $0x0  }
0x98: {  	[sflag:s21] =	ssyncadd.s32 $0xFFFFC000  }
0x99: {  	_ =	swait.ge [sflag:s28], $0x4000  }
0x9a: {  	[sflag:s28] =	ssyncset.done $0x0  }
0x9b: {  	s16 =	simm.s32 $0x1B80;
	[sflag:s28] =	ssyncadd.s32 $0xFFFFC000  }
0x9c: {  	[spmem:s3] =	stream.indirect.scatter.add.f32 [tilespmem:s24], [sflag:$0x3], $0x80, s16, s23, $0xb8;
	[tilespmem:$0x1E800] =	vst v63  }
0x9d: {  	_ =	swait.ge [sflag:s21], $0x4000  }
0x9e: {  	[sflag:s21] =	ssyncset.done $0x0  }
0x9f: {  	s16 =	rddreg [dreg:$0x6];
	[sflag:s21] =	ssyncadd.s32 $0xFFFFC000  }
0xa0: {  	[tilespmem:s4], [sflag:$0x3] =	stream.linear.gather [hbm4b:s16+s4], $0x200, $0x38;
	[tilespmem:$0x1E800] =	vst v63  }
0xa1: {  	_ =	swait.ge [sflag:s21], $0x200  }
0xa2: {  	[sflag:s21] =	ssyncset.done $0x0  }
0xa3: {  	s16 =	rddreg [dreg:$0x7];
	[sflag:s21] =	ssyncadd.s32 $0xFFFFFE00  }
0xa4: {  	[tilespmem:s22], [sflag:$0x3] =	stream.linear.gather [hbm4b:s16+s4], $0x200, $0x38;
	[tilespmem:$0x1E800] =	vst v63  }
0xa5: {  	_ =	swait.ge [sflag:s21], $0x200  }
0xa6: {  	[sflag:s21] =	ssyncset.done $0x0  }
0xa7: {  	[sflag:s21] =	ssyncadd.s32 $0xFFFFFE00  }
0xa8: {  	[tilespmem:s20], [sflag:$0x1] =	stream.indirect.gather [hbm4b:s0+s23], $0x80, s4, s23, $0xb8;
	[tilespmem:$0x1E800] =	vst v63  }
0xa9: {  	_ = 	snop  }
0xaa: {  	[tilespmem:s24], [sflag:$0x2] =	stream.indirect.gather [hbm4b:s0+s23], $0x80, s23, s23, $0xb8;
	[tilespmem:$0x1E800] =	vst v63  }
0xab: {  	_ =	swait.ge [sflag:s25], $0x4000  }
0xac: {  	[sflag:s25] =	ssyncset.done $0x0  }
0xad: {  	[sflag:s25] =	ssyncadd.s32 $0xFFFFC000  }
0xae: {  	[spmem:s3] =	stream.indirect.scatter.add.f32 [tilespmem:s20], [sflag:$0x3], $0x80, s22, s23, $0xb8;
	[tilespmem:$0x1E800] =	vst v63  }
0xaf: {  	_ =	swait.ge [sflag:s21], $0x4000  }
0xb0: {  	[sflag:s21] =	ssyncset.done $0x0  }
0xb1: {  	[sflag:s21] =	ssyncadd.s32 $0xFFFFC000  }
0xb2: {  	[tilespmem:s20], [sflag:$0x1] =	stream.indirect.gather [hbm4b:s0+s23], $0x80, s26, s23, $0xb8;
	[tilespmem:$0x1E800] =	vst v63  }
0xb3: {  	_ =	swait.ge [sflag:s28], $0x4000  }
0xb4: {  	[sflag:s28] =	ssyncset.done $0x0  }
0xb5: {  	[sflag:s28] =	ssyncadd.s32 $0xFFFFC000  }
0xb6: {  	[spmem:s3] =	stream.indirect.scatter.add.f32 [tilespmem:s24], [sflag:$0x3], $0x80, s29, s23, $0xb8;
	[tilespmem:$0x1E800] =	vst v63  }
0xb7: {  	_ =	swait.ge [sflag:s21], $0x4000  }
0xb8: {  	[sflag:s21] =	ssyncset.done $0x0  }
0xb9: {  	[sflag:s21] =	ssyncadd.s32 $0xFFFFC000  }
0xba: {  	[tilespmem:s24], [sflag:$0x2] =	stream.indirect.gather [hbm4b:s0+s23], $0x80, s30, s23, $0xb8;
	[tilespmem:$0x1E800] =	vst v63  }
0xbb: {  	_ =	swait.ge [sflag:s25], $0x4000  }
0xbc: {  	[sflag:s25] =	ssyncset.done $0x0  }
0xbd: {  	[sflag:s25] =	ssyncadd.s32 $0xFFFFC000  }
0xbe: {  	[spmem:s3] =	stream.indirect.scatter.add.f32 [tilespmem:s20], [sflag:$0x3], $0x80, s31, s23, $0xb8;
	[tilespmem:$0x1E800] =	vst v63  }
0xbf: {  	_ =	swait.ge [sflag:s21], $0x4000  }
0xc0: {  	[sflag:s21] =	ssyncset.done $0x0  }
0xc1: {  	[sflag:s21] =	ssyncadd.s32 $0xFFFFC000  }
0xc2: {  	_ =	swait.ge [sflag:s28], $0x4000  }
0xc3: {  	[sflag:s28] =	ssyncset.done $0x0  }
0xc4: {  	[sflag:s28] =	ssyncadd.s32 $0xFFFFC000  }
0xc5: {  	[spmem:s3] =	stream.indirect.scatter.add.f32 [tilespmem:s24], [sflag:$0x3], $0x80, s1, s23, $0xb8;
	[tilespmem:$0x1E800] =	vst v63  }
0xc6: {  	_ =	swait.ge [sflag:s21], $0x4000  }
0xc7: {  	[sflag:s21] =	ssyncset.done $0x0  }
0xc8: {  	[sflag:s21] =	ssyncadd.s32 $0xFFFFC000  }
.LBB2_10:
0xc9: {  	s9 =	sadd.s32 $0x1, s9  }
0xca: {  	s16 =	sshll.u32 s2, $0x6;
	[bflag:$0x0] =	sbarrier.arrive $0xFFFF;
	p1 =	sne.s32 s9, s11  }
.Ltmp1:
0xcb: {  	s26 =	sshrl.u32 s5, $0x3;
	s16 =	sor.u32 $0x1C03, s16;
	(pc) =	sbr.rel @!p1 .LBB2_11-.Ltmp1, $4  }
0xcc: {  	[hbm:s10], [sflag:s16] =	dma.local [spmem:s26], $0x2800  }
0xcd: {  	_ =	swait.ge [sflag:s21], $0x2800  }
0xce: {  	[sflag:s21] =	ssyncset.done $0x0  }
0xcf: {  	[sflag:s21] =	ssyncadd.s32 $0xFFFFD800  }
.LBB2_1:
0xd0: {  	s26 =	simm.s32 $0x0;
	s29 =	simm.s32 $0x200  }
.LBB2_2:
0xd1: {  	p1 =	sne.s32 s29, $0xFE00;
	[tilespmem:s26+$0x2870] =	vst v0  }
0xd2: {  	[tilespmem:s26+$0x2800] =	vst v0  }
0xd3: {  	[tilespmem:s26+$0x2810] =	vst v0  }
.Ltmp2:
0xd4: {  	[tilespmem:s26+$0x2820] =	vst v0;
	(pc) =	sbr.rel @p1 .LBB2_2-.Ltmp2, $4  }
0xd5: {  	[tilespmem:s26+$0x2830] =	vst v0  }
0xd6: {  	[tilespmem:s26+$0x2840] =	vst v0  }
0xd7: {  	[tilespmem:s26+$0x2850] =	vst v0  }
0xd8: {  	[tilespmem:s26+$0x2860] =	vst v0;
	s26 =	sshra.s32 s29, $0x2;
	s29 =	sadd.s32 $0x200, s29  }
0xd9: {  	[tilespmem:s26+$0x2870] =	vst v0  }
0xda: {  	[tilespmem:s26+$0x2800] =	vst v0  }
0xdb: {  	[tilespmem:s26+$0x2810] =	vst v0  }
0xdc: {  	[tilespmem:s26+$0x2820] =	vst v0  }
0xdd: {  	[tilespmem:s26+$0x2830] =	vst v0  }
0xde: {  	[tilespmem:s26+$0x2840] =	vst v0  }
0xdf: {  	[tilespmem:s26+$0x2850] =	vst v0  }
0xe0: {  	[tilespmem:s26+$0x2860] =	vst v0  }
0xe1: {  	[spmem:s5] =	stream.linear.scatter [tilespmem:s20], [sflag:$0x3], $0x4000, $0x38;
	[tilespmem:$0x1E800] =	vst v63  }
0xe2: {  	_ =	swait.ge [sflag:s21], $0x4000  }
0xe3: {  	[sflag:s21] =	ssyncset.done $0x0  }
0xe4: {  	[sflag:s21] =	ssyncadd.s32 $0xFFFFC000  }
0xe5: {  	[spmem:s12] =	stream.linear.scatter [tilespmem:s20], [sflag:$0x3], $0x4000, $0x38;
	[tilespmem:$0x1E800] =	vst v63  }
0xe6: {  	_ =	swait.ge [sflag:s21], $0x4000  }
0xe7: {  	[sflag:s21] =	ssyncset.done $0x0  }
0xe8: {  	[sflag:s21] =	ssyncadd.s32 $0xFFFFC000  }
0xe9: {  	[spmem:s13] =	stream.linear.scatter [tilespmem:s20], [sflag:$0x3], $0x4000, $0x38;
	[tilespmem:$0x1E800] =	vst v63  }
0xea: {  	_ =	swait.ge [sflag:s21], $0x4000  }
0xeb: {  	[sflag:s21] =	ssyncset.done $0x0  }
0xec: {  	[sflag:s21] =	ssyncadd.s32 $0xFFFFC000  }
0xed: {  	[spmem:s14] =	stream.linear.scatter [tilespmem:s20], [sflag:$0x3], $0x4000, $0x38;
	[tilespmem:$0x1E800] =	vst v63  }
0xee: {  	_ =	swait.ge [sflag:s21], $0x4000  }
0xef: {  	[sflag:s21] =	ssyncset.done $0x0  }
0xf0: {  	[sflag:s21] =	ssyncadd.s32 $0xFFFFC000  }
0xf1: {  	[spmem:s15] =	stream.linear.scatter [tilespmem:s20], [sflag:$0x3], $0x4000, $0x38;
	[tilespmem:$0x1E800] =	vst v63  }
.Ltmp3:
0xf2: {  	_ =	swait.ge [sflag:s21], $0x4000;
	(pc) =	sbr.rel @p0 .LBB2_9-.Ltmp3, $3  }
0xf3: {  	[sflag:s21] =	ssyncset.done $0x0  }
0xf4: {  	[sflag:s21] =	ssyncadd.s32 $0xFFFFC000  }
0xf5: {  	[bflag:$0x0] =	sbarrier.arrive $0xFFFF;
	_ =	sdelay $0x1  }
0xf6: {  	s26 =	simm.s32 $0x0;
	s16 =	rddreg [dreg:$0x8]  }
0xf7: {  	[tilespmem:s26], [sflag:$0x3] =	stream.linear.gather [hbm4b:s16+s26], $0x1400, $0x38;
	[tilespmem:$0x1E800] =	vst v63  }
0xf8: {  	_ =	swait.ge [sflag:s21], $0x1400  }
0xf9: {  	[sflag:s21] =	ssyncset.done $0x0  }
0xfa: {  	[sflag:s21] =	ssyncadd.s32 $0xFFFFEC00  }
0xfb: {  	[tilespmem:s22], [sflag:$0x3] =	stream.linear.gather [hbm4b:s17+s26], $0x1400, $0x38;
	[tilespmem:$0x1E800] =	vst v63  }
0xfc: {  	_ =	swait.ge [sflag:s21], $0x1400  }
0xfd: {  	[sflag:s21] =	ssyncset.done $0x0  }
0xfe: {  	[sflag:s21] =	ssyncadd.s32 $0xFFFFEC00  }
0xff: {  	[tilespmem:s20], [sflag:$0x1] =	stream.indirect.gather [hbm4b:s0+s23], $0x80, s26, s23, $0xb8;
	[tilespmem:$0x1E800] =	vst v63  }
0x100: {  	s31 =	simm.s32 $0x80  }
0x101: {  	[tilespmem:s24], [sflag:$0x2] =	stream.indirect.gather [hbm4b:s0+s23], $0x80, s31, s23, $0xb8;
	[tilespmem:$0x1E800] =	vst v63  }
0x102: {  	_ =	swait.ge [sflag:s25], $0x4000  }
0x103: {  	[sflag:s25] =	ssyncset.done $0x0  }
0x104: {  	s16 =	simm.s32 $0x1400;
	[sflag:s25] =	ssyncadd.s32 $0xFFFFC000  }
0x105: {  	[spmem:s3] =	stream.indirect.scatter.add.f32 [tilespmem:s20], [sflag:$0x3], $0x80, s16, s23, $0xb8;
	[tilespmem:$0x1E800] =	vst v63  }
0x106: {  	_ =	swait.ge [sflag:s21], $0x4000  }
0x107: {  	[sflag:s21] =	ssyncset.done $0x0  }
0x108: {  	s30 =	simm.s32 $0x100;
	[sflag:s21] =	ssyncadd.s32 $0xFFFFC000  }
0x109: {  	[tilespmem:s20], [sflag:$0x1] =	stream.indirect.gather [hbm4b:s0+s23], $0x80, s30, s23, $0xb8;
	[tilespmem:$0x1E800] =	vst v63  }
0x10a: {  	_ =	swait.ge [sflag:s28], $0x4000  }
0x10b: {  	[sflag:s28] =	ssyncset.done $0x0  }
0x10c: {  	s31 =	simm.s32 $0x1480;
	[sflag:s28] =	ssyncadd.s32 $0xFFFFC000  }
0x10d: {  	[spmem:s3] =	stream.indirect.scatter.add.f32 [tilespmem:s24], [sflag:$0x3], $0x80, s31, s23, $0xb8;
	[tilespmem:$0x1E800] =	vst v63  }
0x10e: {  	_ =	swait.ge [sflag:s21], $0x4000  }
0x10f: {  	s29 =	simm.s32 $0x800;
	s26 =	simm.s32 $0x100;
	[sflag:s21] =	ssyncset.done $0x0  }
.LBB2_5:
0x110: {  	s30 =	sadd.s32 $0x80, s26  }
0x111: {  	[sflag:s21] =	ssyncadd.s32 $0xFFFFC000;
	s31 =	smov.u32 s29;
	s16 =	sadd.s32 $0x400, s29  }
0x112: {  	[tilespmem:s24], [sflag:$0x2] =	stream.indirect.gather [hbm4b:s0+s23], $0x80, s30, s23, $0xb8;
	[tilespmem:$0x1E800] =	vst v63  }
0x113: {  	p1 =	sne.s32 s29, $0x4800;
	_ =	swait.ge [sflag:s25], $0x4000  }
0x114: {  	[sflag:s25] =	ssyncset.done $0x0  }
0x115: {  	s29 =	sadd.s32 $0x1400, s26;
	[sflag:s25] =	ssyncadd.s32 $0xFFFFC000  }
0x116: {  	[spmem:s3] =	stream.indirect.scatter.add.f32 [tilespmem:s20], [sflag:$0x3], $0x80, s29, s23, $0xb8;
	[tilespmem:$0x1E800] =	vst v63  }
0x117: {  	_ =	swait.ge [sflag:s21], $0x4000  }
0x118: {  	[sflag:s21] =	ssyncset.done $0x0  }
0x119: {  	s29 =	sadd.s32 $0x100, s26;
	[sflag:s21] =	ssyncadd.s32 $0xFFFFC000  }
0x11a: {  	[tilespmem:s20], [sflag:$0x1] =	stream.indirect.gather [hbm4b:s0+s23], $0x80, s29, s23, $0xb8;
	[tilespmem:$0x1E800] =	vst v63  }
0x11b: {  	_ =	swait.ge [sflag:s28], $0x4000  }
.Ltmp4:
0x11c: {  	[sflag:s28] =	ssyncset.done $0x0;
	(pc) =	sbr.rel @p1 .LBB2_5-.Ltmp4, $4  }
0x11d: {  	s26 =	sadd.s32 $0x1480, s26;
	[sflag:s28] =	ssyncadd.s32 $0xFFFFC000  }
0x11e: {  	[spmem:s3] =	stream.indirect.scatter.add.f32 [tilespmem:s24], [sflag:$0x3], $0x80, s26, s23, $0xb8;
	[tilespmem:$0x1E800] =	vst v63  }
0x11f: {  	_ =	swait.ge [sflag:s21], $0x4000  }
0x120: {  	s29 =	smov.u32 s16;
	s26 =	sshra.s32 s31, $0x2;
	[sflag:s21] =	ssyncset.done $0x0  }
0x121: {  	s16 =	sadd.s32 $0x80, s26;
	[sflag:s21] =	ssyncadd.s32 $0xFFFFC000  }
0x122: {  	[tilespmem:s24], [sflag:$0x2] =	stream.indirect.gather [hbm4b:s0+s23], $0x80, s16, s23, $0xb8;
	[tilespmem:$0x1E800] =	vst v63  }
0x123: {  	_ =	swait.ge [sflag:s25], $0x4000  }
0x124: {  	[sflag:s25] =	ssyncset.done $0x0  }
0x125: {  	s30 =	sadd.s32 $0x1400, s26;
	[sflag:s25] =	ssyncadd.s32 $0xFFFFC000  }
0x126: {  	[spmem:s3] =	stream.indirect.scatter.add.f32 [tilespmem:s20], [sflag:$0x3], $0x80, s30, s23, $0xb8;
	[tilespmem:$0x1E800] =	vst v63  }
0x127: {  	_ =	swait.ge [sflag:s21], $0x4000  }
0x128: {  	[sflag:s21] =	ssyncset.done $0x0  }
0x129: {  	s31 =	sadd.s32 $0x100, s26;
	[sflag:s21] =	ssyncadd.s32 $0xFFFFC000  }
0x12a: {  	[tilespmem:s20], [sflag:$0x1] =	stream.indirect.gather [hbm4b:s0+s23], $0x80, s31, s23, $0xb8;
	[tilespmem:$0x1E800] =	vst v63  }
0x12b: {  	_ =	swait.ge [sflag:s28], $0x4000  }
0x12c: {  	[sflag:s28] =	ssyncset.done $0x0  }
0x12d: {  	s26 =	sadd.s32 $0x1480, s26;
	[sflag:s28] =	ssyncadd.s32 $0xFFFFC000  }
0x12e: {  	[spmem:s3] =	stream.indirect.scatter.add.f32 [tilespmem:s24], [sflag:$0x3], $0x80, s26, s23, $0xb8;
	[tilespmem:$0x1E800] =	vst v63  }
0x12f: {  	_ =	swait.ge [sflag:s21], $0x4000  }
0x130: {  	[sflag:s21] =	ssyncset.done $0x0  }
0x131: {  	[sflag:s21] =	ssyncadd.s32 $0xFFFFC000  }
0x132: {  	[tilespmem:s24], [sflag:$0x2] =	stream.indirect.gather [hbm4b:s0+s23], $0x80, s6, s23, $0xb8;
	[tilespmem:$0x1E800] =	vst v63  }
0x133: {  	_ =	swait.ge [sflag:s25], $0x4000  }
0x134: {  	[sflag:s25] =	ssyncset.done $0x0  }
0x135: {  	[sflag:s25] =	ssyncadd.s32 $0xFFFFC000  }
0x136: {  	[spmem:s3] =	stream.indirect.scatter.add.f32 [tilespmem:s20], [sflag:$0x3], $0x80, s7, s23, $0xb8;
	[tilespmem:$0x1E800] =	vst v63  }
0x137: {  	_ =	swait.ge [sflag:s21], $0x4000  }
0x138: {  	[sflag:s21] =	ssyncset.done $0x0  }
0x139: {  	[sflag:s21] =	ssyncadd.s32 $0xFFFFC000  }
0x13a: {  	_ =	swait.ge [sflag:s28], $0x4000  }
0x13b: {  	[sflag:s28] =	ssyncset.done $0x0  }
0x13c: {  	[sflag:s28] =	ssyncadd.s32 $0xFFFFC000  }
0x13d: {  	[spmem:s3] =	stream.indirect.scatter.add.f32 [tilespmem:s24], [sflag:$0x3], $0x80, s8, s23, $0xb8;
	[tilespmem:$0x1E800] =	vst v63  }
0x13e: {  	_ =	swait.ge [sflag:s21], $0x4000  }
0x13f: {  	[sflag:s21] =	ssyncset.done $0x0  }
0x140: {  	s30 =	simm.s32 $0x0;
	[sflag:s21] =	ssyncadd.s32 $0xFFFFC000  }
0x141: {  	[tilespmem:s30], [sflag:$0x3] =	stream.linear.gather [hbm4b:s18+s30], $0x1400, $0x38;
	[tilespmem:$0x1E800] =	vst v63  }
0x142: {  	_ =	swait.ge [sflag:s21], $0x1400  }
0x143: {  	[sflag:s21] =	ssyncset.done $0x0  }
0x144: {  	[sflag:s21] =	ssyncadd.s32 $0xFFFFEC00  }
0x145: {  	[tilespmem:s22], [sflag:$0x3] =	stream.linear.gather [hbm4b:s19+s30], $0x1400, $0x38;
	[tilespmem:$0x1E800] =	vst v63  }
0x146: {  	_ =	swait.ge [sflag:s21], $0x1400  }
0x147: {  	[sflag:s21] =	ssyncset.done $0x0  }
0x148: {  	[sflag:s21] =	ssyncadd.s32 $0xFFFFEC00  }
0x149: {  	[tilespmem:s20], [sflag:$0x1] =	stream.indirect.gather [hbm4b:s0+s23], $0x80, s30, s23, $0xb8;
	[tilespmem:$0x1E800] =	vst v63  }
0x14a: {  	s31 =	simm.s32 $0x80  }
0x14b: {  	[tilespmem:s24], [sflag:$0x2] =	stream.indirect.gather [hbm4b:s0+s23], $0x80, s31, s23, $0xb8;
	[tilespmem:$0x1E800] =	vst v63  }
0x14c: {  	_ =	swait.ge [sflag:s25], $0x4000  }
0x14d: {  	[sflag:s25] =	ssyncset.done $0x0  }
0x14e: {  	s26 =	simm.s32 $0x1400;
	[sflag:s25] =	ssyncadd.s32 $0xFFFFC000  }
0x14f: {  	[spmem:s3] =	stream.indirect.scatter.add.f32 [tilespmem:s20], [sflag:$0x3], $0x80, s26, s23, $0xb8;
	[tilespmem:$0x1E800] =	vst v63  }
0x150: {  	_ =	swait.ge [sflag:s21], $0x4000  }
0x151: {  	[sflag:s21] =	ssyncset.done $0x0  }
0x152: {  	s30 =	simm.s32 $0x100;
	[sflag:s21] =	ssyncadd.s32 $0xFFFFC000  }
0x153: {  	[tilespmem:s20], [sflag:$0x1] =	stream.indirect.gather [hbm4b:s0+s23], $0x80, s30, s23, $0xb8;
	[tilespmem:$0x1E800] =	vst v63  }
0x154: {  	_ =	swait.ge [sflag:s28], $0x4000  }
0x155: {  	[sflag:s28] =	ssyncset.done $0x0  }
0x156: {  	s31 =	simm.s32 $0x1480;
	[sflag:s28] =	ssyncadd.s32 $0xFFFFC000  }
0x157: {  	[spmem:s3] =	stream.indirect.scatter.add.f32 [tilespmem:s24], [sflag:$0x3], $0x80, s31, s23, $0xb8;
	[tilespmem:$0x1E800] =	vst v63  }
0x158: {  	_ =	swait.ge [sflag:s21], $0x4000  }
0x159: {  	s29 =	simm.s32 $0x800;
	s26 =	simm.s32 $0x100;
	[sflag:s21] =	ssyncset.done $0x0  }
.LBB2_7:
0x15a: {  	s16 =	sadd.s32 $0x80, s26  }
0x15b: {  	[sflag:s21] =	ssyncadd.s32 $0xFFFFC000;
	s30 =	smov.u32 s29;
	s31 =	sadd.s32 $0x400, s29  }
0x15c: {  	[tilespmem:s24], [sflag:$0x2] =	stream.indirect.gather [hbm4b:s0+s23], $0x80, s16, s23, $0xb8;
	[tilespmem:$0x1E800] =	vst v63  }
0x15d: {  	p1 =	sne.s32 s29, $0x4800;
	_ =	swait.ge [sflag:s25], $0x4000  }
0x15e: {  	[sflag:s25] =	ssyncset.done $0x0  }
0x15f: {  	s16 =	sadd.s32 $0x1400, s26;
	[sflag:s25] =	ssyncadd.s32 $0xFFFFC000  }
0x160: {  	[spmem:s3] =	stream.indirect.scatter.add.f32 [tilespmem:s20], [sflag:$0x3], $0x80, s16, s23, $0xb8;
	[tilespmem:$0x1E800] =	vst v63  }
0x161: {  	_ =	swait.ge [sflag:s21], $0x4000  }
0x162: {  	[sflag:s21] =	ssyncset.done $0x0  }
0x163: {  	s16 =	sadd.s32 $0x100, s26;
	[sflag:s21] =	ssyncadd.s32 $0xFFFFC000  }
0x164: {  	[tilespmem:s20], [sflag:$0x1] =	stream.indirect.gather [hbm4b:s0+s23], $0x80, s16, s23, $0xb8;
	[tilespmem:$0x1E800] =	vst v63  }
0x165: {  	_ =	swait.ge [sflag:s28], $0x4000  }
.Ltmp5:
0x166: {  	[sflag:s28] =	ssyncset.done $0x0;
	(pc) =	sbr.rel @p1 .LBB2_7-.Ltmp5, $4  }
0x167: {  	s16 =	sadd.s32 $0x1480, s26;
	[sflag:s28] =	ssyncadd.s32 $0xFFFFC000  }
0x168: {  	[spmem:s3] =	stream.indirect.scatter.add.f32 [tilespmem:s24], [sflag:$0x3], $0x80, s16, s23, $0xb8;
	[tilespmem:$0x1E800] =	vst v63  }
0x169: {  	_ =	swait.ge [sflag:s21], $0x4000  }
0x16a: {  	s29 =	smov.u32 s31;
	s26 =	sshra.s32 s30, $0x2;
	[sflag:s21] =	ssyncset.done $0x0  }
0x16b: {  	s16 =	sadd.s32 $0x80, s26;
	[sflag:s21] =	ssyncadd.s32 $0xFFFFC000  }
0x16c: {  	[tilespmem:s24], [sflag:$0x2] =	stream.indirect.gather [hbm4b:s0+s23], $0x80, s16, s23, $0xb8;
	[tilespmem:$0x1E800] =	vst v63  }
0x16d: {  	_ =	swait.ge [sflag:s25], $0x4000  }
0x16e: {  	[sflag:s25] =	ssyncset.done $0x0  }
0x16f: {  	s29 =	sadd.s32 $0x1400, s26;
	[sflag:s25] =	ssyncadd.s32 $0xFFFFC000  }
0x170: {  	[spmem:s3] =	stream.indirect.scatter.add.f32 [tilespmem:s20], [sflag:$0x3], $0x80, s29, s23, $0xb8;
	[tilespmem:$0x1E800] =	vst v63  }
0x171: {  	_ =	swait.ge [sflag:s21], $0x4000  }
0x172: {  	[sflag:s21] =	ssyncset.done $0x0  }
0x173: {  	s30 =	sadd.s32 $0x100, s26;
	[sflag:s21] =	ssyncadd.s32 $0xFFFFC000  }
0x174: {  	[tilespmem:s20], [sflag:$0x1] =	stream.indirect.gather [hbm4b:s0+s23], $0x80, s30, s23, $0xb8;
	[tilespmem:$0x1E800] =	vst v63  }
0x175: {  	_ =	swait.ge [sflag:s28], $0x4000  }
0x176: {  	[sflag:s28] =	ssyncset.done $0x0  }
0x177: {  	s31 =	sadd.s32 $0x1480, s26;
	[sflag:s28] =	ssyncadd.s32 $0xFFFFC000  }
0x178: {  	[spmem:s3] =	stream.indirect.scatter.add.f32 [tilespmem:s24], [sflag:$0x3], $0x80, s31, s23, $0xb8;
	[tilespmem:$0x1E800] =	vst v63  }
0x179: {  	_ =	swait.ge [sflag:s21], $0x4000  }
0x17a: {  	[sflag:s21] =	ssyncset.done $0x0  }
0x17b: {  	[sflag:s21] =	ssyncadd.s32 $0xFFFFC000  }
0x17c: {  	[tilespmem:s24], [sflag:$0x2] =	stream.indirect.gather [hbm4b:s0+s23], $0x80, s6, s23, $0xb8;
	[tilespmem:$0x1E800] =	vst v63  }
0x17d: {  	_ =	swait.ge [sflag:s25], $0x4000  }
0x17e: {  	[sflag:s25] =	ssyncset.done $0x0  }
0x17f: {  	[sflag:s25] =	ssyncadd.s32 $0xFFFFC000  }
0x180: {  	[spmem:s3] =	stream.indirect.scatter.add.f32 [tilespmem:s20], [sflag:$0x3], $0x80, s7, s23, $0xb8;
	[tilespmem:$0x1E800] =	vst v63  }
0x181: {  	_ =	swait.ge [sflag:s21], $0x4000  }
0x182: {  	[sflag:s21] =	ssyncset.done $0x0  }
0x183: {  	[sflag:s21] =	ssyncadd.s32 $0xFFFFC000  }
0x184: {  	_ =	swait.ge [sflag:s28], $0x4000  }
0x185: {  	[sflag:s28] =	ssyncset.done $0x0  }
.Ltmp6:
0x186: {  	[sflag:s28] =	ssyncadd.s32 $0xFFFFC000;
	(pc) =	sbr.rel .LBB2_10-.Ltmp6, $4  }
0x187: {  	[spmem:s3] =	stream.indirect.scatter.add.f32 [tilespmem:s24], [sflag:$0x3], $0x80, s8, s23, $0xb8;
	[tilespmem:$0x1E800] =	vst v63  }
0x188: {  	_ =	swait.ge [sflag:s21], $0x4000  }
0x189: {  	[sflag:s21] =	ssyncset.done $0x0  }
0x18a: {  	[sflag:s21] =	ssyncadd.s32 $0xFFFFC000  }
.LBB2_11:
0x18b: {  	_ =	sfence.sel $0x180000  }
0x18c: {  	[bflag:$0x0] =	sbarrier.arrive $0xFFFF  }
0x18d: {  	_ =	strace $0x90000050  }
0x18e: {  	[bflag:$0x2] =	sbarrier.arrive $0xFFFF  }
0x18f: {  	p0 =	sne.s32 s2, $0x0;
	s0 =	rddreg [dreg:$0x3]  }
0x190: {  	s0 =	sadd.s32 @!p0 $0x100000, s0  }
0x191: {  	[sflag:s0] =	ssyncadd.tile.s32 @!p0 $0x1;
	_ =	shalt  }
.Lfunc_end2:
_tile_overlayer_lowered:
.L_overlay_start_2:
0x192: {  	(tag) =	ssettag $0x2  }
0x193: {  	s0 =	rddreg [dreg:$0x0];
	s2 =	stileid.u32  }
0x194: {  	s1 =	rddreg [dreg:$0x1];
	p0 =	sne.s32 s2, $0x0  }
0x195: {  	s3 =	rddreg [dreg:$0x2];
	[bflag:$0x3] =	sbarrier.arrive $0xFFFF;
	s2 =	simm.s32 @!p0 $0x1C03  }
0x196: {  	[timem:s3], [sflag:s2] =	dma.local @!p0 [hbm:s0], s1  }
0x197: {  	s0 =	simm.s32 @!p0 $0x3  }
0x198: {  	_ =	swait.ge @!p0 [sflag:s0], s1  }
0x199: {  	s1 =	ssub.s32 @!p0 $0x0, s1;
	[sflag:s0] =	ssyncset.done @!p0 $0x0  }
0x19a: {  	[sflag:s0] =	ssyncadd.s32 @!p0 s1  }
0x19b: {  	[bflag:$0x3] =	sbarrier.arrive $0xFFFF  }
0x19c: {  	_ =	shalt  }

</sc_bundles>
